<compile_context>
chip_gen: v7x
topology: tpu7x:2x2x1
jax: 0.10.2.dev20260603
libtpu: 0.0.44.dev20260713+nightly
codegen_flags: <defaults>
</compile_context>

<pallas_src>
import functools

import jax
import jax.numpy as jnp
from jax import lax
from jax.experimental import pallas as pl
from jax.experimental.pallas import tpu as pltpu
from jax.experimental.pallas import tpu_sc as plsc

N = 10000
F = 128
G = 16
PRE = 32
NCLS = 2

NC = 1
NS = 16
NW = NC * NS
RPW = 192
NSC = NW * RPW
NTC = N - NSC
NV = F // 16
SEGV = RPW // 16

BLK = NTC // 2
NBLK = NTC // BLK


def _sc_pool(x_hbm, seg_hbm, out_hbm, xbuf, segbuf, acc, sem):
    wid = lax.axis_index("s")
    start = NTC + wid * RPW
    xcopy = pltpu.async_copy(x_hbm.at[pl.ds(start, RPW)], xbuf, sem)
    pltpu.sync_copy(seg_hbm.at[pl.ds(start, RPW)], segbuf.at[pl.ds(0, RPW)])

    counts = [None] * (G + 1)
    counts[0] = 0
    counts[G] = RPW
    zero16 = jnp.zeros((16,), jnp.int32)
    one16 = jnp.ones((16,), jnp.int32)
    tv = [zero16] * (G - 1)
    for rg in range(SEGV):
        v = segbuf[pl.ds(rg * 16, 16)]
        for g in range(1, G):
            tv[g - 1] = tv[g - 1] + jnp.where(v < g, one16, zero16)
    for g in range(1, G):
        t = tv[g - 1]
        ssum = t[0]
        for i in range(1, 16):
            ssum = ssum + t[i]
        counts[g] = ssum

    xcopy.wait()

    zeros = jnp.zeros((16,), jnp.float32)
    for g in range(G):
        def inner(r, carry):
            return tuple(carry[j] + xbuf[r, pl.ds(j * 16, 16)]
                         for j in range(NV))
        res = lax.fori_loop(counts[g], counts[g + 1], inner, (zeros,) * NV)
        for j in range(NV):
            acc[g, pl.ds(j * 16, 16)] = res[j]

    pltpu.sync_copy(acc, out_hbm.at[wid])


_sc_pool_call = functools.partial(
    pl.kernel,
    out_type=jax.ShapeDtypeStruct((NW, G, F), jnp.float32),
    mesh=plsc.VectorSubcoreMesh(core_axis_name="c", subcore_axis_name="s", num_cores=1),
    scratch_types=[
        pltpu.VMEM((RPW, F), jnp.float32),
        pltpu.VMEM((RPW + 16,), jnp.int32),
        pltpu.VMEM((G, F), jnp.float32),
        pltpu.SemaphoreType.DMA,
    ],
)(_sc_pool)


def _tc_pool_kernel(x_ref, seg_ref, out_ref, acc_ref):
    i = pl.program_id(0)

    @pl.when(i == 0)
    def _init():
        acc_ref[...] = jnp.zeros_like(acc_ref)

    seg = seg_ref[0]
    gids = lax.broadcasted_iota(jnp.int32, (G, BLK), 0)
    onehot_t = (gids == seg).astype(jnp.float32)
    acc_ref[...] += lax.dot_general(
        onehot_t, x_ref[...],
        dimension_numbers=(((1,), (0,)), ((), ())),
        preferred_element_type=jnp.float32)

    @pl.when(i == NBLK - 1)
    def _finish():
        out_ref[...] = acc_ref[...]


def _tc_pool(x_tc, seg_tc):
    seg3 = seg_tc.reshape(NBLK, 1, BLK)
    return pl.pallas_call(
        _tc_pool_kernel,
        grid=(NBLK,),
        in_specs=[
            pl.BlockSpec((BLK, F), lambda i: (i, 0)),
            pl.BlockSpec((1, 1, BLK), lambda i: (i, 0, 0)),
        ],
        out_specs=pl.BlockSpec((G, F), lambda i: (0, 0)),
        out_shape=jax.ShapeDtypeStruct((G, F), jnp.float32),
        scratch_shapes=[pltpu.VMEM((G, F), jnp.float32)],
    )(x_tc, seg3)


def _combine_mlp_kernel(parts_ref, tcpool_ref, fc1w_ref, fc1b_ref, outw_ref,
                        outb_ref, out_ref):
    gid = lax.broadcasted_iota(jnp.int32, (G, NW * G), 0)
    cid = lax.broadcasted_iota(jnp.int32, (G, NW * G), 1)
    onehot_t = ((cid % G) == gid).astype(jnp.float32)
    pooled = lax.dot_general(
        onehot_t, parts_ref[...],
        dimension_numbers=(((1,), (0,)), ((), ())),
        preferred_element_type=jnp.float32) + tcpool_ref[...]
    h = lax.dot_general(
        pooled, fc1w_ref[...],
        dimension_numbers=(((1,), (0,)), ((), ())),
        preferred_element_type=jnp.float32) + fc1b_ref[...]
    logits = lax.dot_general(
        h, outw_ref[...],
        dimension_numbers=(((1,), (0,)), ((), ())),
        preferred_element_type=jnp.float32) + outb_ref[...]
    out_ref[...] = jax.nn.sigmoid(logits)


@jax.jit
def _run(x, seg, fc1_W, fc1_b, out_W, out_b):
    seg32 = seg.astype(jnp.int32)
    parts = _sc_pool_call(x, seg32)
    tc_pooled = _tc_pool(x[:NTC], seg32[:NTC])
    parts2 = parts.reshape(NW * G, F)
    return pl.pallas_call(
        _combine_mlp_kernel,
        in_specs=[
            pl.BlockSpec((NW * G, F), lambda: (0, 0)),
            pl.BlockSpec((G, F), lambda: (0, 0)),
            pl.BlockSpec((F, PRE), lambda: (0, 0)),
            pl.BlockSpec((1, PRE), lambda: (0, 0)),
            pl.BlockSpec((PRE, NCLS), lambda: (0, 0)),
            pl.BlockSpec((1, NCLS), lambda: (0, 0)),
        ],
        out_specs=pl.BlockSpec((G, NCLS), lambda: (0, 0)),
        out_shape=jax.ShapeDtypeStruct((G, NCLS), jnp.float32),
    )(parts2, tc_pooled, fc1_W, fc1_b.reshape(1, PRE), out_W,
      out_b.reshape(1, NCLS))


def kernel(x, edge_index, seg, kernel0, a_self0, a_neigh0, bias0,
           kernel1, a_self1, a_neigh1, bias1, fc1_W, fc1_b, out_W, out_b):
    return _run(x, seg, fc1_W, fc1_b, out_W, out_b)

# --- scband reference (transcript-rebuilt; emitter-appended) ---
"""Pipeline reference for scband-time-series-gat-24816321036832 (READ-ONLY COPY).

The authoritative reference and input builder live on the scoring server;
editing this copy changes nothing except your own understanding.
"""

import jax, jax.numpy as jnp
import numpy as np

N = 10000
E = 320000
F = 128
H = 8
C1 = 8
NCLS = 2
G = 16
PRE = 32


def setup_inputs(seed: int = 0) -> dict:
    key = jax.random.key(seed)
    ks = jax.random.split(key, 16)
    s = 0.05
    return {
        "x": jax.random.normal(ks[0], (N, F), jnp.float32),
        "edge_index": jax.random.randint(ks[1], (2, E), 0, N),
        "seg": jnp.sort(jax.random.randint(ks[2], (N,), 0, G)),
        "kernel0": jax.random.normal(ks[3], (F, H, C1), jnp.float32) * s,
        "a_self0": jax.random.normal(ks[4], (H, C1), jnp.float32) * s,
        "a_neigh0": jax.random.normal(ks[5], (H, C1), jnp.float32) * s,
        "bias0": jnp.zeros((H * C1,), jnp.float32),
        "kernel1": jax.random.normal(ks[6], (F, H, NCLS), jnp.float32) * s,
        "a_self1": jax.random.normal(ks[7], (H, NCLS), jnp.float32) * s,
        "a_neigh1": jax.random.normal(ks[8], (H, NCLS), jnp.float32) * s,
        "bias1": jnp.zeros((H * NCLS,), jnp.float32),
        "fc1_W": jax.random.normal(ks[9], (F, PRE), jnp.float32) * s,
        "fc1_b": jnp.zeros((PRE,), jnp.float32),
        "out_W": jax.random.normal(ks[10], (PRE, NCLS), jnp.float32) * s,
        "out_b": jnp.zeros((NCLS,), jnp.float32),
    }


def _elu(v):
    return jnp.where(v > 0, v, jnp.expm1(v))


def _leaky_relu(v):
    return jnp.where(v > 0, v, 0.2 * v)


def _gat_layer(x, tgt, src, kernel, a_self, a_neigh, bias):
    # Spektral-style GATConv, single (sparse) mode, concat_heads=True, dropout
    # inactive at inference, add_self_loops handled by caller.
    n = x.shape[0]
    xp = jnp.einsum('nf,fhc->nhc', x, kernel)           # [N, H, C]
    attn_self = jnp.sum(xp * a_self[None], axis=-1)      # [N, H]
    attn_neigh = jnp.sum(xp * a_neigh[None], axis=-1)    # [N, H]
    e = _leaky_relu(attn_self[tgt] + attn_neigh[src])    # [E', H]
    m = jax.ops.segment_max(e, tgt, num_segments=n)      # segment softmax (stable)
    ex = jnp.exp(e - m[tgt])
    denom = jax.ops.segment_sum(ex, tgt, num_segments=n)
    alpha = ex / (denom[tgt] + 1e-9)                     # [E', H]
    out = jax.ops.segment_sum(alpha[:, :, None] * xp[src], tgt, num_segments=n)  # [N, H, C]
    out = out.reshape(n, -1) + bias
    return _elu(out)


def reference(x, edge_index, seg, kernel0, a_self0, a_neigh0, bias0,
              kernel1, a_self1, a_neigh1, bias1, fc1_W, fc1_b, out_W, out_b):
    n = x.shape[0]
    loop = jnp.arange(n)
    tgt = jnp.concatenate([edge_index[0], loop])  # add self loops
    src = jnp.concatenate([edge_index[1], loop])
    # NOTE: faithful to the original call(): the GAT layer outputs are computed
    # but NOT fed back into x (x is never reassigned in the original code).
    out = _gat_layer(x, tgt, src, kernel0, a_self0, a_neigh0, bias0)
    out = _gat_layer(x, tgt, src, kernel1, a_self1, a_neigh1, bias1)
    # GlobalSumPool([x, i]) uses x, per the original code
    pooled = jax.ops.segment_sum(x, seg, num_segments=G)  # [G, F]
    h = pooled @ fc1_W + fc1_b
    logits = h @ out_W + out_b
    return jax.nn.sigmoid(logits)

if __name__ == "__main__":
    import jax
    _d = setup_inputs()
    print(jax.jit(kernel)(*tuple(_d.values())))

</pallas_src>

<mosaic_0001>
#map = affine_map<(d0, d1) -> (0, 0)>
#map1 = affine_map<(d0, d1) -> (0)>
#map2 = affine_map<(d0, d1) -> (0, 0, 0)>
module attributes {stable_mosaic.version = 14 : i64} {
  func.func @_sc_pool(%arg0: i32, %arg1: i32, %arg2: memref<10000x128xf32, #tpu.memory_space<hbm>>, %arg3: memref<10000xi32, #tpu.memory_space<hbm>>, %arg4: memref<16x16x128xf32, #tpu.memory_space<hbm>>, %arg5: memref<192x128xf32, #tpu.memory_space<vmem>>, %arg6: memref<208xi32, #tpu.memory_space<vmem>>, %arg7: memref<16x128xf32, #tpu.memory_space<vmem>>, %arg8: memref<!tpu.dma_semaphore, #tpu.memory_space<semaphore_mem>>) attributes {dimension_semantics = [#tpu.dimension_semantics<core_parallel>, #tpu.dimension_semantics<subcore_parallel>], iteration_bounds = array<i64: 1, 16>, scalar_prefetch = 0 : i64, scratch_operands = 4 : i64, tpu.core_type = #tpu.core_type<sc_vector_subcore>, window_params = [{transform_indices = #map}, {transform_indices = #map1}, {transform_indices = #map2}]} {
    %mul3A = arith.constant 192 : i32
    %mul3A_0 = arith.muli %arg1, %mul3A : i32
    %add3A = arith.constant 6928 : i32
    %add3A_1 = arith.addi %add3A, %mul3A_0 : i32
    %dma_start3A = arith.constant 0 : i32
    %dma_start3A_2 = tpu.memref_slice %arg2[%add3A_1, %dma_start3A] : memref<10000x128xf32, #tpu.memory_space<hbm>> -> memref<192x128xf32, #tpu.memory_space<hbm>>
    %dma_start3A_3 = arith.constant 0 : i32
    %dma_start3A_4 = tpu.memref_slice %arg2[%add3A_1, %dma_start3A_3] : memref<10000x128xf32, #tpu.memory_space<hbm>> -> memref<192x128xf32, #tpu.memory_space<hbm>>
    tpu.enqueue_dma source(%dma_start3A_4 : memref<192x128xf32, #tpu.memory_space<hbm>>) target(%arg5 : memref<192x128xf32, #tpu.memory_space<vmem>>) target_semaphore(%arg8 : memref<!tpu.dma_semaphore, #tpu.memory_space<semaphore_mem>>)
    "tpu.region"() ({
      %run_scoped3A = tpu.sem_alloc : memref<!tpu.dma_semaphore, #tpu.memory_space<semaphore_mem>>
      %dma_start3A_2577 = arith.constant 0 : i32
      %dma_start3A_2578 = tpu.memref_slice %arg6[%dma_start3A_2577] : memref<208xi32, #tpu.memory_space<vmem>> -> memref<192xi32, #tpu.memory_space<vmem>>
      %dma_start3A_2579 = tpu.memref_slice %arg3[%add3A_1] : memref<10000xi32, #tpu.memory_space<hbm>> -> memref<192xi32, #tpu.memory_space<hbm>>
      %dma_start3A_2580 = arith.constant 0 : i32
      %dma_start3A_2581 = tpu.memref_slice %arg6[%dma_start3A_2580] : memref<208xi32, #tpu.memory_space<vmem>> -> memref<192xi32, #tpu.memory_space<vmem>>
      %dma_start3A_2582 = tpu.memref_slice %arg3[%add3A_1] : memref<10000xi32, #tpu.memory_space<hbm>> -> memref<192xi32, #tpu.memory_space<hbm>>
      tpu.enqueue_dma source(%dma_start3A_2582 : memref<192xi32, #tpu.memory_space<hbm>>) target(%dma_start3A_2581 : memref<192xi32, #tpu.memory_space<vmem>>) target_semaphore(%run_scoped3A : memref<!tpu.dma_semaphore, #tpu.memory_space<semaphore_mem>>)
      %dma_wait3A_2583 = arith.constant 0 : i32
      %dma_wait3A_2584 = tpu.memref_slice %arg6[%dma_wait3A_2583] : memref<208xi32, #tpu.memory_space<vmem>> -> memref<192xi32, #tpu.memory_space<vmem>>
      %dma_wait3A_2585 = tpu.memref_slice %arg3[%add3A_1] : memref<10000xi32, #tpu.memory_space<hbm>> -> memref<192xi32, #tpu.memory_space<hbm>>
      %dma_wait3A_2586 = arith.constant 0 : i32
      %dma_wait3A_2587 = tpu.memref_slice %arg6[%dma_wait3A_2586] : memref<208xi32, #tpu.memory_space<vmem>> -> memref<192xi32, #tpu.memory_space<vmem>>
      %dma_wait3A_2588 = tpu.memref_slice %arg3[%add3A_1] : memref<10000xi32, #tpu.memory_space<hbm>> -> memref<192xi32, #tpu.memory_space<hbm>>
      tpu.wait_dma2 semaphore(%run_scoped3A : memref<!tpu.dma_semaphore, #tpu.memory_space<semaphore_mem>>) src(%dma_wait3A_2588 : memref<192xi32, #tpu.memory_space<hbm>>) dst(%dma_wait3A_2587 : memref<192xi32, #tpu.memory_space<vmem>>)
      tpu.yield
    }) : () -> ()
    %broadcast_in_dim3A = arith.constant 0 : i32
    %broadcast_in_dim3A_5 = vector.broadcast %broadcast_in_dim3A : i32 to vector<16xi32>
    %broadcast_in_dim3A_6 = arith.constant 1 : i32
    %broadcast_in_dim3A_7 = vector.broadcast %broadcast_in_dim3A_6 : i32 to vector<16xi32>
    %get3A = arith.constant 0 : index
    %get3A_8 = tpu.vector_load %arg6[%get3A] {strides = array<i32>} : memref<208xi32, #tpu.memory_space<vmem>>, vector<16xi32>,
    %get3A_9 = vector.shape_cast %get3A_8 : vector<16xi32> to vector<16xi32>
    %lt3A = arith.constant 1 : i32
    %lt3A_10 = vector.broadcast %lt3A : i32 to vector<16xi32>
    %lt3A_11 = arith.cmpi slt, %get3A_9, %lt3A_10 : vector<16xi32>
    %select_n3A = arith.select %lt3A_11, %broadcast_in_dim3A_7, %broadcast_in_dim3A_5 : vector<16xi1>, vector<16xi32>
    %add3A_12 = arith.addi %broadcast_in_dim3A_5, %select_n3A : vector<16xi32>
    %lt3A_13 = arith.constant 2 : i32
    %lt3A_14 = vector.broadcast %lt3A_13 : i32 to vector<16xi32>
    %lt3A_15 = arith.cmpi slt, %get3A_9, %lt3A_14 : vector<16xi32>
    %select_n3A_16 = arith.select %lt3A_15, %broadcast_in_dim3A_7, %broadcast_in_dim3A_5 : vector<16xi1>, vector<16xi32>
    %add3A_17 = arith.addi %broadcast_in_dim3A_5, %select_n3A_16 : vector<16xi32>
    %lt3A_18 = arith.constant 3 : i32
    %lt3A_19 = vector.broadcast %lt3A_18 : i32 to vector<16xi32>
    %lt3A_20 = arith.cmpi slt, %get3A_9, %lt3A_19 : vector<16xi32>
    %select_n3A_21 = arith.select %lt3A_20, %broadcast_in_dim3A_7, %broadcast_in_dim3A_5 : vector<16xi1>, vector<16xi32>
    %add3A_22 = arith.addi %broadcast_in_dim3A_5, %select_n3A_21 : vector<16xi32>
    %lt3A_23 = arith.constant 4 : i32
    %lt3A_24 = vector.broadcast %lt3A_23 : i32 to vector<16xi32>
    %lt3A_25 = arith.cmpi slt, %get3A_9, %lt3A_24 : vector<16xi32>
    %select_n3A_26 = arith.select %lt3A_25, %broadcast_in_dim3A_7, %broadcast_in_dim3A_5 : vector<16xi1>, vector<16xi32>
    %add3A_27 = arith.addi %broadcast_in_dim3A_5, %select_n3A_26 : vector<16xi32>
    %lt3A_28 = arith.constant 5 : i32
    %lt3A_29 = vector.broadcast %lt3A_28 : i32 to vector<16xi32>
    %lt3A_30 = arith.cmpi slt, %get3A_9, %lt3A_29 : vector<16xi32>
    %select_n3A_31 = arith.select %lt3A_30, %broadcast_in_dim3A_7, %broadcast_in_dim3A_5 : vector<16xi1>, vector<16xi32>
    %add3A_32 = arith.addi %broadcast_in_dim3A_5, %select_n3A_31 : vector<16xi32>
    %lt3A_33 = arith.constant 6 : i32
    %lt3A_34 = vector.broadcast %lt3A_33 : i32 to vector<16xi32>
    %lt3A_35 = arith.cmpi slt, %get3A_9, %lt3A_34 : vector<16xi32>
    %select_n3A_36 = arith.select %lt3A_35, %broadcast_in_dim3A_7, %broadcast_in_dim3A_5 : vector<16xi1>, vector<16xi32>
    %add3A_37 = arith.addi %broadcast_in_dim3A_5, %select_n3A_36 : vector<16xi32>
    %lt3A_38 = arith.constant 7 : i32
    %lt3A_39 = vector.broadcast %lt3A_38 : i32 to vector<16xi32>
    %lt3A_40 = arith.cmpi slt, %get3A_9, %lt3A_39 : vector<16xi32>
    %select_n3A_41 = arith.select %lt3A_40, %broadcast_in_dim3A_7, %broadcast_in_dim3A_5 : vector<16xi1>, vector<16xi32>
    %add3A_42 = arith.addi %broadcast_in_dim3A_5, %select_n3A_41 : vector<16xi32>
    %lt3A_43 = arith.constant 8 : i32
    %lt3A_44 = vector.broadcast %lt3A_43 : i32 to vector<16xi32>
    %lt3A_45 = arith.cmpi slt, %get3A_9, %lt3A_44 : vector<16xi32>
    %select_n3A_46 = arith.select %lt3A_45, %broadcast_in_dim3A_7, %broadcast_in_dim3A_5 : vector<16xi1>, vector<16xi32>
    %add3A_47 = arith.addi %broadcast_in_dim3A_5, %select_n3A_46 : vector<16xi32>
    %lt3A_48 = arith.constant 9 : i32
    %lt3A_49 = vector.broadcast %lt3A_48 : i32 to vector<16xi32>
    %lt3A_50 = arith.cmpi slt, %get3A_9, %lt3A_49 : vector<16xi32>
    %select_n3A_51 = arith.select %lt3A_50, %broadcast_in_dim3A_7, %broadcast_in_dim3A_5 : vector<16xi1>, vector<16xi32>
    %add3A_52 = arith.addi %broadcast_in_dim3A_5, %select_n3A_51 : vector<16xi32>
    %lt3A_53 = arith.constant 10 : i32
    %lt3A_54 = vector.broadcast %lt3A_53 : i32 to vector<16xi32>
    %lt3A_55 = arith.cmpi slt, %get3A_9, %lt3A_54 : vector<16xi32>
    %select_n3A_56 = arith.select %lt3A_55, %broadcast_in_dim3A_7, %broadcast_in_dim3A_5 : vector<16xi1>, vector<16xi32>
    %add3A_57 = arith.addi %broadcast_in_dim3A_5, %select_n3A_56 : vector<16xi32>
    %lt3A_58 = arith.constant 11 : i32
    %lt3A_59 = vector.broadcast %lt3A_58 : i32 to vector<16xi32>
    %lt3A_60 = arith.cmpi slt, %get3A_9, %lt3A_59 : vector<16xi32>
    %select_n3A_61 = arith.select %lt3A_60, %broadcast_in_dim3A_7, %broadcast_in_dim3A_5 : vector<16xi1>, vector<16xi32>
    %add3A_62 = arith.addi %broadcast_in_dim3A_5, %select_n3A_61 : vector<16xi32>
    %lt3A_63 = arith.constant 12 : i32
    %lt3A_64 = vector.broadcast %lt3A_63 : i32 to vector<16xi32>
    %lt3A_65 = arith.cmpi slt, %get3A_9, %lt3A_64 : vector<16xi32>
    %select_n3A_66 = arith.select %lt3A_65, %broadcast_in_dim3A_7, %broadcast_in_dim3A_5 : vector<16xi1>, vector<16xi32>
    %add3A_67 = arith.addi %broadcast_in_dim3A_5, %select_n3A_66 : vector<16xi32>
    %lt3A_68 = arith.constant 13 : i32
    %lt3A_69 = vector.broadcast %lt3A_68 : i32 to vector<16xi32>
    %lt3A_70 = arith.cmpi slt, %get3A_9, %lt3A_69 : vector<16xi32>
    %select_n3A_71 = arith.select %lt3A_70, %broadcast_in_dim3A_7, %broadcast_in_dim3A_5 : vector<16xi1>, vector<16xi32>
    %add3A_72 = arith.addi %broadcast_in_dim3A_5, %select_n3A_71 : vector<16xi32>
    %lt3A_73 = arith.constant 14 : i32
    %lt3A_74 = vector.broadcast %lt3A_73 : i32 to vector<16xi32>
    %lt3A_75 = arith.cmpi slt, %get3A_9, %lt3A_74 : vector<16xi32>
    %select_n3A_76 = arith.select %lt3A_75, %broadcast_in_dim3A_7, %broadcast_in_dim3A_5 : vector<16xi1>, vector<16xi32>
    %add3A_77 = arith.addi %broadcast_in_dim3A_5, %select_n3A_76 : vector<16xi32>
    %lt3A_78 = arith.constant 15 : i32
    %lt3A_79 = vector.broadcast %lt3A_78 : i32 to vector<16xi32>
    %lt3A_80 = arith.cmpi slt, %get3A_9, %lt3A_79 : vector<16xi32>
    %select_n3A_81 = arith.select %lt3A_80, %broadcast_in_dim3A_7, %broadcast_in_dim3A_5 : vector<16xi1>, vector<16xi32>
    %add3A_82 = arith.addi %broadcast_in_dim3A_5, %select_n3A_81 : vector<16xi32>
    %get3A_83 = arith.constant 16 : index
    %get3A_84 = tpu.vector_load %arg6[%get3A_83] {strides = array<i32>} : memref<208xi32, #tpu.memory_space<vmem>>, vector<16xi32>,
    %get3A_85 = vector.shape_cast %get3A_84 : vector<16xi32> to vector<16xi32>
    %lt3A_86 = arith.constant 1 : i32
    %lt3A_87 = vector.broadcast %lt3A_86 : i32 to vector<16xi32>
    %lt3A_88 = arith.cmpi slt, %get3A_85, %lt3A_87 : vector<16xi32>
    %select_n3A_89 = arith.select %lt3A_88, %broadcast_in_dim3A_7, %broadcast_in_dim3A_5 : vector<16xi1>, vector<16xi32>
    %add3A_90 = arith.addi %add3A_12, %select_n3A_89 : vector<16xi32>
    %lt3A_91 = arith.constant 2 : i32
    %lt3A_92 = vector.broadcast %lt3A_91 : i32 to vector<16xi32>
    %lt3A_93 = arith.cmpi slt, %get3A_85, %lt3A_92 : vector<16xi32>
    %select_n3A_94 = arith.select %lt3A_93, %broadcast_in_dim3A_7, %broadcast_in_dim3A_5 : vector<16xi1>, vector<16xi32>
    %add3A_95 = arith.addi %add3A_17, %select_n3A_94 : vector<16xi32>
    %lt3A_96 = arith.constant 3 : i32
    %lt3A_97 = vector.broadcast %lt3A_96 : i32 to vector<16xi32>
    %lt3A_98 = arith.cmpi slt, %get3A_85, %lt3A_97 : vector<16xi32>
    %select_n3A_99 = arith.select %lt3A_98, %broadcast_in_dim3A_7, %broadcast_in_dim3A_5 : vector<16xi1>, vector<16xi32>
    %add3A_100 = arith.addi %add3A_22, %select_n3A_99 : vector<16xi32>
    %lt3A_101 = arith.constant 4 : i32
    %lt3A_102 = vector.broadcast %lt3A_101 : i32 to vector<16xi32>
    %lt3A_103 = arith.cmpi slt, %get3A_85, %lt3A_102 : vector<16xi32>
    %select_n3A_104 = arith.select %lt3A_103, %broadcast_in_dim3A_7, %broadcast_in_dim3A_5 : vector<16xi1>, vector<16xi32>
    %add3A_105 = arith.addi %add3A_27, %select_n3A_104 : vector<16xi32>
    %lt3A_106 = arith.constant 5 : i32
    %lt3A_107 = vector.broadcast %lt3A_106 : i32 to vector<16xi32>
    %lt3A_108 = arith.cmpi slt, %get3A_85, %lt3A_107 : vector<16xi32>
    %select_n3A_109 = arith.select %lt3A_108, %broadcast_in_dim3A_7, %broadcast_in_dim3A_5 : vector<16xi1>, vector<16xi32>
    %add3A_110 = arith.addi %add3A_32, %select_n3A_109 : vector<16xi32>
    %lt3A_111 = arith.constant 6 : i32
    %lt3A_112 = vector.broadcast %lt3A_111 : i32 to vector<16xi32>
    %lt3A_113 = arith.cmpi slt, %get3A_85, %lt3A_112 : vector<16xi32>
    %select_n3A_114 = arith.select %lt3A_113, %broadcast_in_dim3A_7, %broadcast_in_dim3A_5 : vector<16xi1>, vector<16xi32>
    %add3A_115 = arith.addi %add3A_37, %select_n3A_114 : vector<16xi32>
    %lt3A_116 = arith.constant 7 : i32
    %lt3A_117 = vector.broadcast %lt3A_116 : i32 to vector<16xi32>
    %lt3A_118 = arith.cmpi slt, %get3A_85, %lt3A_117 : vector<16xi32>
    %select_n3A_119 = arith.select %lt3A_118, %broadcast_in_dim3A_7, %broadcast_in_dim3A_5 : vector<16xi1>, vector<16xi32>
    %add3A_120 = arith.addi %add3A_42, %select_n3A_119 : vector<16xi32>
    %lt3A_121 = arith.constant 8 : i32
    %lt3A_122 = vector.broadcast %lt3A_121 : i32 to vector<16xi32>
    %lt3A_123 = arith.cmpi slt, %get3A_85, %lt3A_122 : vector<16xi32>
    %select_n3A_124 = arith.select %lt3A_123, %broadcast_in_dim3A_7, %broadcast_in_dim3A_5 : vector<16xi1>, vector<16xi32>
    %add3A_125 = arith.addi %add3A_47, %select_n3A_124 : vector<16xi32>
    %lt3A_126 = arith.constant 9 : i32
    %lt3A_127 = vector.broadcast %lt3A_126 : i32 to vector<16xi32>
    %lt3A_128 = arith.cmpi slt, %get3A_85, %lt3A_127 : vector<16xi32>
    %select_n3A_129 = arith.select %lt3A_128, %broadcast_in_dim3A_7, %broadcast_in_dim3A_5 : vector<16xi1>, vector<16xi32>
    %add3A_130 = arith.addi %add3A_52, %select_n3A_129 : vector<16xi32>
    %lt3A_131 = arith.constant 10 : i32
    %lt3A_132 = vector.broadcast %lt3A_131 : i32 to vector<16xi32>
    %lt3A_133 = arith.cmpi slt, %get3A_85, %lt3A_132 : vector<16xi32>
    %select_n3A_134 = arith.select %lt3A_133, %broadcast_in_dim3A_7, %broadcast_in_dim3A_5 : vector<16xi1>, vector<16xi32>
    %add3A_135 = arith.addi %add3A_57, %select_n3A_134 : vector<16xi32>
    %lt3A_136 = arith.constant 11 : i32
    %lt3A_137 = vector.broadcast %lt3A_136 : i32 to vector<16xi32>
    %lt3A_138 = arith.cmpi slt, %get3A_85, %lt3A_137 : vector<16xi32>
    %select_n3A_139 = arith.select %lt3A_138, %broadcast_in_dim3A_7, %broadcast_in_dim3A_5 : vector<16xi1>, vector<16xi32>
    %add3A_140 = arith.addi %add3A_62, %select_n3A_139 : vector<16xi32>
    %lt3A_141 = arith.constant 12 : i32
    %lt3A_142 = vector.broadcast %lt3A_141 : i32 to vector<16xi32>
    %lt3A_143 = arith.cmpi slt, %get3A_85, %lt3A_142 : vector<16xi32>
    %select_n3A_144 = arith.select %lt3A_143, %broadcast_in_dim3A_7, %broadcast_in_dim3A_5 : vector<16xi1>, vector<16xi32>
    %add3A_145 = arith.addi %add3A_67, %select_n3A_144 : vector<16xi32>
    %lt3A_146 = arith.constant 13 : i32
    %lt3A_147 = vector.broadcast %lt3A_146 : i32 to vector<16xi32>
    %lt3A_148 = arith.cmpi slt, %get3A_85, %lt3A_147 : vector<16xi32>
    %select_n3A_149 = arith.select %lt3A_148, %broadcast_in_dim3A_7, %broadcast_in_dim3A_5 : vector<16xi1>, vector<16xi32>
    %add3A_150 = arith.addi %add3A_72, %select_n3A_149 : vector<16xi32>
    %lt3A_151 = arith.constant 14 : i32
    %lt3A_152 = vector.broadcast %lt3A_151 : i32 to vector<16xi32>
    %lt3A_153 = arith.cmpi slt, %get3A_85, %lt3A_152 : vector<16xi32>
    %select_n3A_154 = arith.select %lt3A_153, %broadcast_in_dim3A_7, %broadcast_in_dim3A_5 : vector<16xi1>, vector<16xi32>
    %add3A_155 = arith.addi %add3A_77, %select_n3A_154 : vector<16xi32>
    %lt3A_156 = arith.constant 15 : i32
    %lt3A_157 = vector.broadcast %lt3A_156 : i32 to vector<16xi32>
    %lt3A_158 = arith.cmpi slt, %get3A_85, %lt3A_157 : vector<16xi32>
    %select_n3A_159 = arith.select %lt3A_158, %broadcast_in_dim3A_7, %broadcast_in_dim3A_5 : vector<16xi1>, vector<16xi32>
    %add3A_160 = arith.addi %add3A_82, %select_n3A_159 : vector<16xi32>
    %get3A_161 = arith.constant 32 : index
    %get3A_162 = tpu.vector_load %arg6[%get3A_161] {strides = array<i32>} : memref<208xi32, #tpu.memory_space<vmem>>, vector<16xi32>,
    %get3A_163 = vector.shape_cast %get3A_162 : vector<16xi32> to vector<16xi32>
    %lt3A_164 = arith.constant 1 : i32
    %lt3A_165 = vector.broadcast %lt3A_164 : i32 to vector<16xi32>
    %lt3A_166 = arith.cmpi slt, %get3A_163, %lt3A_165 : vector<16xi32>
    %select_n3A_167 = arith.select %lt3A_166, %broadcast_in_dim3A_7, %broadcast_in_dim3A_5 : vector<16xi1>, vector<16xi32>
    %add3A_168 = arith.addi %add3A_90, %select_n3A_167 : vector<16xi32>
    %lt3A_169 = arith.constant 2 : i32
    %lt3A_170 = vector.broadcast %lt3A_169 : i32 to vector<16xi32>
    %lt3A_171 = arith.cmpi slt, %get3A_163, %lt3A_170 : vector<16xi32>
    %select_n3A_172 = arith.select %lt3A_171, %broadcast_in_dim3A_7, %broadcast_in_dim3A_5 : vector<16xi1>, vector<16xi32>
    %add3A_173 = arith.addi %add3A_95, %select_n3A_172 : vector<16xi32>
    %lt3A_174 = arith.constant 3 : i32
    %lt3A_175 = vector.broadcast %lt3A_174 : i32 to vector<16xi32>
    %lt3A_176 = arith.cmpi slt, %get3A_163, %lt3A_175 : vector<16xi32>
    %select_n3A_177 = arith.select %lt3A_176, %broadcast_in_dim3A_7, %broadcast_in_dim3A_5 : vector<16xi1>, vector<16xi32>
    %add3A_178 = arith.addi %add3A_100, %select_n3A_177 : vector<16xi32>
    %lt3A_179 = arith.constant 4 : i32
    %lt3A_180 = vector.broadcast %lt3A_179 : i32 to vector<16xi32>
    %lt3A_181 = arith.cmpi slt, %get3A_163, %lt3A_180 : vector<16xi32>
    %select_n3A_182 = arith.select %lt3A_181, %broadcast_in_dim3A_7, %broadcast_in_dim3A_5 : vector<16xi1>, vector<16xi32>
    %add3A_183 = arith.addi %add3A_105, %select_n3A_182 : vector<16xi32>
    %lt3A_184 = arith.constant 5 : i32
    %lt3A_185 = vector.broadcast %lt3A_184 : i32 to vector<16xi32>
    %lt3A_186 = arith.cmpi slt, %get3A_163, %lt3A_185 : vector<16xi32>
    %select_n3A_187 = arith.select %lt3A_186, %broadcast_in_dim3A_7, %broadcast_in_dim3A_5 : vector<16xi1>, vector<16xi32>
    %add3A_188 = arith.addi %add3A_110, %select_n3A_187 : vector<16xi32>
    %lt3A_189 = arith.constant 6 : i32
    %lt3A_190 = vector.broadcast %lt3A_189 : i32 to vector<16xi32>
    %lt3A_191 = arith.cmpi slt, %get3A_163, %lt3A_190 : vector<16xi32>
    %select_n3A_192 = arith.select %lt3A_191, %broadcast_in_dim3A_7, %broadcast_in_dim3A_5 : vector<16xi1>, vector<16xi32>
    %add3A_193 = arith.addi %add3A_115, %select_n3A_192 : vector<16xi32>
    %lt3A_194 = arith.constant 7 : i32
    %lt3A_195 = vector.broadcast %lt3A_194 : i32 to vector<16xi32>
    %lt3A_196 = arith.cmpi slt, %get3A_163, %lt3A_195 : vector<16xi32>
    %select_n3A_197 = arith.select %lt3A_196, %broadcast_in_dim3A_7, %broadcast_in_dim3A_5 : vector<16xi1>, vector<16xi32>
    %add3A_198 = arith.addi %add3A_120, %select_n3A_197 : vector<16xi32>
    %lt3A_199 = arith.constant 8 : i32
    %lt3A_200 = vector.broadcast %lt3A_199 : i32 to vector<16xi32>
    %lt3A_201 = arith.cmpi slt, %get3A_163, %lt3A_200 : vector<16xi32>
    %select_n3A_202 = arith.select %lt3A_201, %broadcast_in_dim3A_7, %broadcast_in_dim3A_5 : vector<16xi1>, vector<16xi32>
    %add3A_203 = arith.addi %add3A_125, %select_n3A_202 : vector<16xi32>
    %lt3A_204 = arith.constant 9 : i32
    %lt3A_205 = vector.broadcast %lt3A_204 : i32 to vector<16xi32>
    %lt3A_206 = arith.cmpi slt, %get3A_163, %lt3A_205 : vector<16xi32>
    %select_n3A_207 = arith.select %lt3A_206, %broadcast_in_dim3A_7, %broadcast_in_dim3A_5 : vector<16xi1>, vector<16xi32>
    %add3A_208 = arith.addi %add3A_130, %select_n3A_207 : vector<16xi32>
    %lt3A_209 = arith.constant 10 : i32
    %lt3A_210 = vector.broadcast %lt3A_209 : i32 to vector<16xi32>
    %lt3A_211 = arith.cmpi slt, %get3A_163, %lt3A_210 : vector<16xi32>
    %select_n3A_212 = arith.select %lt3A_211, %broadcast_in_dim3A_7, %broadcast_in_dim3A_5 : vector<16xi1>, vector<16xi32>
    %add3A_213 = arith.addi %add3A_135, %select_n3A_212 : vector<16xi32>
    %lt3A_214 = arith.constant 11 : i32
    %lt3A_215 = vector.broadcast %lt3A_214 : i32 to vector<16xi32>
    %lt3A_216 = arith.cmpi slt, %get3A_163, %lt3A_215 : vector<16xi32>
    %select_n3A_217 = arith.select %lt3A_216, %broadcast_in_dim3A_7, %broadcast_in_dim3A_5 : vector<16xi1>, vector<16xi32>
    %add3A_218 = arith.addi %add3A_140, %select_n3A_217 : vector<16xi32>
    %lt3A_219 = arith.constant 12 : i32
    %lt3A_220 = vector.broadcast %lt3A_219 : i32 to vector<16xi32>
    %lt3A_221 = arith.cmpi slt, %get3A_163, %lt3A_220 : vector<16xi32>
    %select_n3A_222 = arith.select %lt3A_221, %broadcast_in_dim3A_7, %broadcast_in_dim3A_5 : vector<16xi1>, vector<16xi32>
    %add3A_223 = arith.addi %add3A_145, %select_n3A_222 : vector<16xi32>
    %lt3A_224 = arith.constant 13 : i32
    %lt3A_225 = vector.broadcast %lt3A_224 : i32 to vector<16xi32>
    %lt3A_226 = arith.cmpi slt, %get3A_163, %lt3A_225 : vector<16xi32>
    %select_n3A_227 = arith.select %lt3A_226, %broadcast_in_dim3A_7, %broadcast_in_dim3A_5 : vector<16xi1>, vector<16xi32>
    %add3A_228 = arith.addi %add3A_150, %select_n3A_227 : vector<16xi32>
    %lt3A_229 = arith.constant 14 : i32
    %lt3A_230 = vector.broadcast %lt3A_229 : i32 to vector<16xi32>
    %lt3A_231 = arith.cmpi slt, %get3A_163, %lt3A_230 : vector<16xi32>
    %select_n3A_232 = arith.select %lt3A_231, %broadcast_in_dim3A_7, %broadcast_in_dim3A_5 : vector<16xi1>, vector<16xi32>
    %add3A_233 = arith.addi %add3A_155, %select_n3A_232 : vector<16xi32>
    %lt3A_234 = arith.constant 15 : i32
    %lt3A_235 = vector.broadcast %lt3A_234 : i32 to vector<16xi32>
    %lt3A_236 = arith.cmpi slt, %get3A_163, %lt3A_235 : vector<16xi32>
    %select_n3A_237 = arith.select %lt3A_236, %broadcast_in_dim3A_7, %broadcast_in_dim3A_5 : vector<16xi1>, vector<16xi32>
    %add3A_238 = arith.addi %add3A_160, %select_n3A_237 : vector<16xi32>
    %get3A_239 = arith.constant 48 : index
    %get3A_240 = tpu.vector_load %arg6[%get3A_239] {strides = array<i32>} : memref<208xi32, #tpu.memory_space<vmem>>, vector<16xi32>,
    %get3A_241 = vector.shape_cast %get3A_240 : vector<16xi32> to vector<16xi32>
    %lt3A_242 = arith.constant 1 : i32
    %lt3A_243 = vector.broadcast %lt3A_242 : i32 to vector<16xi32>
    %lt3A_244 = arith.cmpi slt, %get3A_241, %lt3A_243 : vector<16xi32>
    %select_n3A_245 = arith.select %lt3A_244, %broadcast_in_dim3A_7, %broadcast_in_dim3A_5 : vector<16xi1>, vector<16xi32>
    %add3A_246 = arith.addi %add3A_168, %select_n3A_245 : vector<16xi32>
    %lt3A_247 = arith.constant 2 : i32
    %lt3A_248 = vector.broadcast %lt3A_247 : i32 to vector<16xi32>
    %lt3A_249 = arith.cmpi slt, %get3A_241, %lt3A_248 : vector<16xi32>
    %select_n3A_250 = arith.select %lt3A_249, %broadcast_in_dim3A_7, %broadcast_in_dim3A_5 : vector<16xi1>, vector<16xi32>
    %add3A_251 = arith.addi %add3A_173, %select_n3A_250 : vector<16xi32>
    %lt3A_252 = arith.constant 3 : i32
    %lt3A_253 = vector.broadcast %lt3A_252 : i32 to vector<16xi32>
    %lt3A_254 = arith.cmpi slt, %get3A_241, %lt3A_253 : vector<16xi32>
    %select_n3A_255 = arith.select %lt3A_254, %broadcast_in_dim3A_7, %broadcast_in_dim3A_5 : vector<16xi1>, vector<16xi32>
    %add3A_256 = arith.addi %add3A_178, %select_n3A_255 : vector<16xi32>
    %lt3A_257 = arith.constant 4 : i32
    %lt3A_258 = vector.broadcast %lt3A_257 : i32 to vector<16xi32>
    %lt3A_259 = arith.cmpi slt, %get3A_241, %lt3A_258 : vector<16xi32>
    %select_n3A_260 = arith.select %lt3A_259, %broadcast_in_dim3A_7, %broadcast_in_dim3A_5 : vector<16xi1>, vector<16xi32>
    %add3A_261 = arith.addi %add3A_183, %select_n3A_260 : vector<16xi32>
    %lt3A_262 = arith.constant 5 : i32
    %lt3A_263 = vector.broadcast %lt3A_262 : i32 to vector<16xi32>
    %lt3A_264 = arith.cmpi slt, %get3A_241, %lt3A_263 : vector<16xi32>
    %select_n3A_265 = arith.select %lt3A_264, %broadcast_in_dim3A_7, %broadcast_in_dim3A_5 : vector<16xi1>, vector<16xi32>
    %add3A_266 = arith.addi %add3A_188, %select_n3A_265 : vector<16xi32>
    %lt3A_267 = arith.constant 6 : i32
    %lt3A_268 = vector.broadcast %lt3A_267 : i32 to vector<16xi32>
    %lt3A_269 = arith.cmpi slt, %get3A_241, %lt3A_268 : vector<16xi32>
    %select_n3A_270 = arith.select %lt3A_269, %broadcast_in_dim3A_7, %broadcast_in_dim3A_5 : vector<16xi1>, vector<16xi32>
    %add3A_271 = arith.addi %add3A_193, %select_n3A_270 : vector<16xi32>
    %lt3A_272 = arith.constant 7 : i32
    %lt3A_273 = vector.broadcast %lt3A_272 : i32 to vector<16xi32>
    %lt3A_274 = arith.cmpi slt, %get3A_241, %lt3A_273 : vector<16xi32>
    %select_n3A_275 = arith.select %lt3A_274, %broadcast_in_dim3A_7, %broadcast_in_dim3A_5 : vector<16xi1>, vector<16xi32>
    %add3A_276 = arith.addi %add3A_198, %select_n3A_275 : vector<16xi32>
    %lt3A_277 = arith.constant 8 : i32
    %lt3A_278 = vector.broadcast %lt3A_277 : i32 to vector<16xi32>
    %lt3A_279 = arith.cmpi slt, %get3A_241, %lt3A_278 : vector<16xi32>
    %select_n3A_280 = arith.select %lt3A_279, %broadcast_in_dim3A_7, %broadcast_in_dim3A_5 : vector<16xi1>, vector<16xi32>
    %add3A_281 = arith.addi %add3A_203, %select_n3A_280 : vector<16xi32>
    %lt3A_282 = arith.constant 9 : i32
    %lt3A_283 = vector.broadcast %lt3A_282 : i32 to vector<16xi32>
    %lt3A_284 = arith.cmpi slt, %get3A_241, %lt3A_283 : vector<16xi32>
    %select_n3A_285 = arith.select %lt3A_284, %broadcast_in_dim3A_7, %broadcast_in_dim3A_5 : vector<16xi1>, vector<16xi32>
    %add3A_286 = arith.addi %add3A_208, %select_n3A_285 : vector<16xi32>
    %lt3A_287 = arith.constant 10 : i32
    %lt3A_288 = vector.broadcast %lt3A_287 : i32 to vector<16xi32>
    %lt3A_289 = arith.cmpi slt, %get3A_241, %lt3A_288 : vector<16xi32>
    %select_n3A_290 = arith.select %lt3A_289, %broadcast_in_dim3A_7, %broadcast_in_dim3A_5 : vector<16xi1>, vector<16xi32>
    %add3A_291 = arith.addi %add3A_213, %select_n3A_290 : vector<16xi32>
    %lt3A_292 = arith.constant 11 : i32
    %lt3A_293 = vector.broadcast %lt3A_292 : i32 to vector<16xi32>
    %lt3A_294 = arith.cmpi slt, %get3A_241, %lt3A_293 : vector<16xi32>
    %select_n3A_295 = arith.select %lt3A_294, %broadcast_in_dim3A_7, %broadcast_in_dim3A_5 : vector<16xi1>, vector<16xi32>
    %add3A_296 = arith.addi %add3A_218, %select_n3A_295 : vector<16xi32>
    %lt3A_297 = arith.constant 12 : i32
    %lt3A_298 = vector.broadcast %lt3A_297 : i32 to vector<16xi32>
    %lt3A_299 = arith.cmpi slt, %get3A_241, %lt3A_298 : vector<16xi32>
    %select_n3A_300 = arith.select %lt3A_299, %broadcast_in_dim3A_7, %broadcast_in_dim3A_5 : vector<16xi1>, vector<16xi32>
    %add3A_301 = arith.addi %add3A_223, %select_n3A_300 : vector<16xi32>
    %lt3A_302 = arith.constant 13 : i32
    %lt3A_303 = vector.broadcast %lt3A_302 : i32 to vector<16xi32>
    %lt3A_304 = arith.cmpi slt, %get3A_241, %lt3A_303 : vector<16xi32>
    %select_n3A_305 = arith.select %lt3A_304, %broadcast_in_dim3A_7, %broadcast_in_dim3A_5 : vector<16xi1>, vector<16xi32>
    %add3A_306 = arith.addi %add3A_228, %select_n3A_305 : vector<16xi32>
    %lt3A_307 = arith.constant 14 : i32
    %lt3A_308 = vector.broadcast %lt3A_307 : i32 to vector<16xi32>
    %lt3A_309 = arith.cmpi slt, %get3A_241, %lt3A_308 : vector<16xi32>
    %select_n3A_310 = arith.select %lt3A_309, %broadcast_in_dim3A_7, %broadcast_in_dim3A_5 : vector<16xi1>, vector<16xi32>
    %add3A_311 = arith.addi %add3A_233, %select_n3A_310 : vector<16xi32>
    %lt3A_312 = arith.constant 15 : i32
    %lt3A_313 = vector.broadcast %lt3A_312 : i32 to vector<16xi32>
    %lt3A_314 = arith.cmpi slt, %get3A_241, %lt3A_313 : vector<16xi32>
    %select_n3A_315 = arith.select %lt3A_314, %broadcast_in_dim3A_7, %broadcast_in_dim3A_5 : vector<16xi1>, vector<16xi32>
    %add3A_316 = arith.addi %add3A_238, %select_n3A_315 : vector<16xi32>
    %get3A_317 = arith.constant 64 : index
    %get3A_318 = tpu.vector_load %arg6[%get3A_317] {strides = array<i32>} : memref<208xi32, #tpu.memory_space<vmem>>, vector<16xi32>,
    %get3A_319 = vector.shape_cast %get3A_318 : vector<16xi32> to vector<16xi32>
    %lt3A_320 = arith.constant 1 : i32
    %lt3A_321 = vector.broadcast %lt3A_320 : i32 to vector<16xi32>
    %lt3A_322 = arith.cmpi slt, %get3A_319, %lt3A_321 : vector<16xi32>
    %select_n3A_323 = arith.select %lt3A_322, %broadcast_in_dim3A_7, %broadcast_in_dim3A_5 : vector<16xi1>, vector<16xi32>
    %add3A_324 = arith.addi %add3A_246, %select_n3A_323 : vector<16xi32>
    %lt3A_325 = arith.constant 2 : i32
    %lt3A_326 = vector.broadcast %lt3A_325 : i32 to vector<16xi32>
    %lt3A_327 = arith.cmpi slt, %get3A_319, %lt3A_326 : vector<16xi32>
    %select_n3A_328 = arith.select %lt3A_327, %broadcast_in_dim3A_7, %broadcast_in_dim3A_5 : vector<16xi1>, vector<16xi32>
    %add3A_329 = arith.addi %add3A_251, %select_n3A_328 : vector<16xi32>
    %lt3A_330 = arith.constant 3 : i32
    %lt3A_331 = vector.broadcast %lt3A_330 : i32 to vector<16xi32>
    %lt3A_332 = arith.cmpi slt, %get3A_319, %lt3A_331 : vector<16xi32>
    %select_n3A_333 = arith.select %lt3A_332, %broadcast_in_dim3A_7, %broadcast_in_dim3A_5 : vector<16xi1>, vector<16xi32>
    %add3A_334 = arith.addi %add3A_256, %select_n3A_333 : vector<16xi32>
    %lt3A_335 = arith.constant 4 : i32
    %lt3A_336 = vector.broadcast %lt3A_335 : i32 to vector<16xi32>
    %lt3A_337 = arith.cmpi slt, %get3A_319, %lt3A_336 : vector<16xi32>
    %select_n3A_338 = arith.select %lt3A_337, %broadcast_in_dim3A_7, %broadcast_in_dim3A_5 : vector<16xi1>, vector<16xi32>
    %add3A_339 = arith.addi %add3A_261, %select_n3A_338 : vector<16xi32>
    %lt3A_340 = arith.constant 5 : i32
    %lt3A_341 = vector.broadcast %lt3A_340 : i32 to vector<16xi32>
    %lt3A_342 = arith.cmpi slt, %get3A_319, %lt3A_341 : vector<16xi32>
    %select_n3A_343 = arith.select %lt3A_342, %broadcast_in_dim3A_7, %broadcast_in_dim3A_5 : vector<16xi1>, vector<16xi32>
    %add3A_344 = arith.addi %add3A_266, %select_n3A_343 : vector<16xi32>
    %lt3A_345 = arith.constant 6 : i32
    %lt3A_346 = vector.broadcast %lt3A_345 : i32 to vector<16xi32>
    %lt3A_347 = arith.cmpi slt, %get3A_319, %lt3A_346 : vector<16xi32>
    %select_n3A_348 = arith.select %lt3A_347, %broadcast_in_dim3A_7, %broadcast_in_dim3A_5 : vector<16xi1>, vector<16xi32>
    %add3A_349 = arith.addi %add3A_271, %select_n3A_348 : vector<16xi32>
    %lt3A_350 = arith.constant 7 : i32
    %lt3A_351 = vector.broadcast %lt3A_350 : i32 to vector<16xi32>
    %lt3A_352 = arith.cmpi slt, %get3A_319, %lt3A_351 : vector<16xi32>
    %select_n3A_353 = arith.select %lt3A_352, %broadcast_in_dim3A_7, %broadcast_in_dim3A_5 : vector<16xi1>, vector<16xi32>
    %add3A_354 = arith.addi %add3A_276, %select_n3A_353 : vector<16xi32>
    %lt3A_355 = arith.constant 8 : i32
    %lt3A_356 = vector.broadcast %lt3A_355 : i32 to vector<16xi32>
    %lt3A_357 = arith.cmpi slt, %get3A_319, %lt3A_356 : vector<16xi32>
    %select_n3A_358 = arith.select %lt3A_357, %broadcast_in_dim3A_7, %broadcast_in_dim3A_5 : vector<16xi1>, vector<16xi32>
    %add3A_359 = arith.addi %add3A_281, %select_n3A_358 : vector<16xi32>
    %lt3A_360 = arith.constant 9 : i32
    %lt3A_361 = vector.broadcast %lt3A_360 : i32 to vector<16xi32>
    %lt3A_362 = arith.cmpi slt, %get3A_319, %lt3A_361 : vector<16xi32>
    %select_n3A_363 = arith.select %lt3A_362, %broadcast_in_dim3A_7, %broadcast_in_dim3A_5 : vector<16xi1>, vector<16xi32>
    %add3A_364 = arith.addi %add3A_286, %select_n3A_363 : vector<16xi32>
    %lt3A_365 = arith.constant 10 : i32
    %lt3A_366 = vector.broadcast %lt3A_365 : i32 to vector<16xi32>
    %lt3A_367 = arith.cmpi slt, %get3A_319, %lt3A_366 : vector<16xi32>
    %select_n3A_368 = arith.select %lt3A_367, %broadcast_in_dim3A_7, %broadcast_in_dim3A_5 : vector<16xi1>, vector<16xi32>
    %add3A_369 = arith.addi %add3A_291, %select_n3A_368 : vector<16xi32>
    %lt3A_370 = arith.constant 11 : i32
    %lt3A_371 = vector.broadcast %lt3A_370 : i32 to vector<16xi32>
    %lt3A_372 = arith.cmpi slt, %get3A_319, %lt3A_371 : vector<16xi32>
    %select_n3A_373 = arith.select %lt3A_372, %broadcast_in_dim3A_7, %broadcast_in_dim3A_5 : vector<16xi1>, vector<16xi32>
    %add3A_374 = arith.addi %add3A_296, %select_n3A_373 : vector<16xi32>
    %lt3A_375 = arith.constant 12 : i32
    %lt3A_376 = vector.broadcast %lt3A_375 : i32 to vector<16xi32>
    %lt3A_377 = arith.cmpi slt, %get3A_319, %lt3A_376 : vector<16xi32>
    %select_n3A_378 = arith.select %lt3A_377, %broadcast_in_dim3A_7, %broadcast_in_dim3A_5 : vector<16xi1>, vector<16xi32>
    %add3A_379 = arith.addi %add3A_301, %select_n3A_378 : vector<16xi32>
    %lt3A_380 = arith.constant 13 : i32
    %lt3A_381 = vector.broadcast %lt3A_380 : i32 to vector<16xi32>
    %lt3A_382 = arith.cmpi slt, %get3A_319, %lt3A_381 : vector<16xi32>
    %select_n3A_383 = arith.select %lt3A_382, %broadcast_in_dim3A_7, %broadcast_in_dim3A_5 : vector<16xi1>, vector<16xi32>
    %add3A_384 = arith.addi %add3A_306, %select_n3A_383 : vector<16xi32>
    %lt3A_385 = arith.constant 14 : i32
    %lt3A_386 = vector.broadcast %lt3A_385 : i32 to vector<16xi32>
    %lt3A_387 = arith.cmpi slt, %get3A_319, %lt3A_386 : vector<16xi32>
    %select_n3A_388 = arith.select %lt3A_387, %broadcast_in_dim3A_7, %broadcast_in_dim3A_5 : vector<16xi1>, vector<16xi32>
    %add3A_389 = arith.addi %add3A_311, %select_n3A_388 : vector<16xi32>
    %lt3A_390 = arith.constant 15 : i32
    %lt3A_391 = vector.broadcast %lt3A_390 : i32 to vector<16xi32>
    %lt3A_392 = arith.cmpi slt, %get3A_319, %lt3A_391 : vector<16xi32>
    %select_n3A_393 = arith.select %lt3A_392, %broadcast_in_dim3A_7, %broadcast_in_dim3A_5 : vector<16xi1>, vector<16xi32>
    %add3A_394 = arith.addi %add3A_316, %select_n3A_393 : vector<16xi32>
    %get3A_395 = arith.constant 80 : index
    %get3A_396 = tpu.vector_load %arg6[%get3A_395] {strides = array<i32>} : memref<208xi32, #tpu.memory_space<vmem>>, vector<16xi32>,
    %get3A_397 = vector.shape_cast %get3A_396 : vector<16xi32> to vector<16xi32>
    %lt3A_398 = arith.constant 1 : i32
    %lt3A_399 = vector.broadcast %lt3A_398 : i32 to vector<16xi32>
    %lt3A_400 = arith.cmpi slt, %get3A_397, %lt3A_399 : vector<16xi32>
    %select_n3A_401 = arith.select %lt3A_400, %broadcast_in_dim3A_7, %broadcast_in_dim3A_5 : vector<16xi1>, vector<16xi32>
    %add3A_402 = arith.addi %add3A_324, %select_n3A_401 : vector<16xi32>
    %lt3A_403 = arith.constant 2 : i32
    %lt3A_404 = vector.broadcast %lt3A_403 : i32 to vector<16xi32>
    %lt3A_405 = arith.cmpi slt, %get3A_397, %lt3A_404 : vector<16xi32>
    %select_n3A_406 = arith.select %lt3A_405, %broadcast_in_dim3A_7, %broadcast_in_dim3A_5 : vector<16xi1>, vector<16xi32>
    %add3A_407 = arith.addi %add3A_329, %select_n3A_406 : vector<16xi32>
    %lt3A_408 = arith.constant 3 : i32
    %lt3A_409 = vector.broadcast %lt3A_408 : i32 to vector<16xi32>
    %lt3A_410 = arith.cmpi slt, %get3A_397, %lt3A_409 : vector<16xi32>
    %select_n3A_411 = arith.select %lt3A_410, %broadcast_in_dim3A_7, %broadcast_in_dim3A_5 : vector<16xi1>, vector<16xi32>
    %add3A_412 = arith.addi %add3A_334, %select_n3A_411 : vector<16xi32>
    %lt3A_413 = arith.constant 4 : i32
    %lt3A_414 = vector.broadcast %lt3A_413 : i32 to vector<16xi32>
    %lt3A_415 = arith.cmpi slt, %get3A_397, %lt3A_414 : vector<16xi32>
    %select_n3A_416 = arith.select %lt3A_415, %broadcast_in_dim3A_7, %broadcast_in_dim3A_5 : vector<16xi1>, vector<16xi32>
    %add3A_417 = arith.addi %add3A_339, %select_n3A_416 : vector<16xi32>
    %lt3A_418 = arith.constant 5 : i32
    %lt3A_419 = vector.broadcast %lt3A_418 : i32 to vector<16xi32>
    %lt3A_420 = arith.cmpi slt, %get3A_397, %lt3A_419 : vector<16xi32>
    %select_n3A_421 = arith.select %lt3A_420, %broadcast_in_dim3A_7, %broadcast_in_dim3A_5 : vector<16xi1>, vector<16xi32>
    %add3A_422 = arith.addi %add3A_344, %select_n3A_421 : vector<16xi32>
    %lt3A_423 = arith.constant 6 : i32
    %lt3A_424 = vector.broadcast %lt3A_423 : i32 to vector<16xi32>
    %lt3A_425 = arith.cmpi slt, %get3A_397, %lt3A_424 : vector<16xi32>
    %select_n3A_426 = arith.select %lt3A_425, %broadcast_in_dim3A_7, %broadcast_in_dim3A_5 : vector<16xi1>, vector<16xi32>
    %add3A_427 = arith.addi %add3A_349, %select_n3A_426 : vector<16xi32>
    %lt3A_428 = arith.constant 7 : i32
    %lt3A_429 = vector.broadcast %lt3A_428 : i32 to vector<16xi32>
    %lt3A_430 = arith.cmpi slt, %get3A_397, %lt3A_429 : vector<16xi32>
    %select_n3A_431 = arith.select %lt3A_430, %broadcast_in_dim3A_7, %broadcast_in_dim3A_5 : vector<16xi1>, vector<16xi32>
    %add3A_432 = arith.addi %add3A_354, %select_n3A_431 : vector<16xi32>
    %lt3A_433 = arith.constant 8 : i32
    %lt3A_434 = vector.broadcast %lt3A_433 : i32 to vector<16xi32>
    %lt3A_435 = arith.cmpi slt, %get3A_397, %lt3A_434 : vector<16xi32>
    %select_n3A_436 = arith.select %lt3A_435, %broadcast_in_dim3A_7, %broadcast_in_dim3A_5 : vector<16xi1>, vector<16xi32>
    %add3A_437 = arith.addi %add3A_359, %select_n3A_436 : vector<16xi32>
    %lt3A_438 = arith.constant 9 : i32
    %lt3A_439 = vector.broadcast %lt3A_438 : i32 to vector<16xi32>
    %lt3A_440 = arith.cmpi slt, %get3A_397, %lt3A_439 : vector<16xi32>
    %select_n3A_441 = arith.select %lt3A_440, %broadcast_in_dim3A_7, %broadcast_in_dim3A_5 : vector<16xi1>, vector<16xi32>
    %add3A_442 = arith.addi %add3A_364, %select_n3A_441 : vector<16xi32>
    %lt3A_443 = arith.constant 10 : i32
    %lt3A_444 = vector.broadcast %lt3A_443 : i32 to vector<16xi32>
    %lt3A_445 = arith.cmpi slt, %get3A_397, %lt3A_444 : vector<16xi32>
    %select_n3A_446 = arith.select %lt3A_445, %broadcast_in_dim3A_7, %broadcast_in_dim3A_5 : vector<16xi1>, vector<16xi32>
    %add3A_447 = arith.addi %add3A_369, %select_n3A_446 : vector<16xi32>
    %lt3A_448 = arith.constant 11 : i32
    %lt3A_449 = vector.broadcast %lt3A_448 : i32 to vector<16xi32>
    %lt3A_450 = arith.cmpi slt, %get3A_397, %lt3A_449 : vector<16xi32>
    %select_n3A_451 = arith.select %lt3A_450, %broadcast_in_dim3A_7, %broadcast_in_dim3A_5 : vector<16xi1>, vector<16xi32>
    %add3A_452 = arith.addi %add3A_374, %select_n3A_451 : vector<16xi32>
    %lt3A_453 = arith.constant 12 : i32
    %lt3A_454 = vector.broadcast %lt3A_453 : i32 to vector<16xi32>
    %lt3A_455 = arith.cmpi slt, %get3A_397, %lt3A_454 : vector<16xi32>
    %select_n3A_456 = arith.select %lt3A_455, %broadcast_in_dim3A_7, %broadcast_in_dim3A_5 : vector<16xi1>, vector<16xi32>
    %add3A_457 = arith.addi %add3A_379, %select_n3A_456 : vector<16xi32>
    %lt3A_458 = arith.constant 13 : i32
    %lt3A_459 = vector.broadcast %lt3A_458 : i32 to vector<16xi32>
    %lt3A_460 = arith.cmpi slt, %get3A_397, %lt3A_459 : vector<16xi32>
    %select_n3A_461 = arith.select %lt3A_460, %broadcast_in_dim3A_7, %broadcast_in_dim3A_5 : vector<16xi1>, vector<16xi32>
    %add3A_462 = arith.addi %add3A_384, %select_n3A_461 : vector<16xi32>
    %lt3A_463 = arith.constant 14 : i32
    %lt3A_464 = vector.broadcast %lt3A_463 : i32 to vector<16xi32>
    %lt3A_465 = arith.cmpi slt, %get3A_397, %lt3A_464 : vector<16xi32>
    %select_n3A_466 = arith.select %lt3A_465, %broadcast_in_dim3A_7, %broadcast_in_dim3A_5 : vector<16xi1>, vector<16xi32>
    %add3A_467 = arith.addi %add3A_389, %select_n3A_466 : vector<16xi32>
    %lt3A_468 = arith.constant 15 : i32
    %lt3A_469 = vector.broadcast %lt3A_468 : i32 to vector<16xi32>
    %lt3A_470 = arith.cmpi slt, %get3A_397, %lt3A_469 : vector<16xi32>
    %select_n3A_471 = arith.select %lt3A_470, %broadcast_in_dim3A_7, %broadcast_in_dim3A_5 : vector<16xi1>, vector<16xi32>
    %add3A_472 = arith.addi %add3A_394, %select_n3A_471 : vector<16xi32>
    %get3A_473 = arith.constant 96 : index
    %get3A_474 = tpu.vector_load %arg6[%get3A_473] {strides = array<i32>} : memref<208xi32, #tpu.memory_space<vmem>>, vector<16xi32>,
    %get3A_475 = vector.shape_cast %get3A_474 : vector<16xi32> to vector<16xi32>
    %lt3A_476 = arith.constant 1 : i32
    %lt3A_477 = vector.broadcast %lt3A_476 : i32 to vector<16xi32>
    %lt3A_478 = arith.cmpi slt, %get3A_475, %lt3A_477 : vector<16xi32>
    %select_n3A_479 = arith.select %lt3A_478, %broadcast_in_dim3A_7, %broadcast_in_dim3A_5 : vector<16xi1>, vector<16xi32>
    %add3A_480 = arith.addi %add3A_402, %select_n3A_479 : vector<16xi32>
    %lt3A_481 = arith.constant 2 : i32
    %lt3A_482 = vector.broadcast %lt3A_481 : i32 to vector<16xi32>
    %lt3A_483 = arith.cmpi slt, %get3A_475, %lt3A_482 : vector<16xi32>
    %select_n3A_484 = arith.select %lt3A_483, %broadcast_in_dim3A_7, %broadcast_in_dim3A_5 : vector<16xi1>, vector<16xi32>
    %add3A_485 = arith.addi %add3A_407, %select_n3A_484 : vector<16xi32>
    %lt3A_486 = arith.constant 3 : i32
    %lt3A_487 = vector.broadcast %lt3A_486 : i32 to vector<16xi32>
    %lt3A_488 = arith.cmpi slt, %get3A_475, %lt3A_487 : vector<16xi32>
    %select_n3A_489 = arith.select %lt3A_488, %broadcast_in_dim3A_7, %broadcast_in_dim3A_5 : vector<16xi1>, vector<16xi32>
    %add3A_490 = arith.addi %add3A_412, %select_n3A_489 : vector<16xi32>
    %lt3A_491 = arith.constant 4 : i32
    %lt3A_492 = vector.broadcast %lt3A_491 : i32 to vector<16xi32>
    %lt3A_493 = arith.cmpi slt, %get3A_475, %lt3A_492 : vector<16xi32>
    %select_n3A_494 = arith.select %lt3A_493, %broadcast_in_dim3A_7, %broadcast_in_dim3A_5 : vector<16xi1>, vector<16xi32>
    %add3A_495 = arith.addi %add3A_417, %select_n3A_494 : vector<16xi32>
    %lt3A_496 = arith.constant 5 : i32
    %lt3A_497 = vector.broadcast %lt3A_496 : i32 to vector<16xi32>
    %lt3A_498 = arith.cmpi slt, %get3A_475, %lt3A_497 : vector<16xi32>
    %select_n3A_499 = arith.select %lt3A_498, %broadcast_in_dim3A_7, %broadcast_in_dim3A_5 : vector<16xi1>, vector<16xi32>
    %add3A_500 = arith.addi %add3A_422, %select_n3A_499 : vector<16xi32>
    %lt3A_501 = arith.constant 6 : i32
    %lt3A_502 = vector.broadcast %lt3A_501 : i32 to vector<16xi32>
    %lt3A_503 = arith.cmpi slt, %get3A_475, %lt3A_502 : vector<16xi32>
    %select_n3A_504 = arith.select %lt3A_503, %broadcast_in_dim3A_7, %broadcast_in_dim3A_5 : vector<16xi1>, vector<16xi32>
    %add3A_505 = arith.addi %add3A_427, %select_n3A_504 : vector<16xi32>
    %lt3A_506 = arith.constant 7 : i32
    %lt3A_507 = vector.broadcast %lt3A_506 : i32 to vector<16xi32>
    %lt3A_508 = arith.cmpi slt, %get3A_475, %lt3A_507 : vector<16xi32>
    %select_n3A_509 = arith.select %lt3A_508, %broadcast_in_dim3A_7, %broadcast_in_dim3A_5 : vector<16xi1>, vector<16xi32>
    %add3A_510 = arith.addi %add3A_432, %select_n3A_509 : vector<16xi32>
    %lt3A_511 = arith.constant 8 : i32
    %lt3A_512 = vector.broadcast %lt3A_511 : i32 to vector<16xi32>
    %lt3A_513 = arith.cmpi slt, %get3A_475, %lt3A_512 : vector<16xi32>
    %select_n3A_514 = arith.select %lt3A_513, %broadcast_in_dim3A_7, %broadcast_in_dim3A_5 : vector<16xi1>, vector<16xi32>
    %add3A_515 = arith.addi %add3A_437, %select_n3A_514 : vector<16xi32>
    %lt3A_516 = arith.constant 9 : i32
    %lt3A_517 = vector.broadcast %lt3A_516 : i32 to vector<16xi32>
    %lt3A_518 = arith.cmpi slt, %get3A_475, %lt3A_517 : vector<16xi32>
    %select_n3A_519 = arith.select %lt3A_518, %broadcast_in_dim3A_7, %broadcast_in_dim3A_5 : vector<16xi1>, vector<16xi32>
    %add3A_520 = arith.addi %add3A_442, %select_n3A_519 : vector<16xi32>
    %lt3A_521 = arith.constant 10 : i32
    %lt3A_522 = vector.broadcast %lt3A_521 : i32 to vector<16xi32>
    %lt3A_523 = arith.cmpi slt, %get3A_475, %lt3A_522 : vector<16xi32>
    %select_n3A_524 = arith.select %lt3A_523, %broadcast_in_dim3A_7, %broadcast_in_dim3A_5 : vector<16xi1>, vector<16xi32>
    %add3A_525 = arith.addi %add3A_447, %select_n3A_524 : vector<16xi32>
    %lt3A_526 = arith.constant 11 : i32
    %lt3A_527 = vector.broadcast %lt3A_526 : i32 to vector<16xi32>
    %lt3A_528 = arith.cmpi slt, %get3A_475, %lt3A_527 : vector<16xi32>
    %select_n3A_529 = arith.select %lt3A_528, %broadcast_in_dim3A_7, %broadcast_in_dim3A_5 : vector<16xi1>, vector<16xi32>
    %add3A_530 = arith.addi %add3A_452, %select_n3A_529 : vector<16xi32>
    %lt3A_531 = arith.constant 12 : i32
    %lt3A_532 = vector.broadcast %lt3A_531 : i32 to vector<16xi32>
    %lt3A_533 = arith.cmpi slt, %get3A_475, %lt3A_532 : vector<16xi32>
    %select_n3A_534 = arith.select %lt3A_533, %broadcast_in_dim3A_7, %broadcast_in_dim3A_5 : vector<16xi1>, vector<16xi32>
    %add3A_535 = arith.addi %add3A_457, %select_n3A_534 : vector<16xi32>
    %lt3A_536 = arith.constant 13 : i32
    %lt3A_537 = vector.broadcast %lt3A_536 : i32 to vector<16xi32>
    %lt3A_538 = arith.cmpi slt, %get3A_475, %lt3A_537 : vector<16xi32>
    %select_n3A_539 = arith.select %lt3A_538, %broadcast_in_dim3A_7, %broadcast_in_dim3A_5 : vector<16xi1>, vector<16xi32>
    %add3A_540 = arith.addi %add3A_462, %select_n3A_539 : vector<16xi32>
    %lt3A_541 = arith.constant 14 : i32
    %lt3A_542 = vector.broadcast %lt3A_541 : i32 to vector<16xi32>
    %lt3A_543 = arith.cmpi slt, %get3A_475, %lt3A_542 : vector<16xi32>
    %select_n3A_544 = arith.select %lt3A_543, %broadcast_in_dim3A_7, %broadcast_in_dim3A_5 : vector<16xi1>, vector<16xi32>
    %add3A_545 = arith.addi %add3A_467, %select_n3A_544 : vector<16xi32>
    %lt3A_546 = arith.constant 15 : i32
    %lt3A_547 = vector.broadcast %lt3A_546 : i32 to vector<16xi32>
    %lt3A_548 = arith.cmpi slt, %get3A_475, %lt3A_547 : vector<16xi32>
    %select_n3A_549 = arith.select %lt3A_548, %broadcast_in_dim3A_7, %broadcast_in_dim3A_5 : vector<16xi1>, vector<16xi32>
    %add3A_550 = arith.addi %add3A_472, %select_n3A_549 : vector<16xi32>
    %get3A_551 = arith.constant 112 : index
    %get3A_552 = tpu.vector_load %arg6[%get3A_551] {strides = array<i32>} : memref<208xi32, #tpu.memory_space<vmem>>, vector<16xi32>,
    %get3A_553 = vector.shape_cast %get3A_552 : vector<16xi32> to vector<16xi32>
    %lt3A_554 = arith.constant 1 : i32
    %lt3A_555 = vector.broadcast %lt3A_554 : i32 to vector<16xi32>
    %lt3A_556 = arith.cmpi slt, %get3A_553, %lt3A_555 : vector<16xi32>
    %select_n3A_557 = arith.select %lt3A_556, %broadcast_in_dim3A_7, %broadcast_in_dim3A_5 : vector<16xi1>, vector<16xi32>
    %add3A_558 = arith.addi %add3A_480, %select_n3A_557 : vector<16xi32>
    %lt3A_559 = arith.constant 2 : i32
    %lt3A_560 = vector.broadcast %lt3A_559 : i32 to vector<16xi32>
    %lt3A_561 = arith.cmpi slt, %get3A_553, %lt3A_560 : vector<16xi32>
    %select_n3A_562 = arith.select %lt3A_561, %broadcast_in_dim3A_7, %broadcast_in_dim3A_5 : vector<16xi1>, vector<16xi32>
    %add3A_563 = arith.addi %add3A_485, %select_n3A_562 : vector<16xi32>
    %lt3A_564 = arith.constant 3 : i32
    %lt3A_565 = vector.broadcast %lt3A_564 : i32 to vector<16xi32>
    %lt3A_566 = arith.cmpi slt, %get3A_553, %lt3A_565 : vector<16xi32>
    %select_n3A_567 = arith.select %lt3A_566, %broadcast_in_dim3A_7, %broadcast_in_dim3A_5 : vector<16xi1>, vector<16xi32>
    %add3A_568 = arith.addi %add3A_490, %select_n3A_567 : vector<16xi32>
    %lt3A_569 = arith.constant 4 : i32
    %lt3A_570 = vector.broadcast %lt3A_569 : i32 to vector<16xi32>
    %lt3A_571 = arith.cmpi slt, %get3A_553, %lt3A_570 : vector<16xi32>
    %select_n3A_572 = arith.select %lt3A_571, %broadcast_in_dim3A_7, %broadcast_in_dim3A_5 : vector<16xi1>, vector<16xi32>
    %add3A_573 = arith.addi %add3A_495, %select_n3A_572 : vector<16xi32>
    %lt3A_574 = arith.constant 5 : i32
    %lt3A_575 = vector.broadcast %lt3A_574 : i32 to vector<16xi32>
    %lt3A_576 = arith.cmpi slt, %get3A_553, %lt3A_575 : vector<16xi32>
    %select_n3A_577 = arith.select %lt3A_576, %broadcast_in_dim3A_7, %broadcast_in_dim3A_5 : vector<16xi1>, vector<16xi32>
    %add3A_578 = arith.addi %add3A_500, %select_n3A_577 : vector<16xi32>
    %lt3A_579 = arith.constant 6 : i32
    %lt3A_580 = vector.broadcast %lt3A_579 : i32 to vector<16xi32>
    %lt3A_581 = arith.cmpi slt, %get3A_553, %lt3A_580 : vector<16xi32>
    %select_n3A_582 = arith.select %lt3A_581, %broadcast_in_dim3A_7, %broadcast_in_dim3A_5 : vector<16xi1>, vector<16xi32>
    %add3A_583 = arith.addi %add3A_505, %select_n3A_582 : vector<16xi32>
    %lt3A_584 = arith.constant 7 : i32
    %lt3A_585 = vector.broadcast %lt3A_584 : i32 to vector<16xi32>
    %lt3A_586 = arith.cmpi slt, %get3A_553, %lt3A_585 : vector<16xi32>
    %select_n3A_587 = arith.select %lt3A_586, %broadcast_in_dim3A_7, %broadcast_in_dim3A_5 : vector<16xi1>, vector<16xi32>
    %add3A_588 = arith.addi %add3A_510, %select_n3A_587 : vector<16xi32>
    %lt3A_589 = arith.constant 8 : i32
    %lt3A_590 = vector.broadcast %lt3A_589 : i32 to vector<16xi32>
    %lt3A_591 = arith.cmpi slt, %get3A_553, %lt3A_590 : vector<16xi32>
    %select_n3A_592 = arith.select %lt3A_591, %broadcast_in_dim3A_7, %broadcast_in_dim3A_5 : vector<16xi1>, vector<16xi32>
    %add3A_593 = arith.addi %add3A_515, %select_n3A_592 : vector<16xi32>
    %lt3A_594 = arith.constant 9 : i32
    %lt3A_595 = vector.broadcast %lt3A_594 : i32 to vector<16xi32>
    %lt3A_596 = arith.cmpi slt, %get3A_553, %lt3A_595 : vector<16xi32>
    %select_n3A_597 = arith.select %lt3A_596, %broadcast_in_dim3A_7, %broadcast_in_dim3A_5 : vector<16xi1>, vector<16xi32>
    %add3A_598 = arith.addi %add3A_520, %select_n3A_597 : vector<16xi32>
    %lt3A_599 = arith.constant 10 : i32
    %lt3A_600 = vector.broadcast %lt3A_599 : i32 to vector<16xi32>
    %lt3A_601 = arith.cmpi slt, %get3A_553, %lt3A_600 : vector<16xi32>
    %select_n3A_602 = arith.select %lt3A_601, %broadcast_in_dim3A_7, %broadcast_in_dim3A_5 : vector<16xi1>, vector<16xi32>
    %add3A_603 = arith.addi %add3A_525, %select_n3A_602 : vector<16xi32>
    %lt3A_604 = arith.constant 11 : i32
    %lt3A_605 = vector.broadcast %lt3A_604 : i32 to vector<16xi32>
    %lt3A_606 = arith.cmpi slt, %get3A_553, %lt3A_605 : vector<16xi32>
    %select_n3A_607 = arith.select %lt3A_606, %broadcast_in_dim3A_7, %broadcast_in_dim3A_5 : vector<16xi1>, vector<16xi32>
    %add3A_608 = arith.addi %add3A_530, %select_n3A_607 : vector<16xi32>
    %lt3A_609 = arith.constant 12 : i32
    %lt3A_610 = vector.broadcast %lt3A_609 : i32 to vector<16xi32>
    %lt3A_611 = arith.cmpi slt, %get3A_553, %lt3A_610 : vector<16xi32>
    %select_n3A_612 = arith.select %lt3A_611, %broadcast_in_dim3A_7, %broadcast_in_dim3A_5 : vector<16xi1>, vector<16xi32>
    %add3A_613 = arith.addi %add3A_535, %select_n3A_612 : vector<16xi32>
    %lt3A_614 = arith.constant 13 : i32
    %lt3A_615 = vector.broadcast %lt3A_614 : i32 to vector<16xi32>
    %lt3A_616 = arith.cmpi slt, %get3A_553, %lt3A_615 : vector<16xi32>
    %select_n3A_617 = arith.select %lt3A_616, %broadcast_in_dim3A_7, %broadcast_in_dim3A_5 : vector<16xi1>, vector<16xi32>
    %add3A_618 = arith.addi %add3A_540, %select_n3A_617 : vector<16xi32>
    %lt3A_619 = arith.constant 14 : i32
    %lt3A_620 = vector.broadcast %lt3A_619 : i32 to vector<16xi32>
    %lt3A_621 = arith.cmpi slt, %get3A_553, %lt3A_620 : vector<16xi32>
    %select_n3A_622 = arith.select %lt3A_621, %broadcast_in_dim3A_7, %broadcast_in_dim3A_5 : vector<16xi1>, vector<16xi32>
    %add3A_623 = arith.addi %add3A_545, %select_n3A_622 : vector<16xi32>
    %lt3A_624 = arith.constant 15 : i32
    %lt3A_625 = vector.broadcast %lt3A_624 : i32 to vector<16xi32>
    %lt3A_626 = arith.cmpi slt, %get3A_553, %lt3A_625 : vector<16xi32>
    %select_n3A_627 = arith.select %lt3A_626, %broadcast_in_dim3A_7, %broadcast_in_dim3A_5 : vector<16xi1>, vector<16xi32>
    %add3A_628 = arith.addi %add3A_550, %select_n3A_627 : vector<16xi32>
    %get3A_629 = arith.constant 128 : index
    %get3A_630 = tpu.vector_load %arg6[%get3A_629] {strides = array<i32>} : memref<208xi32, #tpu.memory_space<vmem>>, vector<16xi32>,
    %get3A_631 = vector.shape_cast %get3A_630 : vector<16xi32> to vector<16xi32>
    %lt3A_632 = arith.constant 1 : i32
    %lt3A_633 = vector.broadcast %lt3A_632 : i32 to vector<16xi32>
    %lt3A_634 = arith.cmpi slt, %get3A_631, %lt3A_633 : vector<16xi32>
    %select_n3A_635 = arith.select %lt3A_634, %broadcast_in_dim3A_7, %broadcast_in_dim3A_5 : vector<16xi1>, vector<16xi32>
    %add3A_636 = arith.addi %add3A_558, %select_n3A_635 : vector<16xi32>
    %lt3A_637 = arith.constant 2 : i32
    %lt3A_638 = vector.broadcast %lt3A_637 : i32 to vector<16xi32>
    %lt3A_639 = arith.cmpi slt, %get3A_631, %lt3A_638 : vector<16xi32>
    %select_n3A_640 = arith.select %lt3A_639, %broadcast_in_dim3A_7, %broadcast_in_dim3A_5 : vector<16xi1>, vector<16xi32>
    %add3A_641 = arith.addi %add3A_563, %select_n3A_640 : vector<16xi32>
    %lt3A_642 = arith.constant 3 : i32
    %lt3A_643 = vector.broadcast %lt3A_642 : i32 to vector<16xi32>
    %lt3A_644 = arith.cmpi slt, %get3A_631, %lt3A_643 : vector<16xi32>
    %select_n3A_645 = arith.select %lt3A_644, %broadcast_in_dim3A_7, %broadcast_in_dim3A_5 : vector<16xi1>, vector<16xi32>
    %add3A_646 = arith.addi %add3A_568, %select_n3A_645 : vector<16xi32>
    %lt3A_647 = arith.constant 4 : i32
    %lt3A_648 = vector.broadcast %lt3A_647 : i32 to vector<16xi32>
    %lt3A_649 = arith.cmpi slt, %get3A_631, %lt3A_648 : vector<16xi32>
    %select_n3A_650 = arith.select %lt3A_649, %broadcast_in_dim3A_7, %broadcast_in_dim3A_5 : vector<16xi1>, vector<16xi32>
    %add3A_651 = arith.addi %add3A_573, %select_n3A_650 : vector<16xi32>
    %lt3A_652 = arith.constant 5 : i32
    %lt3A_653 = vector.broadcast %lt3A_652 : i32 to vector<16xi32>
    %lt3A_654 = arith.cmpi slt, %get3A_631, %lt3A_653 : vector<16xi32>
    %select_n3A_655 = arith.select %lt3A_654, %broadcast_in_dim3A_7, %broadcast_in_dim3A_5 : vector<16xi1>, vector<16xi32>
    %add3A_656 = arith.addi %add3A_578, %select_n3A_655 : vector<16xi32>
    %lt3A_657 = arith.constant 6 : i32
    %lt3A_658 = vector.broadcast %lt3A_657 : i32 to vector<16xi32>
    %lt3A_659 = arith.cmpi slt, %get3A_631, %lt3A_658 : vector<16xi32>
    %select_n3A_660 = arith.select %lt3A_659, %broadcast_in_dim3A_7, %broadcast_in_dim3A_5 : vector<16xi1>, vector<16xi32>
    %add3A_661 = arith.addi %add3A_583, %select_n3A_660 : vector<16xi32>
    %lt3A_662 = arith.constant 7 : i32
    %lt3A_663 = vector.broadcast %lt3A_662 : i32 to vector<16xi32>
    %lt3A_664 = arith.cmpi slt, %get3A_631, %lt3A_663 : vector<16xi32>
    %select_n3A_665 = arith.select %lt3A_664, %broadcast_in_dim3A_7, %broadcast_in_dim3A_5 : vector<16xi1>, vector<16xi32>
    %add3A_666 = arith.addi %add3A_588, %select_n3A_665 : vector<16xi32>
    %lt3A_667 = arith.constant 8 : i32
    %lt3A_668 = vector.broadcast %lt3A_667 : i32 to vector<16xi32>
    %lt3A_669 = arith.cmpi slt, %get3A_631, %lt3A_668 : vector<16xi32>
    %select_n3A_670 = arith.select %lt3A_669, %broadcast_in_dim3A_7, %broadcast_in_dim3A_5 : vector<16xi1>, vector<16xi32>
    %add3A_671 = arith.addi %add3A_593, %select_n3A_670 : vector<16xi32>
    %lt3A_672 = arith.constant 9 : i32
    %lt3A_673 = vector.broadcast %lt3A_672 : i32 to vector<16xi32>
    %lt3A_674 = arith.cmpi slt, %get3A_631, %lt3A_673 : vector<16xi32>
    %select_n3A_675 = arith.select %lt3A_674, %broadcast_in_dim3A_7, %broadcast_in_dim3A_5 : vector<16xi1>, vector<16xi32>
    %add3A_676 = arith.addi %add3A_598, %select_n3A_675 : vector<16xi32>
    %lt3A_677 = arith.constant 10 : i32
    %lt3A_678 = vector.broadcast %lt3A_677 : i32 to vector<16xi32>
    %lt3A_679 = arith.cmpi slt, %get3A_631, %lt3A_678 : vector<16xi32>
    %select_n3A_680 = arith.select %lt3A_679, %broadcast_in_dim3A_7, %broadcast_in_dim3A_5 : vector<16xi1>, vector<16xi32>
    %add3A_681 = arith.addi %add3A_603, %select_n3A_680 : vector<16xi32>
    %lt3A_682 = arith.constant 11 : i32
    %lt3A_683 = vector.broadcast %lt3A_682 : i32 to vector<16xi32>
    %lt3A_684 = arith.cmpi slt, %get3A_631, %lt3A_683 : vector<16xi32>
    %select_n3A_685 = arith.select %lt3A_684, %broadcast_in_dim3A_7, %broadcast_in_dim3A_5 : vector<16xi1>, vector<16xi32>
    %add3A_686 = arith.addi %add3A_608, %select_n3A_685 : vector<16xi32>
    %lt3A_687 = arith.constant 12 : i32
    %lt3A_688 = vector.broadcast %lt3A_687 : i32 to vector<16xi32>
    %lt3A_689 = arith.cmpi slt, %get3A_631, %lt3A_688 : vector<16xi32>
    %select_n3A_690 = arith.select %lt3A_689, %broadcast_in_dim3A_7, %broadcast_in_dim3A_5 : vector<16xi1>, vector<16xi32>
    %add3A_691 = arith.addi %add3A_613, %select_n3A_690 : vector<16xi32>
    %lt3A_692 = arith.constant 13 : i32
    %lt3A_693 = vector.broadcast %lt3A_692 : i32 to vector<16xi32>
    %lt3A_694 = arith.cmpi slt, %get3A_631, %lt3A_693 : vector<16xi32>
    %select_n3A_695 = arith.select %lt3A_694, %broadcast_in_dim3A_7, %broadcast_in_dim3A_5 : vector<16xi1>, vector<16xi32>
    %add3A_696 = arith.addi %add3A_618, %select_n3A_695 : vector<16xi32>
    %lt3A_697 = arith.constant 14 : i32
    %lt3A_698 = vector.broadcast %lt3A_697 : i32 to vector<16xi32>
    %lt3A_699 = arith.cmpi slt, %get3A_631, %lt3A_698 : vector<16xi32>
    %select_n3A_700 = arith.select %lt3A_699, %broadcast_in_dim3A_7, %broadcast_in_dim3A_5 : vector<16xi1>, vector<16xi32>
    %add3A_701 = arith.addi %add3A_623, %select_n3A_700 : vector<16xi32>
    %lt3A_702 = arith.constant 15 : i32
    %lt3A_703 = vector.broadcast %lt3A_702 : i32 to vector<16xi32>
    %lt3A_704 = arith.cmpi slt, %get3A_631, %lt3A_703 : vector<16xi32>
    %select_n3A_705 = arith.select %lt3A_704, %broadcast_in_dim3A_7, %broadcast_in_dim3A_5 : vector<16xi1>, vector<16xi32>
    %add3A_706 = arith.addi %add3A_628, %select_n3A_705 : vector<16xi32>
    %get3A_707 = arith.constant 144 : index
    %get3A_708 = tpu.vector_load %arg6[%get3A_707] {strides = array<i32>} : memref<208xi32, #tpu.memory_space<vmem>>, vector<16xi32>,
    %get3A_709 = vector.shape_cast %get3A_708 : vector<16xi32> to vector<16xi32>
    %lt3A_710 = arith.constant 1 : i32
    %lt3A_711 = vector.broadcast %lt3A_710 : i32 to vector<16xi32>
    %lt3A_712 = arith.cmpi slt, %get3A_709, %lt3A_711 : vector<16xi32>
    %select_n3A_713 = arith.select %lt3A_712, %broadcast_in_dim3A_7, %broadcast_in_dim3A_5 : vector<16xi1>, vector<16xi32>
    %add3A_714 = arith.addi %add3A_636, %select_n3A_713 : vector<16xi32>
    %lt3A_715 = arith.constant 2 : i32
    %lt3A_716 = vector.broadcast %lt3A_715 : i32 to vector<16xi32>
    %lt3A_717 = arith.cmpi slt, %get3A_709, %lt3A_716 : vector<16xi32>
    %select_n3A_718 = arith.select %lt3A_717, %broadcast_in_dim3A_7, %broadcast_in_dim3A_5 : vector<16xi1>, vector<16xi32>
    %add3A_719 = arith.addi %add3A_641, %select_n3A_718 : vector<16xi32>
    %lt3A_720 = arith.constant 3 : i32
    %lt3A_721 = vector.broadcast %lt3A_720 : i32 to vector<16xi32>
    %lt3A_722 = arith.cmpi slt, %get3A_709, %lt3A_721 : vector<16xi32>
    %select_n3A_723 = arith.select %lt3A_722, %broadcast_in_dim3A_7, %broadcast_in_dim3A_5 : vector<16xi1>, vector<16xi32>
    %add3A_724 = arith.addi %add3A_646, %select_n3A_723 : vector<16xi32>
    %lt3A_725 = arith.constant 4 : i32
    %lt3A_726 = vector.broadcast %lt3A_725 : i32 to vector<16xi32>
    %lt3A_727 = arith.cmpi slt, %get3A_709, %lt3A_726 : vector<16xi32>
    %select_n3A_728 = arith.select %lt3A_727, %broadcast_in_dim3A_7, %broadcast_in_dim3A_5 : vector<16xi1>, vector<16xi32>
    %add3A_729 = arith.addi %add3A_651, %select_n3A_728 : vector<16xi32>
    %lt3A_730 = arith.constant 5 : i32
    %lt3A_731 = vector.broadcast %lt3A_730 : i32 to vector<16xi32>
    %lt3A_732 = arith.cmpi slt, %get3A_709, %lt3A_731 : vector<16xi32>
    %select_n3A_733 = arith.select %lt3A_732, %broadcast_in_dim3A_7, %broadcast_in_dim3A_5 : vector<16xi1>, vector<16xi32>
    %add3A_734 = arith.addi %add3A_656, %select_n3A_733 : vector<16xi32>
    %lt3A_735 = arith.constant 6 : i32
    %lt3A_736 = vector.broadcast %lt3A_735 : i32 to vector<16xi32>
    %lt3A_737 = arith.cmpi slt, %get3A_709, %lt3A_736 : vector<16xi32>
    %select_n3A_738 = arith.select %lt3A_737, %broadcast_in_dim3A_7, %broadcast_in_dim3A_5 : vector<16xi1>, vector<16xi32>
    %add3A_739 = arith.addi %add3A_661, %select_n3A_738 : vector<16xi32>
    %lt3A_740 = arith.constant 7 : i32
    %lt3A_741 = vector.broadcast %lt3A_740 : i32 to vector<16xi32>
    %lt3A_742 = arith.cmpi slt, %get3A_709, %lt3A_741 : vector<16xi32>
    %select_n3A_743 = arith.select %lt3A_742, %broadcast_in_dim3A_7, %broadcast_in_dim3A_5 : vector<16xi1>, vector<16xi32>
    %add3A_744 = arith.addi %add3A_666, %select_n3A_743 : vector<16xi32>
    %lt3A_745 = arith.constant 8 : i32
    %lt3A_746 = vector.broadcast %lt3A_745 : i32 to vector<16xi32>
    %lt3A_747 = arith.cmpi slt, %get3A_709, %lt3A_746 : vector<16xi32>
    %select_n3A_748 = arith.select %lt3A_747, %broadcast_in_dim3A_7, %broadcast_in_dim3A_5 : vector<16xi1>, vector<16xi32>
    %add3A_749 = arith.addi %add3A_671, %select_n3A_748 : vector<16xi32>
    %lt3A_750 = arith.constant 9 : i32
    %lt3A_751 = vector.broadcast %lt3A_750 : i32 to vector<16xi32>
    %lt3A_752 = arith.cmpi slt, %get3A_709, %lt3A_751 : vector<16xi32>
    %select_n3A_753 = arith.select %lt3A_752, %broadcast_in_dim3A_7, %broadcast_in_dim3A_5 : vector<16xi1>, vector<16xi32>
    %add3A_754 = arith.addi %add3A_676, %select_n3A_753 : vector<16xi32>
    %lt3A_755 = arith.constant 10 : i32
    %lt3A_756 = vector.broadcast %lt3A_755 : i32 to vector<16xi32>
    %lt3A_757 = arith.cmpi slt, %get3A_709, %lt3A_756 : vector<16xi32>
    %select_n3A_758 = arith.select %lt3A_757, %broadcast_in_dim3A_7, %broadcast_in_dim3A_5 : vector<16xi1>, vector<16xi32>
    %add3A_759 = arith.addi %add3A_681, %select_n3A_758 : vector<16xi32>
    %lt3A_760 = arith.constant 11 : i32
    %lt3A_761 = vector.broadcast %lt3A_760 : i32 to vector<16xi32>
    %lt3A_762 = arith.cmpi slt, %get3A_709, %lt3A_761 : vector<16xi32>
    %select_n3A_763 = arith.select %lt3A_762, %broadcast_in_dim3A_7, %broadcast_in_dim3A_5 : vector<16xi1>, vector<16xi32>
    %add3A_764 = arith.addi %add3A_686, %select_n3A_763 : vector<16xi32>
    %lt3A_765 = arith.constant 12 : i32
    %lt3A_766 = vector.broadcast %lt3A_765 : i32 to vector<16xi32>
    %lt3A_767 = arith.cmpi slt, %get3A_709, %lt3A_766 : vector<16xi32>
    %select_n3A_768 = arith.select %lt3A_767, %broadcast_in_dim3A_7, %broadcast_in_dim3A_5 : vector<16xi1>, vector<16xi32>
    %add3A_769 = arith.addi %add3A_691, %select_n3A_768 : vector<16xi32>
    %lt3A_770 = arith.constant 13 : i32
    %lt3A_771 = vector.broadcast %lt3A_770 : i32 to vector<16xi32>
    %lt3A_772 = arith.cmpi slt, %get3A_709, %lt3A_771 : vector<16xi32>
    %select_n3A_773 = arith.select %lt3A_772, %broadcast_in_dim3A_7, %broadcast_in_dim3A_5 : vector<16xi1>, vector<16xi32>
    %add3A_774 = arith.addi %add3A_696, %select_n3A_773 : vector<16xi32>
    %lt3A_775 = arith.constant 14 : i32
    %lt3A_776 = vector.broadcast %lt3A_775 : i32 to vector<16xi32>
    %lt3A_777 = arith.cmpi slt, %get3A_709, %lt3A_776 : vector<16xi32>
    %select_n3A_778 = arith.select %lt3A_777, %broadcast_in_dim3A_7, %broadcast_in_dim3A_5 : vector<16xi1>, vector<16xi32>
    %add3A_779 = arith.addi %add3A_701, %select_n3A_778 : vector<16xi32>
    %lt3A_780 = arith.constant 15 : i32
    %lt3A_781 = vector.broadcast %lt3A_780 : i32 to vector<16xi32>
    %lt3A_782 = arith.cmpi slt, %get3A_709, %lt3A_781 : vector<16xi32>
    %select_n3A_783 = arith.select %lt3A_782, %broadcast_in_dim3A_7, %broadcast_in_dim3A_5 : vector<16xi1>, vector<16xi32>
    %add3A_784 = arith.addi %add3A_706, %select_n3A_783 : vector<16xi32>
    %get3A_785 = arith.constant 160 : index
    %get3A_786 = tpu.vector_load %arg6[%get3A_785] {strides = array<i32>} : memref<208xi32, #tpu.memory_space<vmem>>, vector<16xi32>,
    %get3A_787 = vector.shape_cast %get3A_786 : vector<16xi32> to vector<16xi32>
    %lt3A_788 = arith.constant 1 : i32
    %lt3A_789 = vector.broadcast %lt3A_788 : i32 to vector<16xi32>
    %lt3A_790 = arith.cmpi slt, %get3A_787, %lt3A_789 : vector<16xi32>
    %select_n3A_791 = arith.select %lt3A_790, %broadcast_in_dim3A_7, %broadcast_in_dim3A_5 : vector<16xi1>, vector<16xi32>
    %add3A_792 = arith.addi %add3A_714, %select_n3A_791 : vector<16xi32>
    %lt3A_793 = arith.constant 2 : i32
    %lt3A_794 = vector.broadcast %lt3A_793 : i32 to vector<16xi32>
    %lt3A_795 = arith.cmpi slt, %get3A_787, %lt3A_794 : vector<16xi32>
    %select_n3A_796 = arith.select %lt3A_795, %broadcast_in_dim3A_7, %broadcast_in_dim3A_5 : vector<16xi1>, vector<16xi32>
    %add3A_797 = arith.addi %add3A_719, %select_n3A_796 : vector<16xi32>
    %lt3A_798 = arith.constant 3 : i32
    %lt3A_799 = vector.broadcast %lt3A_798 : i32 to vector<16xi32>
    %lt3A_800 = arith.cmpi slt, %get3A_787, %lt3A_799 : vector<16xi32>
    %select_n3A_801 = arith.select %lt3A_800, %broadcast_in_dim3A_7, %broadcast_in_dim3A_5 : vector<16xi1>, vector<16xi32>
    %add3A_802 = arith.addi %add3A_724, %select_n3A_801 : vector<16xi32>
    %lt3A_803 = arith.constant 4 : i32
    %lt3A_804 = vector.broadcast %lt3A_803 : i32 to vector<16xi32>
    %lt3A_805 = arith.cmpi slt, %get3A_787, %lt3A_804 : vector<16xi32>
    %select_n3A_806 = arith.select %lt3A_805, %broadcast_in_dim3A_7, %broadcast_in_dim3A_5 : vector<16xi1>, vector<16xi32>
    %add3A_807 = arith.addi %add3A_729, %select_n3A_806 : vector<16xi32>
    %lt3A_808 = arith.constant 5 : i32
    %lt3A_809 = vector.broadcast %lt3A_808 : i32 to vector<16xi32>
    %lt3A_810 = arith.cmpi slt, %get3A_787, %lt3A_809 : vector<16xi32>
    %select_n3A_811 = arith.select %lt3A_810, %broadcast_in_dim3A_7, %broadcast_in_dim3A_5 : vector<16xi1>, vector<16xi32>
    %add3A_812 = arith.addi %add3A_734, %select_n3A_811 : vector<16xi32>
    %lt3A_813 = arith.constant 6 : i32
    %lt3A_814 = vector.broadcast %lt3A_813 : i32 to vector<16xi32>
    %lt3A_815 = arith.cmpi slt, %get3A_787, %lt3A_814 : vector<16xi32>
    %select_n3A_816 = arith.select %lt3A_815, %broadcast_in_dim3A_7, %broadcast_in_dim3A_5 : vector<16xi1>, vector<16xi32>
    %add3A_817 = arith.addi %add3A_739, %select_n3A_816 : vector<16xi32>
    %lt3A_818 = arith.constant 7 : i32
    %lt3A_819 = vector.broadcast %lt3A_818 : i32 to vector<16xi32>
    %lt3A_820 = arith.cmpi slt, %get3A_787, %lt3A_819 : vector<16xi32>
    %select_n3A_821 = arith.select %lt3A_820, %broadcast_in_dim3A_7, %broadcast_in_dim3A_5 : vector<16xi1>, vector<16xi32>
    %add3A_822 = arith.addi %add3A_744, %select_n3A_821 : vector<16xi32>
    %lt3A_823 = arith.constant 8 : i32
    %lt3A_824 = vector.broadcast %lt3A_823 : i32 to vector<16xi32>
    %lt3A_825 = arith.cmpi slt, %get3A_787, %lt3A_824 : vector<16xi32>
    %select_n3A_826 = arith.select %lt3A_825, %broadcast_in_dim3A_7, %broadcast_in_dim3A_5 : vector<16xi1>, vector<16xi32>
    %add3A_827 = arith.addi %add3A_749, %select_n3A_826 : vector<16xi32>
    %lt3A_828 = arith.constant 9 : i32
    %lt3A_829 = vector.broadcast %lt3A_828 : i32 to vector<16xi32>
    %lt3A_830 = arith.cmpi slt, %get3A_787, %lt3A_829 : vector<16xi32>
    %select_n3A_831 = arith.select %lt3A_830, %broadcast_in_dim3A_7, %broadcast_in_dim3A_5 : vector<16xi1>, vector<16xi32>
    %add3A_832 = arith.addi %add3A_754, %select_n3A_831 : vector<16xi32>
    %lt3A_833 = arith.constant 10 : i32
    %lt3A_834 = vector.broadcast %lt3A_833 : i32 to vector<16xi32>
    %lt3A_835 = arith.cmpi slt, %get3A_787, %lt3A_834 : vector<16xi32>
    %select_n3A_836 = arith.select %lt3A_835, %broadcast_in_dim3A_7, %broadcast_in_dim3A_5 : vector<16xi1>, vector<16xi32>
    %add3A_837 = arith.addi %add3A_759, %select_n3A_836 : vector<16xi32>
    %lt3A_838 = arith.constant 11 : i32
    %lt3A_839 = vector.broadcast %lt3A_838 : i32 to vector<16xi32>
    %lt3A_840 = arith.cmpi slt, %get3A_787, %lt3A_839 : vector<16xi32>
    %select_n3A_841 = arith.select %lt3A_840, %broadcast_in_dim3A_7, %broadcast_in_dim3A_5 : vector<16xi1>, vector<16xi32>
    %add3A_842 = arith.addi %add3A_764, %select_n3A_841 : vector<16xi32>
    %lt3A_843 = arith.constant 12 : i32
    %lt3A_844 = vector.broadcast %lt3A_843 : i32 to vector<16xi32>
    %lt3A_845 = arith.cmpi slt, %get3A_787, %lt3A_844 : vector<16xi32>
    %select_n3A_846 = arith.select %lt3A_845, %broadcast_in_dim3A_7, %broadcast_in_dim3A_5 : vector<16xi1>, vector<16xi32>
    %add3A_847 = arith.addi %add3A_769, %select_n3A_846 : vector<16xi32>
    %lt3A_848 = arith.constant 13 : i32
    %lt3A_849 = vector.broadcast %lt3A_848 : i32 to vector<16xi32>
    %lt3A_850 = arith.cmpi slt, %get3A_787, %lt3A_849 : vector<16xi32>
    %select_n3A_851 = arith.select %lt3A_850, %broadcast_in_dim3A_7, %broadcast_in_dim3A_5 : vector<16xi1>, vector<16xi32>
    %add3A_852 = arith.addi %add3A_774, %select_n3A_851 : vector<16xi32>
    %lt3A_853 = arith.constant 14 : i32
    %lt3A_854 = vector.broadcast %lt3A_853 : i32 to vector<16xi32>
    %lt3A_855 = arith.cmpi slt, %get3A_787, %lt3A_854 : vector<16xi32>
    %select_n3A_856 = arith.select %lt3A_855, %broadcast_in_dim3A_7, %broadcast_in_dim3A_5 : vector<16xi1>, vector<16xi32>
    %add3A_857 = arith.addi %add3A_779, %select_n3A_856 : vector<16xi32>
    %lt3A_858 = arith.constant 15 : i32
    %lt3A_859 = vector.broadcast %lt3A_858 : i32 to vector<16xi32>
    %lt3A_860 = arith.cmpi slt, %get3A_787, %lt3A_859 : vector<16xi32>
    %select_n3A_861 = arith.select %lt3A_860, %broadcast_in_dim3A_7, %broadcast_in_dim3A_5 : vector<16xi1>, vector<16xi32>
    %add3A_862 = arith.addi %add3A_784, %select_n3A_861 : vector<16xi32>
    %get3A_863 = arith.constant 176 : index
    %get3A_864 = tpu.vector_load %arg6[%get3A_863] {strides = array<i32>} : memref<208xi32, #tpu.memory_space<vmem>>, vector<16xi32>,
    %get3A_865 = vector.shape_cast %get3A_864 : vector<16xi32> to vector<16xi32>
    %lt3A_866 = arith.constant 1 : i32
    %lt3A_867 = vector.broadcast %lt3A_866 : i32 to vector<16xi32>
    %lt3A_868 = arith.cmpi slt, %get3A_865, %lt3A_867 : vector<16xi32>
    %select_n3A_869 = arith.select %lt3A_868, %broadcast_in_dim3A_7, %broadcast_in_dim3A_5 : vector<16xi1>, vector<16xi32>
    %add3A_870 = arith.addi %add3A_792, %select_n3A_869 : vector<16xi32>
    %lt3A_871 = arith.constant 2 : i32
    %lt3A_872 = vector.broadcast %lt3A_871 : i32 to vector<16xi32>
    %lt3A_873 = arith.cmpi slt, %get3A_865, %lt3A_872 : vector<16xi32>
    %select_n3A_874 = arith.select %lt3A_873, %broadcast_in_dim3A_7, %broadcast_in_dim3A_5 : vector<16xi1>, vector<16xi32>
    %add3A_875 = arith.addi %add3A_797, %select_n3A_874 : vector<16xi32>
    %lt3A_876 = arith.constant 3 : i32
    %lt3A_877 = vector.broadcast %lt3A_876 : i32 to vector<16xi32>
    %lt3A_878 = arith.cmpi slt, %get3A_865, %lt3A_877 : vector<16xi32>
    %select_n3A_879 = arith.select %lt3A_878, %broadcast_in_dim3A_7, %broadcast_in_dim3A_5 : vector<16xi1>, vector<16xi32>
    %add3A_880 = arith.addi %add3A_802, %select_n3A_879 : vector<16xi32>
    %lt3A_881 = arith.constant 4 : i32
    %lt3A_882 = vector.broadcast %lt3A_881 : i32 to vector<16xi32>
    %lt3A_883 = arith.cmpi slt, %get3A_865, %lt3A_882 : vector<16xi32>
    %select_n3A_884 = arith.select %lt3A_883, %broadcast_in_dim3A_7, %broadcast_in_dim3A_5 : vector<16xi1>, vector<16xi32>
    %add3A_885 = arith.addi %add3A_807, %select_n3A_884 : vector<16xi32>
    %lt3A_886 = arith.constant 5 : i32
    %lt3A_887 = vector.broadcast %lt3A_886 : i32 to vector<16xi32>
    %lt3A_888 = arith.cmpi slt, %get3A_865, %lt3A_887 : vector<16xi32>
    %select_n3A_889 = arith.select %lt3A_888, %broadcast_in_dim3A_7, %broadcast_in_dim3A_5 : vector<16xi1>, vector<16xi32>
    %add3A_890 = arith.addi %add3A_812, %select_n3A_889 : vector<16xi32>
    %lt3A_891 = arith.constant 6 : i32
    %lt3A_892 = vector.broadcast %lt3A_891 : i32 to vector<16xi32>
    %lt3A_893 = arith.cmpi slt, %get3A_865, %lt3A_892 : vector<16xi32>
    %select_n3A_894 = arith.select %lt3A_893, %broadcast_in_dim3A_7, %broadcast_in_dim3A_5 : vector<16xi1>, vector<16xi32>
    %add3A_895 = arith.addi %add3A_817, %select_n3A_894 : vector<16xi32>
    %lt3A_896 = arith.constant 7 : i32
    %lt3A_897 = vector.broadcast %lt3A_896 : i32 to vector<16xi32>
    %lt3A_898 = arith.cmpi slt, %get3A_865, %lt3A_897 : vector<16xi32>
    %select_n3A_899 = arith.select %lt3A_898, %broadcast_in_dim3A_7, %broadcast_in_dim3A_5 : vector<16xi1>, vector<16xi32>
    %add3A_900 = arith.addi %add3A_822, %select_n3A_899 : vector<16xi32>
    %lt3A_901 = arith.constant 8 : i32
    %lt3A_902 = vector.broadcast %lt3A_901 : i32 to vector<16xi32>
    %lt3A_903 = arith.cmpi slt, %get3A_865, %lt3A_902 : vector<16xi32>
    %select_n3A_904 = arith.select %lt3A_903, %broadcast_in_dim3A_7, %broadcast_in_dim3A_5 : vector<16xi1>, vector<16xi32>
    %add3A_905 = arith.addi %add3A_827, %select_n3A_904 : vector<16xi32>
    %lt3A_906 = arith.constant 9 : i32
    %lt3A_907 = vector.broadcast %lt3A_906 : i32 to vector<16xi32>
    %lt3A_908 = arith.cmpi slt, %get3A_865, %lt3A_907 : vector<16xi32>
    %select_n3A_909 = arith.select %lt3A_908, %broadcast_in_dim3A_7, %broadcast_in_dim3A_5 : vector<16xi1>, vector<16xi32>
    %add3A_910 = arith.addi %add3A_832, %select_n3A_909 : vector<16xi32>
    %lt3A_911 = arith.constant 10 : i32
    %lt3A_912 = vector.broadcast %lt3A_911 : i32 to vector<16xi32>
    %lt3A_913 = arith.cmpi slt, %get3A_865, %lt3A_912 : vector<16xi32>
    %select_n3A_914 = arith.select %lt3A_913, %broadcast_in_dim3A_7, %broadcast_in_dim3A_5 : vector<16xi1>, vector<16xi32>
    %add3A_915 = arith.addi %add3A_837, %select_n3A_914 : vector<16xi32>
    %lt3A_916 = arith.constant 11 : i32
    %lt3A_917 = vector.broadcast %lt3A_916 : i32 to vector<16xi32>
    %lt3A_918 = arith.cmpi slt, %get3A_865, %lt3A_917 : vector<16xi32>
    %select_n3A_919 = arith.select %lt3A_918, %broadcast_in_dim3A_7, %broadcast_in_dim3A_5 : vector<16xi1>, vector<16xi32>
    %add3A_920 = arith.addi %add3A_842, %select_n3A_919 : vector<16xi32>
    %lt3A_921 = arith.constant 12 : i32
    %lt3A_922 = vector.broadcast %lt3A_921 : i32 to vector<16xi32>
    %lt3A_923 = arith.cmpi slt, %get3A_865, %lt3A_922 : vector<16xi32>
    %select_n3A_924 = arith.select %lt3A_923, %broadcast_in_dim3A_7, %broadcast_in_dim3A_5 : vector<16xi1>, vector<16xi32>
    %add3A_925 = arith.addi %add3A_847, %select_n3A_924 : vector<16xi32>
    %lt3A_926 = arith.constant 13 : i32
    %lt3A_927 = vector.broadcast %lt3A_926 : i32 to vector<16xi32>
    %lt3A_928 = arith.cmpi slt, %get3A_865, %lt3A_927 : vector<16xi32>
    %select_n3A_929 = arith.select %lt3A_928, %broadcast_in_dim3A_7, %broadcast_in_dim3A_5 : vector<16xi1>, vector<16xi32>
    %add3A_930 = arith.addi %add3A_852, %select_n3A_929 : vector<16xi32>
    %lt3A_931 = arith.constant 14 : i32
    %lt3A_932 = vector.broadcast %lt3A_931 : i32 to vector<16xi32>
    %lt3A_933 = arith.cmpi slt, %get3A_865, %lt3A_932 : vector<16xi32>
    %select_n3A_934 = arith.select %lt3A_933, %broadcast_in_dim3A_7, %broadcast_in_dim3A_5 : vector<16xi1>, vector<16xi32>
    %add3A_935 = arith.addi %add3A_857, %select_n3A_934 : vector<16xi32>
    %lt3A_936 = arith.constant 15 : i32
    %lt3A_937 = vector.broadcast %lt3A_936 : i32 to vector<16xi32>
    %lt3A_938 = arith.cmpi slt, %get3A_865, %lt3A_937 : vector<16xi32>
    %select_n3A_939 = arith.select %lt3A_938, %broadcast_in_dim3A_7, %broadcast_in_dim3A_5 : vector<16xi1>, vector<16xi32>
    %add3A_940 = arith.addi %add3A_862, %select_n3A_939 : vector<16xi32>
    %slice3A = vector.extract_strided_slice %add3A_870 {offsets = [0], sizes = [1], strides = [1]} : vector<16xi32> to vector<1xi32>
    %squeeze3A = vector.extract %slice3A[0] : i32 from vector<1xi32>
    %slice3A_941 = vector.extract_strided_slice %add3A_870 {offsets = [1], sizes = [1], strides = [1]} : vector<16xi32> to vector<1xi32>
    %squeeze3A_942 = vector.extract %slice3A_941[0] : i32 from vector<1xi32>
    %add3A_943 = arith.addi %squeeze3A, %squeeze3A_942 : i32
    %slice3A_944 = vector.extract_strided_slice %add3A_870 {offsets = [2], sizes = [1], strides = [1]} : vector<16xi32> to vector<1xi32>
    %squeeze3A_945 = vector.extract %slice3A_944[0] : i32 from vector<1xi32>
    %add3A_946 = arith.addi %add3A_943, %squeeze3A_945 : i32
    %slice3A_947 = vector.extract_strided_slice %add3A_870 {offsets = [3], sizes = [1], strides = [1]} : vector<16xi32> to vector<1xi32>
    %squeeze3A_948 = vector.extract %slice3A_947[0] : i32 from vector<1xi32>
    %add3A_949 = arith.addi %add3A_946, %squeeze3A_948 : i32
    %slice3A_950 = vector.extract_strided_slice %add3A_870 {offsets = [4], sizes = [1], strides = [1]} : vector<16xi32> to vector<1xi32>
    %squeeze3A_951 = vector.extract %slice3A_950[0] : i32 from vector<1xi32>
    %add3A_952 = arith.addi %add3A_949, %squeeze3A_951 : i32
    %slice3A_953 = vector.extract_strided_slice %add3A_870 {offsets = [5], sizes = [1], strides = [1]} : vector<16xi32> to vector<1xi32>
    %squeeze3A_954 = vector.extract %slice3A_953[0] : i32 from vector<1xi32>
    %add3A_955 = arith.addi %add3A_952, %squeeze3A_954 : i32
    %slice3A_956 = vector.extract_strided_slice %add3A_870 {offsets = [6], sizes = [1], strides = [1]} : vector<16xi32> to vector<1xi32>
    %squeeze3A_957 = vector.extract %slice3A_956[0] : i32 from vector<1xi32>
    %add3A_958 = arith.addi %add3A_955, %squeeze3A_957 : i32
    %slice3A_959 = vector.extract_strided_slice %add3A_870 {offsets = [7], sizes = [1], strides = [1]} : vector<16xi32> to vector<1xi32>
    %squeeze3A_960 = vector.extract %slice3A_959[0] : i32 from vector<1xi32>
    %add3A_961 = arith.addi %add3A_958, %squeeze3A_960 : i32
    %slice3A_962 = vector.extract_strided_slice %add3A_870 {offsets = [8], sizes = [1], strides = [1]} : vector<16xi32> to vector<1xi32>
    %squeeze3A_963 = vector.extract %slice3A_962[0] : i32 from vector<1xi32>
    %add3A_964 = arith.addi %add3A_961, %squeeze3A_963 : i32
    %slice3A_965 = vector.extract_strided_slice %add3A_870 {offsets = [9], sizes = [1], strides = [1]} : vector<16xi32> to vector<1xi32>
    %squeeze3A_966 = vector.extract %slice3A_965[0] : i32 from vector<1xi32>
    %add3A_967 = arith.addi %add3A_964, %squeeze3A_966 : i32
    %slice3A_968 = vector.extract_strided_slice %add3A_870 {offsets = [10], sizes = [1], strides = [1]} : vector<16xi32> to vector<1xi32>
    %squeeze3A_969 = vector.extract %slice3A_968[0] : i32 from vector<1xi32>
    %add3A_970 = arith.addi %add3A_967, %squeeze3A_969 : i32
    %slice3A_971 = vector.extract_strided_slice %add3A_870 {offsets = [11], sizes = [1], strides = [1]} : vector<16xi32> to vector<1xi32>
    %squeeze3A_972 = vector.extract %slice3A_971[0] : i32 from vector<1xi32>
    %add3A_973 = arith.addi %add3A_970, %squeeze3A_972 : i32
    %slice3A_974 = vector.extract_strided_slice %add3A_870 {offsets = [12], sizes = [1], strides = [1]} : vector<16xi32> to vector<1xi32>
    %squeeze3A_975 = vector.extract %slice3A_974[0] : i32 from vector<1xi32>
    %add3A_976 = arith.addi %add3A_973, %squeeze3A_975 : i32
    %slice3A_977 = vector.extract_strided_slice %add3A_870 {offsets = [13], sizes = [1], strides = [1]} : vector<16xi32> to vector<1xi32>
    %squeeze3A_978 = vector.extract %slice3A_977[0] : i32 from vector<1xi32>
    %add3A_979 = arith.addi %add3A_976, %squeeze3A_978 : i32
    %slice3A_980 = vector.extract_strided_slice %add3A_870 {offsets = [14], sizes = [1], strides = [1]} : vector<16xi32> to vector<1xi32>
    %squeeze3A_981 = vector.extract %slice3A_980[0] : i32 from vector<1xi32>
    %add3A_982 = arith.addi %add3A_979, %squeeze3A_981 : i32
    %slice3A_983 = vector.extract_strided_slice %add3A_870 {offsets = [15], sizes = [1], strides = [1]} : vector<16xi32> to vector<1xi32>
    %squeeze3A_984 = vector.extract %slice3A_983[0] : i32 from vector<1xi32>
    %add3A_985 = arith.addi %add3A_982, %squeeze3A_984 : i32
    %slice3A_986 = vector.extract_strided_slice %add3A_875 {offsets = [0], sizes = [1], strides = [1]} : vector<16xi32> to vector<1xi32>
    %squeeze3A_987 = vector.extract %slice3A_986[0] : i32 from vector<1xi32>
    %slice3A_988 = vector.extract_strided_slice %add3A_875 {offsets = [1], sizes = [1], strides = [1]} : vector<16xi32> to vector<1xi32>
    %squeeze3A_989 = vector.extract %slice3A_988[0] : i32 from vector<1xi32>
    %add3A_990 = arith.addi %squeeze3A_987, %squeeze3A_989 : i32
    %slice3A_991 = vector.extract_strided_slice %add3A_875 {offsets = [2], sizes = [1], strides = [1]} : vector<16xi32> to vector<1xi32>
    %squeeze3A_992 = vector.extract %slice3A_991[0] : i32 from vector<1xi32>
    %add3A_993 = arith.addi %add3A_990, %squeeze3A_992 : i32
    %slice3A_994 = vector.extract_strided_slice %add3A_875 {offsets = [3], sizes = [1], strides = [1]} : vector<16xi32> to vector<1xi32>
    %squeeze3A_995 = vector.extract %slice3A_994[0] : i32 from vector<1xi32>
    %add3A_996 = arith.addi %add3A_993, %squeeze3A_995 : i32
    %slice3A_997 = vector.extract_strided_slice %add3A_875 {offsets = [4], sizes = [1], strides = [1]} : vector<16xi32> to vector<1xi32>
    %squeeze3A_998 = vector.extract %slice3A_997[0] : i32 from vector<1xi32>
    %add3A_999 = arith.addi %add3A_996, %squeeze3A_998 : i32
    %slice3A_1000 = vector.extract_strided_slice %add3A_875 {offsets = [5], sizes = [1], strides = [1]} : vector<16xi32> to vector<1xi32>
    %squeeze3A_1001 = vector.extract %slice3A_1000[0] : i32 from vector<1xi32>
    %add3A_1002 = arith.addi %add3A_999, %squeeze3A_1001 : i32
    %slice3A_1003 = vector.extract_strided_slice %add3A_875 {offsets = [6], sizes = [1], strides = [1]} : vector<16xi32> to vector<1xi32>
    %squeeze3A_1004 = vector.extract %slice3A_1003[0] : i32 from vector<1xi32>
    %add3A_1005 = arith.addi %add3A_1002, %squeeze3A_1004 : i32
    %slice3A_1006 = vector.extract_strided_slice %add3A_875 {offsets = [7], sizes = [1], strides = [1]} : vector<16xi32> to vector<1xi32>
    %squeeze3A_1007 = vector.extract %slice3A_1006[0] : i32 from vector<1xi32>
    %add3A_1008 = arith.addi %add3A_1005, %squeeze3A_1007 : i32
    %slice3A_1009 = vector.extract_strided_slice %add3A_875 {offsets = [8], sizes = [1], strides = [1]} : vector<16xi32> to vector<1xi32>
    %squeeze3A_1010 = vector.extract %slice3A_1009[0] : i32 from vector<1xi32>
    %add3A_1011 = arith.addi %add3A_1008, %squeeze3A_1010 : i32
    %slice3A_1012 = vector.extract_strided_slice %add3A_875 {offsets = [9], sizes = [1], strides = [1]} : vector<16xi32> to vector<1xi32>
    %squeeze3A_1013 = vector.extract %slice3A_1012[0] : i32 from vector<1xi32>
    %add3A_1014 = arith.addi %add3A_1011, %squeeze3A_1013 : i32
    %slice3A_1015 = vector.extract_strided_slice %add3A_875 {offsets = [10], sizes = [1], strides = [1]} : vector<16xi32> to vector<1xi32>
    %squeeze3A_1016 = vector.extract %slice3A_1015[0] : i32 from vector<1xi32>
    %add3A_1017 = arith.addi %add3A_1014, %squeeze3A_1016 : i32
    %slice3A_1018 = vector.extract_strided_slice %add3A_875 {offsets = [11], sizes = [1], strides = [1]} : vector<16xi32> to vector<1xi32>
    %squeeze3A_1019 = vector.extract %slice3A_1018[0] : i32 from vector<1xi32>
    %add3A_1020 = arith.addi %add3A_1017, %squeeze3A_1019 : i32
    %slice3A_1021 = vector.extract_strided_slice %add3A_875 {offsets = [12], sizes = [1], strides = [1]} : vector<16xi32> to vector<1xi32>
    %squeeze3A_1022 = vector.extract %slice3A_1021[0] : i32 from vector<1xi32>
    %add3A_1023 = arith.addi %add3A_1020, %squeeze3A_1022 : i32
    %slice3A_1024 = vector.extract_strided_slice %add3A_875 {offsets = [13], sizes = [1], strides = [1]} : vector<16xi32> to vector<1xi32>
    %squeeze3A_1025 = vector.extract %slice3A_1024[0] : i32 from vector<1xi32>
    %add3A_1026 = arith.addi %add3A_1023, %squeeze3A_1025 : i32
    %slice3A_1027 = vector.extract_strided_slice %add3A_875 {offsets = [14], sizes = [1], strides = [1]} : vector<16xi32> to vector<1xi32>
    %squeeze3A_1028 = vector.extract %slice3A_1027[0] : i32 from vector<1xi32>
    %add3A_1029 = arith.addi %add3A_1026, %squeeze3A_1028 : i32
    %slice3A_1030 = vector.extract_strided_slice %add3A_875 {offsets = [15], sizes = [1], strides = [1]} : vector<16xi32> to vector<1xi32>
    %squeeze3A_1031 = vector.extract %slice3A_1030[0] : i32 from vector<1xi32>
    %add3A_1032 = arith.addi %add3A_1029, %squeeze3A_1031 : i32
    %slice3A_1033 = vector.extract_strided_slice %add3A_880 {offsets = [0], sizes = [1], strides = [1]} : vector<16xi32> to vector<1xi32>
    %squeeze3A_1034 = vector.extract %slice3A_1033[0] : i32 from vector<1xi32>
    %slice3A_1035 = vector.extract_strided_slice %add3A_880 {offsets = [1], sizes = [1], strides = [1]} : vector<16xi32> to vector<1xi32>
    %squeeze3A_1036 = vector.extract %slice3A_1035[0] : i32 from vector<1xi32>
    %add3A_1037 = arith.addi %squeeze3A_1034, %squeeze3A_1036 : i32
    %slice3A_1038 = vector.extract_strided_slice %add3A_880 {offsets = [2], sizes = [1], strides = [1]} : vector<16xi32> to vector<1xi32>
    %squeeze3A_1039 = vector.extract %slice3A_1038[0] : i32 from vector<1xi32>
    %add3A_1040 = arith.addi %add3A_1037, %squeeze3A_1039 : i32
    %slice3A_1041 = vector.extract_strided_slice %add3A_880 {offsets = [3], sizes = [1], strides = [1]} : vector<16xi32> to vector<1xi32>
    %squeeze3A_1042 = vector.extract %slice3A_1041[0] : i32 from vector<1xi32>
    %add3A_1043 = arith.addi %add3A_1040, %squeeze3A_1042 : i32
    %slice3A_1044 = vector.extract_strided_slice %add3A_880 {offsets = [4], sizes = [1], strides = [1]} : vector<16xi32> to vector<1xi32>
    %squeeze3A_1045 = vector.extract %slice3A_1044[0] : i32 from vector<1xi32>
    %add3A_1046 = arith.addi %add3A_1043, %squeeze3A_1045 : i32
    %slice3A_1047 = vector.extract_strided_slice %add3A_880 {offsets = [5], sizes = [1], strides = [1]} : vector<16xi32> to vector<1xi32>
    %squeeze3A_1048 = vector.extract %slice3A_1047[0] : i32 from vector<1xi32>
    %add3A_1049 = arith.addi %add3A_1046, %squeeze3A_1048 : i32
    %slice3A_1050 = vector.extract_strided_slice %add3A_880 {offsets = [6], sizes = [1], strides = [1]} : vector<16xi32> to vector<1xi32>
    %squeeze3A_1051 = vector.extract %slice3A_1050[0] : i32 from vector<1xi32>
    %add3A_1052 = arith.addi %add3A_1049, %squeeze3A_1051 : i32
    %slice3A_1053 = vector.extract_strided_slice %add3A_880 {offsets = [7], sizes = [1], strides = [1]} : vector<16xi32> to vector<1xi32>
    %squeeze3A_1054 = vector.extract %slice3A_1053[0] : i32 from vector<1xi32>
    %add3A_1055 = arith.addi %add3A_1052, %squeeze3A_1054 : i32
    %slice3A_1056 = vector.extract_strided_slice %add3A_880 {offsets = [8], sizes = [1], strides = [1]} : vector<16xi32> to vector<1xi32>
    %squeeze3A_1057 = vector.extract %slice3A_1056[0] : i32 from vector<1xi32>
    %add3A_1058 = arith.addi %add3A_1055, %squeeze3A_1057 : i32
    %slice3A_1059 = vector.extract_strided_slice %add3A_880 {offsets = [9], sizes = [1], strides = [1]} : vector<16xi32> to vector<1xi32>
    %squeeze3A_1060 = vector.extract %slice3A_1059[0] : i32 from vector<1xi32>
    %add3A_1061 = arith.addi %add3A_1058, %squeeze3A_1060 : i32
    %slice3A_1062 = vector.extract_strided_slice %add3A_880 {offsets = [10], sizes = [1], strides = [1]} : vector<16xi32> to vector<1xi32>
    %squeeze3A_1063 = vector.extract %slice3A_1062[0] : i32 from vector<1xi32>
    %add3A_1064 = arith.addi %add3A_1061, %squeeze3A_1063 : i32
    %slice3A_1065 = vector.extract_strided_slice %add3A_880 {offsets = [11], sizes = [1], strides = [1]} : vector<16xi32> to vector<1xi32>
    %squeeze3A_1066 = vector.extract %slice3A_1065[0] : i32 from vector<1xi32>
    %add3A_1067 = arith.addi %add3A_1064, %squeeze3A_1066 : i32
    %slice3A_1068 = vector.extract_strided_slice %add3A_880 {offsets = [12], sizes = [1], strides = [1]} : vector<16xi32> to vector<1xi32>
    %squeeze3A_1069 = vector.extract %slice3A_1068[0] : i32 from vector<1xi32>
    %add3A_1070 = arith.addi %add3A_1067, %squeeze3A_1069 : i32
    %slice3A_1071 = vector.extract_strided_slice %add3A_880 {offsets = [13], sizes = [1], strides = [1]} : vector<16xi32> to vector<1xi32>
    %squeeze3A_1072 = vector.extract %slice3A_1071[0] : i32 from vector<1xi32>
    %add3A_1073 = arith.addi %add3A_1070, %squeeze3A_1072 : i32
    %slice3A_1074 = vector.extract_strided_slice %add3A_880 {offsets = [14], sizes = [1], strides = [1]} : vector<16xi32> to vector<1xi32>
    %squeeze3A_1075 = vector.extract %slice3A_1074[0] : i32 from vector<1xi32>
    %add3A_1076 = arith.addi %add3A_1073, %squeeze3A_1075 : i32
    %slice3A_1077 = vector.extract_strided_slice %add3A_880 {offsets = [15], sizes = [1], strides = [1]} : vector<16xi32> to vector<1xi32>
    %squeeze3A_1078 = vector.extract %slice3A_1077[0] : i32 from vector<1xi32>
    %add3A_1079 = arith.addi %add3A_1076, %squeeze3A_1078 : i32
    %slice3A_1080 = vector.extract_strided_slice %add3A_885 {offsets = [0], sizes = [1], strides = [1]} : vector<16xi32> to vector<1xi32>
    %squeeze3A_1081 = vector.extract %slice3A_1080[0] : i32 from vector<1xi32>
    %slice3A_1082 = vector.extract_strided_slice %add3A_885 {offsets = [1], sizes = [1], strides = [1]} : vector<16xi32> to vector<1xi32>
    %squeeze3A_1083 = vector.extract %slice3A_1082[0] : i32 from vector<1xi32>
    %add3A_1084 = arith.addi %squeeze3A_1081, %squeeze3A_1083 : i32
    %slice3A_1085 = vector.extract_strided_slice %add3A_885 {offsets = [2], sizes = [1], strides = [1]} : vector<16xi32> to vector<1xi32>
    %squeeze3A_1086 = vector.extract %slice3A_1085[0] : i32 from vector<1xi32>
    %add3A_1087 = arith.addi %add3A_1084, %squeeze3A_1086 : i32
    %slice3A_1088 = vector.extract_strided_slice %add3A_885 {offsets = [3], sizes = [1], strides = [1]} : vector<16xi32> to vector<1xi32>
    %squeeze3A_1089 = vector.extract %slice3A_1088[0] : i32 from vector<1xi32>
    %add3A_1090 = arith.addi %add3A_1087, %squeeze3A_1089 : i32
    %slice3A_1091 = vector.extract_strided_slice %add3A_885 {offsets = [4], sizes = [1], strides = [1]} : vector<16xi32> to vector<1xi32>
    %squeeze3A_1092 = vector.extract %slice3A_1091[0] : i32 from vector<1xi32>
    %add3A_1093 = arith.addi %add3A_1090, %squeeze3A_1092 : i32
    %slice3A_1094 = vector.extract_strided_slice %add3A_885 {offsets = [5], sizes = [1], strides = [1]} : vector<16xi32> to vector<1xi32>
    %squeeze3A_1095 = vector.extract %slice3A_1094[0] : i32 from vector<1xi32>
    %add3A_1096 = arith.addi %add3A_1093, %squeeze3A_1095 : i32
    %slice3A_1097 = vector.extract_strided_slice %add3A_885 {offsets = [6], sizes = [1], strides = [1]} : vector<16xi32> to vector<1xi32>
    %squeeze3A_1098 = vector.extract %slice3A_1097[0] : i32 from vector<1xi32>
    %add3A_1099 = arith.addi %add3A_1096, %squeeze3A_1098 : i32
    %slice3A_1100 = vector.extract_strided_slice %add3A_885 {offsets = [7], sizes = [1], strides = [1]} : vector<16xi32> to vector<1xi32>
    %squeeze3A_1101 = vector.extract %slice3A_1100[0] : i32 from vector<1xi32>
    %add3A_1102 = arith.addi %add3A_1099, %squeeze3A_1101 : i32
    %slice3A_1103 = vector.extract_strided_slice %add3A_885 {offsets = [8], sizes = [1], strides = [1]} : vector<16xi32> to vector<1xi32>
    %squeeze3A_1104 = vector.extract %slice3A_1103[0] : i32 from vector<1xi32>
    %add3A_1105 = arith.addi %add3A_1102, %squeeze3A_1104 : i32
    %slice3A_1106 = vector.extract_strided_slice %add3A_885 {offsets = [9], sizes = [1], strides = [1]} : vector<16xi32> to vector<1xi32>
    %squeeze3A_1107 = vector.extract %slice3A_1106[0] : i32 from vector<1xi32>
    %add3A_1108 = arith.addi %add3A_1105, %squeeze3A_1107 : i32
    %slice3A_1109 = vector.extract_strided_slice %add3A_885 {offsets = [10], sizes = [1], strides = [1]} : vector<16xi32> to vector<1xi32>
    %squeeze3A_1110 = vector.extract %slice3A_1109[0] : i32 from vector<1xi32>
    %add3A_1111 = arith.addi %add3A_1108, %squeeze3A_1110 : i32
    %slice3A_1112 = vector.extract_strided_slice %add3A_885 {offsets = [11], sizes = [1], strides = [1]} : vector<16xi32> to vector<1xi32>
    %squeeze3A_1113 = vector.extract %slice3A_1112[0] : i32 from vector<1xi32>
    %add3A_1114 = arith.addi %add3A_1111, %squeeze3A_1113 : i32
    %slice3A_1115 = vector.extract_strided_slice %add3A_885 {offsets = [12], sizes = [1], strides = [1]} : vector<16xi32> to vector<1xi32>
    %squeeze3A_1116 = vector.extract %slice3A_1115[0] : i32 from vector<1xi32>
    %add3A_1117 = arith.addi %add3A_1114, %squeeze3A_1116 : i32
    %slice3A_1118 = vector.extract_strided_slice %add3A_885 {offsets = [13], sizes = [1], strides = [1]} : vector<16xi32> to vector<1xi32>
    %squeeze3A_1119 = vector.extract %slice3A_1118[0] : i32 from vector<1xi32>
    %add3A_1120 = arith.addi %add3A_1117, %squeeze3A_1119 : i32
    %slice3A_1121 = vector.extract_strided_slice %add3A_885 {offsets = [14], sizes = [1], strides = [1]} : vector<16xi32> to vector<1xi32>
    %squeeze3A_1122 = vector.extract %slice3A_1121[0] : i32 from vector<1xi32>
    %add3A_1123 = arith.addi %add3A_1120, %squeeze3A_1122 : i32
    %slice3A_1124 = vector.extract_strided_slice %add3A_885 {offsets = [15], sizes = [1], strides = [1]} : vector<16xi32> to vector<1xi32>
    %squeeze3A_1125 = vector.extract %slice3A_1124[0] : i32 from vector<1xi32>
    %add3A_1126 = arith.addi %add3A_1123, %squeeze3A_1125 : i32
    %slice3A_1127 = vector.extract_strided_slice %add3A_890 {offsets = [0], sizes = [1], strides = [1]} : vector<16xi32> to vector<1xi32>
    %squeeze3A_1128 = vector.extract %slice3A_1127[0] : i32 from vector<1xi32>
    %slice3A_1129 = vector.extract_strided_slice %add3A_890 {offsets = [1], sizes = [1], strides = [1]} : vector<16xi32> to vector<1xi32>
    %squeeze3A_1130 = vector.extract %slice3A_1129[0] : i32 from vector<1xi32>
    %add3A_1131 = arith.addi %squeeze3A_1128, %squeeze3A_1130 : i32
    %slice3A_1132 = vector.extract_strided_slice %add3A_890 {offsets = [2], sizes = [1], strides = [1]} : vector<16xi32> to vector<1xi32>
    %squeeze3A_1133 = vector.extract %slice3A_1132[0] : i32 from vector<1xi32>
    %add3A_1134 = arith.addi %add3A_1131, %squeeze3A_1133 : i32
    %slice3A_1135 = vector.extract_strided_slice %add3A_890 {offsets = [3], sizes = [1], strides = [1]} : vector<16xi32> to vector<1xi32>
    %squeeze3A_1136 = vector.extract %slice3A_1135[0] : i32 from vector<1xi32>
    %add3A_1137 = arith.addi %add3A_1134, %squeeze3A_1136 : i32
    %slice3A_1138 = vector.extract_strided_slice %add3A_890 {offsets = [4], sizes = [1], strides = [1]} : vector<16xi32> to vector<1xi32>
    %squeeze3A_1139 = vector.extract %slice3A_1138[0] : i32 from vector<1xi32>
    %add3A_1140 = arith.addi %add3A_1137, %squeeze3A_1139 : i32
    %slice3A_1141 = vector.extract_strided_slice %add3A_890 {offsets = [5], sizes = [1], strides = [1]} : vector<16xi32> to vector<1xi32>
    %squeeze3A_1142 = vector.extract %slice3A_1141[0] : i32 from vector<1xi32>
    %add3A_1143 = arith.addi %add3A_1140, %squeeze3A_1142 : i32
    %slice3A_1144 = vector.extract_strided_slice %add3A_890 {offsets = [6], sizes = [1], strides = [1]} : vector<16xi32> to vector<1xi32>
    %squeeze3A_1145 = vector.extract %slice3A_1144[0] : i32 from vector<1xi32>
    %add3A_1146 = arith.addi %add3A_1143, %squeeze3A_1145 : i32
    %slice3A_1147 = vector.extract_strided_slice %add3A_890 {offsets = [7], sizes = [1], strides = [1]} : vector<16xi32> to vector<1xi32>
    %squeeze3A_1148 = vector.extract %slice3A_1147[0] : i32 from vector<1xi32>
    %add3A_1149 = arith.addi %add3A_1146, %squeeze3A_1148 : i32
    %slice3A_1150 = vector.extract_strided_slice %add3A_890 {offsets = [8], sizes = [1], strides = [1]} : vector<16xi32> to vector<1xi32>
    %squeeze3A_1151 = vector.extract %slice3A_1150[0] : i32 from vector<1xi32>
    %add3A_1152 = arith.addi %add3A_1149, %squeeze3A_1151 : i32
    %slice3A_1153 = vector.extract_strided_slice %add3A_890 {offsets = [9], sizes = [1], strides = [1]} : vector<16xi32> to vector<1xi32>
    %squeeze3A_1154 = vector.extract %slice3A_1153[0] : i32 from vector<1xi32>
    %add3A_1155 = arith.addi %add3A_1152, %squeeze3A_1154 : i32
    %slice3A_1156 = vector.extract_strided_slice %add3A_890 {offsets = [10], sizes = [1], strides = [1]} : vector<16xi32> to vector<1xi32>
    %squeeze3A_1157 = vector.extract %slice3A_1156[0] : i32 from vector<1xi32>
    %add3A_1158 = arith.addi %add3A_1155, %squeeze3A_1157 : i32
    %slice3A_1159 = vector.extract_strided_slice %add3A_890 {offsets = [11], sizes = [1], strides = [1]} : vector<16xi32> to vector<1xi32>
    %squeeze3A_1160 = vector.extract %slice3A_1159[0] : i32 from vector<1xi32>
    %add3A_1161 = arith.addi %add3A_1158, %squeeze3A_1160 : i32
    %slice3A_1162 = vector.extract_strided_slice %add3A_890 {offsets = [12], sizes = [1], strides = [1]} : vector<16xi32> to vector<1xi32>
    %squeeze3A_1163 = vector.extract %slice3A_1162[0] : i32 from vector<1xi32>
    %add3A_1164 = arith.addi %add3A_1161, %squeeze3A_1163 : i32
    %slice3A_1165 = vector.extract_strided_slice %add3A_890 {offsets = [13], sizes = [1], strides = [1]} : vector<16xi32> to vector<1xi32>
    %squeeze3A_1166 = vector.extract %slice3A_1165[0] : i32 from vector<1xi32>
    %add3A_1167 = arith.addi %add3A_1164, %squeeze3A_1166 : i32
    %slice3A_1168 = vector.extract_strided_slice %add3A_890 {offsets = [14], sizes = [1], strides = [1]} : vector<16xi32> to vector<1xi32>
    %squeeze3A_1169 = vector.extract %slice3A_1168[0] : i32 from vector<1xi32>
    %add3A_1170 = arith.addi %add3A_1167, %squeeze3A_1169 : i32
    %slice3A_1171 = vector.extract_strided_slice %add3A_890 {offsets = [15], sizes = [1], strides = [1]} : vector<16xi32> to vector<1xi32>
    %squeeze3A_1172 = vector.extract %slice3A_1171[0] : i32 from vector<1xi32>
    %add3A_1173 = arith.addi %add3A_1170, %squeeze3A_1172 : i32
    %slice3A_1174 = vector.extract_strided_slice %add3A_895 {offsets = [0], sizes = [1], strides = [1]} : vector<16xi32> to vector<1xi32>
    %squeeze3A_1175 = vector.extract %slice3A_1174[0] : i32 from vector<1xi32>
    %slice3A_1176 = vector.extract_strided_slice %add3A_895 {offsets = [1], sizes = [1], strides = [1]} : vector<16xi32> to vector<1xi32>
    %squeeze3A_1177 = vector.extract %slice3A_1176[0] : i32 from vector<1xi32>
    %add3A_1178 = arith.addi %squeeze3A_1175, %squeeze3A_1177 : i32
    %slice3A_1179 = vector.extract_strided_slice %add3A_895 {offsets = [2], sizes = [1], strides = [1]} : vector<16xi32> to vector<1xi32>
    %squeeze3A_1180 = vector.extract %slice3A_1179[0] : i32 from vector<1xi32>
    %add3A_1181 = arith.addi %add3A_1178, %squeeze3A_1180 : i32
    %slice3A_1182 = vector.extract_strided_slice %add3A_895 {offsets = [3], sizes = [1], strides = [1]} : vector<16xi32> to vector<1xi32>
    %squeeze3A_1183 = vector.extract %slice3A_1182[0] : i32 from vector<1xi32>
    %add3A_1184 = arith.addi %add3A_1181, %squeeze3A_1183 : i32
    %slice3A_1185 = vector.extract_strided_slice %add3A_895 {offsets = [4], sizes = [1], strides = [1]} : vector<16xi32> to vector<1xi32>
    %squeeze3A_1186 = vector.extract %slice3A_1185[0] : i32 from vector<1xi32>
    %add3A_1187 = arith.addi %add3A_1184, %squeeze3A_1186 : i32
    %slice3A_1188 = vector.extract_strided_slice %add3A_895 {offsets = [5], sizes = [1], strides = [1]} : vector<16xi32> to vector<1xi32>
    %squeeze3A_1189 = vector.extract %slice3A_1188[0] : i32 from vector<1xi32>
    %add3A_1190 = arith.addi %add3A_1187, %squeeze3A_1189 : i32
    %slice3A_1191 = vector.extract_strided_slice %add3A_895 {offsets = [6], sizes = [1], strides = [1]} : vector<16xi32> to vector<1xi32>
    %squeeze3A_1192 = vector.extract %slice3A_1191[0] : i32 from vector<1xi32>
    %add3A_1193 = arith.addi %add3A_1190, %squeeze3A_1192 : i32
    %slice3A_1194 = vector.extract_strided_slice %add3A_895 {offsets = [7], sizes = [1], strides = [1]} : vector<16xi32> to vector<1xi32>
    %squeeze3A_1195 = vector.extract %slice3A_1194[0] : i32 from vector<1xi32>
    %add3A_1196 = arith.addi %add3A_1193, %squeeze3A_1195 : i32
    %slice3A_1197 = vector.extract_strided_slice %add3A_895 {offsets = [8], sizes = [1], strides = [1]} : vector<16xi32> to vector<1xi32>
    %squeeze3A_1198 = vector.extract %slice3A_1197[0] : i32 from vector<1xi32>
    %add3A_1199 = arith.addi %add3A_1196, %squeeze3A_1198 : i32
    %slice3A_1200 = vector.extract_strided_slice %add3A_895 {offsets = [9], sizes = [1], strides = [1]} : vector<16xi32> to vector<1xi32>
    %squeeze3A_1201 = vector.extract %slice3A_1200[0] : i32 from vector<1xi32>
    %add3A_1202 = arith.addi %add3A_1199, %squeeze3A_1201 : i32
    %slice3A_1203 = vector.extract_strided_slice %add3A_895 {offsets = [10], sizes = [1], strides = [1]} : vector<16xi32> to vector<1xi32>
    %squeeze3A_1204 = vector.extract %slice3A_1203[0] : i32 from vector<1xi32>
    %add3A_1205 = arith.addi %add3A_1202, %squeeze3A_1204 : i32
    %slice3A_1206 = vector.extract_strided_slice %add3A_895 {offsets = [11], sizes = [1], strides = [1]} : vector<16xi32> to vector<1xi32>
    %squeeze3A_1207 = vector.extract %slice3A_1206[0] : i32 from vector<1xi32>
    %add3A_1208 = arith.addi %add3A_1205, %squeeze3A_1207 : i32
    %slice3A_1209 = vector.extract_strided_slice %add3A_895 {offsets = [12], sizes = [1], strides = [1]} : vector<16xi32> to vector<1xi32>
    %squeeze3A_1210 = vector.extract %slice3A_1209[0] : i32 from vector<1xi32>
    %add3A_1211 = arith.addi %add3A_1208, %squeeze3A_1210 : i32
    %slice3A_1212 = vector.extract_strided_slice %add3A_895 {offsets = [13], sizes = [1], strides = [1]} : vector<16xi32> to vector<1xi32>
    %squeeze3A_1213 = vector.extract %slice3A_1212[0] : i32 from vector<1xi32>
    %add3A_1214 = arith.addi %add3A_1211, %squeeze3A_1213 : i32
    %slice3A_1215 = vector.extract_strided_slice %add3A_895 {offsets = [14], sizes = [1], strides = [1]} : vector<16xi32> to vector<1xi32>
    %squeeze3A_1216 = vector.extract %slice3A_1215[0] : i32 from vector<1xi32>
    %add3A_1217 = arith.addi %add3A_1214, %squeeze3A_1216 : i32
    %slice3A_1218 = vector.extract_strided_slice %add3A_895 {offsets = [15], sizes = [1], strides = [1]} : vector<16xi32> to vector<1xi32>
    %squeeze3A_1219 = vector.extract %slice3A_1218[0] : i32 from vector<1xi32>
    %add3A_1220 = arith.addi %add3A_1217, %squeeze3A_1219 : i32
    %slice3A_1221 = vector.extract_strided_slice %add3A_900 {offsets = [0], sizes = [1], strides = [1]} : vector<16xi32> to vector<1xi32>
    %squeeze3A_1222 = vector.extract %slice3A_1221[0] : i32 from vector<1xi32>
    %slice3A_1223 = vector.extract_strided_slice %add3A_900 {offsets = [1], sizes = [1], strides = [1]} : vector<16xi32> to vector<1xi32>
    %squeeze3A_1224 = vector.extract %slice3A_1223[0] : i32 from vector<1xi32>
    %add3A_1225 = arith.addi %squeeze3A_1222, %squeeze3A_1224 : i32
    %slice3A_1226 = vector.extract_strided_slice %add3A_900 {offsets = [2], sizes = [1], strides = [1]} : vector<16xi32> to vector<1xi32>
    %squeeze3A_1227 = vector.extract %slice3A_1226[0] : i32 from vector<1xi32>
    %add3A_1228 = arith.addi %add3A_1225, %squeeze3A_1227 : i32
    %slice3A_1229 = vector.extract_strided_slice %add3A_900 {offsets = [3], sizes = [1], strides = [1]} : vector<16xi32> to vector<1xi32>
    %squeeze3A_1230 = vector.extract %slice3A_1229[0] : i32 from vector<1xi32>
    %add3A_1231 = arith.addi %add3A_1228, %squeeze3A_1230 : i32
    %slice3A_1232 = vector.extract_strided_slice %add3A_900 {offsets = [4], sizes = [1], strides = [1]} : vector<16xi32> to vector<1xi32>
    %squeeze3A_1233 = vector.extract %slice3A_1232[0] : i32 from vector<1xi32>
    %add3A_1234 = arith.addi %add3A_1231, %squeeze3A_1233 : i32
    %slice3A_1235 = vector.extract_strided_slice %add3A_900 {offsets = [5], sizes = [1], strides = [1]} : vector<16xi32> to vector<1xi32>
    %squeeze3A_1236 = vector.extract %slice3A_1235[0] : i32 from vector<1xi32>
    %add3A_1237 = arith.addi %add3A_1234, %squeeze3A_1236 : i32
    %slice3A_1238 = vector.extract_strided_slice %add3A_900 {offsets = [6], sizes = [1], strides = [1]} : vector<16xi32> to vector<1xi32>
    %squeeze3A_1239 = vector.extract %slice3A_1238[0] : i32 from vector<1xi32>
    %add3A_1240 = arith.addi %add3A_1237, %squeeze3A_1239 : i32
    %slice3A_1241 = vector.extract_strided_slice %add3A_900 {offsets = [7], sizes = [1], strides = [1]} : vector<16xi32> to vector<1xi32>
    %squeeze3A_1242 = vector.extract %slice3A_1241[0] : i32 from vector<1xi32>
    %add3A_1243 = arith.addi %add3A_1240, %squeeze3A_1242 : i32
    %slice3A_1244 = vector.extract_strided_slice %add3A_900 {offsets = [8], sizes = [1], strides = [1]} : vector<16xi32> to vector<1xi32>
    %squeeze3A_1245 = vector.extract %slice3A_1244[0] : i32 from vector<1xi32>
    %add3A_1246 = arith.addi %add3A_1243, %squeeze3A_1245 : i32
    %slice3A_1247 = vector.extract_strided_slice %add3A_900 {offsets = [9], sizes = [1], strides = [1]} : vector<16xi32> to vector<1xi32>
    %squeeze3A_1248 = vector.extract %slice3A_1247[0] : i32 from vector<1xi32>
    %add3A_1249 = arith.addi %add3A_1246, %squeeze3A_1248 : i32
    %slice3A_1250 = vector.extract_strided_slice %add3A_900 {offsets = [10], sizes = [1], strides = [1]} : vector<16xi32> to vector<1xi32>
    %squeeze3A_1251 = vector.extract %slice3A_1250[0] : i32 from vector<1xi32>
    %add3A_1252 = arith.addi %add3A_1249, %squeeze3A_1251 : i32
    %slice3A_1253 = vector.extract_strided_slice %add3A_900 {offsets = [11], sizes = [1], strides = [1]} : vector<16xi32> to vector<1xi32>
    %squeeze3A_1254 = vector.extract %slice3A_1253[0] : i32 from vector<1xi32>
    %add3A_1255 = arith.addi %add3A_1252, %squeeze3A_1254 : i32
    %slice3A_1256 = vector.extract_strided_slice %add3A_900 {offsets = [12], sizes = [1], strides = [1]} : vector<16xi32> to vector<1xi32>
    %squeeze3A_1257 = vector.extract %slice3A_1256[0] : i32 from vector<1xi32>
    %add3A_1258 = arith.addi %add3A_1255, %squeeze3A_1257 : i32
    %slice3A_1259 = vector.extract_strided_slice %add3A_900 {offsets = [13], sizes = [1], strides = [1]} : vector<16xi32> to vector<1xi32>
    %squeeze3A_1260 = vector.extract %slice3A_1259[0] : i32 from vector<1xi32>
    %add3A_1261 = arith.addi %add3A_1258, %squeeze3A_1260 : i32
    %slice3A_1262 = vector.extract_strided_slice %add3A_900 {offsets = [14], sizes = [1], strides = [1]} : vector<16xi32> to vector<1xi32>
    %squeeze3A_1263 = vector.extract %slice3A_1262[0] : i32 from vector<1xi32>
    %add3A_1264 = arith.addi %add3A_1261, %squeeze3A_1263 : i32
    %slice3A_1265 = vector.extract_strided_slice %add3A_900 {offsets = [15], sizes = [1], strides = [1]} : vector<16xi32> to vector<1xi32>
    %squeeze3A_1266 = vector.extract %slice3A_1265[0] : i32 from vector<1xi32>
    %add3A_1267 = arith.addi %add3A_1264, %squeeze3A_1266 : i32
    %slice3A_1268 = vector.extract_strided_slice %add3A_905 {offsets = [0], sizes = [1], strides = [1]} : vector<16xi32> to vector<1xi32>
    %squeeze3A_1269 = vector.extract %slice3A_1268[0] : i32 from vector<1xi32>
    %slice3A_1270 = vector.extract_strided_slice %add3A_905 {offsets = [1], sizes = [1], strides = [1]} : vector<16xi32> to vector<1xi32>
    %squeeze3A_1271 = vector.extract %slice3A_1270[0] : i32 from vector<1xi32>
    %add3A_1272 = arith.addi %squeeze3A_1269, %squeeze3A_1271 : i32
    %slice3A_1273 = vector.extract_strided_slice %add3A_905 {offsets = [2], sizes = [1], strides = [1]} : vector<16xi32> to vector<1xi32>
    %squeeze3A_1274 = vector.extract %slice3A_1273[0] : i32 from vector<1xi32>
    %add3A_1275 = arith.addi %add3A_1272, %squeeze3A_1274 : i32
    %slice3A_1276 = vector.extract_strided_slice %add3A_905 {offsets = [3], sizes = [1], strides = [1]} : vector<16xi32> to vector<1xi32>
    %squeeze3A_1277 = vector.extract %slice3A_1276[0] : i32 from vector<1xi32>
    %add3A_1278 = arith.addi %add3A_1275, %squeeze3A_1277 : i32
    %slice3A_1279 = vector.extract_strided_slice %add3A_905 {offsets = [4], sizes = [1], strides = [1]} : vector<16xi32> to vector<1xi32>
    %squeeze3A_1280 = vector.extract %slice3A_1279[0] : i32 from vector<1xi32>
    %add3A_1281 = arith.addi %add3A_1278, %squeeze3A_1280 : i32
    %slice3A_1282 = vector.extract_strided_slice %add3A_905 {offsets = [5], sizes = [1], strides = [1]} : vector<16xi32> to vector<1xi32>
    %squeeze3A_1283 = vector.extract %slice3A_1282[0] : i32 from vector<1xi32>
    %add3A_1284 = arith.addi %add3A_1281, %squeeze3A_1283 : i32
    %slice3A_1285 = vector.extract_strided_slice %add3A_905 {offsets = [6], sizes = [1], strides = [1]} : vector<16xi32> to vector<1xi32>
    %squeeze3A_1286 = vector.extract %slice3A_1285[0] : i32 from vector<1xi32>
    %add3A_1287 = arith.addi %add3A_1284, %squeeze3A_1286 : i32
    %slice3A_1288 = vector.extract_strided_slice %add3A_905 {offsets = [7], sizes = [1], strides = [1]} : vector<16xi32> to vector<1xi32>
    %squeeze3A_1289 = vector.extract %slice3A_1288[0] : i32 from vector<1xi32>
    %add3A_1290 = arith.addi %add3A_1287, %squeeze3A_1289 : i32
    %slice3A_1291 = vector.extract_strided_slice %add3A_905 {offsets = [8], sizes = [1], strides = [1]} : vector<16xi32> to vector<1xi32>
    %squeeze3A_1292 = vector.extract %slice3A_1291[0] : i32 from vector<1xi32>
    %add3A_1293 = arith.addi %add3A_1290, %squeeze3A_1292 : i32
    %slice3A_1294 = vector.extract_strided_slice %add3A_905 {offsets = [9], sizes = [1], strides = [1]} : vector<16xi32> to vector<1xi32>
    %squeeze3A_1295 = vector.extract %slice3A_1294[0] : i32 from vector<1xi32>
    %add3A_1296 = arith.addi %add3A_1293, %squeeze3A_1295 : i32
    %slice3A_1297 = vector.extract_strided_slice %add3A_905 {offsets = [10], sizes = [1], strides = [1]} : vector<16xi32> to vector<1xi32>
    %squeeze3A_1298 = vector.extract %slice3A_1297[0] : i32 from vector<1xi32>
    %add3A_1299 = arith.addi %add3A_1296, %squeeze3A_1298 : i32
    %slice3A_1300 = vector.extract_strided_slice %add3A_905 {offsets = [11], sizes = [1], strides = [1]} : vector<16xi32> to vector<1xi32>
    %squeeze3A_1301 = vector.extract %slice3A_1300[0] : i32 from vector<1xi32>
    %add3A_1302 = arith.addi %add3A_1299, %squeeze3A_1301 : i32
    %slice3A_1303 = vector.extract_strided_slice %add3A_905 {offsets = [12], sizes = [1], strides = [1]} : vector<16xi32> to vector<1xi32>
    %squeeze3A_1304 = vector.extract %slice3A_1303[0] : i32 from vector<1xi32>
    %add3A_1305 = arith.addi %add3A_1302, %squeeze3A_1304 : i32
    %slice3A_1306 = vector.extract_strided_slice %add3A_905 {offsets = [13], sizes = [1], strides = [1]} : vector<16xi32> to vector<1xi32>
    %squeeze3A_1307 = vector.extract %slice3A_1306[0] : i32 from vector<1xi32>
    %add3A_1308 = arith.addi %add3A_1305, %squeeze3A_1307 : i32
    %slice3A_1309 = vector.extract_strided_slice %add3A_905 {offsets = [14], sizes = [1], strides = [1]} : vector<16xi32> to vector<1xi32>
    %squeeze3A_1310 = vector.extract %slice3A_1309[0] : i32 from vector<1xi32>
    %add3A_1311 = arith.addi %add3A_1308, %squeeze3A_1310 : i32
    %slice3A_1312 = vector.extract_strided_slice %add3A_905 {offsets = [15], sizes = [1], strides = [1]} : vector<16xi32> to vector<1xi32>
    %squeeze3A_1313 = vector.extract %slice3A_1312[0] : i32 from vector<1xi32>
    %add3A_1314 = arith.addi %add3A_1311, %squeeze3A_1313 : i32
    %slice3A_1315 = vector.extract_strided_slice %add3A_910 {offsets = [0], sizes = [1], strides = [1]} : vector<16xi32> to vector<1xi32>
    %squeeze3A_1316 = vector.extract %slice3A_1315[0] : i32 from vector<1xi32>
    %slice3A_1317 = vector.extract_strided_slice %add3A_910 {offsets = [1], sizes = [1], strides = [1]} : vector<16xi32> to vector<1xi32>
    %squeeze3A_1318 = vector.extract %slice3A_1317[0] : i32 from vector<1xi32>
    %add3A_1319 = arith.addi %squeeze3A_1316, %squeeze3A_1318 : i32
    %slice3A_1320 = vector.extract_strided_slice %add3A_910 {offsets = [2], sizes = [1], strides = [1]} : vector<16xi32> to vector<1xi32>
    %squeeze3A_1321 = vector.extract %slice3A_1320[0] : i32 from vector<1xi32>
    %add3A_1322 = arith.addi %add3A_1319, %squeeze3A_1321 : i32
    %slice3A_1323 = vector.extract_strided_slice %add3A_910 {offsets = [3], sizes = [1], strides = [1]} : vector<16xi32> to vector<1xi32>
    %squeeze3A_1324 = vector.extract %slice3A_1323[0] : i32 from vector<1xi32>
    %add3A_1325 = arith.addi %add3A_1322, %squeeze3A_1324 : i32
    %slice3A_1326 = vector.extract_strided_slice %add3A_910 {offsets = [4], sizes = [1], strides = [1]} : vector<16xi32> to vector<1xi32>
    %squeeze3A_1327 = vector.extract %slice3A_1326[0] : i32 from vector<1xi32>
    %add3A_1328 = arith.addi %add3A_1325, %squeeze3A_1327 : i32
    %slice3A_1329 = vector.extract_strided_slice %add3A_910 {offsets = [5], sizes = [1], strides = [1]} : vector<16xi32> to vector<1xi32>
    %squeeze3A_1330 = vector.extract %slice3A_1329[0] : i32 from vector<1xi32>
    %add3A_1331 = arith.addi %add3A_1328, %squeeze3A_1330 : i32
    %slice3A_1332 = vector.extract_strided_slice %add3A_910 {offsets = [6], sizes = [1], strides = [1]} : vector<16xi32> to vector<1xi32>
    %squeeze3A_1333 = vector.extract %slice3A_1332[0] : i32 from vector<1xi32>
    %add3A_1334 = arith.addi %add3A_1331, %squeeze3A_1333 : i32
    %slice3A_1335 = vector.extract_strided_slice %add3A_910 {offsets = [7], sizes = [1], strides = [1]} : vector<16xi32> to vector<1xi32>
    %squeeze3A_1336 = vector.extract %slice3A_1335[0] : i32 from vector<1xi32>
    %add3A_1337 = arith.addi %add3A_1334, %squeeze3A_1336 : i32
    %slice3A_1338 = vector.extract_strided_slice %add3A_910 {offsets = [8], sizes = [1], strides = [1]} : vector<16xi32> to vector<1xi32>
    %squeeze3A_1339 = vector.extract %slice3A_1338[0] : i32 from vector<1xi32>
    %add3A_1340 = arith.addi %add3A_1337, %squeeze3A_1339 : i32
    %slice3A_1341 = vector.extract_strided_slice %add3A_910 {offsets = [9], sizes = [1], strides = [1]} : vector<16xi32> to vector<1xi32>
    %squeeze3A_1342 = vector.extract %slice3A_1341[0] : i32 from vector<1xi32>
    %add3A_1343 = arith.addi %add3A_1340, %squeeze3A_1342 : i32
    %slice3A_1344 = vector.extract_strided_slice %add3A_910 {offsets = [10], sizes = [1], strides = [1]} : vector<16xi32> to vector<1xi32>
    %squeeze3A_1345 = vector.extract %slice3A_1344[0] : i32 from vector<1xi32>
    %add3A_1346 = arith.addi %add3A_1343, %squeeze3A_1345 : i32
    %slice3A_1347 = vector.extract_strided_slice %add3A_910 {offsets = [11], sizes = [1], strides = [1]} : vector<16xi32> to vector<1xi32>
    %squeeze3A_1348 = vector.extract %slice3A_1347[0] : i32 from vector<1xi32>
    %add3A_1349 = arith.addi %add3A_1346, %squeeze3A_1348 : i32
    %slice3A_1350 = vector.extract_strided_slice %add3A_910 {offsets = [12], sizes = [1], strides = [1]} : vector<16xi32> to vector<1xi32>
    %squeeze3A_1351 = vector.extract %slice3A_1350[0] : i32 from vector<1xi32>
    %add3A_1352 = arith.addi %add3A_1349, %squeeze3A_1351 : i32
    %slice3A_1353 = vector.extract_strided_slice %add3A_910 {offsets = [13], sizes = [1], strides = [1]} : vector<16xi32> to vector<1xi32>
    %squeeze3A_1354 = vector.extract %slice3A_1353[0] : i32 from vector<1xi32>
    %add3A_1355 = arith.addi %add3A_1352, %squeeze3A_1354 : i32
    %slice3A_1356 = vector.extract_strided_slice %add3A_910 {offsets = [14], sizes = [1], strides = [1]} : vector<16xi32> to vector<1xi32>
    %squeeze3A_1357 = vector.extract %slice3A_1356[0] : i32 from vector<1xi32>
    %add3A_1358 = arith.addi %add3A_1355, %squeeze3A_1357 : i32
    %slice3A_1359 = vector.extract_strided_slice %add3A_910 {offsets = [15], sizes = [1], strides = [1]} : vector<16xi32> to vector<1xi32>
    %squeeze3A_1360 = vector.extract %slice3A_1359[0] : i32 from vector<1xi32>
    %add3A_1361 = arith.addi %add3A_1358, %squeeze3A_1360 : i32
    %slice3A_1362 = vector.extract_strided_slice %add3A_915 {offsets = [0], sizes = [1], strides = [1]} : vector<16xi32> to vector<1xi32>
    %squeeze3A_1363 = vector.extract %slice3A_1362[0] : i32 from vector<1xi32>
    %slice3A_1364 = vector.extract_strided_slice %add3A_915 {offsets = [1], sizes = [1], strides = [1]} : vector<16xi32> to vector<1xi32>
    %squeeze3A_1365 = vector.extract %slice3A_1364[0] : i32 from vector<1xi32>
    %add3A_1366 = arith.addi %squeeze3A_1363, %squeeze3A_1365 : i32
    %slice3A_1367 = vector.extract_strided_slice %add3A_915 {offsets = [2], sizes = [1], strides = [1]} : vector<16xi32> to vector<1xi32>
    %squeeze3A_1368 = vector.extract %slice3A_1367[0] : i32 from vector<1xi32>
    %add3A_1369 = arith.addi %add3A_1366, %squeeze3A_1368 : i32
    %slice3A_1370 = vector.extract_strided_slice %add3A_915 {offsets = [3], sizes = [1], strides = [1]} : vector<16xi32> to vector<1xi32>
    %squeeze3A_1371 = vector.extract %slice3A_1370[0] : i32 from vector<1xi32>
    %add3A_1372 = arith.addi %add3A_1369, %squeeze3A_1371 : i32
    %slice3A_1373 = vector.extract_strided_slice %add3A_915 {offsets = [4], sizes = [1], strides = [1]} : vector<16xi32> to vector<1xi32>
    %squeeze3A_1374 = vector.extract %slice3A_1373[0] : i32 from vector<1xi32>
    %add3A_1375 = arith.addi %add3A_1372, %squeeze3A_1374 : i32
    %slice3A_1376 = vector.extract_strided_slice %add3A_915 {offsets = [5], sizes = [1], strides = [1]} : vector<16xi32> to vector<1xi32>
    %squeeze3A_1377 = vector.extract %slice3A_1376[0] : i32 from vector<1xi32>
    %add3A_1378 = arith.addi %add3A_1375, %squeeze3A_1377 : i32
    %slice3A_1379 = vector.extract_strided_slice %add3A_915 {offsets = [6], sizes = [1], strides = [1]} : vector<16xi32> to vector<1xi32>
    %squeeze3A_1380 = vector.extract %slice3A_1379[0] : i32 from vector<1xi32>
    %add3A_1381 = arith.addi %add3A_1378, %squeeze3A_1380 : i32
    %slice3A_1382 = vector.extract_strided_slice %add3A_915 {offsets = [7], sizes = [1], strides = [1]} : vector<16xi32> to vector<1xi32>
    %squeeze3A_1383 = vector.extract %slice3A_1382[0] : i32 from vector<1xi32>
    %add3A_1384 = arith.addi %add3A_1381, %squeeze3A_1383 : i32
    %slice3A_1385 = vector.extract_strided_slice %add3A_915 {offsets = [8], sizes = [1], strides = [1]} : vector<16xi32> to vector<1xi32>
    %squeeze3A_1386 = vector.extract %slice3A_1385[0] : i32 from vector<1xi32>
    %add3A_1387 = arith.addi %add3A_1384, %squeeze3A_1386 : i32
    %slice3A_1388 = vector.extract_strided_slice %add3A_915 {offsets = [9], sizes = [1], strides = [1]} : vector<16xi32> to vector<1xi32>
    %squeeze3A_1389 = vector.extract %slice3A_1388[0] : i32 from vector<1xi32>
    %add3A_1390 = arith.addi %add3A_1387, %squeeze3A_1389 : i32
    %slice3A_1391 = vector.extract_strided_slice %add3A_915 {offsets = [10], sizes = [1], strides = [1]} : vector<16xi32> to vector<1xi32>
    %squeeze3A_1392 = vector.extract %slice3A_1391[0] : i32 from vector<1xi32>
    %add3A_1393 = arith.addi %add3A_1390, %squeeze3A_1392 : i32
    %slice3A_1394 = vector.extract_strided_slice %add3A_915 {offsets = [11], sizes = [1], strides = [1]} : vector<16xi32> to vector<1xi32>
    %squeeze3A_1395 = vector.extract %slice3A_1394[0] : i32 from vector<1xi32>
    %add3A_1396 = arith.addi %add3A_1393, %squeeze3A_1395 : i32
    %slice3A_1397 = vector.extract_strided_slice %add3A_915 {offsets = [12], sizes = [1], strides = [1]} : vector<16xi32> to vector<1xi32>
    %squeeze3A_1398 = vector.extract %slice3A_1397[0] : i32 from vector<1xi32>
    %add3A_1399 = arith.addi %add3A_1396, %squeeze3A_1398 : i32
    %slice3A_1400 = vector.extract_strided_slice %add3A_915 {offsets = [13], sizes = [1], strides = [1]} : vector<16xi32> to vector<1xi32>
    %squeeze3A_1401 = vector.extract %slice3A_1400[0] : i32 from vector<1xi32>
    %add3A_1402 = arith.addi %add3A_1399, %squeeze3A_1401 : i32
    %slice3A_1403 = vector.extract_strided_slice %add3A_915 {offsets = [14], sizes = [1], strides = [1]} : vector<16xi32> to vector<1xi32>
    %squeeze3A_1404 = vector.extract %slice3A_1403[0] : i32 from vector<1xi32>
    %add3A_1405 = arith.addi %add3A_1402, %squeeze3A_1404 : i32
    %slice3A_1406 = vector.extract_strided_slice %add3A_915 {offsets = [15], sizes = [1], strides = [1]} : vector<16xi32> to vector<1xi32>
    %squeeze3A_1407 = vector.extract %slice3A_1406[0] : i32 from vector<1xi32>
    %add3A_1408 = arith.addi %add3A_1405, %squeeze3A_1407 : i32
    %slice3A_1409 = vector.extract_strided_slice %add3A_920 {offsets = [0], sizes = [1], strides = [1]} : vector<16xi32> to vector<1xi32>
    %squeeze3A_1410 = vector.extract %slice3A_1409[0] : i32 from vector<1xi32>
    %slice3A_1411 = vector.extract_strided_slice %add3A_920 {offsets = [1], sizes = [1], strides = [1]} : vector<16xi32> to vector<1xi32>
    %squeeze3A_1412 = vector.extract %slice3A_1411[0] : i32 from vector<1xi32>
    %add3A_1413 = arith.addi %squeeze3A_1410, %squeeze3A_1412 : i32
    %slice3A_1414 = vector.extract_strided_slice %add3A_920 {offsets = [2], sizes = [1], strides = [1]} : vector<16xi32> to vector<1xi32>
    %squeeze3A_1415 = vector.extract %slice3A_1414[0] : i32 from vector<1xi32>
    %add3A_1416 = arith.addi %add3A_1413, %squeeze3A_1415 : i32
    %slice3A_1417 = vector.extract_strided_slice %add3A_920 {offsets = [3], sizes = [1], strides = [1]} : vector<16xi32> to vector<1xi32>
    %squeeze3A_1418 = vector.extract %slice3A_1417[0] : i32 from vector<1xi32>
    %add3A_1419 = arith.addi %add3A_1416, %squeeze3A_1418 : i32
    %slice3A_1420 = vector.extract_strided_slice %add3A_920 {offsets = [4], sizes = [1], strides = [1]} : vector<16xi32> to vector<1xi32>
    %squeeze3A_1421 = vector.extract %slice3A_1420[0] : i32 from vector<1xi32>
    %add3A_1422 = arith.addi %add3A_1419, %squeeze3A_1421 : i32
    %slice3A_1423 = vector.extract_strided_slice %add3A_920 {offsets = [5], sizes = [1], strides = [1]} : vector<16xi32> to vector<1xi32>
    %squeeze3A_1424 = vector.extract %slice3A_1423[0] : i32 from vector<1xi32>
    %add3A_1425 = arith.addi %add3A_1422, %squeeze3A_1424 : i32
    %slice3A_1426 = vector.extract_strided_slice %add3A_920 {offsets = [6], sizes = [1], strides = [1]} : vector<16xi32> to vector<1xi32>
    %squeeze3A_1427 = vector.extract %slice3A_1426[0] : i32 from vector<1xi32>
    %add3A_1428 = arith.addi %add3A_1425, %squeeze3A_1427 : i32
    %slice3A_1429 = vector.extract_strided_slice %add3A_920 {offsets = [7], sizes = [1], strides = [1]} : vector<16xi32> to vector<1xi32>
    %squeeze3A_1430 = vector.extract %slice3A_1429[0] : i32 from vector<1xi32>
    %add3A_1431 = arith.addi %add3A_1428, %squeeze3A_1430 : i32
    %slice3A_1432 = vector.extract_strided_slice %add3A_920 {offsets = [8], sizes = [1], strides = [1]} : vector<16xi32> to vector<1xi32>
    %squeeze3A_1433 = vector.extract %slice3A_1432[0] : i32 from vector<1xi32>
    %add3A_1434 = arith.addi %add3A_1431, %squeeze3A_1433 : i32
    %slice3A_1435 = vector.extract_strided_slice %add3A_920 {offsets = [9], sizes = [1], strides = [1]} : vector<16xi32> to vector<1xi32>
    %squeeze3A_1436 = vector.extract %slice3A_1435[0] : i32 from vector<1xi32>
    %add3A_1437 = arith.addi %add3A_1434, %squeeze3A_1436 : i32
    %slice3A_1438 = vector.extract_strided_slice %add3A_920 {offsets = [10], sizes = [1], strides = [1]} : vector<16xi32> to vector<1xi32>
    %squeeze3A_1439 = vector.extract %slice3A_1438[0] : i32 from vector<1xi32>
    %add3A_1440 = arith.addi %add3A_1437, %squeeze3A_1439 : i32
    %slice3A_1441 = vector.extract_strided_slice %add3A_920 {offsets = [11], sizes = [1], strides = [1]} : vector<16xi32> to vector<1xi32>
    %squeeze3A_1442 = vector.extract %slice3A_1441[0] : i32 from vector<1xi32>
    %add3A_1443 = arith.addi %add3A_1440, %squeeze3A_1442 : i32
    %slice3A_1444 = vector.extract_strided_slice %add3A_920 {offsets = [12], sizes = [1], strides = [1]} : vector<16xi32> to vector<1xi32>
    %squeeze3A_1445 = vector.extract %slice3A_1444[0] : i32 from vector<1xi32>
    %add3A_1446 = arith.addi %add3A_1443, %squeeze3A_1445 : i32
    %slice3A_1447 = vector.extract_strided_slice %add3A_920 {offsets = [13], sizes = [1], strides = [1]} : vector<16xi32> to vector<1xi32>
    %squeeze3A_1448 = vector.extract %slice3A_1447[0] : i32 from vector<1xi32>
    %add3A_1449 = arith.addi %add3A_1446, %squeeze3A_1448 : i32
    %slice3A_1450 = vector.extract_strided_slice %add3A_920 {offsets = [14], sizes = [1], strides = [1]} : vector<16xi32> to vector<1xi32>
    %squeeze3A_1451 = vector.extract %slice3A_1450[0] : i32 from vector<1xi32>
    %add3A_1452 = arith.addi %add3A_1449, %squeeze3A_1451 : i32
    %slice3A_1453 = vector.extract_strided_slice %add3A_920 {offsets = [15], sizes = [1], strides = [1]} : vector<16xi32> to vector<1xi32>
    %squeeze3A_1454 = vector.extract %slice3A_1453[0] : i32 from vector<1xi32>
    %add3A_1455 = arith.addi %add3A_1452, %squeeze3A_1454 : i32
    %slice3A_1456 = vector.extract_strided_slice %add3A_925 {offsets = [0], sizes = [1], strides = [1]} : vector<16xi32> to vector<1xi32>
    %squeeze3A_1457 = vector.extract %slice3A_1456[0] : i32 from vector<1xi32>
    %slice3A_1458 = vector.extract_strided_slice %add3A_925 {offsets = [1], sizes = [1], strides = [1]} : vector<16xi32> to vector<1xi32>
    %squeeze3A_1459 = vector.extract %slice3A_1458[0] : i32 from vector<1xi32>
    %add3A_1460 = arith.addi %squeeze3A_1457, %squeeze3A_1459 : i32
    %slice3A_1461 = vector.extract_strided_slice %add3A_925 {offsets = [2], sizes = [1], strides = [1]} : vector<16xi32> to vector<1xi32>
    %squeeze3A_1462 = vector.extract %slice3A_1461[0] : i32 from vector<1xi32>
    %add3A_1463 = arith.addi %add3A_1460, %squeeze3A_1462 : i32
    %slice3A_1464 = vector.extract_strided_slice %add3A_925 {offsets = [3], sizes = [1], strides = [1]} : vector<16xi32> to vector<1xi32>
    %squeeze3A_1465 = vector.extract %slice3A_1464[0] : i32 from vector<1xi32>
    %add3A_1466 = arith.addi %add3A_1463, %squeeze3A_1465 : i32
    %slice3A_1467 = vector.extract_strided_slice %add3A_925 {offsets = [4], sizes = [1], strides = [1]} : vector<16xi32> to vector<1xi32>
    %squeeze3A_1468 = vector.extract %slice3A_1467[0] : i32 from vector<1xi32>
    %add3A_1469 = arith.addi %add3A_1466, %squeeze3A_1468 : i32
    %slice3A_1470 = vector.extract_strided_slice %add3A_925 {offsets = [5], sizes = [1], strides = [1]} : vector<16xi32> to vector<1xi32>
    %squeeze3A_1471 = vector.extract %slice3A_1470[0] : i32 from vector<1xi32>
    %add3A_1472 = arith.addi %add3A_1469, %squeeze3A_1471 : i32
    %slice3A_1473 = vector.extract_strided_slice %add3A_925 {offsets = [6], sizes = [1], strides = [1]} : vector<16xi32> to vector<1xi32>
    %squeeze3A_1474 = vector.extract %slice3A_1473[0] : i32 from vector<1xi32>
    %add3A_1475 = arith.addi %add3A_1472, %squeeze3A_1474 : i32
    %slice3A_1476 = vector.extract_strided_slice %add3A_925 {offsets = [7], sizes = [1], strides = [1]} : vector<16xi32> to vector<1xi32>
    %squeeze3A_1477 = vector.extract %slice3A_1476[0] : i32 from vector<1xi32>
    %add3A_1478 = arith.addi %add3A_1475, %squeeze3A_1477 : i32
    %slice3A_1479 = vector.extract_strided_slice %add3A_925 {offsets = [8], sizes = [1], strides = [1]} : vector<16xi32> to vector<1xi32>
    %squeeze3A_1480 = vector.extract %slice3A_1479[0] : i32 from vector<1xi32>
    %add3A_1481 = arith.addi %add3A_1478, %squeeze3A_1480 : i32
    %slice3A_1482 = vector.extract_strided_slice %add3A_925 {offsets = [9], sizes = [1], strides = [1]} : vector<16xi32> to vector<1xi32>
    %squeeze3A_1483 = vector.extract %slice3A_1482[0] : i32 from vector<1xi32>
    %add3A_1484 = arith.addi %add3A_1481, %squeeze3A_1483 : i32
    %slice3A_1485 = vector.extract_strided_slice %add3A_925 {offsets = [10], sizes = [1], strides = [1]} : vector<16xi32> to vector<1xi32>
    %squeeze3A_1486 = vector.extract %slice3A_1485[0] : i32 from vector<1xi32>
    %add3A_1487 = arith.addi %add3A_1484, %squeeze3A_1486 : i32
    %slice3A_1488 = vector.extract_strided_slice %add3A_925 {offsets = [11], sizes = [1], strides = [1]} : vector<16xi32> to vector<1xi32>
    %squeeze3A_1489 = vector.extract %slice3A_1488[0] : i32 from vector<1xi32>
    %add3A_1490 = arith.addi %add3A_1487, %squeeze3A_1489 : i32
    %slice3A_1491 = vector.extract_strided_slice %add3A_925 {offsets = [12], sizes = [1], strides = [1]} : vector<16xi32> to vector<1xi32>
    %squeeze3A_1492 = vector.extract %slice3A_1491[0] : i32 from vector<1xi32>
    %add3A_1493 = arith.addi %add3A_1490, %squeeze3A_1492 : i32
    %slice3A_1494 = vector.extract_strided_slice %add3A_925 {offsets = [13], sizes = [1], strides = [1]} : vector<16xi32> to vector<1xi32>
    %squeeze3A_1495 = vector.extract %slice3A_1494[0] : i32 from vector<1xi32>
    %add3A_1496 = arith.addi %add3A_1493, %squeeze3A_1495 : i32
    %slice3A_1497 = vector.extract_strided_slice %add3A_925 {offsets = [14], sizes = [1], strides = [1]} : vector<16xi32> to vector<1xi32>
    %squeeze3A_1498 = vector.extract %slice3A_1497[0] : i32 from vector<1xi32>
    %add3A_1499 = arith.addi %add3A_1496, %squeeze3A_1498 : i32
    %slice3A_1500 = vector.extract_strided_slice %add3A_925 {offsets = [15], sizes = [1], strides = [1]} : vector<16xi32> to vector<1xi32>
    %squeeze3A_1501 = vector.extract %slice3A_1500[0] : i32 from vector<1xi32>
    %add3A_1502 = arith.addi %add3A_1499, %squeeze3A_1501 : i32
    %slice3A_1503 = vector.extract_strided_slice %add3A_930 {offsets = [0], sizes = [1], strides = [1]} : vector<16xi32> to vector<1xi32>
    %squeeze3A_1504 = vector.extract %slice3A_1503[0] : i32 from vector<1xi32>
    %slice3A_1505 = vector.extract_strided_slice %add3A_930 {offsets = [1], sizes = [1], strides = [1]} : vector<16xi32> to vector<1xi32>
    %squeeze3A_1506 = vector.extract %slice3A_1505[0] : i32 from vector<1xi32>
    %add3A_1507 = arith.addi %squeeze3A_1504, %squeeze3A_1506 : i32
    %slice3A_1508 = vector.extract_strided_slice %add3A_930 {offsets = [2], sizes = [1], strides = [1]} : vector<16xi32> to vector<1xi32>
    %squeeze3A_1509 = vector.extract %slice3A_1508[0] : i32 from vector<1xi32>
    %add3A_1510 = arith.addi %add3A_1507, %squeeze3A_1509 : i32
    %slice3A_1511 = vector.extract_strided_slice %add3A_930 {offsets = [3], sizes = [1], strides = [1]} : vector<16xi32> to vector<1xi32>
    %squeeze3A_1512 = vector.extract %slice3A_1511[0] : i32 from vector<1xi32>
    %add3A_1513 = arith.addi %add3A_1510, %squeeze3A_1512 : i32
    %slice3A_1514 = vector.extract_strided_slice %add3A_930 {offsets = [4], sizes = [1], strides = [1]} : vector<16xi32> to vector<1xi32>
    %squeeze3A_1515 = vector.extract %slice3A_1514[0] : i32 from vector<1xi32>
    %add3A_1516 = arith.addi %add3A_1513, %squeeze3A_1515 : i32
    %slice3A_1517 = vector.extract_strided_slice %add3A_930 {offsets = [5], sizes = [1], strides = [1]} : vector<16xi32> to vector<1xi32>
    %squeeze3A_1518 = vector.extract %slice3A_1517[0] : i32 from vector<1xi32>
    %add3A_1519 = arith.addi %add3A_1516, %squeeze3A_1518 : i32
    %slice3A_1520 = vector.extract_strided_slice %add3A_930 {offsets = [6], sizes = [1], strides = [1]} : vector<16xi32> to vector<1xi32>
    %squeeze3A_1521 = vector.extract %slice3A_1520[0] : i32 from vector<1xi32>
    %add3A_1522 = arith.addi %add3A_1519, %squeeze3A_1521 : i32
    %slice3A_1523 = vector.extract_strided_slice %add3A_930 {offsets = [7], sizes = [1], strides = [1]} : vector<16xi32> to vector<1xi32>
    %squeeze3A_1524 = vector.extract %slice3A_1523[0] : i32 from vector<1xi32>
    %add3A_1525 = arith.addi %add3A_1522, %squeeze3A_1524 : i32
    %slice3A_1526 = vector.extract_strided_slice %add3A_930 {offsets = [8], sizes = [1], strides = [1]} : vector<16xi32> to vector<1xi32>
    %squeeze3A_1527 = vector.extract %slice3A_1526[0] : i32 from vector<1xi32>
    %add3A_1528 = arith.addi %add3A_1525, %squeeze3A_1527 : i32
    %slice3A_1529 = vector.extract_strided_slice %add3A_930 {offsets = [9], sizes = [1], strides = [1]} : vector<16xi32> to vector<1xi32>
    %squeeze3A_1530 = vector.extract %slice3A_1529[0] : i32 from vector<1xi32>
    %add3A_1531 = arith.addi %add3A_1528, %squeeze3A_1530 : i32
    %slice3A_1532 = vector.extract_strided_slice %add3A_930 {offsets = [10], sizes = [1], strides = [1]} : vector<16xi32> to vector<1xi32>
    %squeeze3A_1533 = vector.extract %slice3A_1532[0] : i32 from vector<1xi32>
    %add3A_1534 = arith.addi %add3A_1531, %squeeze3A_1533 : i32
    %slice3A_1535 = vector.extract_strided_slice %add3A_930 {offsets = [11], sizes = [1], strides = [1]} : vector<16xi32> to vector<1xi32>
    %squeeze3A_1536 = vector.extract %slice3A_1535[0] : i32 from vector<1xi32>
    %add3A_1537 = arith.addi %add3A_1534, %squeeze3A_1536 : i32
    %slice3A_1538 = vector.extract_strided_slice %add3A_930 {offsets = [12], sizes = [1], strides = [1]} : vector<16xi32> to vector<1xi32>
    %squeeze3A_1539 = vector.extract %slice3A_1538[0] : i32 from vector<1xi32>
    %add3A_1540 = arith.addi %add3A_1537, %squeeze3A_1539 : i32
    %slice3A_1541 = vector.extract_strided_slice %add3A_930 {offsets = [13], sizes = [1], strides = [1]} : vector<16xi32> to vector<1xi32>
    %squeeze3A_1542 = vector.extract %slice3A_1541[0] : i32 from vector<1xi32>
    %add3A_1543 = arith.addi %add3A_1540, %squeeze3A_1542 : i32
    %slice3A_1544 = vector.extract_strided_slice %add3A_930 {offsets = [14], sizes = [1], strides = [1]} : vector<16xi32> to vector<1xi32>
    %squeeze3A_1545 = vector.extract %slice3A_1544[0] : i32 from vector<1xi32>
    %add3A_1546 = arith.addi %add3A_1543, %squeeze3A_1545 : i32
    %slice3A_1547 = vector.extract_strided_slice %add3A_930 {offsets = [15], sizes = [1], strides = [1]} : vector<16xi32> to vector<1xi32>
    %squeeze3A_1548 = vector.extract %slice3A_1547[0] : i32 from vector<1xi32>
    %add3A_1549 = arith.addi %add3A_1546, %squeeze3A_1548 : i32
    %slice3A_1550 = vector.extract_strided_slice %add3A_935 {offsets = [0], sizes = [1], strides = [1]} : vector<16xi32> to vector<1xi32>
    %squeeze3A_1551 = vector.extract %slice3A_1550[0] : i32 from vector<1xi32>
    %slice3A_1552 = vector.extract_strided_slice %add3A_935 {offsets = [1], sizes = [1], strides = [1]} : vector<16xi32> to vector<1xi32>
    %squeeze3A_1553 = vector.extract %slice3A_1552[0] : i32 from vector<1xi32>
    %add3A_1554 = arith.addi %squeeze3A_1551, %squeeze3A_1553 : i32
    %slice3A_1555 = vector.extract_strided_slice %add3A_935 {offsets = [2], sizes = [1], strides = [1]} : vector<16xi32> to vector<1xi32>
    %squeeze3A_1556 = vector.extract %slice3A_1555[0] : i32 from vector<1xi32>
    %add3A_1557 = arith.addi %add3A_1554, %squeeze3A_1556 : i32
    %slice3A_1558 = vector.extract_strided_slice %add3A_935 {offsets = [3], sizes = [1], strides = [1]} : vector<16xi32> to vector<1xi32>
    %squeeze3A_1559 = vector.extract %slice3A_1558[0] : i32 from vector<1xi32>
    %add3A_1560 = arith.addi %add3A_1557, %squeeze3A_1559 : i32
    %slice3A_1561 = vector.extract_strided_slice %add3A_935 {offsets = [4], sizes = [1], strides = [1]} : vector<16xi32> to vector<1xi32>
    %squeeze3A_1562 = vector.extract %slice3A_1561[0] : i32 from vector<1xi32>
    %add3A_1563 = arith.addi %add3A_1560, %squeeze3A_1562 : i32
    %slice3A_1564 = vector.extract_strided_slice %add3A_935 {offsets = [5], sizes = [1], strides = [1]} : vector<16xi32> to vector<1xi32>
    %squeeze3A_1565 = vector.extract %slice3A_1564[0] : i32 from vector<1xi32>
    %add3A_1566 = arith.addi %add3A_1563, %squeeze3A_1565 : i32
    %slice3A_1567 = vector.extract_strided_slice %add3A_935 {offsets = [6], sizes = [1], strides = [1]} : vector<16xi32> to vector<1xi32>
    %squeeze3A_1568 = vector.extract %slice3A_1567[0] : i32 from vector<1xi32>
    %add3A_1569 = arith.addi %add3A_1566, %squeeze3A_1568 : i32
    %slice3A_1570 = vector.extract_strided_slice %add3A_935 {offsets = [7], sizes = [1], strides = [1]} : vector<16xi32> to vector<1xi32>
    %squeeze3A_1571 = vector.extract %slice3A_1570[0] : i32 from vector<1xi32>
    %add3A_1572 = arith.addi %add3A_1569, %squeeze3A_1571 : i32
    %slice3A_1573 = vector.extract_strided_slice %add3A_935 {offsets = [8], sizes = [1], strides = [1]} : vector<16xi32> to vector<1xi32>
    %squeeze3A_1574 = vector.extract %slice3A_1573[0] : i32 from vector<1xi32>
    %add3A_1575 = arith.addi %add3A_1572, %squeeze3A_1574 : i32
    %slice3A_1576 = vector.extract_strided_slice %add3A_935 {offsets = [9], sizes = [1], strides = [1]} : vector<16xi32> to vector<1xi32>
    %squeeze3A_1577 = vector.extract %slice3A_1576[0] : i32 from vector<1xi32>
    %add3A_1578 = arith.addi %add3A_1575, %squeeze3A_1577 : i32
    %slice3A_1579 = vector.extract_strided_slice %add3A_935 {offsets = [10], sizes = [1], strides = [1]} : vector<16xi32> to vector<1xi32>
    %squeeze3A_1580 = vector.extract %slice3A_1579[0] : i32 from vector<1xi32>
    %add3A_1581 = arith.addi %add3A_1578, %squeeze3A_1580 : i32
    %slice3A_1582 = vector.extract_strided_slice %add3A_935 {offsets = [11], sizes = [1], strides = [1]} : vector<16xi32> to vector<1xi32>
    %squeeze3A_1583 = vector.extract %slice3A_1582[0] : i32 from vector<1xi32>
    %add3A_1584 = arith.addi %add3A_1581, %squeeze3A_1583 : i32
    %slice3A_1585 = vector.extract_strided_slice %add3A_935 {offsets = [12], sizes = [1], strides = [1]} : vector<16xi32> to vector<1xi32>
    %squeeze3A_1586 = vector.extract %slice3A_1585[0] : i32 from vector<1xi32>
    %add3A_1587 = arith.addi %add3A_1584, %squeeze3A_1586 : i32
    %slice3A_1588 = vector.extract_strided_slice %add3A_935 {offsets = [13], sizes = [1], strides = [1]} : vector<16xi32> to vector<1xi32>
    %squeeze3A_1589 = vector.extract %slice3A_1588[0] : i32 from vector<1xi32>
    %add3A_1590 = arith.addi %add3A_1587, %squeeze3A_1589 : i32
    %slice3A_1591 = vector.extract_strided_slice %add3A_935 {offsets = [14], sizes = [1], strides = [1]} : vector<16xi32> to vector<1xi32>
    %squeeze3A_1592 = vector.extract %slice3A_1591[0] : i32 from vector<1xi32>
    %add3A_1593 = arith.addi %add3A_1590, %squeeze3A_1592 : i32
    %slice3A_1594 = vector.extract_strided_slice %add3A_935 {offsets = [15], sizes = [1], strides = [1]} : vector<16xi32> to vector<1xi32>
    %squeeze3A_1595 = vector.extract %slice3A_1594[0] : i32 from vector<1xi32>
    %add3A_1596 = arith.addi %add3A_1593, %squeeze3A_1595 : i32
    %slice3A_1597 = vector.extract_strided_slice %add3A_940 {offsets = [0], sizes = [1], strides = [1]} : vector<16xi32> to vector<1xi32>
    %squeeze3A_1598 = vector.extract %slice3A_1597[0] : i32 from vector<1xi32>
    %slice3A_1599 = vector.extract_strided_slice %add3A_940 {offsets = [1], sizes = [1], strides = [1]} : vector<16xi32> to vector<1xi32>
    %squeeze3A_1600 = vector.extract %slice3A_1599[0] : i32 from vector<1xi32>
    %add3A_1601 = arith.addi %squeeze3A_1598, %squeeze3A_1600 : i32
    %slice3A_1602 = vector.extract_strided_slice %add3A_940 {offsets = [2], sizes = [1], strides = [1]} : vector<16xi32> to vector<1xi32>
    %squeeze3A_1603 = vector.extract %slice3A_1602[0] : i32 from vector<1xi32>
    %add3A_1604 = arith.addi %add3A_1601, %squeeze3A_1603 : i32
    %slice3A_1605 = vector.extract_strided_slice %add3A_940 {offsets = [3], sizes = [1], strides = [1]} : vector<16xi32> to vector<1xi32>
    %squeeze3A_1606 = vector.extract %slice3A_1605[0] : i32 from vector<1xi32>
    %add3A_1607 = arith.addi %add3A_1604, %squeeze3A_1606 : i32
    %slice3A_1608 = vector.extract_strided_slice %add3A_940 {offsets = [4], sizes = [1], strides = [1]} : vector<16xi32> to vector<1xi32>
    %squeeze3A_1609 = vector.extract %slice3A_1608[0] : i32 from vector<1xi32>
    %add3A_1610 = arith.addi %add3A_1607, %squeeze3A_1609 : i32
    %slice3A_1611 = vector.extract_strided_slice %add3A_940 {offsets = [5], sizes = [1], strides = [1]} : vector<16xi32> to vector<1xi32>
    %squeeze3A_1612 = vector.extract %slice3A_1611[0] : i32 from vector<1xi32>
    %add3A_1613 = arith.addi %add3A_1610, %squeeze3A_1612 : i32
    %slice3A_1614 = vector.extract_strided_slice %add3A_940 {offsets = [6], sizes = [1], strides = [1]} : vector<16xi32> to vector<1xi32>
    %squeeze3A_1615 = vector.extract %slice3A_1614[0] : i32 from vector<1xi32>
    %add3A_1616 = arith.addi %add3A_1613, %squeeze3A_1615 : i32
    %slice3A_1617 = vector.extract_strided_slice %add3A_940 {offsets = [7], sizes = [1], strides = [1]} : vector<16xi32> to vector<1xi32>
    %squeeze3A_1618 = vector.extract %slice3A_1617[0] : i32 from vector<1xi32>
    %add3A_1619 = arith.addi %add3A_1616, %squeeze3A_1618 : i32
    %slice3A_1620 = vector.extract_strided_slice %add3A_940 {offsets = [8], sizes = [1], strides = [1]} : vector<16xi32> to vector<1xi32>
    %squeeze3A_1621 = vector.extract %slice3A_1620[0] : i32 from vector<1xi32>
    %add3A_1622 = arith.addi %add3A_1619, %squeeze3A_1621 : i32
    %slice3A_1623 = vector.extract_strided_slice %add3A_940 {offsets = [9], sizes = [1], strides = [1]} : vector<16xi32> to vector<1xi32>
    %squeeze3A_1624 = vector.extract %slice3A_1623[0] : i32 from vector<1xi32>
    %add3A_1625 = arith.addi %add3A_1622, %squeeze3A_1624 : i32
    %slice3A_1626 = vector.extract_strided_slice %add3A_940 {offsets = [10], sizes = [1], strides = [1]} : vector<16xi32> to vector<1xi32>
    %squeeze3A_1627 = vector.extract %slice3A_1626[0] : i32 from vector<1xi32>
    %add3A_1628 = arith.addi %add3A_1625, %squeeze3A_1627 : i32
    %slice3A_1629 = vector.extract_strided_slice %add3A_940 {offsets = [11], sizes = [1], strides = [1]} : vector<16xi32> to vector<1xi32>
    %squeeze3A_1630 = vector.extract %slice3A_1629[0] : i32 from vector<1xi32>
    %add3A_1631 = arith.addi %add3A_1628, %squeeze3A_1630 : i32
    %slice3A_1632 = vector.extract_strided_slice %add3A_940 {offsets = [12], sizes = [1], strides = [1]} : vector<16xi32> to vector<1xi32>
    %squeeze3A_1633 = vector.extract %slice3A_1632[0] : i32 from vector<1xi32>
    %add3A_1634 = arith.addi %add3A_1631, %squeeze3A_1633 : i32
    %slice3A_1635 = vector.extract_strided_slice %add3A_940 {offsets = [13], sizes = [1], strides = [1]} : vector<16xi32> to vector<1xi32>
    %squeeze3A_1636 = vector.extract %slice3A_1635[0] : i32 from vector<1xi32>
    %add3A_1637 = arith.addi %add3A_1634, %squeeze3A_1636 : i32
    %slice3A_1638 = vector.extract_strided_slice %add3A_940 {offsets = [14], sizes = [1], strides = [1]} : vector<16xi32> to vector<1xi32>
    %squeeze3A_1639 = vector.extract %slice3A_1638[0] : i32 from vector<1xi32>
    %add3A_1640 = arith.addi %add3A_1637, %squeeze3A_1639 : i32
    %slice3A_1641 = vector.extract_strided_slice %add3A_940 {offsets = [15], sizes = [1], strides = [1]} : vector<16xi32> to vector<1xi32>
    %squeeze3A_1642 = vector.extract %slice3A_1641[0] : i32 from vector<1xi32>
    %add3A_1643 = arith.addi %add3A_1640, %squeeze3A_1642 : i32
    %dma_wait3A = arith.constant 0 : i32
    %dma_wait3A_1644 = tpu.memref_slice %arg2[%add3A_1, %dma_wait3A] : memref<10000x128xf32, #tpu.memory_space<hbm>> -> memref<192x128xf32, #tpu.memory_space<hbm>>
    %dma_wait3A_1645 = arith.constant 0 : i32
    %dma_wait3A_1646 = tpu.memref_slice %arg2[%add3A_1, %dma_wait3A_1645] : memref<10000x128xf32, #tpu.memory_space<hbm>> -> memref<192x128xf32, #tpu.memory_space<hbm>>
    tpu.wait_dma2 semaphore(%arg8 : memref<!tpu.dma_semaphore, #tpu.memory_space<semaphore_mem>>) src(%dma_wait3A_1646 : memref<192x128xf32, #tpu.memory_space<hbm>>) dst(%arg5 : memref<192x128xf32, #tpu.memory_space<vmem>>)
    %broadcast_in_dim3A_1647 = arith.constant 0.000000e+00 : f32
    %broadcast_in_dim3A_1648 = vector.broadcast %broadcast_in_dim3A_1647 : f32 to vector<16xf32>
    %while3A = arith.constant 0 : i32
    %while3A_1649 = arith.subi %add3A_985, %while3A : i32
    %while3A_1650 = arith.addi %while3A, %while3A_1649 : i32
    %while3A_1651 = arith.constant 1 : i32
    %while3A_1652 = arith.divsi %while3A_1649, %while3A_1651 : i32
    %while3A_1653 = arith.muli %while3A_1652, %while3A_1651 : i32
    %while3A_1654 = arith.addi %while3A, %while3A_1653 : i32
    %while3A_1655 = arith.constant 1 : i32
    %while3A_1656:8 = scf.for %while3A_2577 = %while3A to %while3A_1654 step %while3A_1655 iter_args(%while3A_2578 = %broadcast_in_dim3A_1648, %while3A_2579 = %broadcast_in_dim3A_1648, %while3A_2580 = %broadcast_in_dim3A_1648, %while3A_2581 = %broadcast_in_dim3A_1648, %while3A_2582 = %broadcast_in_dim3A_1648, %while3A_2583 = %broadcast_in_dim3A_1648, %while3A_2584 = %broadcast_in_dim3A_1648, %while3A_2585 = %broadcast_in_dim3A_1648) -> (vector<16xf32>, vector<16xf32>, vector<16xf32>, vector<16xf32>, vector<16xf32>, vector<16xf32>, vector<16xf32>, vector<16xf32>)  : i32 {
      %get3A_2586 = arith.index_cast %while3A_2577 : i32 to index
      %get3A_2587 = arith.constant 0 : index
      %get3A_2588 = tpu.vector_load %arg5[%get3A_2586, %get3A_2587] {strides = array<i32>} : memref<192x128xf32, #tpu.memory_space<vmem>>, vector<1x16xf32>,
      %get3A_2589 = vector.shape_cast %get3A_2588 : vector<1x16xf32> to vector<16xf32>
      %add3A_2590 = arith.addf %while3A_2578, %get3A_2589 : vector<16xf32>
      %get3A_2591 = arith.index_cast %while3A_2577 : i32 to index
      %get3A_2592 = arith.constant 16 : index
      %get3A_2593 = tpu.vector_load %arg5[%get3A_2591, %get3A_2592] {strides = array<i32>} : memref<192x128xf32, #tpu.memory_space<vmem>>, vector<1x16xf32>,
      %get3A_2594 = vector.shape_cast %get3A_2593 : vector<1x16xf32> to vector<16xf32>
      %add3A_2595 = arith.addf %while3A_2579, %get3A_2594 : vector<16xf32>
      %get3A_2596 = arith.index_cast %while3A_2577 : i32 to index
      %get3A_2597 = arith.constant 32 : index
      %get3A_2598 = tpu.vector_load %arg5[%get3A_2596, %get3A_2597] {strides = array<i32>} : memref<192x128xf32, #tpu.memory_space<vmem>>, vector<1x16xf32>,
      %get3A_2599 = vector.shape_cast %get3A_2598 : vector<1x16xf32> to vector<16xf32>
      %add3A_2600 = arith.addf %while3A_2580, %get3A_2599 : vector<16xf32>
      %get3A_2601 = arith.index_cast %while3A_2577 : i32 to index
      %get3A_2602 = arith.constant 48 : index
      %get3A_2603 = tpu.vector_load %arg5[%get3A_2601, %get3A_2602] {strides = array<i32>} : memref<192x128xf32, #tpu.memory_space<vmem>>, vector<1x16xf32>,
      %get3A_2604 = vector.shape_cast %get3A_2603 : vector<1x16xf32> to vector<16xf32>
      %add3A_2605 = arith.addf %while3A_2581, %get3A_2604 : vector<16xf32>
      %get3A_2606 = arith.index_cast %while3A_2577 : i32 to index
      %get3A_2607 = arith.constant 64 : index
      %get3A_2608 = tpu.vector_load %arg5[%get3A_2606, %get3A_2607] {strides = array<i32>} : memref<192x128xf32, #tpu.memory_space<vmem>>, vector<1x16xf32>,
      %get3A_2609 = vector.shape_cast %get3A_2608 : vector<1x16xf32> to vector<16xf32>
      %add3A_2610 = arith.addf %while3A_2582, %get3A_2609 : vector<16xf32>
      %get3A_2611 = arith.index_cast %while3A_2577 : i32 to index
      %get3A_2612 = arith.constant 80 : index
      %get3A_2613 = tpu.vector_load %arg5[%get3A_2611, %get3A_2612] {strides = array<i32>} : memref<192x128xf32, #tpu.memory_space<vmem>>, vector<1x16xf32>,
      %get3A_2614 = vector.shape_cast %get3A_2613 : vector<1x16xf32> to vector<16xf32>
      %add3A_2615 = arith.addf %while3A_2583, %get3A_2614 : vector<16xf32>
      %get3A_2616 = arith.index_cast %while3A_2577 : i32 to index
      %get3A_2617 = arith.constant 96 : index
      %get3A_2618 = tpu.vector_load %arg5[%get3A_2616, %get3A_2617] {strides = array<i32>} : memref<192x128xf32, #tpu.memory_space<vmem>>, vector<1x16xf32>,
      %get3A_2619 = vector.shape_cast %get3A_2618 : vector<1x16xf32> to vector<16xf32>
      %add3A_2620 = arith.addf %while3A_2584, %get3A_2619 : vector<16xf32>
      %get3A_2621 = arith.index_cast %while3A_2577 : i32 to index
      %get3A_2622 = arith.constant 112 : index
      %get3A_2623 = tpu.vector_load %arg5[%get3A_2621, %get3A_2622] {strides = array<i32>} : memref<192x128xf32, #tpu.memory_space<vmem>>, vector<1x16xf32>,
      %get3A_2624 = vector.shape_cast %get3A_2623 : vector<1x16xf32> to vector<16xf32>
      %add3A_2625 = arith.addf %while3A_2585, %get3A_2624 : vector<16xf32>
      scf.yield %add3A_2590, %add3A_2595, %add3A_2600, %add3A_2605, %add3A_2610, %add3A_2615, %add3A_2620, %add3A_2625 : vector<16xf32>, vector<16xf32>, vector<16xf32>, vector<16xf32>, vector<16xf32>, vector<16xf32>, vector<16xf32>, vector<16xf32>
    }
    %while3A_1657 = arith.constant 1 : i32
    %while3A_1658:8 = scf.for %while3A_2577 = %while3A_1654 to %while3A_1650 step %while3A_1657 iter_args(%while3A_2578 = %while3A_1656#0, %while3A_2579 = %while3A_1656#1, %while3A_2580 = %while3A_1656#2, %while3A_2581 = %while3A_1656#3, %while3A_2582 = %while3A_1656#4, %while3A_2583 = %while3A_1656#5, %while3A_2584 = %while3A_1656#6, %while3A_2585 = %while3A_1656#7) -> (vector<16xf32>, vector<16xf32>, vector<16xf32>, vector<16xf32>, vector<16xf32>, vector<16xf32>, vector<16xf32>, vector<16xf32>)  : i32 {
      %get3A_2586 = arith.index_cast %while3A_2577 : i32 to index
      %get3A_2587 = arith.constant 0 : index
      %get3A_2588 = tpu.vector_load %arg5[%get3A_2586, %get3A_2587] {strides = array<i32>} : memref<192x128xf32, #tpu.memory_space<vmem>>, vector<1x16xf32>,
      %get3A_2589 = vector.shape_cast %get3A_2588 : vector<1x16xf32> to vector<16xf32>
      %add3A_2590 = arith.addf %while3A_2578, %get3A_2589 : vector<16xf32>
      %get3A_2591 = arith.index_cast %while3A_2577 : i32 to index
      %get3A_2592 = arith.constant 16 : index
      %get3A_2593 = tpu.vector_load %arg5[%get3A_2591, %get3A_2592] {strides = array<i32>} : memref<192x128xf32, #tpu.memory_space<vmem>>, vector<1x16xf32>,
      %get3A_2594 = vector.shape_cast %get3A_2593 : vector<1x16xf32> to vector<16xf32>
      %add3A_2595 = arith.addf %while3A_2579, %get3A_2594 : vector<16xf32>
      %get3A_2596 = arith.index_cast %while3A_2577 : i32 to index
      %get3A_2597 = arith.constant 32 : index
      %get3A_2598 = tpu.vector_load %arg5[%get3A_2596, %get3A_2597] {strides = array<i32>} : memref<192x128xf32, #tpu.memory_space<vmem>>, vector<1x16xf32>,
      %get3A_2599 = vector.shape_cast %get3A_2598 : vector<1x16xf32> to vector<16xf32>
      %add3A_2600 = arith.addf %while3A_2580, %get3A_2599 : vector<16xf32>
      %get3A_2601 = arith.index_cast %while3A_2577 : i32 to index
      %get3A_2602 = arith.constant 48 : index
      %get3A_2603 = tpu.vector_load %arg5[%get3A_2601, %get3A_2602] {strides = array<i32>} : memref<192x128xf32, #tpu.memory_space<vmem>>, vector<1x16xf32>,
      %get3A_2604 = vector.shape_cast %get3A_2603 : vector<1x16xf32> to vector<16xf32>
      %add3A_2605 = arith.addf %while3A_2581, %get3A_2604 : vector<16xf32>
      %get3A_2606 = arith.index_cast %while3A_2577 : i32 to index
      %get3A_2607 = arith.constant 64 : index
      %get3A_2608 = tpu.vector_load %arg5[%get3A_2606, %get3A_2607] {strides = array<i32>} : memref<192x128xf32, #tpu.memory_space<vmem>>, vector<1x16xf32>,
      %get3A_2609 = vector.shape_cast %get3A_2608 : vector<1x16xf32> to vector<16xf32>
      %add3A_2610 = arith.addf %while3A_2582, %get3A_2609 : vector<16xf32>
      %get3A_2611 = arith.index_cast %while3A_2577 : i32 to index
      %get3A_2612 = arith.constant 80 : index
      %get3A_2613 = tpu.vector_load %arg5[%get3A_2611, %get3A_2612] {strides = array<i32>} : memref<192x128xf32, #tpu.memory_space<vmem>>, vector<1x16xf32>,
      %get3A_2614 = vector.shape_cast %get3A_2613 : vector<1x16xf32> to vector<16xf32>
      %add3A_2615 = arith.addf %while3A_2583, %get3A_2614 : vector<16xf32>
      %get3A_2616 = arith.index_cast %while3A_2577 : i32 to index
      %get3A_2617 = arith.constant 96 : index
      %get3A_2618 = tpu.vector_load %arg5[%get3A_2616, %get3A_2617] {strides = array<i32>} : memref<192x128xf32, #tpu.memory_space<vmem>>, vector<1x16xf32>,
      %get3A_2619 = vector.shape_cast %get3A_2618 : vector<1x16xf32> to vector<16xf32>
      %add3A_2620 = arith.addf %while3A_2584, %get3A_2619 : vector<16xf32>
      %get3A_2621 = arith.index_cast %while3A_2577 : i32 to index
      %get3A_2622 = arith.constant 112 : index
      %get3A_2623 = tpu.vector_load %arg5[%get3A_2621, %get3A_2622] {strides = array<i32>} : memref<192x128xf32, #tpu.memory_space<vmem>>, vector<1x16xf32>,
      %get3A_2624 = vector.shape_cast %get3A_2623 : vector<1x16xf32> to vector<16xf32>
      %add3A_2625 = arith.addf %while3A_2585, %get3A_2624 : vector<16xf32>
      scf.yield %add3A_2590, %add3A_2595, %add3A_2600, %add3A_2605, %add3A_2610, %add3A_2615, %add3A_2620, %add3A_2625 : vector<16xf32>, vector<16xf32>, vector<16xf32>, vector<16xf32>, vector<16xf32>, vector<16xf32>, vector<16xf32>, vector<16xf32>
    }
    %swap3A = arith.constant 0 : i32
    %swap3A_1659 = arith.index_cast %swap3A : i32 to index
    %swap3A_1660 = arith.constant 0 : index
    %swap3A_1661 = tpu.vector_load %arg7[%swap3A_1659, %swap3A_1660] {strides = array<i32>} : memref<16x128xf32, #tpu.memory_space<vmem>>, vector<1x16xf32>,
    %swap3A_1662 = vector.shape_cast %swap3A_1661 : vector<1x16xf32> to vector<16xf32>
    %swap3A_1663 = vector.shape_cast %while3A_1658#0 : vector<16xf32> to vector<1x16xf32>
    tpu.vector_store %arg7[%swap3A_1659, %swap3A_1660], %swap3A_1663 {strides = array<i32>} : memref<16x128xf32, #tpu.memory_space<vmem>>, vector<1x16xf32>,
    %swap3A_1664 = arith.constant 0 : i32
    %swap3A_1665 = arith.index_cast %swap3A_1664 : i32 to index
    %swap3A_1666 = arith.constant 16 : index
    %swap3A_1667 = tpu.vector_load %arg7[%swap3A_1665, %swap3A_1666] {strides = array<i32>} : memref<16x128xf32, #tpu.memory_space<vmem>>, vector<1x16xf32>,
    %swap3A_1668 = vector.shape_cast %swap3A_1667 : vector<1x16xf32> to vector<16xf32>
    %swap3A_1669 = vector.shape_cast %while3A_1658#1 : vector<16xf32> to vector<1x16xf32>
    tpu.vector_store %arg7[%swap3A_1665, %swap3A_1666], %swap3A_1669 {strides = array<i32>} : memref<16x128xf32, #tpu.memory_space<vmem>>, vector<1x16xf32>,
    %swap3A_1670 = arith.constant 0 : i32
    %swap3A_1671 = arith.index_cast %swap3A_1670 : i32 to index
    %swap3A_1672 = arith.constant 32 : index
    %swap3A_1673 = tpu.vector_load %arg7[%swap3A_1671, %swap3A_1672] {strides = array<i32>} : memref<16x128xf32, #tpu.memory_space<vmem>>, vector<1x16xf32>,
    %swap3A_1674 = vector.shape_cast %swap3A_1673 : vector<1x16xf32> to vector<16xf32>
    %swap3A_1675 = vector.shape_cast %while3A_1658#2 : vector<16xf32> to vector<1x16xf32>
    tpu.vector_store %arg7[%swap3A_1671, %swap3A_1672], %swap3A_1675 {strides = array<i32>} : memref<16x128xf32, #tpu.memory_space<vmem>>, vector<1x16xf32>,
    %swap3A_1676 = arith.constant 0 : i32
    %swap3A_1677 = arith.index_cast %swap3A_1676 : i32 to index
    %swap3A_1678 = arith.constant 48 : index
    %swap3A_1679 = tpu.vector_load %arg7[%swap3A_1677, %swap3A_1678] {strides = array<i32>} : memref<16x128xf32, #tpu.memory_space<vmem>>, vector<1x16xf32>,
    %swap3A_1680 = vector.shape_cast %swap3A_1679 : vector<1x16xf32> to vector<16xf32>
    %swap3A_1681 = vector.shape_cast %while3A_1658#3 : vector<16xf32> to vector<1x16xf32>
    tpu.vector_store %arg7[%swap3A_1677, %swap3A_1678], %swap3A_1681 {strides = array<i32>} : memref<16x128xf32, #tpu.memory_space<vmem>>, vector<1x16xf32>,
    %swap3A_1682 = arith.constant 0 : i32
    %swap3A_1683 = arith.index_cast %swap3A_1682 : i32 to index
    %swap3A_1684 = arith.constant 64 : index
    %swap3A_1685 = tpu.vector_load %arg7[%swap3A_1683, %swap3A_1684] {strides = array<i32>} : memref<16x128xf32, #tpu.memory_space<vmem>>, vector<1x16xf32>,
    %swap3A_1686 = vector.shape_cast %swap3A_1685 : vector<1x16xf32> to vector<16xf32>
    %swap3A_1687 = vector.shape_cast %while3A_1658#4 : vector<16xf32> to vector<1x16xf32>
    tpu.vector_store %arg7[%swap3A_1683, %swap3A_1684], %swap3A_1687 {strides = array<i32>} : memref<16x128xf32, #tpu.memory_space<vmem>>, vector<1x16xf32>,
    %swap3A_1688 = arith.constant 0 : i32
    %swap3A_1689 = arith.index_cast %swap3A_1688 : i32 to index
    %swap3A_1690 = arith.constant 80 : index
    %swap3A_1691 = tpu.vector_load %arg7[%swap3A_1689, %swap3A_1690] {strides = array<i32>} : memref<16x128xf32, #tpu.memory_space<vmem>>, vector<1x16xf32>,
    %swap3A_1692 = vector.shape_cast %swap3A_1691 : vector<1x16xf32> to vector<16xf32>
    %swap3A_1693 = vector.shape_cast %while3A_1658#5 : vector<16xf32> to vector<1x16xf32>
    tpu.vector_store %arg7[%swap3A_1689, %swap3A_1690], %swap3A_1693 {strides = array<i32>} : memref<16x128xf32, #tpu.memory_space<vmem>>, vector<1x16xf32>,
    %swap3A_1694 = arith.constant 0 : i32
    %swap3A_1695 = arith.index_cast %swap3A_1694 : i32 to index
    %swap3A_1696 = arith.constant 96 : index
    %swap3A_1697 = tpu.vector_load %arg7[%swap3A_1695, %swap3A_1696] {strides = array<i32>} : memref<16x128xf32, #tpu.memory_space<vmem>>, vector<1x16xf32>,
    %swap3A_1698 = vector.shape_cast %swap3A_1697 : vector<1x16xf32> to vector<16xf32>
    %swap3A_1699 = vector.shape_cast %while3A_1658#6 : vector<16xf32> to vector<1x16xf32>
    tpu.vector_store %arg7[%swap3A_1695, %swap3A_1696], %swap3A_1699 {strides = array<i32>} : memref<16x128xf32, #tpu.memory_space<vmem>>, vector<1x16xf32>,
    %swap3A_1700 = arith.constant 0 : i32
    %swap3A_1701 = arith.index_cast %swap3A_1700 : i32 to index
    %swap3A_1702 = arith.constant 112 : index
    %swap3A_1703 = tpu.vector_load %arg7[%swap3A_1701, %swap3A_1702] {strides = array<i32>} : memref<16x128xf32, #tpu.memory_space<vmem>>, vector<1x16xf32>,
    %swap3A_1704 = vector.shape_cast %swap3A_1703 : vector<1x16xf32> to vector<16xf32>
    %swap3A_1705 = vector.shape_cast %while3A_1658#7 : vector<16xf32> to vector<1x16xf32>
    tpu.vector_store %arg7[%swap3A_1701, %swap3A_1702], %swap3A_1705 {strides = array<i32>} : memref<16x128xf32, #tpu.memory_space<vmem>>, vector<1x16xf32>,
    %while3A_1706 = arith.subi %add3A_1032, %add3A_985 : i32
    %while3A_1707 = arith.addi %add3A_985, %while3A_1706 : i32
    %while3A_1708 = arith.constant 1 : i32
    %while3A_1709 = arith.divsi %while3A_1706, %while3A_1708 : i32
    %while3A_1710 = arith.muli %while3A_1709, %while3A_1708 : i32
    %while3A_1711 = arith.addi %add3A_985, %while3A_1710 : i32
    %while3A_1712 = arith.constant 1 : i32
    %while3A_1713:8 = scf.for %while3A_2577 = %add3A_985 to %while3A_1711 step %while3A_1712 iter_args(%while3A_2578 = %broadcast_in_dim3A_1648, %while3A_2579 = %broadcast_in_dim3A_1648, %while3A_2580 = %broadcast_in_dim3A_1648, %while3A_2581 = %broadcast_in_dim3A_1648, %while3A_2582 = %broadcast_in_dim3A_1648, %while3A_2583 = %broadcast_in_dim3A_1648, %while3A_2584 = %broadcast_in_dim3A_1648, %while3A_2585 = %broadcast_in_dim3A_1648) -> (vector<16xf32>, vector<16xf32>, vector<16xf32>, vector<16xf32>, vector<16xf32>, vector<16xf32>, vector<16xf32>, vector<16xf32>)  : i32 {
      %get3A_2586 = arith.index_cast %while3A_2577 : i32 to index
      %get3A_2587 = arith.constant 0 : index
      %get3A_2588 = tpu.vector_load %arg5[%get3A_2586, %get3A_2587] {strides = array<i32>} : memref<192x128xf32, #tpu.memory_space<vmem>>, vector<1x16xf32>,
      %get3A_2589 = vector.shape_cast %get3A_2588 : vector<1x16xf32> to vector<16xf32>
      %add3A_2590 = arith.addf %while3A_2578, %get3A_2589 : vector<16xf32>
      %get3A_2591 = arith.index_cast %while3A_2577 : i32 to index
      %get3A_2592 = arith.constant 16 : index
      %get3A_2593 = tpu.vector_load %arg5[%get3A_2591, %get3A_2592] {strides = array<i32>} : memref<192x128xf32, #tpu.memory_space<vmem>>, vector<1x16xf32>,
      %get3A_2594 = vector.shape_cast %get3A_2593 : vector<1x16xf32> to vector<16xf32>
      %add3A_2595 = arith.addf %while3A_2579, %get3A_2594 : vector<16xf32>
      %get3A_2596 = arith.index_cast %while3A_2577 : i32 to index
      %get3A_2597 = arith.constant 32 : index
      %get3A_2598 = tpu.vector_load %arg5[%get3A_2596, %get3A_2597] {strides = array<i32>} : memref<192x128xf32, #tpu.memory_space<vmem>>, vector<1x16xf32>,
      %get3A_2599 = vector.shape_cast %get3A_2598 : vector<1x16xf32> to vector<16xf32>
      %add3A_2600 = arith.addf %while3A_2580, %get3A_2599 : vector<16xf32>
      %get3A_2601 = arith.index_cast %while3A_2577 : i32 to index
      %get3A_2602 = arith.constant 48 : index
      %get3A_2603 = tpu.vector_load %arg5[%get3A_2601, %get3A_2602] {strides = array<i32>} : memref<192x128xf32, #tpu.memory_space<vmem>>, vector<1x16xf32>,
      %get3A_2604 = vector.shape_cast %get3A_2603 : vector<1x16xf32> to vector<16xf32>
      %add3A_2605 = arith.addf %while3A_2581, %get3A_2604 : vector<16xf32>
      %get3A_2606 = arith.index_cast %while3A_2577 : i32 to index
      %get3A_2607 = arith.constant 64 : index
      %get3A_2608 = tpu.vector_load %arg5[%get3A_2606, %get3A_2607] {strides = array<i32>} : memref<192x128xf32, #tpu.memory_space<vmem>>, vector<1x16xf32>,
      %get3A_2609 = vector.shape_cast %get3A_2608 : vector<1x16xf32> to vector<16xf32>
      %add3A_2610 = arith.addf %while3A_2582, %get3A_2609 : vector<16xf32>
      %get3A_2611 = arith.index_cast %while3A_2577 : i32 to index
      %get3A_2612 = arith.constant 80 : index
      %get3A_2613 = tpu.vector_load %arg5[%get3A_2611, %get3A_2612] {strides = array<i32>} : memref<192x128xf32, #tpu.memory_space<vmem>>, vector<1x16xf32>,
      %get3A_2614 = vector.shape_cast %get3A_2613 : vector<1x16xf32> to vector<16xf32>
      %add3A_2615 = arith.addf %while3A_2583, %get3A_2614 : vector<16xf32>
      %get3A_2616 = arith.index_cast %while3A_2577 : i32 to index
      %get3A_2617 = arith.constant 96 : index
      %get3A_2618 = tpu.vector_load %arg5[%get3A_2616, %get3A_2617] {strides = array<i32>} : memref<192x128xf32, #tpu.memory_space<vmem>>, vector<1x16xf32>,
      %get3A_2619 = vector.shape_cast %get3A_2618 : vector<1x16xf32> to vector<16xf32>
      %add3A_2620 = arith.addf %while3A_2584, %get3A_2619 : vector<16xf32>
      %get3A_2621 = arith.index_cast %while3A_2577 : i32 to index
      %get3A_2622 = arith.constant 112 : index
      %get3A_2623 = tpu.vector_load %arg5[%get3A_2621, %get3A_2622] {strides = array<i32>} : memref<192x128xf32, #tpu.memory_space<vmem>>, vector<1x16xf32>,
      %get3A_2624 = vector.shape_cast %get3A_2623 : vector<1x16xf32> to vector<16xf32>
      %add3A_2625 = arith.addf %while3A_2585, %get3A_2624 : vector<16xf32>
      scf.yield %add3A_2590, %add3A_2595, %add3A_2600, %add3A_2605, %add3A_2610, %add3A_2615, %add3A_2620, %add3A_2625 : vector<16xf32>, vector<16xf32>, vector<16xf32>, vector<16xf32>, vector<16xf32>, vector<16xf32>, vector<16xf32>, vector<16xf32>
    }
    %while3A_1714 = arith.constant 1 : i32
    %while3A_1715:8 = scf.for %while3A_2577 = %while3A_1711 to %while3A_1707 step %while3A_1714 iter_args(%while3A_2578 = %while3A_1713#0, %while3A_2579 = %while3A_1713#1, %while3A_2580 = %while3A_1713#2, %while3A_2581 = %while3A_1713#3, %while3A_2582 = %while3A_1713#4, %while3A_2583 = %while3A_1713#5, %while3A_2584 = %while3A_1713#6, %while3A_2585 = %while3A_1713#7) -> (vector<16xf32>, vector<16xf32>, vector<16xf32>, vector<16xf32>, vector<16xf32>, vector<16xf32>, vector<16xf32>, vector<16xf32>)  : i32 {
      %get3A_2586 = arith.index_cast %while3A_2577 : i32 to index
      %get3A_2587 = arith.constant 0 : index
      %get3A_2588 = tpu.vector_load %arg5[%get3A_2586, %get3A_2587] {strides = array<i32>} : memref<192x128xf32, #tpu.memory_space<vmem>>, vector<1x16xf32>,
      %get3A_2589 = vector.shape_cast %get3A_2588 : vector<1x16xf32> to vector<16xf32>
      %add3A_2590 = arith.addf %while3A_2578, %get3A_2589 : vector<16xf32>
      %get3A_2591 = arith.index_cast %while3A_2577 : i32 to index
      %get3A_2592 = arith.constant 16 : index
      %get3A_2593 = tpu.vector_load %arg5[%get3A_2591, %get3A_2592] {strides = array<i32>} : memref<192x128xf32, #tpu.memory_space<vmem>>, vector<1x16xf32>,
      %get3A_2594 = vector.shape_cast %get3A_2593 : vector<1x16xf32> to vector<16xf32>
      %add3A_2595 = arith.addf %while3A_2579, %get3A_2594 : vector<16xf32>
      %get3A_2596 = arith.index_cast %while3A_2577 : i32 to index
      %get3A_2597 = arith.constant 32 : index
      %get3A_2598 = tpu.vector_load %arg5[%get3A_2596, %get3A_2597] {strides = array<i32>} : memref<192x128xf32, #tpu.memory_space<vmem>>, vector<1x16xf32>,
      %get3A_2599 = vector.shape_cast %get3A_2598 : vector<1x16xf32> to vector<16xf32>
      %add3A_2600 = arith.addf %while3A_2580, %get3A_2599 : vector<16xf32>
      %get3A_2601 = arith.index_cast %while3A_2577 : i32 to index
      %get3A_2602 = arith.constant 48 : index
      %get3A_2603 = tpu.vector_load %arg5[%get3A_2601, %get3A_2602] {strides = array<i32>} : memref<192x128xf32, #tpu.memory_space<vmem>>, vector<1x16xf32>,
      %get3A_2604 = vector.shape_cast %get3A_2603 : vector<1x16xf32> to vector<16xf32>
      %add3A_2605 = arith.addf %while3A_2581, %get3A_2604 : vector<16xf32>
      %get3A_2606 = arith.index_cast %while3A_2577 : i32 to index
      %get3A_2607 = arith.constant 64 : index
      %get3A_2608 = tpu.vector_load %arg5[%get3A_2606, %get3A_2607] {strides = array<i32>} : memref<192x128xf32, #tpu.memory_space<vmem>>, vector<1x16xf32>,
      %get3A_2609 = vector.shape_cast %get3A_2608 : vector<1x16xf32> to vector<16xf32>
      %add3A_2610 = arith.addf %while3A_2582, %get3A_2609 : vector<16xf32>
      %get3A_2611 = arith.index_cast %while3A_2577 : i32 to index
      %get3A_2612 = arith.constant 80 : index
      %get3A_2613 = tpu.vector_load %arg5[%get3A_2611, %get3A_2612] {strides = array<i32>} : memref<192x128xf32, #tpu.memory_space<vmem>>, vector<1x16xf32>,
      %get3A_2614 = vector.shape_cast %get3A_2613 : vector<1x16xf32> to vector<16xf32>
      %add3A_2615 = arith.addf %while3A_2583, %get3A_2614 : vector<16xf32>
      %get3A_2616 = arith.index_cast %while3A_2577 : i32 to index
      %get3A_2617 = arith.constant 96 : index
      %get3A_2618 = tpu.vector_load %arg5[%get3A_2616, %get3A_2617] {strides = array<i32>} : memref<192x128xf32, #tpu.memory_space<vmem>>, vector<1x16xf32>,
      %get3A_2619 = vector.shape_cast %get3A_2618 : vector<1x16xf32> to vector<16xf32>
      %add3A_2620 = arith.addf %while3A_2584, %get3A_2619 : vector<16xf32>
      %get3A_2621 = arith.index_cast %while3A_2577 : i32 to index
      %get3A_2622 = arith.constant 112 : index
      %get3A_2623 = tpu.vector_load %arg5[%get3A_2621, %get3A_2622] {strides = array<i32>} : memref<192x128xf32, #tpu.memory_space<vmem>>, vector<1x16xf32>,
      %get3A_2624 = vector.shape_cast %get3A_2623 : vector<1x16xf32> to vector<16xf32>
      %add3A_2625 = arith.addf %while3A_2585, %get3A_2624 : vector<16xf32>
      scf.yield %add3A_2590, %add3A_2595, %add3A_2600, %add3A_2605, %add3A_2610, %add3A_2615, %add3A_2620, %add3A_2625 : vector<16xf32>, vector<16xf32>, vector<16xf32>, vector<16xf32>, vector<16xf32>, vector<16xf32>, vector<16xf32>, vector<16xf32>
    }
    %swap3A_1716 = arith.constant 1 : i32
    %swap3A_1717 = arith.index_cast %swap3A_1716 : i32 to index
    %swap3A_1718 = arith.constant 0 : index
    %swap3A_1719 = tpu.vector_load %arg7[%swap3A_1717, %swap3A_1718] {strides = array<i32>} : memref<16x128xf32, #tpu.memory_space<vmem>>, vector<1x16xf32>,
    %swap3A_1720 = vector.shape_cast %swap3A_1719 : vector<1x16xf32> to vector<16xf32>
    %swap3A_1721 = vector.shape_cast %while3A_1715#0 : vector<16xf32> to vector<1x16xf32>
    tpu.vector_store %arg7[%swap3A_1717, %swap3A_1718], %swap3A_1721 {strides = array<i32>} : memref<16x128xf32, #tpu.memory_space<vmem>>, vector<1x16xf32>,
    %swap3A_1722 = arith.constant 1 : i32
    %swap3A_1723 = arith.index_cast %swap3A_1722 : i32 to index
    %swap3A_1724 = arith.constant 16 : index
    %swap3A_1725 = tpu.vector_load %arg7[%swap3A_1723, %swap3A_1724] {strides = array<i32>} : memref<16x128xf32, #tpu.memory_space<vmem>>, vector<1x16xf32>,
    %swap3A_1726 = vector.shape_cast %swap3A_1725 : vector<1x16xf32> to vector<16xf32>
    %swap3A_1727 = vector.shape_cast %while3A_1715#1 : vector<16xf32> to vector<1x16xf32>
    tpu.vector_store %arg7[%swap3A_1723, %swap3A_1724], %swap3A_1727 {strides = array<i32>} : memref<16x128xf32, #tpu.memory_space<vmem>>, vector<1x16xf32>,
    %swap3A_1728 = arith.constant 1 : i32
    %swap3A_1729 = arith.index_cast %swap3A_1728 : i32 to index
    %swap3A_1730 = arith.constant 32 : index
    %swap3A_1731 = tpu.vector_load %arg7[%swap3A_1729, %swap3A_1730] {strides = array<i32>} : memref<16x128xf32, #tpu.memory_space<vmem>>, vector<1x16xf32>,
    %swap3A_1732 = vector.shape_cast %swap3A_1731 : vector<1x16xf32> to vector<16xf32>
    %swap3A_1733 = vector.shape_cast %while3A_1715#2 : vector<16xf32> to vector<1x16xf32>
    tpu.vector_store %arg7[%swap3A_1729, %swap3A_1730], %swap3A_1733 {strides = array<i32>} : memref<16x128xf32, #tpu.memory_space<vmem>>, vector<1x16xf32>,
    %swap3A_1734 = arith.constant 1 : i32
    %swap3A_1735 = arith.index_cast %swap3A_1734 : i32 to index
    %swap3A_1736 = arith.constant 48 : index
    %swap3A_1737 = tpu.vector_load %arg7[%swap3A_1735, %swap3A_1736] {strides = array<i32>} : memref<16x128xf32, #tpu.memory_space<vmem>>, vector<1x16xf32>,
    %swap3A_1738 = vector.shape_cast %swap3A_1737 : vector<1x16xf32> to vector<16xf32>
    %swap3A_1739 = vector.shape_cast %while3A_1715#3 : vector<16xf32> to vector<1x16xf32>
    tpu.vector_store %arg7[%swap3A_1735, %swap3A_1736], %swap3A_1739 {strides = array<i32>} : memref<16x128xf32, #tpu.memory_space<vmem>>, vector<1x16xf32>,
    %swap3A_1740 = arith.constant 1 : i32
    %swap3A_1741 = arith.index_cast %swap3A_1740 : i32 to index
    %swap3A_1742 = arith.constant 64 : index
    %swap3A_1743 = tpu.vector_load %arg7[%swap3A_1741, %swap3A_1742] {strides = array<i32>} : memref<16x128xf32, #tpu.memory_space<vmem>>, vector<1x16xf32>,
    %swap3A_1744 = vector.shape_cast %swap3A_1743 : vector<1x16xf32> to vector<16xf32>
    %swap3A_1745 = vector.shape_cast %while3A_1715#4 : vector<16xf32> to vector<1x16xf32>
    tpu.vector_store %arg7[%swap3A_1741, %swap3A_1742], %swap3A_1745 {strides = array<i32>} : memref<16x128xf32, #tpu.memory_space<vmem>>, vector<1x16xf32>,
    %swap3A_1746 = arith.constant 1 : i32
    %swap3A_1747 = arith.index_cast %swap3A_1746 : i32 to index
    %swap3A_1748 = arith.constant 80 : index
    %swap3A_1749 = tpu.vector_load %arg7[%swap3A_1747, %swap3A_1748] {strides = array<i32>} : memref<16x128xf32, #tpu.memory_space<vmem>>, vector<1x16xf32>,
    %swap3A_1750 = vector.shape_cast %swap3A_1749 : vector<1x16xf32> to vector<16xf32>
    %swap3A_1751 = vector.shape_cast %while3A_1715#5 : vector<16xf32> to vector<1x16xf32>
    tpu.vector_store %arg7[%swap3A_1747, %swap3A_1748], %swap3A_1751 {strides = array<i32>} : memref<16x128xf32, #tpu.memory_space<vmem>>, vector<1x16xf32>,
    %swap3A_1752 = arith.constant 1 : i32
    %swap3A_1753 = arith.index_cast %swap3A_1752 : i32 to index
    %swap3A_1754 = arith.constant 96 : index
    %swap3A_1755 = tpu.vector_load %arg7[%swap3A_1753, %swap3A_1754] {strides = array<i32>} : memref<16x128xf32, #tpu.memory_space<vmem>>, vector<1x16xf32>,
    %swap3A_1756 = vector.shape_cast %swap3A_1755 : vector<1x16xf32> to vector<16xf32>
    %swap3A_1757 = vector.shape_cast %while3A_1715#6 : vector<16xf32> to vector<1x16xf32>
    tpu.vector_store %arg7[%swap3A_1753, %swap3A_1754], %swap3A_1757 {strides = array<i32>} : memref<16x128xf32, #tpu.memory_space<vmem>>, vector<1x16xf32>,
    %swap3A_1758 = arith.constant 1 : i32
    %swap3A_1759 = arith.index_cast %swap3A_1758 : i32 to index
    %swap3A_1760 = arith.constant 112 : index
    %swap3A_1761 = tpu.vector_load %arg7[%swap3A_1759, %swap3A_1760] {strides = array<i32>} : memref<16x128xf32, #tpu.memory_space<vmem>>, vector<1x16xf32>,
    %swap3A_1762 = vector.shape_cast %swap3A_1761 : vector<1x16xf32> to vector<16xf32>
    %swap3A_1763 = vector.shape_cast %while3A_1715#7 : vector<16xf32> to vector<1x16xf32>
    tpu.vector_store %arg7[%swap3A_1759, %swap3A_1760], %swap3A_1763 {strides = array<i32>} : memref<16x128xf32, #tpu.memory_space<vmem>>, vector<1x16xf32>,
    %while3A_1764 = arith.subi %add3A_1079, %add3A_1032 : i32
    %while3A_1765 = arith.addi %add3A_1032, %while3A_1764 : i32
    %while3A_1766 = arith.constant 1 : i32
    %while3A_1767 = arith.divsi %while3A_1764, %while3A_1766 : i32
    %while3A_1768 = arith.muli %while3A_1767, %while3A_1766 : i32
    %while3A_1769 = arith.addi %add3A_1032, %while3A_1768 : i32
    %while3A_1770 = arith.constant 1 : i32
    %while3A_1771:8 = scf.for %while3A_2577 = %add3A_1032 to %while3A_1769 step %while3A_1770 iter_args(%while3A_2578 = %broadcast_in_dim3A_1648, %while3A_2579 = %broadcast_in_dim3A_1648, %while3A_2580 = %broadcast_in_dim3A_1648, %while3A_2581 = %broadcast_in_dim3A_1648, %while3A_2582 = %broadcast_in_dim3A_1648, %while3A_2583 = %broadcast_in_dim3A_1648, %while3A_2584 = %broadcast_in_dim3A_1648, %while3A_2585 = %broadcast_in_dim3A_1648) -> (vector<16xf32>, vector<16xf32>, vector<16xf32>, vector<16xf32>, vector<16xf32>, vector<16xf32>, vector<16xf32>, vector<16xf32>)  : i32 {
      %get3A_2586 = arith.index_cast %while3A_2577 : i32 to index
      %get3A_2587 = arith.constant 0 : index
      %get3A_2588 = tpu.vector_load %arg5[%get3A_2586, %get3A_2587] {strides = array<i32>} : memref<192x128xf32, #tpu.memory_space<vmem>>, vector<1x16xf32>,
      %get3A_2589 = vector.shape_cast %get3A_2588 : vector<1x16xf32> to vector<16xf32>
      %add3A_2590 = arith.addf %while3A_2578, %get3A_2589 : vector<16xf32>
      %get3A_2591 = arith.index_cast %while3A_2577 : i32 to index
      %get3A_2592 = arith.constant 16 : index
      %get3A_2593 = tpu.vector_load %arg5[%get3A_2591, %get3A_2592] {strides = array<i32>} : memref<192x128xf32, #tpu.memory_space<vmem>>, vector<1x16xf32>,
      %get3A_2594 = vector.shape_cast %get3A_2593 : vector<1x16xf32> to vector<16xf32>
      %add3A_2595 = arith.addf %while3A_2579, %get3A_2594 : vector<16xf32>
      %get3A_2596 = arith.index_cast %while3A_2577 : i32 to index
      %get3A_2597 = arith.constant 32 : index
      %get3A_2598 = tpu.vector_load %arg5[%get3A_2596, %get3A_2597] {strides = array<i32>} : memref<192x128xf32, #tpu.memory_space<vmem>>, vector<1x16xf32>,
      %get3A_2599 = vector.shape_cast %get3A_2598 : vector<1x16xf32> to vector<16xf32>
      %add3A_2600 = arith.addf %while3A_2580, %get3A_2599 : vector<16xf32>
      %get3A_2601 = arith.index_cast %while3A_2577 : i32 to index
      %get3A_2602 = arith.constant 48 : index
      %get3A_2603 = tpu.vector_load %arg5[%get3A_2601, %get3A_2602] {strides = array<i32>} : memref<192x128xf32, #tpu.memory_space<vmem>>, vector<1x16xf32>,
      %get3A_2604 = vector.shape_cast %get3A_2603 : vector<1x16xf32> to vector<16xf32>
      %add3A_2605 = arith.addf %while3A_2581, %get3A_2604 : vector<16xf32>
      %get3A_2606 = arith.index_cast %while3A_2577 : i32 to index
      %get3A_2607 = arith.constant 64 : index
      %get3A_2608 = tpu.vector_load %arg5[%get3A_2606, %get3A_2607] {strides = array<i32>} : memref<192x128xf32, #tpu.memory_space<vmem>>, vector<1x16xf32>,
      %get3A_2609 = vector.shape_cast %get3A_2608 : vector<1x16xf32> to vector<16xf32>
      %add3A_2610 = arith.addf %while3A_2582, %get3A_2609 : vector<16xf32>
      %get3A_2611 = arith.index_cast %while3A_2577 : i32 to index
      %get3A_2612 = arith.constant 80 : index
      %get3A_2613 = tpu.vector_load %arg5[%get3A_2611, %get3A_2612] {strides = array<i32>} : memref<192x128xf32, #tpu.memory_space<vmem>>, vector<1x16xf32>,
      %get3A_2614 = vector.shape_cast %get3A_2613 : vector<1x16xf32> to vector<16xf32>
      %add3A_2615 = arith.addf %while3A_2583, %get3A_2614 : vector<16xf32>
      %get3A_2616 = arith.index_cast %while3A_2577 : i32 to index
      %get3A_2617 = arith.constant 96 : index
      %get3A_2618 = tpu.vector_load %arg5[%get3A_2616, %get3A_2617] {strides = array<i32>} : memref<192x128xf32, #tpu.memory_space<vmem>>, vector<1x16xf32>,
      %get3A_2619 = vector.shape_cast %get3A_2618 : vector<1x16xf32> to vector<16xf32>
      %add3A_2620 = arith.addf %while3A_2584, %get3A_2619 : vector<16xf32>
      %get3A_2621 = arith.index_cast %while3A_2577 : i32 to index
      %get3A_2622 = arith.constant 112 : index
      %get3A_2623 = tpu.vector_load %arg5[%get3A_2621, %get3A_2622] {strides = array<i32>} : memref<192x128xf32, #tpu.memory_space<vmem>>, vector<1x16xf32>,
      %get3A_2624 = vector.shape_cast %get3A_2623 : vector<1x16xf32> to vector<16xf32>
      %add3A_2625 = arith.addf %while3A_2585, %get3A_2624 : vector<16xf32>
      scf.yield %add3A_2590, %add3A_2595, %add3A_2600, %add3A_2605, %add3A_2610, %add3A_2615, %add3A_2620, %add3A_2625 : vector<16xf32>, vector<16xf32>, vector<16xf32>, vector<16xf32>, vector<16xf32>, vector<16xf32>, vector<16xf32>, vector<16xf32>
    }
    %while3A_1772 = arith.constant 1 : i32
    %while3A_1773:8 = scf.for %while3A_2577 = %while3A_1769 to %while3A_1765 step %while3A_1772 iter_args(%while3A_2578 = %while3A_1771#0, %while3A_2579 = %while3A_1771#1, %while3A_2580 = %while3A_1771#2, %while3A_2581 = %while3A_1771#3, %while3A_2582 = %while3A_1771#4, %while3A_2583 = %while3A_1771#5, %while3A_2584 = %while3A_1771#6, %while3A_2585 = %while3A_1771#7) -> (vector<16xf32>, vector<16xf32>, vector<16xf32>, vector<16xf32>, vector<16xf32>, vector<16xf32>, vector<16xf32>, vector<16xf32>)  : i32 {
      %get3A_2586 = arith.index_cast %while3A_2577 : i32 to index
      %get3A_2587 = arith.constant 0 : index
      %get3A_2588 = tpu.vector_load %arg5[%get3A_2586, %get3A_2587] {strides = array<i32>} : memref<192x128xf32, #tpu.memory_space<vmem>>, vector<1x16xf32>,
      %get3A_2589 = vector.shape_cast %get3A_2588 : vector<1x16xf32> to vector<16xf32>
      %add3A_2590 = arith.addf %while3A_2578, %get3A_2589 : vector<16xf32>
      %get3A_2591 = arith.index_cast %while3A_2577 : i32 to index
      %get3A_2592 = arith.constant 16 : index
      %get3A_2593 = tpu.vector_load %arg5[%get3A_2591, %get3A_2592] {strides = array<i32>} : memref<192x128xf32, #tpu.memory_space<vmem>>, vector<1x16xf32>,
      %get3A_2594 = vector.shape_cast %get3A_2593 : vector<1x16xf32> to vector<16xf32>
      %add3A_2595 = arith.addf %while3A_2579, %get3A_2594 : vector<16xf32>
      %get3A_2596 = arith.index_cast %while3A_2577 : i32 to index
      %get3A_2597 = arith.constant 32 : index
      %get3A_2598 = tpu.vector_load %arg5[%get3A_2596, %get3A_2597] {strides = array<i32>} : memref<192x128xf32, #tpu.memory_space<vmem>>, vector<1x16xf32>,
      %get3A_2599 = vector.shape_cast %get3A_2598 : vector<1x16xf32> to vector<16xf32>
      %add3A_2600 = arith.addf %while3A_2580, %get3A_2599 : vector<16xf32>
      %get3A_2601 = arith.index_cast %while3A_2577 : i32 to index
      %get3A_2602 = arith.constant 48 : index
      %get3A_2603 = tpu.vector_load %arg5[%get3A_2601, %get3A_2602] {strides = array<i32>} : memref<192x128xf32, #tpu.memory_space<vmem>>, vector<1x16xf32>,
      %get3A_2604 = vector.shape_cast %get3A_2603 : vector<1x16xf32> to vector<16xf32>
      %add3A_2605 = arith.addf %while3A_2581, %get3A_2604 : vector<16xf32>
      %get3A_2606 = arith.index_cast %while3A_2577 : i32 to index
      %get3A_2607 = arith.constant 64 : index
      %get3A_2608 = tpu.vector_load %arg5[%get3A_2606, %get3A_2607] {strides = array<i32>} : memref<192x128xf32, #tpu.memory_space<vmem>>, vector<1x16xf32>,
      %get3A_2609 = vector.shape_cast %get3A_2608 : vector<1x16xf32> to vector<16xf32>
      %add3A_2610 = arith.addf %while3A_2582, %get3A_2609 : vector<16xf32>
      %get3A_2611 = arith.index_cast %while3A_2577 : i32 to index
      %get3A_2612 = arith.constant 80 : index
      %get3A_2613 = tpu.vector_load %arg5[%get3A_2611, %get3A_2612] {strides = array<i32>} : memref<192x128xf32, #tpu.memory_space<vmem>>, vector<1x16xf32>,
      %get3A_2614 = vector.shape_cast %get3A_2613 : vector<1x16xf32> to vector<16xf32>
      %add3A_2615 = arith.addf %while3A_2583, %get3A_2614 : vector<16xf32>
      %get3A_2616 = arith.index_cast %while3A_2577 : i32 to index
      %get3A_2617 = arith.constant 96 : index
      %get3A_2618 = tpu.vector_load %arg5[%get3A_2616, %get3A_2617] {strides = array<i32>} : memref<192x128xf32, #tpu.memory_space<vmem>>, vector<1x16xf32>,
      %get3A_2619 = vector.shape_cast %get3A_2618 : vector<1x16xf32> to vector<16xf32>
      %add3A_2620 = arith.addf %while3A_2584, %get3A_2619 : vector<16xf32>
      %get3A_2621 = arith.index_cast %while3A_2577 : i32 to index
      %get3A_2622 = arith.constant 112 : index
      %get3A_2623 = tpu.vector_load %arg5[%get3A_2621, %get3A_2622] {strides = array<i32>} : memref<192x128xf32, #tpu.memory_space<vmem>>, vector<1x16xf32>,
      %get3A_2624 = vector.shape_cast %get3A_2623 : vector<1x16xf32> to vector<16xf32>
      %add3A_2625 = arith.addf %while3A_2585, %get3A_2624 : vector<16xf32>
      scf.yield %add3A_2590, %add3A_2595, %add3A_2600, %add3A_2605, %add3A_2610, %add3A_2615, %add3A_2620, %add3A_2625 : vector<16xf32>, vector<16xf32>, vector<16xf32>, vector<16xf32>, vector<16xf32>, vector<16xf32>, vector<16xf32>, vector<16xf32>
    }
    %swap3A_1774 = arith.constant 2 : i32
    %swap3A_1775 = arith.index_cast %swap3A_1774 : i32 to index
    %swap3A_1776 = arith.constant 0 : index
    %swap3A_1777 = tpu.vector_load %arg7[%swap3A_1775, %swap3A_1776] {strides = array<i32>} : memref<16x128xf32, #tpu.memory_space<vmem>>, vector<1x16xf32>,
    %swap3A_1778 = vector.shape_cast %swap3A_1777 : vector<1x16xf32> to vector<16xf32>
    %swap3A_1779 = vector.shape_cast %while3A_1773#0 : vector<16xf32> to vector<1x16xf32>
    tpu.vector_store %arg7[%swap3A_1775, %swap3A_1776], %swap3A_1779 {strides = array<i32>} : memref<16x128xf32, #tpu.memory_space<vmem>>, vector<1x16xf32>,
    %swap3A_1780 = arith.constant 2 : i32
    %swap3A_1781 = arith.index_cast %swap3A_1780 : i32 to index
    %swap3A_1782 = arith.constant 16 : index
    %swap3A_1783 = tpu.vector_load %arg7[%swap3A_1781, %swap3A_1782] {strides = array<i32>} : memref<16x128xf32, #tpu.memory_space<vmem>>, vector<1x16xf32>,
    %swap3A_1784 = vector.shape_cast %swap3A_1783 : vector<1x16xf32> to vector<16xf32>
    %swap3A_1785 = vector.shape_cast %while3A_1773#1 : vector<16xf32> to vector<1x16xf32>
    tpu.vector_store %arg7[%swap3A_1781, %swap3A_1782], %swap3A_1785 {strides = array<i32>} : memref<16x128xf32, #tpu.memory_space<vmem>>, vector<1x16xf32>,
    %swap3A_1786 = arith.constant 2 : i32
    %swap3A_1787 = arith.index_cast %swap3A_1786 : i32 to index
    %swap3A_1788 = arith.constant 32 : index
    %swap3A_1789 = tpu.vector_load %arg7[%swap3A_1787, %swap3A_1788] {strides = array<i32>} : memref<16x128xf32, #tpu.memory_space<vmem>>, vector<1x16xf32>,
    %swap3A_1790 = vector.shape_cast %swap3A_1789 : vector<1x16xf32> to vector<16xf32>
    %swap3A_1791 = vector.shape_cast %while3A_1773#2 : vector<16xf32> to vector<1x16xf32>
    tpu.vector_store %arg7[%swap3A_1787, %swap3A_1788], %swap3A_1791 {strides = array<i32>} : memref<16x128xf32, #tpu.memory_space<vmem>>, vector<1x16xf32>,
    %swap3A_1792 = arith.constant 2 : i32
    %swap3A_1793 = arith.index_cast %swap3A_1792 : i32 to index
    %swap3A_1794 = arith.constant 48 : index
    %swap3A_1795 = tpu.vector_load %arg7[%swap3A_1793, %swap3A_1794] {strides = array<i32>} : memref<16x128xf32, #tpu.memory_space<vmem>>, vector<1x16xf32>,
    %swap3A_1796 = vector.shape_cast %swap3A_1795 : vector<1x16xf32> to vector<16xf32>
    %swap3A_1797 = vector.shape_cast %while3A_1773#3 : vector<16xf32> to vector<1x16xf32>
    tpu.vector_store %arg7[%swap3A_1793, %swap3A_1794], %swap3A_1797 {strides = array<i32>} : memref<16x128xf32, #tpu.memory_space<vmem>>, vector<1x16xf32>,
    %swap3A_1798 = arith.constant 2 : i32
    %swap3A_1799 = arith.index_cast %swap3A_1798 : i32 to index
    %swap3A_1800 = arith.constant 64 : index
    %swap3A_1801 = tpu.vector_load %arg7[%swap3A_1799, %swap3A_1800] {strides = array<i32>} : memref<16x128xf32, #tpu.memory_space<vmem>>, vector<1x16xf32>,
    %swap3A_1802 = vector.shape_cast %swap3A_1801 : vector<1x16xf32> to vector<16xf32>
    %swap3A_1803 = vector.shape_cast %while3A_1773#4 : vector<16xf32> to vector<1x16xf32>
    tpu.vector_store %arg7[%swap3A_1799, %swap3A_1800], %swap3A_1803 {strides = array<i32>} : memref<16x128xf32, #tpu.memory_space<vmem>>, vector<1x16xf32>,
    %swap3A_1804 = arith.constant 2 : i32
    %swap3A_1805 = arith.index_cast %swap3A_1804 : i32 to index
    %swap3A_1806 = arith.constant 80 : index
    %swap3A_1807 = tpu.vector_load %arg7[%swap3A_1805, %swap3A_1806] {strides = array<i32>} : memref<16x128xf32, #tpu.memory_space<vmem>>, vector<1x16xf32>,
    %swap3A_1808 = vector.shape_cast %swap3A_1807 : vector<1x16xf32> to vector<16xf32>
    %swap3A_1809 = vector.shape_cast %while3A_1773#5 : vector<16xf32> to vector<1x16xf32>
    tpu.vector_store %arg7[%swap3A_1805, %swap3A_1806], %swap3A_1809 {strides = array<i32>} : memref<16x128xf32, #tpu.memory_space<vmem>>, vector<1x16xf32>,
    %swap3A_1810 = arith.constant 2 : i32
    %swap3A_1811 = arith.index_cast %swap3A_1810 : i32 to index
    %swap3A_1812 = arith.constant 96 : index
    %swap3A_1813 = tpu.vector_load %arg7[%swap3A_1811, %swap3A_1812] {strides = array<i32>} : memref<16x128xf32, #tpu.memory_space<vmem>>, vector<1x16xf32>,
    %swap3A_1814 = vector.shape_cast %swap3A_1813 : vector<1x16xf32> to vector<16xf32>
    %swap3A_1815 = vector.shape_cast %while3A_1773#6 : vector<16xf32> to vector<1x16xf32>
    tpu.vector_store %arg7[%swap3A_1811, %swap3A_1812], %swap3A_1815 {strides = array<i32>} : memref<16x128xf32, #tpu.memory_space<vmem>>, vector<1x16xf32>,
    %swap3A_1816 = arith.constant 2 : i32
    %swap3A_1817 = arith.index_cast %swap3A_1816 : i32 to index
    %swap3A_1818 = arith.constant 112 : index
    %swap3A_1819 = tpu.vector_load %arg7[%swap3A_1817, %swap3A_1818] {strides = array<i32>} : memref<16x128xf32, #tpu.memory_space<vmem>>, vector<1x16xf32>,
    %swap3A_1820 = vector.shape_cast %swap3A_1819 : vector<1x16xf32> to vector<16xf32>
    %swap3A_1821 = vector.shape_cast %while3A_1773#7 : vector<16xf32> to vector<1x16xf32>
    tpu.vector_store %arg7[%swap3A_1817, %swap3A_1818], %swap3A_1821 {strides = array<i32>} : memref<16x128xf32, #tpu.memory_space<vmem>>, vector<1x16xf32>,
    %while3A_1822 = arith.subi %add3A_1126, %add3A_1079 : i32
    %while3A_1823 = arith.addi %add3A_1079, %while3A_1822 : i32
    %while3A_1824 = arith.constant 1 : i32
    %while3A_1825 = arith.divsi %while3A_1822, %while3A_1824 : i32
    %while3A_1826 = arith.muli %while3A_1825, %while3A_1824 : i32
    %while3A_1827 = arith.addi %add3A_1079, %while3A_1826 : i32
    %while3A_1828 = arith.constant 1 : i32
    %while3A_1829:8 = scf.for %while3A_2577 = %add3A_1079 to %while3A_1827 step %while3A_1828 iter_args(%while3A_2578 = %broadcast_in_dim3A_1648, %while3A_2579 = %broadcast_in_dim3A_1648, %while3A_2580 = %broadcast_in_dim3A_1648, %while3A_2581 = %broadcast_in_dim3A_1648, %while3A_2582 = %broadcast_in_dim3A_1648, %while3A_2583 = %broadcast_in_dim3A_1648, %while3A_2584 = %broadcast_in_dim3A_1648, %while3A_2585 = %broadcast_in_dim3A_1648) -> (vector<16xf32>, vector<16xf32>, vector<16xf32>, vector<16xf32>, vector<16xf32>, vector<16xf32>, vector<16xf32>, vector<16xf32>)  : i32 {
      %get3A_2586 = arith.index_cast %while3A_2577 : i32 to index
      %get3A_2587 = arith.constant 0 : index
      %get3A_2588 = tpu.vector_load %arg5[%get3A_2586, %get3A_2587] {strides = array<i32>} : memref<192x128xf32, #tpu.memory_space<vmem>>, vector<1x16xf32>,
      %get3A_2589 = vector.shape_cast %get3A_2588 : vector<1x16xf32> to vector<16xf32>
      %add3A_2590 = arith.addf %while3A_2578, %get3A_2589 : vector<16xf32>
      %get3A_2591 = arith.index_cast %while3A_2577 : i32 to index
      %get3A_2592 = arith.constant 16 : index
      %get3A_2593 = tpu.vector_load %arg5[%get3A_2591, %get3A_2592] {strides = array<i32>} : memref<192x128xf32, #tpu.memory_space<vmem>>, vector<1x16xf32>,
      %get3A_2594 = vector.shape_cast %get3A_2593 : vector<1x16xf32> to vector<16xf32>
      %add3A_2595 = arith.addf %while3A_2579, %get3A_2594 : vector<16xf32>
      %get3A_2596 = arith.index_cast %while3A_2577 : i32 to index
      %get3A_2597 = arith.constant 32 : index
      %get3A_2598 = tpu.vector_load %arg5[%get3A_2596, %get3A_2597] {strides = array<i32>} : memref<192x128xf32, #tpu.memory_space<vmem>>, vector<1x16xf32>,
      %get3A_2599 = vector.shape_cast %get3A_2598 : vector<1x16xf32> to vector<16xf32>
      %add3A_2600 = arith.addf %while3A_2580, %get3A_2599 : vector<16xf32>
      %get3A_2601 = arith.index_cast %while3A_2577 : i32 to index
      %get3A_2602 = arith.constant 48 : index
      %get3A_2603 = tpu.vector_load %arg5[%get3A_2601, %get3A_2602] {strides = array<i32>} : memref<192x128xf32, #tpu.memory_space<vmem>>, vector<1x16xf32>,
      %get3A_2604 = vector.shape_cast %get3A_2603 : vector<1x16xf32> to vector<16xf32>
      %add3A_2605 = arith.addf %while3A_2581, %get3A_2604 : vector<16xf32>
      %get3A_2606 = arith.index_cast %while3A_2577 : i32 to index
      %get3A_2607 = arith.constant 64 : index
      %get3A_2608 = tpu.vector_load %arg5[%get3A_2606, %get3A_2607] {strides = array<i32>} : memref<192x128xf32, #tpu.memory_space<vmem>>, vector<1x16xf32>,
      %get3A_2609 = vector.shape_cast %get3A_2608 : vector<1x16xf32> to vector<16xf32>
      %add3A_2610 = arith.addf %while3A_2582, %get3A_2609 : vector<16xf32>
      %get3A_2611 = arith.index_cast %while3A_2577 : i32 to index
      %get3A_2612 = arith.constant 80 : index
      %get3A_2613 = tpu.vector_load %arg5[%get3A_2611, %get3A_2612] {strides = array<i32>} : memref<192x128xf32, #tpu.memory_space<vmem>>, vector<1x16xf32>,
      %get3A_2614 = vector.shape_cast %get3A_2613 : vector<1x16xf32> to vector<16xf32>
      %add3A_2615 = arith.addf %while3A_2583, %get3A_2614 : vector<16xf32>
      %get3A_2616 = arith.index_cast %while3A_2577 : i32 to index
      %get3A_2617 = arith.constant 96 : index
      %get3A_2618 = tpu.vector_load %arg5[%get3A_2616, %get3A_2617] {strides = array<i32>} : memref<192x128xf32, #tpu.memory_space<vmem>>, vector<1x16xf32>,
      %get3A_2619 = vector.shape_cast %get3A_2618 : vector<1x16xf32> to vector<16xf32>
      %add3A_2620 = arith.addf %while3A_2584, %get3A_2619 : vector<16xf32>
      %get3A_2621 = arith.index_cast %while3A_2577 : i32 to index
      %get3A_2622 = arith.constant 112 : index
      %get3A_2623 = tpu.vector_load %arg5[%get3A_2621, %get3A_2622] {strides = array<i32>} : memref<192x128xf32, #tpu.memory_space<vmem>>, vector<1x16xf32>,
      %get3A_2624 = vector.shape_cast %get3A_2623 : vector<1x16xf32> to vector<16xf32>
      %add3A_2625 = arith.addf %while3A_2585, %get3A_2624 : vector<16xf32>
      scf.yield %add3A_2590, %add3A_2595, %add3A_2600, %add3A_2605, %add3A_2610, %add3A_2615, %add3A_2620, %add3A_2625 : vector<16xf32>, vector<16xf32>, vector<16xf32>, vector<16xf32>, vector<16xf32>, vector<16xf32>, vector<16xf32>, vector<16xf32>
    }
    %while3A_1830 = arith.constant 1 : i32
    %while3A_1831:8 = scf.for %while3A_2577 = %while3A_1827 to %while3A_1823 step %while3A_1830 iter_args(%while3A_2578 = %while3A_1829#0, %while3A_2579 = %while3A_1829#1, %while3A_2580 = %while3A_1829#2, %while3A_2581 = %while3A_1829#3, %while3A_2582 = %while3A_1829#4, %while3A_2583 = %while3A_1829#5, %while3A_2584 = %while3A_1829#6, %while3A_2585 = %while3A_1829#7) -> (vector<16xf32>, vector<16xf32>, vector<16xf32>, vector<16xf32>, vector<16xf32>, vector<16xf32>, vector<16xf32>, vector<16xf32>)  : i32 {
      %get3A_2586 = arith.index_cast %while3A_2577 : i32 to index
      %get3A_2587 = arith.constant 0 : index
      %get3A_2588 = tpu.vector_load %arg5[%get3A_2586, %get3A_2587] {strides = array<i32>} : memref<192x128xf32, #tpu.memory_space<vmem>>, vector<1x16xf32>,
      %get3A_2589 = vector.shape_cast %get3A_2588 : vector<1x16xf32> to vector<16xf32>
      %add3A_2590 = arith.addf %while3A_2578, %get3A_2589 : vector<16xf32>
      %get3A_2591 = arith.index_cast %while3A_2577 : i32 to index
      %get3A_2592 = arith.constant 16 : index
      %get3A_2593 = tpu.vector_load %arg5[%get3A_2591, %get3A_2592] {strides = array<i32>} : memref<192x128xf32, #tpu.memory_space<vmem>>, vector<1x16xf32>,
      %get3A_2594 = vector.shape_cast %get3A_2593 : vector<1x16xf32> to vector<16xf32>
      %add3A_2595 = arith.addf %while3A_2579, %get3A_2594 : vector<16xf32>
      %get3A_2596 = arith.index_cast %while3A_2577 : i32 to index
      %get3A_2597 = arith.constant 32 : index
      %get3A_2598 = tpu.vector_load %arg5[%get3A_2596, %get3A_2597] {strides = array<i32>} : memref<192x128xf32, #tpu.memory_space<vmem>>, vector<1x16xf32>,
      %get3A_2599 = vector.shape_cast %get3A_2598 : vector<1x16xf32> to vector<16xf32>
      %add3A_2600 = arith.addf %while3A_2580, %get3A_2599 : vector<16xf32>
      %get3A_2601 = arith.index_cast %while3A_2577 : i32 to index
      %get3A_2602 = arith.constant 48 : index
      %get3A_2603 = tpu.vector_load %arg5[%get3A_2601, %get3A_2602] {strides = array<i32>} : memref<192x128xf32, #tpu.memory_space<vmem>>, vector<1x16xf32>,
      %get3A_2604 = vector.shape_cast %get3A_2603 : vector<1x16xf32> to vector<16xf32>
      %add3A_2605 = arith.addf %while3A_2581, %get3A_2604 : vector<16xf32>
      %get3A_2606 = arith.index_cast %while3A_2577 : i32 to index
      %get3A_2607 = arith.constant 64 : index
      %get3A_2608 = tpu.vector_load %arg5[%get3A_2606, %get3A_2607] {strides = array<i32>} : memref<192x128xf32, #tpu.memory_space<vmem>>, vector<1x16xf32>,
      %get3A_2609 = vector.shape_cast %get3A_2608 : vector<1x16xf32> to vector<16xf32>
      %add3A_2610 = arith.addf %while3A_2582, %get3A_2609 : vector<16xf32>
      %get3A_2611 = arith.index_cast %while3A_2577 : i32 to index
      %get3A_2612 = arith.constant 80 : index
      %get3A_2613 = tpu.vector_load %arg5[%get3A_2611, %get3A_2612] {strides = array<i32>} : memref<192x128xf32, #tpu.memory_space<vmem>>, vector<1x16xf32>,
      %get3A_2614 = vector.shape_cast %get3A_2613 : vector<1x16xf32> to vector<16xf32>
      %add3A_2615 = arith.addf %while3A_2583, %get3A_2614 : vector<16xf32>
      %get3A_2616 = arith.index_cast %while3A_2577 : i32 to index
      %get3A_2617 = arith.constant 96 : index
      %get3A_2618 = tpu.vector_load %arg5[%get3A_2616, %get3A_2617] {strides = array<i32>} : memref<192x128xf32, #tpu.memory_space<vmem>>, vector<1x16xf32>,
      %get3A_2619 = vector.shape_cast %get3A_2618 : vector<1x16xf32> to vector<16xf32>
      %add3A_2620 = arith.addf %while3A_2584, %get3A_2619 : vector<16xf32>
      %get3A_2621 = arith.index_cast %while3A_2577 : i32 to index
      %get3A_2622 = arith.constant 112 : index
      %get3A_2623 = tpu.vector_load %arg5[%get3A_2621, %get3A_2622] {strides = array<i32>} : memref<192x128xf32, #tpu.memory_space<vmem>>, vector<1x16xf32>,
      %get3A_2624 = vector.shape_cast %get3A_2623 : vector<1x16xf32> to vector<16xf32>
      %add3A_2625 = arith.addf %while3A_2585, %get3A_2624 : vector<16xf32>
      scf.yield %add3A_2590, %add3A_2595, %add3A_2600, %add3A_2605, %add3A_2610, %add3A_2615, %add3A_2620, %add3A_2625 : vector<16xf32>, vector<16xf32>, vector<16xf32>, vector<16xf32>, vector<16xf32>, vector<16xf32>, vector<16xf32>, vector<16xf32>
    }
    %swap3A_1832 = arith.constant 3 : i32
    %swap3A_1833 = arith.index_cast %swap3A_1832 : i32 to index
    %swap3A_1834 = arith.constant 0 : index
    %swap3A_1835 = tpu.vector_load %arg7[%swap3A_1833, %swap3A_1834] {strides = array<i32>} : memref<16x128xf32, #tpu.memory_space<vmem>>, vector<1x16xf32>,
    %swap3A_1836 = vector.shape_cast %swap3A_1835 : vector<1x16xf32> to vector<16xf32>
    %swap3A_1837 = vector.shape_cast %while3A_1831#0 : vector<16xf32> to vector<1x16xf32>
    tpu.vector_store %arg7[%swap3A_1833, %swap3A_1834], %swap3A_1837 {strides = array<i32>} : memref<16x128xf32, #tpu.memory_space<vmem>>, vector<1x16xf32>,
    %swap3A_1838 = arith.constant 3 : i32
    %swap3A_1839 = arith.index_cast %swap3A_1838 : i32 to index
    %swap3A_1840 = arith.constant 16 : index
    %swap3A_1841 = tpu.vector_load %arg7[%swap3A_1839, %swap3A_1840] {strides = array<i32>} : memref<16x128xf32, #tpu.memory_space<vmem>>, vector<1x16xf32>,
    %swap3A_1842 = vector.shape_cast %swap3A_1841 : vector<1x16xf32> to vector<16xf32>
    %swap3A_1843 = vector.shape_cast %while3A_1831#1 : vector<16xf32> to vector<1x16xf32>
    tpu.vector_store %arg7[%swap3A_1839, %swap3A_1840], %swap3A_1843 {strides = array<i32>} : memref<16x128xf32, #tpu.memory_space<vmem>>, vector<1x16xf32>,
    %swap3A_1844 = arith.constant 3 : i32
    %swap3A_1845 = arith.index_cast %swap3A_1844 : i32 to index
    %swap3A_1846 = arith.constant 32 : index
    %swap3A_1847 = tpu.vector_load %arg7[%swap3A_1845, %swap3A_1846] {strides = array<i32>} : memref<16x128xf32, #tpu.memory_space<vmem>>, vector<1x16xf32>,
    %swap3A_1848 = vector.shape_cast %swap3A_1847 : vector<1x16xf32> to vector<16xf32>
    %swap3A_1849 = vector.shape_cast %while3A_1831#2 : vector<16xf32> to vector<1x16xf32>
    tpu.vector_store %arg7[%swap3A_1845, %swap3A_1846], %swap3A_1849 {strides = array<i32>} : memref<16x128xf32, #tpu.memory_space<vmem>>, vector<1x16xf32>,
    %swap3A_1850 = arith.constant 3 : i32
    %swap3A_1851 = arith.index_cast %swap3A_1850 : i32 to index
    %swap3A_1852 = arith.constant 48 : index
    %swap3A_1853 = tpu.vector_load %arg7[%swap3A_1851, %swap3A_1852] {strides = array<i32>} : memref<16x128xf32, #tpu.memory_space<vmem>>, vector<1x16xf32>,
    %swap3A_1854 = vector.shape_cast %swap3A_1853 : vector<1x16xf32> to vector<16xf32>
    %swap3A_1855 = vector.shape_cast %while3A_1831#3 : vector<16xf32> to vector<1x16xf32>
    tpu.vector_store %arg7[%swap3A_1851, %swap3A_1852], %swap3A_1855 {strides = array<i32>} : memref<16x128xf32, #tpu.memory_space<vmem>>, vector<1x16xf32>,
    %swap3A_1856 = arith.constant 3 : i32
    %swap3A_1857 = arith.index_cast %swap3A_1856 : i32 to index
    %swap3A_1858 = arith.constant 64 : index
    %swap3A_1859 = tpu.vector_load %arg7[%swap3A_1857, %swap3A_1858] {strides = array<i32>} : memref<16x128xf32, #tpu.memory_space<vmem>>, vector<1x16xf32>,
    %swap3A_1860 = vector.shape_cast %swap3A_1859 : vector<1x16xf32> to vector<16xf32>
    %swap3A_1861 = vector.shape_cast %while3A_1831#4 : vector<16xf32> to vector<1x16xf32>
    tpu.vector_store %arg7[%swap3A_1857, %swap3A_1858], %swap3A_1861 {strides = array<i32>} : memref<16x128xf32, #tpu.memory_space<vmem>>, vector<1x16xf32>,
    %swap3A_1862 = arith.constant 3 : i32
    %swap3A_1863 = arith.index_cast %swap3A_1862 : i32 to index
    %swap3A_1864 = arith.constant 80 : index
    %swap3A_1865 = tpu.vector_load %arg7[%swap3A_1863, %swap3A_1864] {strides = array<i32>} : memref<16x128xf32, #tpu.memory_space<vmem>>, vector<1x16xf32>,
    %swap3A_1866 = vector.shape_cast %swap3A_1865 : vector<1x16xf32> to vector<16xf32>
    %swap3A_1867 = vector.shape_cast %while3A_1831#5 : vector<16xf32> to vector<1x16xf32>
    tpu.vector_store %arg7[%swap3A_1863, %swap3A_1864], %swap3A_1867 {strides = array<i32>} : memref<16x128xf32, #tpu.memory_space<vmem>>, vector<1x16xf32>,
    %swap3A_1868 = arith.constant 3 : i32
    %swap3A_1869 = arith.index_cast %swap3A_1868 : i32 to index
    %swap3A_1870 = arith.constant 96 : index
    %swap3A_1871 = tpu.vector_load %arg7[%swap3A_1869, %swap3A_1870] {strides = array<i32>} : memref<16x128xf32, #tpu.memory_space<vmem>>, vector<1x16xf32>,
    %swap3A_1872 = vector.shape_cast %swap3A_1871 : vector<1x16xf32> to vector<16xf32>
    %swap3A_1873 = vector.shape_cast %while3A_1831#6 : vector<16xf32> to vector<1x16xf32>
    tpu.vector_store %arg7[%swap3A_1869, %swap3A_1870], %swap3A_1873 {strides = array<i32>} : memref<16x128xf32, #tpu.memory_space<vmem>>, vector<1x16xf32>,
    %swap3A_1874 = arith.constant 3 : i32
    %swap3A_1875 = arith.index_cast %swap3A_1874 : i32 to index
    %swap3A_1876 = arith.constant 112 : index
    %swap3A_1877 = tpu.vector_load %arg7[%swap3A_1875, %swap3A_1876] {strides = array<i32>} : memref<16x128xf32, #tpu.memory_space<vmem>>, vector<1x16xf32>,
    %swap3A_1878 = vector.shape_cast %swap3A_1877 : vector<1x16xf32> to vector<16xf32>
    %swap3A_1879 = vector.shape_cast %while3A_1831#7 : vector<16xf32> to vector<1x16xf32>
    tpu.vector_store %arg7[%swap3A_1875, %swap3A_1876], %swap3A_1879 {strides = array<i32>} : memref<16x128xf32, #tpu.memory_space<vmem>>, vector<1x16xf32>,
    %while3A_1880 = arith.subi %add3A_1173, %add3A_1126 : i32
    %while3A_1881 = arith.addi %add3A_1126, %while3A_1880 : i32
    %while3A_1882 = arith.constant 1 : i32
    %while3A_1883 = arith.divsi %while3A_1880, %while3A_1882 : i32
    %while3A_1884 = arith.muli %while3A_1883, %while3A_1882 : i32
    %while3A_1885 = arith.addi %add3A_1126, %while3A_1884 : i32
    %while3A_1886 = arith.constant 1 : i32
    %while3A_1887:8 = scf.for %while3A_2577 = %add3A_1126 to %while3A_1885 step %while3A_1886 iter_args(%while3A_2578 = %broadcast_in_dim3A_1648, %while3A_2579 = %broadcast_in_dim3A_1648, %while3A_2580 = %broadcast_in_dim3A_1648, %while3A_2581 = %broadcast_in_dim3A_1648, %while3A_2582 = %broadcast_in_dim3A_1648, %while3A_2583 = %broadcast_in_dim3A_1648, %while3A_2584 = %broadcast_in_dim3A_1648, %while3A_2585 = %broadcast_in_dim3A_1648) -> (vector<16xf32>, vector<16xf32>, vector<16xf32>, vector<16xf32>, vector<16xf32>, vector<16xf32>, vector<16xf32>, vector<16xf32>)  : i32 {
      %get3A_2586 = arith.index_cast %while3A_2577 : i32 to index
      %get3A_2587 = arith.constant 0 : index
      %get3A_2588 = tpu.vector_load %arg5[%get3A_2586, %get3A_2587] {strides = array<i32>} : memref<192x128xf32, #tpu.memory_space<vmem>>, vector<1x16xf32>,
      %get3A_2589 = vector.shape_cast %get3A_2588 : vector<1x16xf32> to vector<16xf32>
      %add3A_2590 = arith.addf %while3A_2578, %get3A_2589 : vector<16xf32>
      %get3A_2591 = arith.index_cast %while3A_2577 : i32 to index
      %get3A_2592 = arith.constant 16 : index
      %get3A_2593 = tpu.vector_load %arg5[%get3A_2591, %get3A_2592] {strides = array<i32>} : memref<192x128xf32, #tpu.memory_space<vmem>>, vector<1x16xf32>,
      %get3A_2594 = vector.shape_cast %get3A_2593 : vector<1x16xf32> to vector<16xf32>
      %add3A_2595 = arith.addf %while3A_2579, %get3A_2594 : vector<16xf32>
      %get3A_2596 = arith.index_cast %while3A_2577 : i32 to index
      %get3A_2597 = arith.constant 32 : index
      %get3A_2598 = tpu.vector_load %arg5[%get3A_2596, %get3A_2597] {strides = array<i32>} : memref<192x128xf32, #tpu.memory_space<vmem>>, vector<1x16xf32>,
      %get3A_2599 = vector.shape_cast %get3A_2598 : vector<1x16xf32> to vector<16xf32>
      %add3A_2600 = arith.addf %while3A_2580, %get3A_2599 : vector<16xf32>
      %get3A_2601 = arith.index_cast %while3A_2577 : i32 to index
      %get3A_2602 = arith.constant 48 : index
      %get3A_2603 = tpu.vector_load %arg5[%get3A_2601, %get3A_2602] {strides = array<i32>} : memref<192x128xf32, #tpu.memory_space<vmem>>, vector<1x16xf32>,
      %get3A_2604 = vector.shape_cast %get3A_2603 : vector<1x16xf32> to vector<16xf32>
      %add3A_2605 = arith.addf %while3A_2581, %get3A_2604 : vector<16xf32>
      %get3A_2606 = arith.index_cast %while3A_2577 : i32 to index
      %get3A_2607 = arith.constant 64 : index
      %get3A_2608 = tpu.vector_load %arg5[%get3A_2606, %get3A_2607] {strides = array<i32>} : memref<192x128xf32, #tpu.memory_space<vmem>>, vector<1x16xf32>,
      %get3A_2609 = vector.shape_cast %get3A_2608 : vector<1x16xf32> to vector<16xf32>
      %add3A_2610 = arith.addf %while3A_2582, %get3A_2609 : vector<16xf32>
      %get3A_2611 = arith.index_cast %while3A_2577 : i32 to index
      %get3A_2612 = arith.constant 80 : index
      %get3A_2613 = tpu.vector_load %arg5[%get3A_2611, %get3A_2612] {strides = array<i32>} : memref<192x128xf32, #tpu.memory_space<vmem>>, vector<1x16xf32>,
      %get3A_2614 = vector.shape_cast %get3A_2613 : vector<1x16xf32> to vector<16xf32>
      %add3A_2615 = arith.addf %while3A_2583, %get3A_2614 : vector<16xf32>
      %get3A_2616 = arith.index_cast %while3A_2577 : i32 to index
      %get3A_2617 = arith.constant 96 : index
      %get3A_2618 = tpu.vector_load %arg5[%get3A_2616, %get3A_2617] {strides = array<i32>} : memref<192x128xf32, #tpu.memory_space<vmem>>, vector<1x16xf32>,
      %get3A_2619 = vector.shape_cast %get3A_2618 : vector<1x16xf32> to vector<16xf32>
      %add3A_2620 = arith.addf %while3A_2584, %get3A_2619 : vector<16xf32>
      %get3A_2621 = arith.index_cast %while3A_2577 : i32 to index
      %get3A_2622 = arith.constant 112 : index
      %get3A_2623 = tpu.vector_load %arg5[%get3A_2621, %get3A_2622] {strides = array<i32>} : memref<192x128xf32, #tpu.memory_space<vmem>>, vector<1x16xf32>,
      %get3A_2624 = vector.shape_cast %get3A_2623 : vector<1x16xf32> to vector<16xf32>
      %add3A_2625 = arith.addf %while3A_2585, %get3A_2624 : vector<16xf32>
      scf.yield %add3A_2590, %add3A_2595, %add3A_2600, %add3A_2605, %add3A_2610, %add3A_2615, %add3A_2620, %add3A_2625 : vector<16xf32>, vector<16xf32>, vector<16xf32>, vector<16xf32>, vector<16xf32>, vector<16xf32>, vector<16xf32>, vector<16xf32>
    }
    %while3A_1888 = arith.constant 1 : i32
    %while3A_1889:8 = scf.for %while3A_2577 = %while3A_1885 to %while3A_1881 step %while3A_1888 iter_args(%while3A_2578 = %while3A_1887#0, %while3A_2579 = %while3A_1887#1, %while3A_2580 = %while3A_1887#2, %while3A_2581 = %while3A_1887#3, %while3A_2582 = %while3A_1887#4, %while3A_2583 = %while3A_1887#5, %while3A_2584 = %while3A_1887#6, %while3A_2585 = %while3A_1887#7) -> (vector<16xf32>, vector<16xf32>, vector<16xf32>, vector<16xf32>, vector<16xf32>, vector<16xf32>, vector<16xf32>, vector<16xf32>)  : i32 {
      %get3A_2586 = arith.index_cast %while3A_2577 : i32 to index
      %get3A_2587 = arith.constant 0 : index
      %get3A_2588 = tpu.vector_load %arg5[%get3A_2586, %get3A_2587] {strides = array<i32>} : memref<192x128xf32, #tpu.memory_space<vmem>>, vector<1x16xf32>,
      %get3A_2589 = vector.shape_cast %get3A_2588 : vector<1x16xf32> to vector<16xf32>
      %add3A_2590 = arith.addf %while3A_2578, %get3A_2589 : vector<16xf32>
      %get3A_2591 = arith.index_cast %while3A_2577 : i32 to index
      %get3A_2592 = arith.constant 16 : index
      %get3A_2593 = tpu.vector_load %arg5[%get3A_2591, %get3A_2592] {strides = array<i32>} : memref<192x128xf32, #tpu.memory_space<vmem>>, vector<1x16xf32>,
      %get3A_2594 = vector.shape_cast %get3A_2593 : vector<1x16xf32> to vector<16xf32>
      %add3A_2595 = arith.addf %while3A_2579, %get3A_2594 : vector<16xf32>
      %get3A_2596 = arith.index_cast %while3A_2577 : i32 to index
      %get3A_2597 = arith.constant 32 : index
      %get3A_2598 = tpu.vector_load %arg5[%get3A_2596, %get3A_2597] {strides = array<i32>} : memref<192x128xf32, #tpu.memory_space<vmem>>, vector<1x16xf32>,
      %get3A_2599 = vector.shape_cast %get3A_2598 : vector<1x16xf32> to vector<16xf32>
      %add3A_2600 = arith.addf %while3A_2580, %get3A_2599 : vector<16xf32>
      %get3A_2601 = arith.index_cast %while3A_2577 : i32 to index
      %get3A_2602 = arith.constant 48 : index
      %get3A_2603 = tpu.vector_load %arg5[%get3A_2601, %get3A_2602] {strides = array<i32>} : memref<192x128xf32, #tpu.memory_space<vmem>>, vector<1x16xf32>,
      %get3A_2604 = vector.shape_cast %get3A_2603 : vector<1x16xf32> to vector<16xf32>
      %add3A_2605 = arith.addf %while3A_2581, %get3A_2604 : vector<16xf32>
      %get3A_2606 = arith.index_cast %while3A_2577 : i32 to index
      %get3A_2607 = arith.constant 64 : index
      %get3A_2608 = tpu.vector_load %arg5[%get3A_2606, %get3A_2607] {strides = array<i32>} : memref<192x128xf32, #tpu.memory_space<vmem>>, vector<1x16xf32>,
      %get3A_2609 = vector.shape_cast %get3A_2608 : vector<1x16xf32> to vector<16xf32>
      %add3A_2610 = arith.addf %while3A_2582, %get3A_2609 : vector<16xf32>
      %get3A_2611 = arith.index_cast %while3A_2577 : i32 to index
      %get3A_2612 = arith.constant 80 : index
      %get3A_2613 = tpu.vector_load %arg5[%get3A_2611, %get3A_2612] {strides = array<i32>} : memref<192x128xf32, #tpu.memory_space<vmem>>, vector<1x16xf32>,
      %get3A_2614 = vector.shape_cast %get3A_2613 : vector<1x16xf32> to vector<16xf32>
      %add3A_2615 = arith.addf %while3A_2583, %get3A_2614 : vector<16xf32>
      %get3A_2616 = arith.index_cast %while3A_2577 : i32 to index
      %get3A_2617 = arith.constant 96 : index
      %get3A_2618 = tpu.vector_load %arg5[%get3A_2616, %get3A_2617] {strides = array<i32>} : memref<192x128xf32, #tpu.memory_space<vmem>>, vector<1x16xf32>,
      %get3A_2619 = vector.shape_cast %get3A_2618 : vector<1x16xf32> to vector<16xf32>
      %add3A_2620 = arith.addf %while3A_2584, %get3A_2619 : vector<16xf32>
      %get3A_2621 = arith.index_cast %while3A_2577 : i32 to index
      %get3A_2622 = arith.constant 112 : index
      %get3A_2623 = tpu.vector_load %arg5[%get3A_2621, %get3A_2622] {strides = array<i32>} : memref<192x128xf32, #tpu.memory_space<vmem>>, vector<1x16xf32>,
      %get3A_2624 = vector.shape_cast %get3A_2623 : vector<1x16xf32> to vector<16xf32>
      %add3A_2625 = arith.addf %while3A_2585, %get3A_2624 : vector<16xf32>
      scf.yield %add3A_2590, %add3A_2595, %add3A_2600, %add3A_2605, %add3A_2610, %add3A_2615, %add3A_2620, %add3A_2625 : vector<16xf32>, vector<16xf32>, vector<16xf32>, vector<16xf32>, vector<16xf32>, vector<16xf32>, vector<16xf32>, vector<16xf32>
    }
    %swap3A_1890 = arith.constant 4 : i32
    %swap3A_1891 = arith.index_cast %swap3A_1890 : i32 to index
    %swap3A_1892 = arith.constant 0 : index
    %swap3A_1893 = tpu.vector_load %arg7[%swap3A_1891, %swap3A_1892] {strides = array<i32>} : memref<16x128xf32, #tpu.memory_space<vmem>>, vector<1x16xf32>,
    %swap3A_1894 = vector.shape_cast %swap3A_1893 : vector<1x16xf32> to vector<16xf32>
    %swap3A_1895 = vector.shape_cast %while3A_1889#0 : vector<16xf32> to vector<1x16xf32>
    tpu.vector_store %arg7[%swap3A_1891, %swap3A_1892], %swap3A_1895 {strides = array<i32>} : memref<16x128xf32, #tpu.memory_space<vmem>>, vector<1x16xf32>,
    %swap3A_1896 = arith.constant 4 : i32
    %swap3A_1897 = arith.index_cast %swap3A_1896 : i32 to index
    %swap3A_1898 = arith.constant 16 : index
    %swap3A_1899 = tpu.vector_load %arg7[%swap3A_1897, %swap3A_1898] {strides = array<i32>} : memref<16x128xf32, #tpu.memory_space<vmem>>, vector<1x16xf32>,
    %swap3A_1900 = vector.shape_cast %swap3A_1899 : vector<1x16xf32> to vector<16xf32>
    %swap3A_1901 = vector.shape_cast %while3A_1889#1 : vector<16xf32> to vector<1x16xf32>
    tpu.vector_store %arg7[%swap3A_1897, %swap3A_1898], %swap3A_1901 {strides = array<i32>} : memref<16x128xf32, #tpu.memory_space<vmem>>, vector<1x16xf32>,
    %swap3A_1902 = arith.constant 4 : i32
    %swap3A_1903 = arith.index_cast %swap3A_1902 : i32 to index
    %swap3A_1904 = arith.constant 32 : index
    %swap3A_1905 = tpu.vector_load %arg7[%swap3A_1903, %swap3A_1904] {strides = array<i32>} : memref<16x128xf32, #tpu.memory_space<vmem>>, vector<1x16xf32>,
    %swap3A_1906 = vector.shape_cast %swap3A_1905 : vector<1x16xf32> to vector<16xf32>
    %swap3A_1907 = vector.shape_cast %while3A_1889#2 : vector<16xf32> to vector<1x16xf32>
    tpu.vector_store %arg7[%swap3A_1903, %swap3A_1904], %swap3A_1907 {strides = array<i32>} : memref<16x128xf32, #tpu.memory_space<vmem>>, vector<1x16xf32>,
    %swap3A_1908 = arith.constant 4 : i32
    %swap3A_1909 = arith.index_cast %swap3A_1908 : i32 to index
    %swap3A_1910 = arith.constant 48 : index
    %swap3A_1911 = tpu.vector_load %arg7[%swap3A_1909, %swap3A_1910] {strides = array<i32>} : memref<16x128xf32, #tpu.memory_space<vmem>>, vector<1x16xf32>,
    %swap3A_1912 = vector.shape_cast %swap3A_1911 : vector<1x16xf32> to vector<16xf32>
    %swap3A_1913 = vector.shape_cast %while3A_1889#3 : vector<16xf32> to vector<1x16xf32>
    tpu.vector_store %arg7[%swap3A_1909, %swap3A_1910], %swap3A_1913 {strides = array<i32>} : memref<16x128xf32, #tpu.memory_space<vmem>>, vector<1x16xf32>,
    %swap3A_1914 = arith.constant 4 : i32
    %swap3A_1915 = arith.index_cast %swap3A_1914 : i32 to index
    %swap3A_1916 = arith.constant 64 : index
    %swap3A_1917 = tpu.vector_load %arg7[%swap3A_1915, %swap3A_1916] {strides = array<i32>} : memref<16x128xf32, #tpu.memory_space<vmem>>, vector<1x16xf32>,
    %swap3A_1918 = vector.shape_cast %swap3A_1917 : vector<1x16xf32> to vector<16xf32>
    %swap3A_1919 = vector.shape_cast %while3A_1889#4 : vector<16xf32> to vector<1x16xf32>
    tpu.vector_store %arg7[%swap3A_1915, %swap3A_1916], %swap3A_1919 {strides = array<i32>} : memref<16x128xf32, #tpu.memory_space<vmem>>, vector<1x16xf32>,
    %swap3A_1920 = arith.constant 4 : i32
    %swap3A_1921 = arith.index_cast %swap3A_1920 : i32 to index
    %swap3A_1922 = arith.constant 80 : index
    %swap3A_1923 = tpu.vector_load %arg7[%swap3A_1921, %swap3A_1922] {strides = array<i32>} : memref<16x128xf32, #tpu.memory_space<vmem>>, vector<1x16xf32>,
    %swap3A_1924 = vector.shape_cast %swap3A_1923 : vector<1x16xf32> to vector<16xf32>
    %swap3A_1925 = vector.shape_cast %while3A_1889#5 : vector<16xf32> to vector<1x16xf32>
    tpu.vector_store %arg7[%swap3A_1921, %swap3A_1922], %swap3A_1925 {strides = array<i32>} : memref<16x128xf32, #tpu.memory_space<vmem>>, vector<1x16xf32>,
    %swap3A_1926 = arith.constant 4 : i32
    %swap3A_1927 = arith.index_cast %swap3A_1926 : i32 to index
    %swap3A_1928 = arith.constant 96 : index
    %swap3A_1929 = tpu.vector_load %arg7[%swap3A_1927, %swap3A_1928] {strides = array<i32>} : memref<16x128xf32, #tpu.memory_space<vmem>>, vector<1x16xf32>,
    %swap3A_1930 = vector.shape_cast %swap3A_1929 : vector<1x16xf32> to vector<16xf32>
    %swap3A_1931 = vector.shape_cast %while3A_1889#6 : vector<16xf32> to vector<1x16xf32>
    tpu.vector_store %arg7[%swap3A_1927, %swap3A_1928], %swap3A_1931 {strides = array<i32>} : memref<16x128xf32, #tpu.memory_space<vmem>>, vector<1x16xf32>,
    %swap3A_1932 = arith.constant 4 : i32
    %swap3A_1933 = arith.index_cast %swap3A_1932 : i32 to index
    %swap3A_1934 = arith.constant 112 : index
    %swap3A_1935 = tpu.vector_load %arg7[%swap3A_1933, %swap3A_1934] {strides = array<i32>} : memref<16x128xf32, #tpu.memory_space<vmem>>, vector<1x16xf32>,
    %swap3A_1936 = vector.shape_cast %swap3A_1935 : vector<1x16xf32> to vector<16xf32>
    %swap3A_1937 = vector.shape_cast %while3A_1889#7 : vector<16xf32> to vector<1x16xf32>
    tpu.vector_store %arg7[%swap3A_1933, %swap3A_1934], %swap3A_1937 {strides = array<i32>} : memref<16x128xf32, #tpu.memory_space<vmem>>, vector<1x16xf32>,
    %while3A_1938 = arith.subi %add3A_1220, %add3A_1173 : i32
    %while3A_1939 = arith.addi %add3A_1173, %while3A_1938 : i32
    %while3A_1940 = arith.constant 1 : i32
    %while3A_1941 = arith.divsi %while3A_1938, %while3A_1940 : i32
    %while3A_1942 = arith.muli %while3A_1941, %while3A_1940 : i32
    %while3A_1943 = arith.addi %add3A_1173, %while3A_1942 : i32
    %while3A_1944 = arith.constant 1 : i32
    %while3A_1945:8 = scf.for %while3A_2577 = %add3A_1173 to %while3A_1943 step %while3A_1944 iter_args(%while3A_2578 = %broadcast_in_dim3A_1648, %while3A_2579 = %broadcast_in_dim3A_1648, %while3A_2580 = %broadcast_in_dim3A_1648, %while3A_2581 = %broadcast_in_dim3A_1648, %while3A_2582 = %broadcast_in_dim3A_1648, %while3A_2583 = %broadcast_in_dim3A_1648, %while3A_2584 = %broadcast_in_dim3A_1648, %while3A_2585 = %broadcast_in_dim3A_1648) -> (vector<16xf32>, vector<16xf32>, vector<16xf32>, vector<16xf32>, vector<16xf32>, vector<16xf32>, vector<16xf32>, vector<16xf32>)  : i32 {
      %get3A_2586 = arith.index_cast %while3A_2577 : i32 to index
      %get3A_2587 = arith.constant 0 : index
      %get3A_2588 = tpu.vector_load %arg5[%get3A_2586, %get3A_2587] {strides = array<i32>} : memref<192x128xf32, #tpu.memory_space<vmem>>, vector<1x16xf32>,
      %get3A_2589 = vector.shape_cast %get3A_2588 : vector<1x16xf32> to vector<16xf32>
      %add3A_2590 = arith.addf %while3A_2578, %get3A_2589 : vector<16xf32>
      %get3A_2591 = arith.index_cast %while3A_2577 : i32 to index
      %get3A_2592 = arith.constant 16 : index
      %get3A_2593 = tpu.vector_load %arg5[%get3A_2591, %get3A_2592] {strides = array<i32>} : memref<192x128xf32, #tpu.memory_space<vmem>>, vector<1x16xf32>,
      %get3A_2594 = vector.shape_cast %get3A_2593 : vector<1x16xf32> to vector<16xf32>
      %add3A_2595 = arith.addf %while3A_2579, %get3A_2594 : vector<16xf32>
      %get3A_2596 = arith.index_cast %while3A_2577 : i32 to index
      %get3A_2597 = arith.constant 32 : index
      %get3A_2598 = tpu.vector_load %arg5[%get3A_2596, %get3A_2597] {strides = array<i32>} : memref<192x128xf32, #tpu.memory_space<vmem>>, vector<1x16xf32>,
      %get3A_2599 = vector.shape_cast %get3A_2598 : vector<1x16xf32> to vector<16xf32>
      %add3A_2600 = arith.addf %while3A_2580, %get3A_2599 : vector<16xf32>
      %get3A_2601 = arith.index_cast %while3A_2577 : i32 to index
      %get3A_2602 = arith.constant 48 : index
      %get3A_2603 = tpu.vector_load %arg5[%get3A_2601, %get3A_2602] {strides = array<i32>} : memref<192x128xf32, #tpu.memory_space<vmem>>, vector<1x16xf32>,
      %get3A_2604 = vector.shape_cast %get3A_2603 : vector<1x16xf32> to vector<16xf32>
      %add3A_2605 = arith.addf %while3A_2581, %get3A_2604 : vector<16xf32>
      %get3A_2606 = arith.index_cast %while3A_2577 : i32 to index
      %get3A_2607 = arith.constant 64 : index
      %get3A_2608 = tpu.vector_load %arg5[%get3A_2606, %get3A_2607] {strides = array<i32>} : memref<192x128xf32, #tpu.memory_space<vmem>>, vector<1x16xf32>,
      %get3A_2609 = vector.shape_cast %get3A_2608 : vector<1x16xf32> to vector<16xf32>
      %add3A_2610 = arith.addf %while3A_2582, %get3A_2609 : vector<16xf32>
      %get3A_2611 = arith.index_cast %while3A_2577 : i32 to index
      %get3A_2612 = arith.constant 80 : index
      %get3A_2613 = tpu.vector_load %arg5[%get3A_2611, %get3A_2612] {strides = array<i32>} : memref<192x128xf32, #tpu.memory_space<vmem>>, vector<1x16xf32>,
      %get3A_2614 = vector.shape_cast %get3A_2613 : vector<1x16xf32> to vector<16xf32>
      %add3A_2615 = arith.addf %while3A_2583, %get3A_2614 : vector<16xf32>
      %get3A_2616 = arith.index_cast %while3A_2577 : i32 to index
      %get3A_2617 = arith.constant 96 : index
      %get3A_2618 = tpu.vector_load %arg5[%get3A_2616, %get3A_2617] {strides = array<i32>} : memref<192x128xf32, #tpu.memory_space<vmem>>, vector<1x16xf32>,
      %get3A_2619 = vector.shape_cast %get3A_2618 : vector<1x16xf32> to vector<16xf32>
      %add3A_2620 = arith.addf %while3A_2584, %get3A_2619 : vector<16xf32>
      %get3A_2621 = arith.index_cast %while3A_2577 : i32 to index
      %get3A_2622 = arith.constant 112 : index
      %get3A_2623 = tpu.vector_load %arg5[%get3A_2621, %get3A_2622] {strides = array<i32>} : memref<192x128xf32, #tpu.memory_space<vmem>>, vector<1x16xf32>,
      %get3A_2624 = vector.shape_cast %get3A_2623 : vector<1x16xf32> to vector<16xf32>
      %add3A_2625 = arith.addf %while3A_2585, %get3A_2624 : vector<16xf32>
      scf.yield %add3A_2590, %add3A_2595, %add3A_2600, %add3A_2605, %add3A_2610, %add3A_2615, %add3A_2620, %add3A_2625 : vector<16xf32>, vector<16xf32>, vector<16xf32>, vector<16xf32>, vector<16xf32>, vector<16xf32>, vector<16xf32>, vector<16xf32>
    }
    %while3A_1946 = arith.constant 1 : i32
    %while3A_1947:8 = scf.for %while3A_2577 = %while3A_1943 to %while3A_1939 step %while3A_1946 iter_args(%while3A_2578 = %while3A_1945#0, %while3A_2579 = %while3A_1945#1, %while3A_2580 = %while3A_1945#2, %while3A_2581 = %while3A_1945#3, %while3A_2582 = %while3A_1945#4, %while3A_2583 = %while3A_1945#5, %while3A_2584 = %while3A_1945#6, %while3A_2585 = %while3A_1945#7) -> (vector<16xf32>, vector<16xf32>, vector<16xf32>, vector<16xf32>, vector<16xf32>, vector<16xf32>, vector<16xf32>, vector<16xf32>)  : i32 {
      %get3A_2586 = arith.index_cast %while3A_2577 : i32 to index
      %get3A_2587 = arith.constant 0 : index
      %get3A_2588 = tpu.vector_load %arg5[%get3A_2586, %get3A_2587] {strides = array<i32>} : memref<192x128xf32, #tpu.memory_space<vmem>>, vector<1x16xf32>,
      %get3A_2589 = vector.shape_cast %get3A_2588 : vector<1x16xf32> to vector<16xf32>
      %add3A_2590 = arith.addf %while3A_2578, %get3A_2589 : vector<16xf32>
      %get3A_2591 = arith.index_cast %while3A_2577 : i32 to index
      %get3A_2592 = arith.constant 16 : index
      %get3A_2593 = tpu.vector_load %arg5[%get3A_2591, %get3A_2592] {strides = array<i32>} : memref<192x128xf32, #tpu.memory_space<vmem>>, vector<1x16xf32>,
      %get3A_2594 = vector.shape_cast %get3A_2593 : vector<1x16xf32> to vector<16xf32>
      %add3A_2595 = arith.addf %while3A_2579, %get3A_2594 : vector<16xf32>
      %get3A_2596 = arith.index_cast %while3A_2577 : i32 to index
      %get3A_2597 = arith.constant 32 : index
      %get3A_2598 = tpu.vector_load %arg5[%get3A_2596, %get3A_2597] {strides = array<i32>} : memref<192x128xf32, #tpu.memory_space<vmem>>, vector<1x16xf32>,
      %get3A_2599 = vector.shape_cast %get3A_2598 : vector<1x16xf32> to vector<16xf32>
      %add3A_2600 = arith.addf %while3A_2580, %get3A_2599 : vector<16xf32>
      %get3A_2601 = arith.index_cast %while3A_2577 : i32 to index
      %get3A_2602 = arith.constant 48 : index
      %get3A_2603 = tpu.vector_load %arg5[%get3A_2601, %get3A_2602] {strides = array<i32>} : memref<192x128xf32, #tpu.memory_space<vmem>>, vector<1x16xf32>,
      %get3A_2604 = vector.shape_cast %get3A_2603 : vector<1x16xf32> to vector<16xf32>
      %add3A_2605 = arith.addf %while3A_2581, %get3A_2604 : vector<16xf32>
      %get3A_2606 = arith.index_cast %while3A_2577 : i32 to index
      %get3A_2607 = arith.constant 64 : index
      %get3A_2608 = tpu.vector_load %arg5[%get3A_2606, %get3A_2607] {strides = array<i32>} : memref<192x128xf32, #tpu.memory_space<vmem>>, vector<1x16xf32>,
      %get3A_2609 = vector.shape_cast %get3A_2608 : vector<1x16xf32> to vector<16xf32>
      %add3A_2610 = arith.addf %while3A_2582, %get3A_2609 : vector<16xf32>
      %get3A_2611 = arith.index_cast %while3A_2577 : i32 to index
      %get3A_2612 = arith.constant 80 : index
      %get3A_2613 = tpu.vector_load %arg5[%get3A_2611, %get3A_2612] {strides = array<i32>} : memref<192x128xf32, #tpu.memory_space<vmem>>, vector<1x16xf32>,
      %get3A_2614 = vector.shape_cast %get3A_2613 : vector<1x16xf32> to vector<16xf32>
      %add3A_2615 = arith.addf %while3A_2583, %get3A_2614 : vector<16xf32>
      %get3A_2616 = arith.index_cast %while3A_2577 : i32 to index
      %get3A_2617 = arith.constant 96 : index
      %get3A_2618 = tpu.vector_load %arg5[%get3A_2616, %get3A_2617] {strides = array<i32>} : memref<192x128xf32, #tpu.memory_space<vmem>>, vector<1x16xf32>,
      %get3A_2619 = vector.shape_cast %get3A_2618 : vector<1x16xf32> to vector<16xf32>
      %add3A_2620 = arith.addf %while3A_2584, %get3A_2619 : vector<16xf32>
      %get3A_2621 = arith.index_cast %while3A_2577 : i32 to index
      %get3A_2622 = arith.constant 112 : index
      %get3A_2623 = tpu.vector_load %arg5[%get3A_2621, %get3A_2622] {strides = array<i32>} : memref<192x128xf32, #tpu.memory_space<vmem>>, vector<1x16xf32>,
      %get3A_2624 = vector.shape_cast %get3A_2623 : vector<1x16xf32> to vector<16xf32>
      %add3A_2625 = arith.addf %while3A_2585, %get3A_2624 : vector<16xf32>
      scf.yield %add3A_2590, %add3A_2595, %add3A_2600, %add3A_2605, %add3A_2610, %add3A_2615, %add3A_2620, %add3A_2625 : vector<16xf32>, vector<16xf32>, vector<16xf32>, vector<16xf32>, vector<16xf32>, vector<16xf32>, vector<16xf32>, vector<16xf32>
    }
    %swap3A_1948 = arith.constant 5 : i32
    %swap3A_1949 = arith.index_cast %swap3A_1948 : i32 to index
    %swap3A_1950 = arith.constant 0 : index
    %swap3A_1951 = tpu.vector_load %arg7[%swap3A_1949, %swap3A_1950] {strides = array<i32>} : memref<16x128xf32, #tpu.memory_space<vmem>>, vector<1x16xf32>,
    %swap3A_1952 = vector.shape_cast %swap3A_1951 : vector<1x16xf32> to vector<16xf32>
    %swap3A_1953 = vector.shape_cast %while3A_1947#0 : vector<16xf32> to vector<1x16xf32>
    tpu.vector_store %arg7[%swap3A_1949, %swap3A_1950], %swap3A_1953 {strides = array<i32>} : memref<16x128xf32, #tpu.memory_space<vmem>>, vector<1x16xf32>,
    %swap3A_1954 = arith.constant 5 : i32
    %swap3A_1955 = arith.index_cast %swap3A_1954 : i32 to index
    %swap3A_1956 = arith.constant 16 : index
    %swap3A_1957 = tpu.vector_load %arg7[%swap3A_1955, %swap3A_1956] {strides = array<i32>} : memref<16x128xf32, #tpu.memory_space<vmem>>, vector<1x16xf32>,
    %swap3A_1958 = vector.shape_cast %swap3A_1957 : vector<1x16xf32> to vector<16xf32>
    %swap3A_1959 = vector.shape_cast %while3A_1947#1 : vector<16xf32> to vector<1x16xf32>
    tpu.vector_store %arg7[%swap3A_1955, %swap3A_1956], %swap3A_1959 {strides = array<i32>} : memref<16x128xf32, #tpu.memory_space<vmem>>, vector<1x16xf32>,
    %swap3A_1960 = arith.constant 5 : i32
    %swap3A_1961 = arith.index_cast %swap3A_1960 : i32 to index
    %swap3A_1962 = arith.constant 32 : index
    %swap3A_1963 = tpu.vector_load %arg7[%swap3A_1961, %swap3A_1962] {strides = array<i32>} : memref<16x128xf32, #tpu.memory_space<vmem>>, vector<1x16xf32>,
    %swap3A_1964 = vector.shape_cast %swap3A_1963 : vector<1x16xf32> to vector<16xf32>
    %swap3A_1965 = vector.shape_cast %while3A_1947#2 : vector<16xf32> to vector<1x16xf32>
    tpu.vector_store %arg7[%swap3A_1961, %swap3A_1962], %swap3A_1965 {strides = array<i32>} : memref<16x128xf32, #tpu.memory_space<vmem>>, vector<1x16xf32>,
    %swap3A_1966 = arith.constant 5 : i32
    %swap3A_1967 = arith.index_cast %swap3A_1966 : i32 to index
    %swap3A_1968 = arith.constant 48 : index
    %swap3A_1969 = tpu.vector_load %arg7[%swap3A_1967, %swap3A_1968] {strides = array<i32>} : memref<16x128xf32, #tpu.memory_space<vmem>>, vector<1x16xf32>,
    %swap3A_1970 = vector.shape_cast %swap3A_1969 : vector<1x16xf32> to vector<16xf32>
    %swap3A_1971 = vector.shape_cast %while3A_1947#3 : vector<16xf32> to vector<1x16xf32>
    tpu.vector_store %arg7[%swap3A_1967, %swap3A_1968], %swap3A_1971 {strides = array<i32>} : memref<16x128xf32, #tpu.memory_space<vmem>>, vector<1x16xf32>,
    %swap3A_1972 = arith.constant 5 : i32
    %swap3A_1973 = arith.index_cast %swap3A_1972 : i32 to index
    %swap3A_1974 = arith.constant 64 : index
    %swap3A_1975 = tpu.vector_load %arg7[%swap3A_1973, %swap3A_1974] {strides = array<i32>} : memref<16x128xf32, #tpu.memory_space<vmem>>, vector<1x16xf32>,
    %swap3A_1976 = vector.shape_cast %swap3A_1975 : vector<1x16xf32> to vector<16xf32>
    %swap3A_1977 = vector.shape_cast %while3A_1947#4 : vector<16xf32> to vector<1x16xf32>
    tpu.vector_store %arg7[%swap3A_1973, %swap3A_1974], %swap3A_1977 {strides = array<i32>} : memref<16x128xf32, #tpu.memory_space<vmem>>, vector<1x16xf32>,
    %swap3A_1978 = arith.constant 5 : i32
    %swap3A_1979 = arith.index_cast %swap3A_1978 : i32 to index
    %swap3A_1980 = arith.constant 80 : index
    %swap3A_1981 = tpu.vector_load %arg7[%swap3A_1979, %swap3A_1980] {strides = array<i32>} : memref<16x128xf32, #tpu.memory_space<vmem>>, vector<1x16xf32>,
    %swap3A_1982 = vector.shape_cast %swap3A_1981 : vector<1x16xf32> to vector<16xf32>
    %swap3A_1983 = vector.shape_cast %while3A_1947#5 : vector<16xf32> to vector<1x16xf32>
    tpu.vector_store %arg7[%swap3A_1979, %swap3A_1980], %swap3A_1983 {strides = array<i32>} : memref<16x128xf32, #tpu.memory_space<vmem>>, vector<1x16xf32>,
    %swap3A_1984 = arith.constant 5 : i32
    %swap3A_1985 = arith.index_cast %swap3A_1984 : i32 to index
    %swap3A_1986 = arith.constant 96 : index
    %swap3A_1987 = tpu.vector_load %arg7[%swap3A_1985, %swap3A_1986] {strides = array<i32>} : memref<16x128xf32, #tpu.memory_space<vmem>>, vector<1x16xf32>,
    %swap3A_1988 = vector.shape_cast %swap3A_1987 : vector<1x16xf32> to vector<16xf32>
    %swap3A_1989 = vector.shape_cast %while3A_1947#6 : vector<16xf32> to vector<1x16xf32>
    tpu.vector_store %arg7[%swap3A_1985, %swap3A_1986], %swap3A_1989 {strides = array<i32>} : memref<16x128xf32, #tpu.memory_space<vmem>>, vector<1x16xf32>,
    %swap3A_1990 = arith.constant 5 : i32
    %swap3A_1991 = arith.index_cast %swap3A_1990 : i32 to index
    %swap3A_1992 = arith.constant 112 : index
    %swap3A_1993 = tpu.vector_load %arg7[%swap3A_1991, %swap3A_1992] {strides = array<i32>} : memref<16x128xf32, #tpu.memory_space<vmem>>, vector<1x16xf32>,
    %swap3A_1994 = vector.shape_cast %swap3A_1993 : vector<1x16xf32> to vector<16xf32>
    %swap3A_1995 = vector.shape_cast %while3A_1947#7 : vector<16xf32> to vector<1x16xf32>
    tpu.vector_store %arg7[%swap3A_1991, %swap3A_1992], %swap3A_1995 {strides = array<i32>} : memref<16x128xf32, #tpu.memory_space<vmem>>, vector<1x16xf32>,
    %while3A_1996 = arith.subi %add3A_1267, %add3A_1220 : i32
    %while3A_1997 = arith.addi %add3A_1220, %while3A_1996 : i32
    %while3A_1998 = arith.constant 1 : i32
    %while3A_1999 = arith.divsi %while3A_1996, %while3A_1998 : i32
    %while3A_2000 = arith.muli %while3A_1999, %while3A_1998 : i32
    %while3A_2001 = arith.addi %add3A_1220, %while3A_2000 : i32
    %while3A_2002 = arith.constant 1 : i32
    %while3A_2003:8 = scf.for %while3A_2577 = %add3A_1220 to %while3A_2001 step %while3A_2002 iter_args(%while3A_2578 = %broadcast_in_dim3A_1648, %while3A_2579 = %broadcast_in_dim3A_1648, %while3A_2580 = %broadcast_in_dim3A_1648, %while3A_2581 = %broadcast_in_dim3A_1648, %while3A_2582 = %broadcast_in_dim3A_1648, %while3A_2583 = %broadcast_in_dim3A_1648, %while3A_2584 = %broadcast_in_dim3A_1648, %while3A_2585 = %broadcast_in_dim3A_1648) -> (vector<16xf32>, vector<16xf32>, vector<16xf32>, vector<16xf32>, vector<16xf32>, vector<16xf32>, vector<16xf32>, vector<16xf32>)  : i32 {
      %get3A_2586 = arith.index_cast %while3A_2577 : i32 to index
      %get3A_2587 = arith.constant 0 : index
      %get3A_2588 = tpu.vector_load %arg5[%get3A_2586, %get3A_2587] {strides = array<i32>} : memref<192x128xf32, #tpu.memory_space<vmem>>, vector<1x16xf32>,
      %get3A_2589 = vector.shape_cast %get3A_2588 : vector<1x16xf32> to vector<16xf32>
      %add3A_2590 = arith.addf %while3A_2578, %get3A_2589 : vector<16xf32>
      %get3A_2591 = arith.index_cast %while3A_2577 : i32 to index
      %get3A_2592 = arith.constant 16 : index
      %get3A_2593 = tpu.vector_load %arg5[%get3A_2591, %get3A_2592] {strides = array<i32>} : memref<192x128xf32, #tpu.memory_space<vmem>>, vector<1x16xf32>,
      %get3A_2594 = vector.shape_cast %get3A_2593 : vector<1x16xf32> to vector<16xf32>
      %add3A_2595 = arith.addf %while3A_2579, %get3A_2594 : vector<16xf32>
      %get3A_2596 = arith.index_cast %while3A_2577 : i32 to index
      %get3A_2597 = arith.constant 32 : index
      %get3A_2598 = tpu.vector_load %arg5[%get3A_2596, %get3A_2597] {strides = array<i32>} : memref<192x128xf32, #tpu.memory_space<vmem>>, vector<1x16xf32>,
      %get3A_2599 = vector.shape_cast %get3A_2598 : vector<1x16xf32> to vector<16xf32>
      %add3A_2600 = arith.addf %while3A_2580, %get3A_2599 : vector<16xf32>
      %get3A_2601 = arith.index_cast %while3A_2577 : i32 to index
      %get3A_2602 = arith.constant 48 : index
      %get3A_2603 = tpu.vector_load %arg5[%get3A_2601, %get3A_2602] {strides = array<i32>} : memref<192x128xf32, #tpu.memory_space<vmem>>, vector<1x16xf32>,
      %get3A_2604 = vector.shape_cast %get3A_2603 : vector<1x16xf32> to vector<16xf32>
      %add3A_2605 = arith.addf %while3A_2581, %get3A_2604 : vector<16xf32>
      %get3A_2606 = arith.index_cast %while3A_2577 : i32 to index
      %get3A_2607 = arith.constant 64 : index
      %get3A_2608 = tpu.vector_load %arg5[%get3A_2606, %get3A_2607] {strides = array<i32>} : memref<192x128xf32, #tpu.memory_space<vmem>>, vector<1x16xf32>,
      %get3A_2609 = vector.shape_cast %get3A_2608 : vector<1x16xf32> to vector<16xf32>
      %add3A_2610 = arith.addf %while3A_2582, %get3A_2609 : vector<16xf32>
      %get3A_2611 = arith.index_cast %while3A_2577 : i32 to index
      %get3A_2612 = arith.constant 80 : index
      %get3A_2613 = tpu.vector_load %arg5[%get3A_2611, %get3A_2612] {strides = array<i32>} : memref<192x128xf32, #tpu.memory_space<vmem>>, vector<1x16xf32>,
      %get3A_2614 = vector.shape_cast %get3A_2613 : vector<1x16xf32> to vector<16xf32>
      %add3A_2615 = arith.addf %while3A_2583, %get3A_2614 : vector<16xf32>
      %get3A_2616 = arith.index_cast %while3A_2577 : i32 to index
      %get3A_2617 = arith.constant 96 : index
      %get3A_2618 = tpu.vector_load %arg5[%get3A_2616, %get3A_2617] {strides = array<i32>} : memref<192x128xf32, #tpu.memory_space<vmem>>, vector<1x16xf32>,
      %get3A_2619 = vector.shape_cast %get3A_2618 : vector<1x16xf32> to vector<16xf32>
      %add3A_2620 = arith.addf %while3A_2584, %get3A_2619 : vector<16xf32>
      %get3A_2621 = arith.index_cast %while3A_2577 : i32 to index
      %get3A_2622 = arith.constant 112 : index
      %get3A_2623 = tpu.vector_load %arg5[%get3A_2621, %get3A_2622] {strides = array<i32>} : memref<192x128xf32, #tpu.memory_space<vmem>>, vector<1x16xf32>,
      %get3A_2624 = vector.shape_cast %get3A_2623 : vector<1x16xf32> to vector<16xf32>
      %add3A_2625 = arith.addf %while3A_2585, %get3A_2624 : vector<16xf32>
      scf.yield %add3A_2590, %add3A_2595, %add3A_2600, %add3A_2605, %add3A_2610, %add3A_2615, %add3A_2620, %add3A_2625 : vector<16xf32>, vector<16xf32>, vector<16xf32>, vector<16xf32>, vector<16xf32>, vector<16xf32>, vector<16xf32>, vector<16xf32>
    }
    %while3A_2004 = arith.constant 1 : i32
    %while3A_2005:8 = scf.for %while3A_2577 = %while3A_2001 to %while3A_1997 step %while3A_2004 iter_args(%while3A_2578 = %while3A_2003#0, %while3A_2579 = %while3A_2003#1, %while3A_2580 = %while3A_2003#2, %while3A_2581 = %while3A_2003#3, %while3A_2582 = %while3A_2003#4, %while3A_2583 = %while3A_2003#5, %while3A_2584 = %while3A_2003#6, %while3A_2585 = %while3A_2003#7) -> (vector<16xf32>, vector<16xf32>, vector<16xf32>, vector<16xf32>, vector<16xf32>, vector<16xf32>, vector<16xf32>, vector<16xf32>)  : i32 {
      %get3A_2586 = arith.index_cast %while3A_2577 : i32 to index
      %get3A_2587 = arith.constant 0 : index
      %get3A_2588 = tpu.vector_load %arg5[%get3A_2586, %get3A_2587] {strides = array<i32>} : memref<192x128xf32, #tpu.memory_space<vmem>>, vector<1x16xf32>,
      %get3A_2589 = vector.shape_cast %get3A_2588 : vector<1x16xf32> to vector<16xf32>
      %add3A_2590 = arith.addf %while3A_2578, %get3A_2589 : vector<16xf32>
      %get3A_2591 = arith.index_cast %while3A_2577 : i32 to index
      %get3A_2592 = arith.constant 16 : index
      %get3A_2593 = tpu.vector_load %arg5[%get3A_2591, %get3A_2592] {strides = array<i32>} : memref<192x128xf32, #tpu.memory_space<vmem>>, vector<1x16xf32>,
      %get3A_2594 = vector.shape_cast %get3A_2593 : vector<1x16xf32> to vector<16xf32>
      %add3A_2595 = arith.addf %while3A_2579, %get3A_2594 : vector<16xf32>
      %get3A_2596 = arith.index_cast %while3A_2577 : i32 to index
      %get3A_2597 = arith.constant 32 : index
      %get3A_2598 = tpu.vector_load %arg5[%get3A_2596, %get3A_2597] {strides = array<i32>} : memref<192x128xf32, #tpu.memory_space<vmem>>, vector<1x16xf32>,
      %get3A_2599 = vector.shape_cast %get3A_2598 : vector<1x16xf32> to vector<16xf32>
      %add3A_2600 = arith.addf %while3A_2580, %get3A_2599 : vector<16xf32>
      %get3A_2601 = arith.index_cast %while3A_2577 : i32 to index
      %get3A_2602 = arith.constant 48 : index
      %get3A_2603 = tpu.vector_load %arg5[%get3A_2601, %get3A_2602] {strides = array<i32>} : memref<192x128xf32, #tpu.memory_space<vmem>>, vector<1x16xf32>,
      %get3A_2604 = vector.shape_cast %get3A_2603 : vector<1x16xf32> to vector<16xf32>
      %add3A_2605 = arith.addf %while3A_2581, %get3A_2604 : vector<16xf32>
      %get3A_2606 = arith.index_cast %while3A_2577 : i32 to index
      %get3A_2607 = arith.constant 64 : index
      %get3A_2608 = tpu.vector_load %arg5[%get3A_2606, %get3A_2607] {strides = array<i32>} : memref<192x128xf32, #tpu.memory_space<vmem>>, vector<1x16xf32>,
      %get3A_2609 = vector.shape_cast %get3A_2608 : vector<1x16xf32> to vector<16xf32>
      %add3A_2610 = arith.addf %while3A_2582, %get3A_2609 : vector<16xf32>
      %get3A_2611 = arith.index_cast %while3A_2577 : i32 to index
      %get3A_2612 = arith.constant 80 : index
      %get3A_2613 = tpu.vector_load %arg5[%get3A_2611, %get3A_2612] {strides = array<i32>} : memref<192x128xf32, #tpu.memory_space<vmem>>, vector<1x16xf32>,
      %get3A_2614 = vector.shape_cast %get3A_2613 : vector<1x16xf32> to vector<16xf32>
      %add3A_2615 = arith.addf %while3A_2583, %get3A_2614 : vector<16xf32>
      %get3A_2616 = arith.index_cast %while3A_2577 : i32 to index
      %get3A_2617 = arith.constant 96 : index
      %get3A_2618 = tpu.vector_load %arg5[%get3A_2616, %get3A_2617] {strides = array<i32>} : memref<192x128xf32, #tpu.memory_space<vmem>>, vector<1x16xf32>,
      %get3A_2619 = vector.shape_cast %get3A_2618 : vector<1x16xf32> to vector<16xf32>
      %add3A_2620 = arith.addf %while3A_2584, %get3A_2619 : vector<16xf32>
      %get3A_2621 = arith.index_cast %while3A_2577 : i32 to index
      %get3A_2622 = arith.constant 112 : index
      %get3A_2623 = tpu.vector_load %arg5[%get3A_2621, %get3A_2622] {strides = array<i32>} : memref<192x128xf32, #tpu.memory_space<vmem>>, vector<1x16xf32>,
      %get3A_2624 = vector.shape_cast %get3A_2623 : vector<1x16xf32> to vector<16xf32>
      %add3A_2625 = arith.addf %while3A_2585, %get3A_2624 : vector<16xf32>
      scf.yield %add3A_2590, %add3A_2595, %add3A_2600, %add3A_2605, %add3A_2610, %add3A_2615, %add3A_2620, %add3A_2625 : vector<16xf32>, vector<16xf32>, vector<16xf32>, vector<16xf32>, vector<16xf32>, vector<16xf32>, vector<16xf32>, vector<16xf32>
    }
    %swap3A_2006 = arith.constant 6 : i32
    %swap3A_2007 = arith.index_cast %swap3A_2006 : i32 to index
    %swap3A_2008 = arith.constant 0 : index
    %swap3A_2009 = tpu.vector_load %arg7[%swap3A_2007, %swap3A_2008] {strides = array<i32>} : memref<16x128xf32, #tpu.memory_space<vmem>>, vector<1x16xf32>,
    %swap3A_2010 = vector.shape_cast %swap3A_2009 : vector<1x16xf32> to vector<16xf32>
    %swap3A_2011 = vector.shape_cast %while3A_2005#0 : vector<16xf32> to vector<1x16xf32>
    tpu.vector_store %arg7[%swap3A_2007, %swap3A_2008], %swap3A_2011 {strides = array<i32>} : memref<16x128xf32, #tpu.memory_space<vmem>>, vector<1x16xf32>,
    %swap3A_2012 = arith.constant 6 : i32
    %swap3A_2013 = arith.index_cast %swap3A_2012 : i32 to index
    %swap3A_2014 = arith.constant 16 : index
    %swap3A_2015 = tpu.vector_load %arg7[%swap3A_2013, %swap3A_2014] {strides = array<i32>} : memref<16x128xf32, #tpu.memory_space<vmem>>, vector<1x16xf32>,
    %swap3A_2016 = vector.shape_cast %swap3A_2015 : vector<1x16xf32> to vector<16xf32>
    %swap3A_2017 = vector.shape_cast %while3A_2005#1 : vector<16xf32> to vector<1x16xf32>
    tpu.vector_store %arg7[%swap3A_2013, %swap3A_2014], %swap3A_2017 {strides = array<i32>} : memref<16x128xf32, #tpu.memory_space<vmem>>, vector<1x16xf32>,
    %swap3A_2018 = arith.constant 6 : i32
    %swap3A_2019 = arith.index_cast %swap3A_2018 : i32 to index
    %swap3A_2020 = arith.constant 32 : index
    %swap3A_2021 = tpu.vector_load %arg7[%swap3A_2019, %swap3A_2020] {strides = array<i32>} : memref<16x128xf32, #tpu.memory_space<vmem>>, vector<1x16xf32>,
    %swap3A_2022 = vector.shape_cast %swap3A_2021 : vector<1x16xf32> to vector<16xf32>
    %swap3A_2023 = vector.shape_cast %while3A_2005#2 : vector<16xf32> to vector<1x16xf32>
    tpu.vector_store %arg7[%swap3A_2019, %swap3A_2020], %swap3A_2023 {strides = array<i32>} : memref<16x128xf32, #tpu.memory_space<vmem>>, vector<1x16xf32>,
    %swap3A_2024 = arith.constant 6 : i32
    %swap3A_2025 = arith.index_cast %swap3A_2024 : i32 to index
    %swap3A_2026 = arith.constant 48 : index
    %swap3A_2027 = tpu.vector_load %arg7[%swap3A_2025, %swap3A_2026] {strides = array<i32>} : memref<16x128xf32, #tpu.memory_space<vmem>>, vector<1x16xf32>,
    %swap3A_2028 = vector.shape_cast %swap3A_2027 : vector<1x16xf32> to vector<16xf32>
    %swap3A_2029 = vector.shape_cast %while3A_2005#3 : vector<16xf32> to vector<1x16xf32>
    tpu.vector_store %arg7[%swap3A_2025, %swap3A_2026], %swap3A_2029 {strides = array<i32>} : memref<16x128xf32, #tpu.memory_space<vmem>>, vector<1x16xf32>,
    %swap3A_2030 = arith.constant 6 : i32
    %swap3A_2031 = arith.index_cast %swap3A_2030 : i32 to index
    %swap3A_2032 = arith.constant 64 : index
    %swap3A_2033 = tpu.vector_load %arg7[%swap3A_2031, %swap3A_2032] {strides = array<i32>} : memref<16x128xf32, #tpu.memory_space<vmem>>, vector<1x16xf32>,
    %swap3A_2034 = vector.shape_cast %swap3A_2033 : vector<1x16xf32> to vector<16xf32>
    %swap3A_2035 = vector.shape_cast %while3A_2005#4 : vector<16xf32> to vector<1x16xf32>
    tpu.vector_store %arg7[%swap3A_2031, %swap3A_2032], %swap3A_2035 {strides = array<i32>} : memref<16x128xf32, #tpu.memory_space<vmem>>, vector<1x16xf32>,
    %swap3A_2036 = arith.constant 6 : i32
    %swap3A_2037 = arith.index_cast %swap3A_2036 : i32 to index
    %swap3A_2038 = arith.constant 80 : index
    %swap3A_2039 = tpu.vector_load %arg7[%swap3A_2037, %swap3A_2038] {strides = array<i32>} : memref<16x128xf32, #tpu.memory_space<vmem>>, vector<1x16xf32>,
    %swap3A_2040 = vector.shape_cast %swap3A_2039 : vector<1x16xf32> to vector<16xf32>
    %swap3A_2041 = vector.shape_cast %while3A_2005#5 : vector<16xf32> to vector<1x16xf32>
    tpu.vector_store %arg7[%swap3A_2037, %swap3A_2038], %swap3A_2041 {strides = array<i32>} : memref<16x128xf32, #tpu.memory_space<vmem>>, vector<1x16xf32>,
    %swap3A_2042 = arith.constant 6 : i32
    %swap3A_2043 = arith.index_cast %swap3A_2042 : i32 to index
    %swap3A_2044 = arith.constant 96 : index
    %swap3A_2045 = tpu.vector_load %arg7[%swap3A_2043, %swap3A_2044] {strides = array<i32>} : memref<16x128xf32, #tpu.memory_space<vmem>>, vector<1x16xf32>,
    %swap3A_2046 = vector.shape_cast %swap3A_2045 : vector<1x16xf32> to vector<16xf32>
    %swap3A_2047 = vector.shape_cast %while3A_2005#6 : vector<16xf32> to vector<1x16xf32>
    tpu.vector_store %arg7[%swap3A_2043, %swap3A_2044], %swap3A_2047 {strides = array<i32>} : memref<16x128xf32, #tpu.memory_space<vmem>>, vector<1x16xf32>,
    %swap3A_2048 = arith.constant 6 : i32
    %swap3A_2049 = arith.index_cast %swap3A_2048 : i32 to index
    %swap3A_2050 = arith.constant 112 : index
    %swap3A_2051 = tpu.vector_load %arg7[%swap3A_2049, %swap3A_2050] {strides = array<i32>} : memref<16x128xf32, #tpu.memory_space<vmem>>, vector<1x16xf32>,
    %swap3A_2052 = vector.shape_cast %swap3A_2051 : vector<1x16xf32> to vector<16xf32>
    %swap3A_2053 = vector.shape_cast %while3A_2005#7 : vector<16xf32> to vector<1x16xf32>
    tpu.vector_store %arg7[%swap3A_2049, %swap3A_2050], %swap3A_2053 {strides = array<i32>} : memref<16x128xf32, #tpu.memory_space<vmem>>, vector<1x16xf32>,
    %while3A_2054 = arith.subi %add3A_1314, %add3A_1267 : i32
    %while3A_2055 = arith.addi %add3A_1267, %while3A_2054 : i32
    %while3A_2056 = arith.constant 1 : i32
    %while3A_2057 = arith.divsi %while3A_2054, %while3A_2056 : i32
    %while3A_2058 = arith.muli %while3A_2057, %while3A_2056 : i32
    %while3A_2059 = arith.addi %add3A_1267, %while3A_2058 : i32
    %while3A_2060 = arith.constant 1 : i32
    %while3A_2061:8 = scf.for %while3A_2577 = %add3A_1267 to %while3A_2059 step %while3A_2060 iter_args(%while3A_2578 = %broadcast_in_dim3A_1648, %while3A_2579 = %broadcast_in_dim3A_1648, %while3A_2580 = %broadcast_in_dim3A_1648, %while3A_2581 = %broadcast_in_dim3A_1648, %while3A_2582 = %broadcast_in_dim3A_1648, %while3A_2583 = %broadcast_in_dim3A_1648, %while3A_2584 = %broadcast_in_dim3A_1648, %while3A_2585 = %broadcast_in_dim3A_1648) -> (vector<16xf32>, vector<16xf32>, vector<16xf32>, vector<16xf32>, vector<16xf32>, vector<16xf32>, vector<16xf32>, vector<16xf32>)  : i32 {
      %get3A_2586 = arith.index_cast %while3A_2577 : i32 to index
      %get3A_2587 = arith.constant 0 : index
      %get3A_2588 = tpu.vector_load %arg5[%get3A_2586, %get3A_2587] {strides = array<i32>} : memref<192x128xf32, #tpu.memory_space<vmem>>, vector<1x16xf32>,
      %get3A_2589 = vector.shape_cast %get3A_2588 : vector<1x16xf32> to vector<16xf32>
      %add3A_2590 = arith.addf %while3A_2578, %get3A_2589 : vector<16xf32>
      %get3A_2591 = arith.index_cast %while3A_2577 : i32 to index
      %get3A_2592 = arith.constant 16 : index
      %get3A_2593 = tpu.vector_load %arg5[%get3A_2591, %get3A_2592] {strides = array<i32>} : memref<192x128xf32, #tpu.memory_space<vmem>>, vector<1x16xf32>,
      %get3A_2594 = vector.shape_cast %get3A_2593 : vector<1x16xf32> to vector<16xf32>
      %add3A_2595 = arith.addf %while3A_2579, %get3A_2594 : vector<16xf32>
      %get3A_2596 = arith.index_cast %while3A_2577 : i32 to index
      %get3A_2597 = arith.constant 32 : index
      %get3A_2598 = tpu.vector_load %arg5[%get3A_2596, %get3A_2597] {strides = array<i32>} : memref<192x128xf32, #tpu.memory_space<vmem>>, vector<1x16xf32>,
      %get3A_2599 = vector.shape_cast %get3A_2598 : vector<1x16xf32> to vector<16xf32>
      %add3A_2600 = arith.addf %while3A_2580, %get3A_2599 : vector<16xf32>
      %get3A_2601 = arith.index_cast %while3A_2577 : i32 to index
      %get3A_2602 = arith.constant 48 : index
      %get3A_2603 = tpu.vector_load %arg5[%get3A_2601, %get3A_2602] {strides = array<i32>} : memref<192x128xf32, #tpu.memory_space<vmem>>, vector<1x16xf32>,
      %get3A_2604 = vector.shape_cast %get3A_2603 : vector<1x16xf32> to vector<16xf32>
      %add3A_2605 = arith.addf %while3A_2581, %get3A_2604 : vector<16xf32>
      %get3A_2606 = arith.index_cast %while3A_2577 : i32 to index
      %get3A_2607 = arith.constant 64 : index
      %get3A_2608 = tpu.vector_load %arg5[%get3A_2606, %get3A_2607] {strides = array<i32>} : memref<192x128xf32, #tpu.memory_space<vmem>>, vector<1x16xf32>,
      %get3A_2609 = vector.shape_cast %get3A_2608 : vector<1x16xf32> to vector<16xf32>
      %add3A_2610 = arith.addf %while3A_2582, %get3A_2609 : vector<16xf32>
      %get3A_2611 = arith.index_cast %while3A_2577 : i32 to index
      %get3A_2612 = arith.constant 80 : index
      %get3A_2613 = tpu.vector_load %arg5[%get3A_2611, %get3A_2612] {strides = array<i32>} : memref<192x128xf32, #tpu.memory_space<vmem>>, vector<1x16xf32>,
      %get3A_2614 = vector.shape_cast %get3A_2613 : vector<1x16xf32> to vector<16xf32>
      %add3A_2615 = arith.addf %while3A_2583, %get3A_2614 : vector<16xf32>
      %get3A_2616 = arith.index_cast %while3A_2577 : i32 to index
      %get3A_2617 = arith.constant 96 : index
      %get3A_2618 = tpu.vector_load %arg5[%get3A_2616, %get3A_2617] {strides = array<i32>} : memref<192x128xf32, #tpu.memory_space<vmem>>, vector<1x16xf32>,
      %get3A_2619 = vector.shape_cast %get3A_2618 : vector<1x16xf32> to vector<16xf32>
      %add3A_2620 = arith.addf %while3A_2584, %get3A_2619 : vector<16xf32>
      %get3A_2621 = arith.index_cast %while3A_2577 : i32 to index
      %get3A_2622 = arith.constant 112 : index
      %get3A_2623 = tpu.vector_load %arg5[%get3A_2621, %get3A_2622] {strides = array<i32>} : memref<192x128xf32, #tpu.memory_space<vmem>>, vector<1x16xf32>,
      %get3A_2624 = vector.shape_cast %get3A_2623 : vector<1x16xf32> to vector<16xf32>
      %add3A_2625 = arith.addf %while3A_2585, %get3A_2624 : vector<16xf32>
      scf.yield %add3A_2590, %add3A_2595, %add3A_2600, %add3A_2605, %add3A_2610, %add3A_2615, %add3A_2620, %add3A_2625 : vector<16xf32>, vector<16xf32>, vector<16xf32>, vector<16xf32>, vector<16xf32>, vector<16xf32>, vector<16xf32>, vector<16xf32>
    }
    %while3A_2062 = arith.constant 1 : i32
    %while3A_2063:8 = scf.for %while3A_2577 = %while3A_2059 to %while3A_2055 step %while3A_2062 iter_args(%while3A_2578 = %while3A_2061#0, %while3A_2579 = %while3A_2061#1, %while3A_2580 = %while3A_2061#2, %while3A_2581 = %while3A_2061#3, %while3A_2582 = %while3A_2061#4, %while3A_2583 = %while3A_2061#5, %while3A_2584 = %while3A_2061#6, %while3A_2585 = %while3A_2061#7) -> (vector<16xf32>, vector<16xf32>, vector<16xf32>, vector<16xf32>, vector<16xf32>, vector<16xf32>, vector<16xf32>, vector<16xf32>)  : i32 {
      %get3A_2586 = arith.index_cast %while3A_2577 : i32 to index
      %get3A_2587 = arith.constant 0 : index
      %get3A_2588 = tpu.vector_load %arg5[%get3A_2586, %get3A_2587] {strides = array<i32>} : memref<192x128xf32, #tpu.memory_space<vmem>>, vector<1x16xf32>,
      %get3A_2589 = vector.shape_cast %get3A_2588 : vector<1x16xf32> to vector<16xf32>
      %add3A_2590 = arith.addf %while3A_2578, %get3A_2589 : vector<16xf32>
      %get3A_2591 = arith.index_cast %while3A_2577 : i32 to index
      %get3A_2592 = arith.constant 16 : index
      %get3A_2593 = tpu.vector_load %arg5[%get3A_2591, %get3A_2592] {strides = array<i32>} : memref<192x128xf32, #tpu.memory_space<vmem>>, vector<1x16xf32>,
      %get3A_2594 = vector.shape_cast %get3A_2593 : vector<1x16xf32> to vector<16xf32>
      %add3A_2595 = arith.addf %while3A_2579, %get3A_2594 : vector<16xf32>
      %get3A_2596 = arith.index_cast %while3A_2577 : i32 to index
      %get3A_2597 = arith.constant 32 : index
      %get3A_2598 = tpu.vector_load %arg5[%get3A_2596, %get3A_2597] {strides = array<i32>} : memref<192x128xf32, #tpu.memory_space<vmem>>, vector<1x16xf32>,
      %get3A_2599 = vector.shape_cast %get3A_2598 : vector<1x16xf32> to vector<16xf32>
      %add3A_2600 = arith.addf %while3A_2580, %get3A_2599 : vector<16xf32>
      %get3A_2601 = arith.index_cast %while3A_2577 : i32 to index
      %get3A_2602 = arith.constant 48 : index
      %get3A_2603 = tpu.vector_load %arg5[%get3A_2601, %get3A_2602] {strides = array<i32>} : memref<192x128xf32, #tpu.memory_space<vmem>>, vector<1x16xf32>,
      %get3A_2604 = vector.shape_cast %get3A_2603 : vector<1x16xf32> to vector<16xf32>
      %add3A_2605 = arith.addf %while3A_2581, %get3A_2604 : vector<16xf32>
      %get3A_2606 = arith.index_cast %while3A_2577 : i32 to index
      %get3A_2607 = arith.constant 64 : index
      %get3A_2608 = tpu.vector_load %arg5[%get3A_2606, %get3A_2607] {strides = array<i32>} : memref<192x128xf32, #tpu.memory_space<vmem>>, vector<1x16xf32>,
      %get3A_2609 = vector.shape_cast %get3A_2608 : vector<1x16xf32> to vector<16xf32>
      %add3A_2610 = arith.addf %while3A_2582, %get3A_2609 : vector<16xf32>
      %get3A_2611 = arith.index_cast %while3A_2577 : i32 to index
      %get3A_2612 = arith.constant 80 : index
      %get3A_2613 = tpu.vector_load %arg5[%get3A_2611, %get3A_2612] {strides = array<i32>} : memref<192x128xf32, #tpu.memory_space<vmem>>, vector<1x16xf32>,
      %get3A_2614 = vector.shape_cast %get3A_2613 : vector<1x16xf32> to vector<16xf32>
      %add3A_2615 = arith.addf %while3A_2583, %get3A_2614 : vector<16xf32>
      %get3A_2616 = arith.index_cast %while3A_2577 : i32 to index
      %get3A_2617 = arith.constant 96 : index
      %get3A_2618 = tpu.vector_load %arg5[%get3A_2616, %get3A_2617] {strides = array<i32>} : memref<192x128xf32, #tpu.memory_space<vmem>>, vector<1x16xf32>,
      %get3A_2619 = vector.shape_cast %get3A_2618 : vector<1x16xf32> to vector<16xf32>
      %add3A_2620 = arith.addf %while3A_2584, %get3A_2619 : vector<16xf32>
      %get3A_2621 = arith.index_cast %while3A_2577 : i32 to index
      %get3A_2622 = arith.constant 112 : index
      %get3A_2623 = tpu.vector_load %arg5[%get3A_2621, %get3A_2622] {strides = array<i32>} : memref<192x128xf32, #tpu.memory_space<vmem>>, vector<1x16xf32>,
      %get3A_2624 = vector.shape_cast %get3A_2623 : vector<1x16xf32> to vector<16xf32>
      %add3A_2625 = arith.addf %while3A_2585, %get3A_2624 : vector<16xf32>
      scf.yield %add3A_2590, %add3A_2595, %add3A_2600, %add3A_2605, %add3A_2610, %add3A_2615, %add3A_2620, %add3A_2625 : vector<16xf32>, vector<16xf32>, vector<16xf32>, vector<16xf32>, vector<16xf32>, vector<16xf32>, vector<16xf32>, vector<16xf32>
    }
    %swap3A_2064 = arith.constant 7 : i32
    %swap3A_2065 = arith.index_cast %swap3A_2064 : i32 to index
    %swap3A_2066 = arith.constant 0 : index
    %swap3A_2067 = tpu.vector_load %arg7[%swap3A_2065, %swap3A_2066] {strides = array<i32>} : memref<16x128xf32, #tpu.memory_space<vmem>>, vector<1x16xf32>,
    %swap3A_2068 = vector.shape_cast %swap3A_2067 : vector<1x16xf32> to vector<16xf32>
    %swap3A_2069 = vector.shape_cast %while3A_2063#0 : vector<16xf32> to vector<1x16xf32>
    tpu.vector_store %arg7[%swap3A_2065, %swap3A_2066], %swap3A_2069 {strides = array<i32>} : memref<16x128xf32, #tpu.memory_space<vmem>>, vector<1x16xf32>,
    %swap3A_2070 = arith.constant 7 : i32
    %swap3A_2071 = arith.index_cast %swap3A_2070 : i32 to index
    %swap3A_2072 = arith.constant 16 : index
    %swap3A_2073 = tpu.vector_load %arg7[%swap3A_2071, %swap3A_2072] {strides = array<i32>} : memref<16x128xf32, #tpu.memory_space<vmem>>, vector<1x16xf32>,
    %swap3A_2074 = vector.shape_cast %swap3A_2073 : vector<1x16xf32> to vector<16xf32>
    %swap3A_2075 = vector.shape_cast %while3A_2063#1 : vector<16xf32> to vector<1x16xf32>
    tpu.vector_store %arg7[%swap3A_2071, %swap3A_2072], %swap3A_2075 {strides = array<i32>} : memref<16x128xf32, #tpu.memory_space<vmem>>, vector<1x16xf32>,
    %swap3A_2076 = arith.constant 7 : i32
    %swap3A_2077 = arith.index_cast %swap3A_2076 : i32 to index
    %swap3A_2078 = arith.constant 32 : index
    %swap3A_2079 = tpu.vector_load %arg7[%swap3A_2077, %swap3A_2078] {strides = array<i32>} : memref<16x128xf32, #tpu.memory_space<vmem>>, vector<1x16xf32>,
    %swap3A_2080 = vector.shape_cast %swap3A_2079 : vector<1x16xf32> to vector<16xf32>
    %swap3A_2081 = vector.shape_cast %while3A_2063#2 : vector<16xf32> to vector<1x16xf32>
    tpu.vector_store %arg7[%swap3A_2077, %swap3A_2078], %swap3A_2081 {strides = array<i32>} : memref<16x128xf32, #tpu.memory_space<vmem>>, vector<1x16xf32>,
    %swap3A_2082 = arith.constant 7 : i32
    %swap3A_2083 = arith.index_cast %swap3A_2082 : i32 to index
    %swap3A_2084 = arith.constant 48 : index
    %swap3A_2085 = tpu.vector_load %arg7[%swap3A_2083, %swap3A_2084] {strides = array<i32>} : memref<16x128xf32, #tpu.memory_space<vmem>>, vector<1x16xf32>,
    %swap3A_2086 = vector.shape_cast %swap3A_2085 : vector<1x16xf32> to vector<16xf32>
    %swap3A_2087 = vector.shape_cast %while3A_2063#3 : vector<16xf32> to vector<1x16xf32>
    tpu.vector_store %arg7[%swap3A_2083, %swap3A_2084], %swap3A_2087 {strides = array<i32>} : memref<16x128xf32, #tpu.memory_space<vmem>>, vector<1x16xf32>,
    %swap3A_2088 = arith.constant 7 : i32
    %swap3A_2089 = arith.index_cast %swap3A_2088 : i32 to index
    %swap3A_2090 = arith.constant 64 : index
    %swap3A_2091 = tpu.vector_load %arg7[%swap3A_2089, %swap3A_2090] {strides = array<i32>} : memref<16x128xf32, #tpu.memory_space<vmem>>, vector<1x16xf32>,
    %swap3A_2092 = vector.shape_cast %swap3A_2091 : vector<1x16xf32> to vector<16xf32>
    %swap3A_2093 = vector.shape_cast %while3A_2063#4 : vector<16xf32> to vector<1x16xf32>
    tpu.vector_store %arg7[%swap3A_2089, %swap3A_2090], %swap3A_2093 {strides = array<i32>} : memref<16x128xf32, #tpu.memory_space<vmem>>, vector<1x16xf32>,
    %swap3A_2094 = arith.constant 7 : i32
    %swap3A_2095 = arith.index_cast %swap3A_2094 : i32 to index
    %swap3A_2096 = arith.constant 80 : index
    %swap3A_2097 = tpu.vector_load %arg7[%swap3A_2095, %swap3A_2096] {strides = array<i32>} : memref<16x128xf32, #tpu.memory_space<vmem>>, vector<1x16xf32>,
    %swap3A_2098 = vector.shape_cast %swap3A_2097 : vector<1x16xf32> to vector<16xf32>
    %swap3A_2099 = vector.shape_cast %while3A_2063#5 : vector<16xf32> to vector<1x16xf32>
    tpu.vector_store %arg7[%swap3A_2095, %swap3A_2096], %swap3A_2099 {strides = array<i32>} : memref<16x128xf32, #tpu.memory_space<vmem>>, vector<1x16xf32>,
    %swap3A_2100 = arith.constant 7 : i32
    %swap3A_2101 = arith.index_cast %swap3A_2100 : i32 to index
    %swap3A_2102 = arith.constant 96 : index
    %swap3A_2103 = tpu.vector_load %arg7[%swap3A_2101, %swap3A_2102] {strides = array<i32>} : memref<16x128xf32, #tpu.memory_space<vmem>>, vector<1x16xf32>,
    %swap3A_2104 = vector.shape_cast %swap3A_2103 : vector<1x16xf32> to vector<16xf32>
    %swap3A_2105 = vector.shape_cast %while3A_2063#6 : vector<16xf32> to vector<1x16xf32>
    tpu.vector_store %arg7[%swap3A_2101, %swap3A_2102], %swap3A_2105 {strides = array<i32>} : memref<16x128xf32, #tpu.memory_space<vmem>>, vector<1x16xf32>,
    %swap3A_2106 = arith.constant 7 : i32
    %swap3A_2107 = arith.index_cast %swap3A_2106 : i32 to index
    %swap3A_2108 = arith.constant 112 : index
    %swap3A_2109 = tpu.vector_load %arg7[%swap3A_2107, %swap3A_2108] {strides = array<i32>} : memref<16x128xf32, #tpu.memory_space<vmem>>, vector<1x16xf32>,
    %swap3A_2110 = vector.shape_cast %swap3A_2109 : vector<1x16xf32> to vector<16xf32>
    %swap3A_2111 = vector.shape_cast %while3A_2063#7 : vector<16xf32> to vector<1x16xf32>
    tpu.vector_store %arg7[%swap3A_2107, %swap3A_2108], %swap3A_2111 {strides = array<i32>} : memref<16x128xf32, #tpu.memory_space<vmem>>, vector<1x16xf32>,
    %while3A_2112 = arith.subi %add3A_1361, %add3A_1314 : i32
    %while3A_2113 = arith.addi %add3A_1314, %while3A_2112 : i32
    %while3A_2114 = arith.constant 1 : i32
    %while3A_2115 = arith.divsi %while3A_2112, %while3A_2114 : i32
    %while3A_2116 = arith.muli %while3A_2115, %while3A_2114 : i32
    %while3A_2117 = arith.addi %add3A_1314, %while3A_2116 : i32
    %while3A_2118 = arith.constant 1 : i32
    %while3A_2119:8 = scf.for %while3A_2577 = %add3A_1314 to %while3A_2117 step %while3A_2118 iter_args(%while3A_2578 = %broadcast_in_dim3A_1648, %while3A_2579 = %broadcast_in_dim3A_1648, %while3A_2580 = %broadcast_in_dim3A_1648, %while3A_2581 = %broadcast_in_dim3A_1648, %while3A_2582 = %broadcast_in_dim3A_1648, %while3A_2583 = %broadcast_in_dim3A_1648, %while3A_2584 = %broadcast_in_dim3A_1648, %while3A_2585 = %broadcast_in_dim3A_1648) -> (vector<16xf32>, vector<16xf32>, vector<16xf32>, vector<16xf32>, vector<16xf32>, vector<16xf32>, vector<16xf32>, vector<16xf32>)  : i32 {
      %get3A_2586 = arith.index_cast %while3A_2577 : i32 to index
      %get3A_2587 = arith.constant 0 : index
      %get3A_2588 = tpu.vector_load %arg5[%get3A_2586, %get3A_2587] {strides = array<i32>} : memref<192x128xf32, #tpu.memory_space<vmem>>, vector<1x16xf32>,
      %get3A_2589 = vector.shape_cast %get3A_2588 : vector<1x16xf32> to vector<16xf32>
      %add3A_2590 = arith.addf %while3A_2578, %get3A_2589 : vector<16xf32>
      %get3A_2591 = arith.index_cast %while3A_2577 : i32 to index
      %get3A_2592 = arith.constant 16 : index
      %get3A_2593 = tpu.vector_load %arg5[%get3A_2591, %get3A_2592] {strides = array<i32>} : memref<192x128xf32, #tpu.memory_space<vmem>>, vector<1x16xf32>,
      %get3A_2594 = vector.shape_cast %get3A_2593 : vector<1x16xf32> to vector<16xf32>
      %add3A_2595 = arith.addf %while3A_2579, %get3A_2594 : vector<16xf32>
      %get3A_2596 = arith.index_cast %while3A_2577 : i32 to index
      %get3A_2597 = arith.constant 32 : index
      %get3A_2598 = tpu.vector_load %arg5[%get3A_2596, %get3A_2597] {strides = array<i32>} : memref<192x128xf32, #tpu.memory_space<vmem>>, vector<1x16xf32>,
      %get3A_2599 = vector.shape_cast %get3A_2598 : vector<1x16xf32> to vector<16xf32>
      %add3A_2600 = arith.addf %while3A_2580, %get3A_2599 : vector<16xf32>
      %get3A_2601 = arith.index_cast %while3A_2577 : i32 to index
      %get3A_2602 = arith.constant 48 : index
      %get3A_2603 = tpu.vector_load %arg5[%get3A_2601, %get3A_2602] {strides = array<i32>} : memref<192x128xf32, #tpu.memory_space<vmem>>, vector<1x16xf32>,
      %get3A_2604 = vector.shape_cast %get3A_2603 : vector<1x16xf32> to vector<16xf32>
      %add3A_2605 = arith.addf %while3A_2581, %get3A_2604 : vector<16xf32>
      %get3A_2606 = arith.index_cast %while3A_2577 : i32 to index
      %get3A_2607 = arith.constant 64 : index
      %get3A_2608 = tpu.vector_load %arg5[%get3A_2606, %get3A_2607] {strides = array<i32>} : memref<192x128xf32, #tpu.memory_space<vmem>>, vector<1x16xf32>,
      %get3A_2609 = vector.shape_cast %get3A_2608 : vector<1x16xf32> to vector<16xf32>
      %add3A_2610 = arith.addf %while3A_2582, %get3A_2609 : vector<16xf32>
      %get3A_2611 = arith.index_cast %while3A_2577 : i32 to index
      %get3A_2612 = arith.constant 80 : index
      %get3A_2613 = tpu.vector_load %arg5[%get3A_2611, %get3A_2612] {strides = array<i32>} : memref<192x128xf32, #tpu.memory_space<vmem>>, vector<1x16xf32>,
      %get3A_2614 = vector.shape_cast %get3A_2613 : vector<1x16xf32> to vector<16xf32>
      %add3A_2615 = arith.addf %while3A_2583, %get3A_2614 : vector<16xf32>
      %get3A_2616 = arith.index_cast %while3A_2577 : i32 to index
      %get3A_2617 = arith.constant 96 : index
      %get3A_2618 = tpu.vector_load %arg5[%get3A_2616, %get3A_2617] {strides = array<i32>} : memref<192x128xf32, #tpu.memory_space<vmem>>, vector<1x16xf32>,
      %get3A_2619 = vector.shape_cast %get3A_2618 : vector<1x16xf32> to vector<16xf32>
      %add3A_2620 = arith.addf %while3A_2584, %get3A_2619 : vector<16xf32>
      %get3A_2621 = arith.index_cast %while3A_2577 : i32 to index
      %get3A_2622 = arith.constant 112 : index
      %get3A_2623 = tpu.vector_load %arg5[%get3A_2621, %get3A_2622] {strides = array<i32>} : memref<192x128xf32, #tpu.memory_space<vmem>>, vector<1x16xf32>,
      %get3A_2624 = vector.shape_cast %get3A_2623 : vector<1x16xf32> to vector<16xf32>
      %add3A_2625 = arith.addf %while3A_2585, %get3A_2624 : vector<16xf32>
      scf.yield %add3A_2590, %add3A_2595, %add3A_2600, %add3A_2605, %add3A_2610, %add3A_2615, %add3A_2620, %add3A_2625 : vector<16xf32>, vector<16xf32>, vector<16xf32>, vector<16xf32>, vector<16xf32>, vector<16xf32>, vector<16xf32>, vector<16xf32>
    }
    %while3A_2120 = arith.constant 1 : i32
    %while3A_2121:8 = scf.for %while3A_2577 = %while3A_2117 to %while3A_2113 step %while3A_2120 iter_args(%while3A_2578 = %while3A_2119#0, %while3A_2579 = %while3A_2119#1, %while3A_2580 = %while3A_2119#2, %while3A_2581 = %while3A_2119#3, %while3A_2582 = %while3A_2119#4, %while3A_2583 = %while3A_2119#5, %while3A_2584 = %while3A_2119#6, %while3A_2585 = %while3A_2119#7) -> (vector<16xf32>, vector<16xf32>, vector<16xf32>, vector<16xf32>, vector<16xf32>, vector<16xf32>, vector<16xf32>, vector<16xf32>)  : i32 {
      %get3A_2586 = arith.index_cast %while3A_2577 : i32 to index
      %get3A_2587 = arith.constant 0 : index
      %get3A_2588 = tpu.vector_load %arg5[%get3A_2586, %get3A_2587] {strides = array<i32>} : memref<192x128xf32, #tpu.memory_space<vmem>>, vector<1x16xf32>,
      %get3A_2589 = vector.shape_cast %get3A_2588 : vector<1x16xf32> to vector<16xf32>
      %add3A_2590 = arith.addf %while3A_2578, %get3A_2589 : vector<16xf32>
      %get3A_2591 = arith.index_cast %while3A_2577 : i32 to index
      %get3A_2592 = arith.constant 16 : index
      %get3A_2593 = tpu.vector_load %arg5[%get3A_2591, %get3A_2592] {strides = array<i32>} : memref<192x128xf32, #tpu.memory_space<vmem>>, vector<1x16xf32>,
      %get3A_2594 = vector.shape_cast %get3A_2593 : vector<1x16xf32> to vector<16xf32>
      %add3A_2595 = arith.addf %while3A_2579, %get3A_2594 : vector<16xf32>
      %get3A_2596 = arith.index_cast %while3A_2577 : i32 to index
      %get3A_2597 = arith.constant 32 : index
      %get3A_2598 = tpu.vector_load %arg5[%get3A_2596, %get3A_2597] {strides = array<i32>} : memref<192x128xf32, #tpu.memory_space<vmem>>, vector<1x16xf32>,
      %get3A_2599 = vector.shape_cast %get3A_2598 : vector<1x16xf32> to vector<16xf32>
      %add3A_2600 = arith.addf %while3A_2580, %get3A_2599 : vector<16xf32>
      %get3A_2601 = arith.index_cast %while3A_2577 : i32 to index
      %get3A_2602 = arith.constant 48 : index
      %get3A_2603 = tpu.vector_load %arg5[%get3A_2601, %get3A_2602] {strides = array<i32>} : memref<192x128xf32, #tpu.memory_space<vmem>>, vector<1x16xf32>,
      %get3A_2604 = vector.shape_cast %get3A_2603 : vector<1x16xf32> to vector<16xf32>
      %add3A_2605 = arith.addf %while3A_2581, %get3A_2604 : vector<16xf32>
      %get3A_2606 = arith.index_cast %while3A_2577 : i32 to index
      %get3A_2607 = arith.constant 64 : index
      %get3A_2608 = tpu.vector_load %arg5[%get3A_2606, %get3A_2607] {strides = array<i32>} : memref<192x128xf32, #tpu.memory_space<vmem>>, vector<1x16xf32>,
      %get3A_2609 = vector.shape_cast %get3A_2608 : vector<1x16xf32> to vector<16xf32>
      %add3A_2610 = arith.addf %while3A_2582, %get3A_2609 : vector<16xf32>
      %get3A_2611 = arith.index_cast %while3A_2577 : i32 to index
      %get3A_2612 = arith.constant 80 : index
      %get3A_2613 = tpu.vector_load %arg5[%get3A_2611, %get3A_2612] {strides = array<i32>} : memref<192x128xf32, #tpu.memory_space<vmem>>, vector<1x16xf32>,
      %get3A_2614 = vector.shape_cast %get3A_2613 : vector<1x16xf32> to vector<16xf32>
      %add3A_2615 = arith.addf %while3A_2583, %get3A_2614 : vector<16xf32>
      %get3A_2616 = arith.index_cast %while3A_2577 : i32 to index
      %get3A_2617 = arith.constant 96 : index
      %get3A_2618 = tpu.vector_load %arg5[%get3A_2616, %get3A_2617] {strides = array<i32>} : memref<192x128xf32, #tpu.memory_space<vmem>>, vector<1x16xf32>,
      %get3A_2619 = vector.shape_cast %get3A_2618 : vector<1x16xf32> to vector<16xf32>
      %add3A_2620 = arith.addf %while3A_2584, %get3A_2619 : vector<16xf32>
      %get3A_2621 = arith.index_cast %while3A_2577 : i32 to index
      %get3A_2622 = arith.constant 112 : index
      %get3A_2623 = tpu.vector_load %arg5[%get3A_2621, %get3A_2622] {strides = array<i32>} : memref<192x128xf32, #tpu.memory_space<vmem>>, vector<1x16xf32>,
      %get3A_2624 = vector.shape_cast %get3A_2623 : vector<1x16xf32> to vector<16xf32>
      %add3A_2625 = arith.addf %while3A_2585, %get3A_2624 : vector<16xf32>
      scf.yield %add3A_2590, %add3A_2595, %add3A_2600, %add3A_2605, %add3A_2610, %add3A_2615, %add3A_2620, %add3A_2625 : vector<16xf32>, vector<16xf32>, vector<16xf32>, vector<16xf32>, vector<16xf32>, vector<16xf32>, vector<16xf32>, vector<16xf32>
    }
    %swap3A_2122 = arith.constant 8 : i32
    %swap3A_2123 = arith.index_cast %swap3A_2122 : i32 to index
    %swap3A_2124 = arith.constant 0 : index
    %swap3A_2125 = tpu.vector_load %arg7[%swap3A_2123, %swap3A_2124] {strides = array<i32>} : memref<16x128xf32, #tpu.memory_space<vmem>>, vector<1x16xf32>,
    %swap3A_2126 = vector.shape_cast %swap3A_2125 : vector<1x16xf32> to vector<16xf32>
    %swap3A_2127 = vector.shape_cast %while3A_2121#0 : vector<16xf32> to vector<1x16xf32>
    tpu.vector_store %arg7[%swap3A_2123, %swap3A_2124], %swap3A_2127 {strides = array<i32>} : memref<16x128xf32, #tpu.memory_space<vmem>>, vector<1x16xf32>,
    %swap3A_2128 = arith.constant 8 : i32
    %swap3A_2129 = arith.index_cast %swap3A_2128 : i32 to index
    %swap3A_2130 = arith.constant 16 : index
    %swap3A_2131 = tpu.vector_load %arg7[%swap3A_2129, %swap3A_2130] {strides = array<i32>} : memref<16x128xf32, #tpu.memory_space<vmem>>, vector<1x16xf32>,
    %swap3A_2132 = vector.shape_cast %swap3A_2131 : vector<1x16xf32> to vector<16xf32>
    %swap3A_2133 = vector.shape_cast %while3A_2121#1 : vector<16xf32> to vector<1x16xf32>
    tpu.vector_store %arg7[%swap3A_2129, %swap3A_2130], %swap3A_2133 {strides = array<i32>} : memref<16x128xf32, #tpu.memory_space<vmem>>, vector<1x16xf32>,
    %swap3A_2134 = arith.constant 8 : i32
    %swap3A_2135 = arith.index_cast %swap3A_2134 : i32 to index
    %swap3A_2136 = arith.constant 32 : index
    %swap3A_2137 = tpu.vector_load %arg7[%swap3A_2135, %swap3A_2136] {strides = array<i32>} : memref<16x128xf32, #tpu.memory_space<vmem>>, vector<1x16xf32>,
    %swap3A_2138 = vector.shape_cast %swap3A_2137 : vector<1x16xf32> to vector<16xf32>
    %swap3A_2139 = vector.shape_cast %while3A_2121#2 : vector<16xf32> to vector<1x16xf32>
    tpu.vector_store %arg7[%swap3A_2135, %swap3A_2136], %swap3A_2139 {strides = array<i32>} : memref<16x128xf32, #tpu.memory_space<vmem>>, vector<1x16xf32>,
    %swap3A_2140 = arith.constant 8 : i32
    %swap3A_2141 = arith.index_cast %swap3A_2140 : i32 to index
    %swap3A_2142 = arith.constant 48 : index
    %swap3A_2143 = tpu.vector_load %arg7[%swap3A_2141, %swap3A_2142] {strides = array<i32>} : memref<16x128xf32, #tpu.memory_space<vmem>>, vector<1x16xf32>,
    %swap3A_2144 = vector.shape_cast %swap3A_2143 : vector<1x16xf32> to vector<16xf32>
    %swap3A_2145 = vector.shape_cast %while3A_2121#3 : vector<16xf32> to vector<1x16xf32>
    tpu.vector_store %arg7[%swap3A_2141, %swap3A_2142], %swap3A_2145 {strides = array<i32>} : memref<16x128xf32, #tpu.memory_space<vmem>>, vector<1x16xf32>,
    %swap3A_2146 = arith.constant 8 : i32
    %swap3A_2147 = arith.index_cast %swap3A_2146 : i32 to index
    %swap3A_2148 = arith.constant 64 : index
    %swap3A_2149 = tpu.vector_load %arg7[%swap3A_2147, %swap3A_2148] {strides = array<i32>} : memref<16x128xf32, #tpu.memory_space<vmem>>, vector<1x16xf32>,
    %swap3A_2150 = vector.shape_cast %swap3A_2149 : vector<1x16xf32> to vector<16xf32>
    %swap3A_2151 = vector.shape_cast %while3A_2121#4 : vector<16xf32> to vector<1x16xf32>
    tpu.vector_store %arg7[%swap3A_2147, %swap3A_2148], %swap3A_2151 {strides = array<i32>} : memref<16x128xf32, #tpu.memory_space<vmem>>, vector<1x16xf32>,
    %swap3A_2152 = arith.constant 8 : i32
    %swap3A_2153 = arith.index_cast %swap3A_2152 : i32 to index
    %swap3A_2154 = arith.constant 80 : index
    %swap3A_2155 = tpu.vector_load %arg7[%swap3A_2153, %swap3A_2154] {strides = array<i32>} : memref<16x128xf32, #tpu.memory_space<vmem>>, vector<1x16xf32>,
    %swap3A_2156 = vector.shape_cast %swap3A_2155 : vector<1x16xf32> to vector<16xf32>
    %swap3A_2157 = vector.shape_cast %while3A_2121#5 : vector<16xf32> to vector<1x16xf32>
    tpu.vector_store %arg7[%swap3A_2153, %swap3A_2154], %swap3A_2157 {strides = array<i32>} : memref<16x128xf32, #tpu.memory_space<vmem>>, vector<1x16xf32>,
    %swap3A_2158 = arith.constant 8 : i32
    %swap3A_2159 = arith.index_cast %swap3A_2158 : i32 to index
    %swap3A_2160 = arith.constant 96 : index
    %swap3A_2161 = tpu.vector_load %arg7[%swap3A_2159, %swap3A_2160] {strides = array<i32>} : memref<16x128xf32, #tpu.memory_space<vmem>>, vector<1x16xf32>,
    %swap3A_2162 = vector.shape_cast %swap3A_2161 : vector<1x16xf32> to vector<16xf32>
    %swap3A_2163 = vector.shape_cast %while3A_2121#6 : vector<16xf32> to vector<1x16xf32>
    tpu.vector_store %arg7[%swap3A_2159, %swap3A_2160], %swap3A_2163 {strides = array<i32>} : memref<16x128xf32, #tpu.memory_space<vmem>>, vector<1x16xf32>,
    %swap3A_2164 = arith.constant 8 : i32
    %swap3A_2165 = arith.index_cast %swap3A_2164 : i32 to index
    %swap3A_2166 = arith.constant 112 : index
    %swap3A_2167 = tpu.vector_load %arg7[%swap3A_2165, %swap3A_2166] {strides = array<i32>} : memref<16x128xf32, #tpu.memory_space<vmem>>, vector<1x16xf32>,
    %swap3A_2168 = vector.shape_cast %swap3A_2167 : vector<1x16xf32> to vector<16xf32>
    %swap3A_2169 = vector.shape_cast %while3A_2121#7 : vector<16xf32> to vector<1x16xf32>
    tpu.vector_store %arg7[%swap3A_2165, %swap3A_2166], %swap3A_2169 {strides = array<i32>} : memref<16x128xf32, #tpu.memory_space<vmem>>, vector<1x16xf32>,
    %while3A_2170 = arith.subi %add3A_1408, %add3A_1361 : i32
    %while3A_2171 = arith.addi %add3A_1361, %while3A_2170 : i32
    %while3A_2172 = arith.constant 1 : i32
    %while3A_2173 = arith.divsi %while3A_2170, %while3A_2172 : i32
    %while3A_2174 = arith.muli %while3A_2173, %while3A_2172 : i32
    %while3A_2175 = arith.addi %add3A_1361, %while3A_2174 : i32
    %while3A_2176 = arith.constant 1 : i32
    %while3A_2177:8 = scf.for %while3A_2577 = %add3A_1361 to %while3A_2175 step %while3A_2176 iter_args(%while3A_2578 = %broadcast_in_dim3A_1648, %while3A_2579 = %broadcast_in_dim3A_1648, %while3A_2580 = %broadcast_in_dim3A_1648, %while3A_2581 = %broadcast_in_dim3A_1648, %while3A_2582 = %broadcast_in_dim3A_1648, %while3A_2583 = %broadcast_in_dim3A_1648, %while3A_2584 = %broadcast_in_dim3A_1648, %while3A_2585 = %broadcast_in_dim3A_1648) -> (vector<16xf32>, vector<16xf32>, vector<16xf32>, vector<16xf32>, vector<16xf32>, vector<16xf32>, vector<16xf32>, vector<16xf32>)  : i32 {
      %get3A_2586 = arith.index_cast %while3A_2577 : i32 to index
      %get3A_2587 = arith.constant 0 : index
      %get3A_2588 = tpu.vector_load %arg5[%get3A_2586, %get3A_2587] {strides = array<i32>} : memref<192x128xf32, #tpu.memory_space<vmem>>, vector<1x16xf32>,
      %get3A_2589 = vector.shape_cast %get3A_2588 : vector<1x16xf32> to vector<16xf32>
      %add3A_2590 = arith.addf %while3A_2578, %get3A_2589 : vector<16xf32>
      %get3A_2591 = arith.index_cast %while3A_2577 : i32 to index
      %get3A_2592 = arith.constant 16 : index
      %get3A_2593 = tpu.vector_load %arg5[%get3A_2591, %get3A_2592] {strides = array<i32>} : memref<192x128xf32, #tpu.memory_space<vmem>>, vector<1x16xf32>,
      %get3A_2594 = vector.shape_cast %get3A_2593 : vector<1x16xf32> to vector<16xf32>
      %add3A_2595 = arith.addf %while3A_2579, %get3A_2594 : vector<16xf32>
      %get3A_2596 = arith.index_cast %while3A_2577 : i32 to index
      %get3A_2597 = arith.constant 32 : index
      %get3A_2598 = tpu.vector_load %arg5[%get3A_2596, %get3A_2597] {strides = array<i32>} : memref<192x128xf32, #tpu.memory_space<vmem>>, vector<1x16xf32>,
      %get3A_2599 = vector.shape_cast %get3A_2598 : vector<1x16xf32> to vector<16xf32>
      %add3A_2600 = arith.addf %while3A_2580, %get3A_2599 : vector<16xf32>
      %get3A_2601 = arith.index_cast %while3A_2577 : i32 to index
      %get3A_2602 = arith.constant 48 : index
      %get3A_2603 = tpu.vector_load %arg5[%get3A_2601, %get3A_2602] {strides = array<i32>} : memref<192x128xf32, #tpu.memory_space<vmem>>, vector<1x16xf32>,
      %get3A_2604 = vector.shape_cast %get3A_2603 : vector<1x16xf32> to vector<16xf32>
      %add3A_2605 = arith.addf %while3A_2581, %get3A_2604 : vector<16xf32>
      %get3A_2606 = arith.index_cast %while3A_2577 : i32 to index
      %get3A_2607 = arith.constant 64 : index
      %get3A_2608 = tpu.vector_load %arg5[%get3A_2606, %get3A_2607] {strides = array<i32>} : memref<192x128xf32, #tpu.memory_space<vmem>>, vector<1x16xf32>,
      %get3A_2609 = vector.shape_cast %get3A_2608 : vector<1x16xf32> to vector<16xf32>
      %add3A_2610 = arith.addf %while3A_2582, %get3A_2609 : vector<16xf32>
      %get3A_2611 = arith.index_cast %while3A_2577 : i32 to index
      %get3A_2612 = arith.constant 80 : index
      %get3A_2613 = tpu.vector_load %arg5[%get3A_2611, %get3A_2612] {strides = array<i32>} : memref<192x128xf32, #tpu.memory_space<vmem>>, vector<1x16xf32>,
      %get3A_2614 = vector.shape_cast %get3A_2613 : vector<1x16xf32> to vector<16xf32>
      %add3A_2615 = arith.addf %while3A_2583, %get3A_2614 : vector<16xf32>
      %get3A_2616 = arith.index_cast %while3A_2577 : i32 to index
      %get3A_2617 = arith.constant 96 : index
      %get3A_2618 = tpu.vector_load %arg5[%get3A_2616, %get3A_2617] {strides = array<i32>} : memref<192x128xf32, #tpu.memory_space<vmem>>, vector<1x16xf32>,
      %get3A_2619 = vector.shape_cast %get3A_2618 : vector<1x16xf32> to vector<16xf32>
      %add3A_2620 = arith.addf %while3A_2584, %get3A_2619 : vector<16xf32>
      %get3A_2621 = arith.index_cast %while3A_2577 : i32 to index
      %get3A_2622 = arith.constant 112 : index
      %get3A_2623 = tpu.vector_load %arg5[%get3A_2621, %get3A_2622] {strides = array<i32>} : memref<192x128xf32, #tpu.memory_space<vmem>>, vector<1x16xf32>,
      %get3A_2624 = vector.shape_cast %get3A_2623 : vector<1x16xf32> to vector<16xf32>
      %add3A_2625 = arith.addf %while3A_2585, %get3A_2624 : vector<16xf32>
      scf.yield %add3A_2590, %add3A_2595, %add3A_2600, %add3A_2605, %add3A_2610, %add3A_2615, %add3A_2620, %add3A_2625 : vector<16xf32>, vector<16xf32>, vector<16xf32>, vector<16xf32>, vector<16xf32>, vector<16xf32>, vector<16xf32>, vector<16xf32>
    }
    %while3A_2178 = arith.constant 1 : i32
    %while3A_2179:8 = scf.for %while3A_2577 = %while3A_2175 to %while3A_2171 step %while3A_2178 iter_args(%while3A_2578 = %while3A_2177#0, %while3A_2579 = %while3A_2177#1, %while3A_2580 = %while3A_2177#2, %while3A_2581 = %while3A_2177#3, %while3A_2582 = %while3A_2177#4, %while3A_2583 = %while3A_2177#5, %while3A_2584 = %while3A_2177#6, %while3A_2585 = %while3A_2177#7) -> (vector<16xf32>, vector<16xf32>, vector<16xf32>, vector<16xf32>, vector<16xf32>, vector<16xf32>, vector<16xf32>, vector<16xf32>)  : i32 {
      %get3A_2586 = arith.index_cast %while3A_2577 : i32 to index
      %get3A_2587 = arith.constant 0 : index
      %get3A_2588 = tpu.vector_load %arg5[%get3A_2586, %get3A_2587] {strides = array<i32>} : memref<192x128xf32, #tpu.memory_space<vmem>>, vector<1x16xf32>,
      %get3A_2589 = vector.shape_cast %get3A_2588 : vector<1x16xf32> to vector<16xf32>
      %add3A_2590 = arith.addf %while3A_2578, %get3A_2589 : vector<16xf32>
      %get3A_2591 = arith.index_cast %while3A_2577 : i32 to index
      %get3A_2592 = arith.constant 16 : index
      %get3A_2593 = tpu.vector_load %arg5[%get3A_2591, %get3A_2592] {strides = array<i32>} : memref<192x128xf32, #tpu.memory_space<vmem>>, vector<1x16xf32>,
      %get3A_2594 = vector.shape_cast %get3A_2593 : vector<1x16xf32> to vector<16xf32>
      %add3A_2595 = arith.addf %while3A_2579, %get3A_2594 : vector<16xf32>
      %get3A_2596 = arith.index_cast %while3A_2577 : i32 to index
      %get3A_2597 = arith.constant 32 : index
      %get3A_2598 = tpu.vector_load %arg5[%get3A_2596, %get3A_2597] {strides = array<i32>} : memref<192x128xf32, #tpu.memory_space<vmem>>, vector<1x16xf32>,
      %get3A_2599 = vector.shape_cast %get3A_2598 : vector<1x16xf32> to vector<16xf32>
      %add3A_2600 = arith.addf %while3A_2580, %get3A_2599 : vector<16xf32>
      %get3A_2601 = arith.index_cast %while3A_2577 : i32 to index
      %get3A_2602 = arith.constant 48 : index
      %get3A_2603 = tpu.vector_load %arg5[%get3A_2601, %get3A_2602] {strides = array<i32>} : memref<192x128xf32, #tpu.memory_space<vmem>>, vector<1x16xf32>,
      %get3A_2604 = vector.shape_cast %get3A_2603 : vector<1x16xf32> to vector<16xf32>
      %add3A_2605 = arith.addf %while3A_2581, %get3A_2604 : vector<16xf32>
      %get3A_2606 = arith.index_cast %while3A_2577 : i32 to index
      %get3A_2607 = arith.constant 64 : index
      %get3A_2608 = tpu.vector_load %arg5[%get3A_2606, %get3A_2607] {strides = array<i32>} : memref<192x128xf32, #tpu.memory_space<vmem>>, vector<1x16xf32>,
      %get3A_2609 = vector.shape_cast %get3A_2608 : vector<1x16xf32> to vector<16xf32>
      %add3A_2610 = arith.addf %while3A_2582, %get3A_2609 : vector<16xf32>
      %get3A_2611 = arith.index_cast %while3A_2577 : i32 to index
      %get3A_2612 = arith.constant 80 : index
      %get3A_2613 = tpu.vector_load %arg5[%get3A_2611, %get3A_2612] {strides = array<i32>} : memref<192x128xf32, #tpu.memory_space<vmem>>, vector<1x16xf32>,
      %get3A_2614 = vector.shape_cast %get3A_2613 : vector<1x16xf32> to vector<16xf32>
      %add3A_2615 = arith.addf %while3A_2583, %get3A_2614 : vector<16xf32>
      %get3A_2616 = arith.index_cast %while3A_2577 : i32 to index
      %get3A_2617 = arith.constant 96 : index
      %get3A_2618 = tpu.vector_load %arg5[%get3A_2616, %get3A_2617] {strides = array<i32>} : memref<192x128xf32, #tpu.memory_space<vmem>>, vector<1x16xf32>,
      %get3A_2619 = vector.shape_cast %get3A_2618 : vector<1x16xf32> to vector<16xf32>
      %add3A_2620 = arith.addf %while3A_2584, %get3A_2619 : vector<16xf32>
      %get3A_2621 = arith.index_cast %while3A_2577 : i32 to index
      %get3A_2622 = arith.constant 112 : index
      %get3A_2623 = tpu.vector_load %arg5[%get3A_2621, %get3A_2622] {strides = array<i32>} : memref<192x128xf32, #tpu.memory_space<vmem>>, vector<1x16xf32>,
      %get3A_2624 = vector.shape_cast %get3A_2623 : vector<1x16xf32> to vector<16xf32>
      %add3A_2625 = arith.addf %while3A_2585, %get3A_2624 : vector<16xf32>
      scf.yield %add3A_2590, %add3A_2595, %add3A_2600, %add3A_2605, %add3A_2610, %add3A_2615, %add3A_2620, %add3A_2625 : vector<16xf32>, vector<16xf32>, vector<16xf32>, vector<16xf32>, vector<16xf32>, vector<16xf32>, vector<16xf32>, vector<16xf32>
    }
    %swap3A_2180 = arith.constant 9 : i32
    %swap3A_2181 = arith.index_cast %swap3A_2180 : i32 to index
    %swap3A_2182 = arith.constant 0 : index
    %swap3A_2183 = tpu.vector_load %arg7[%swap3A_2181, %swap3A_2182] {strides = array<i32>} : memref<16x128xf32, #tpu.memory_space<vmem>>, vector<1x16xf32>,
    %swap3A_2184 = vector.shape_cast %swap3A_2183 : vector<1x16xf32> to vector<16xf32>
    %swap3A_2185 = vector.shape_cast %while3A_2179#0 : vector<16xf32> to vector<1x16xf32>
    tpu.vector_store %arg7[%swap3A_2181, %swap3A_2182], %swap3A_2185 {strides = array<i32>} : memref<16x128xf32, #tpu.memory_space<vmem>>, vector<1x16xf32>,
    %swap3A_2186 = arith.constant 9 : i32
    %swap3A_2187 = arith.index_cast %swap3A_2186 : i32 to index
    %swap3A_2188 = arith.constant 16 : index
    %swap3A_2189 = tpu.vector_load %arg7[%swap3A_2187, %swap3A_2188] {strides = array<i32>} : memref<16x128xf32, #tpu.memory_space<vmem>>, vector<1x16xf32>,
    %swap3A_2190 = vector.shape_cast %swap3A_2189 : vector<1x16xf32> to vector<16xf32>
    %swap3A_2191 = vector.shape_cast %while3A_2179#1 : vector<16xf32> to vector<1x16xf32>
    tpu.vector_store %arg7[%swap3A_2187, %swap3A_2188], %swap3A_2191 {strides = array<i32>} : memref<16x128xf32, #tpu.memory_space<vmem>>, vector<1x16xf32>,
    %swap3A_2192 = arith.constant 9 : i32
    %swap3A_2193 = arith.index_cast %swap3A_2192 : i32 to index
    %swap3A_2194 = arith.constant 32 : index
    %swap3A_2195 = tpu.vector_load %arg7[%swap3A_2193, %swap3A_2194] {strides = array<i32>} : memref<16x128xf32, #tpu.memory_space<vmem>>, vector<1x16xf32>,
    %swap3A_2196 = vector.shape_cast %swap3A_2195 : vector<1x16xf32> to vector<16xf32>
    %swap3A_2197 = vector.shape_cast %while3A_2179#2 : vector<16xf32> to vector<1x16xf32>
    tpu.vector_store %arg7[%swap3A_2193, %swap3A_2194], %swap3A_2197 {strides = array<i32>} : memref<16x128xf32, #tpu.memory_space<vmem>>, vector<1x16xf32>,
    %swap3A_2198 = arith.constant 9 : i32
    %swap3A_2199 = arith.index_cast %swap3A_2198 : i32 to index
    %swap3A_2200 = arith.constant 48 : index
    %swap3A_2201 = tpu.vector_load %arg7[%swap3A_2199, %swap3A_2200] {strides = array<i32>} : memref<16x128xf32, #tpu.memory_space<vmem>>, vector<1x16xf32>,
    %swap3A_2202 = vector.shape_cast %swap3A_2201 : vector<1x16xf32> to vector<16xf32>
    %swap3A_2203 = vector.shape_cast %while3A_2179#3 : vector<16xf32> to vector<1x16xf32>
    tpu.vector_store %arg7[%swap3A_2199, %swap3A_2200], %swap3A_2203 {strides = array<i32>} : memref<16x128xf32, #tpu.memory_space<vmem>>, vector<1x16xf32>,
    %swap3A_2204 = arith.constant 9 : i32
    %swap3A_2205 = arith.index_cast %swap3A_2204 : i32 to index
    %swap3A_2206 = arith.constant 64 : index
    %swap3A_2207 = tpu.vector_load %arg7[%swap3A_2205, %swap3A_2206] {strides = array<i32>} : memref<16x128xf32, #tpu.memory_space<vmem>>, vector<1x16xf32>,
    %swap3A_2208 = vector.shape_cast %swap3A_2207 : vector<1x16xf32> to vector<16xf32>
    %swap3A_2209 = vector.shape_cast %while3A_2179#4 : vector<16xf32> to vector<1x16xf32>
    tpu.vector_store %arg7[%swap3A_2205, %swap3A_2206], %swap3A_2209 {strides = array<i32>} : memref<16x128xf32, #tpu.memory_space<vmem>>, vector<1x16xf32>,
    %swap3A_2210 = arith.constant 9 : i32
    %swap3A_2211 = arith.index_cast %swap3A_2210 : i32 to index
    %swap3A_2212 = arith.constant 80 : index
    %swap3A_2213 = tpu.vector_load %arg7[%swap3A_2211, %swap3A_2212] {strides = array<i32>} : memref<16x128xf32, #tpu.memory_space<vmem>>, vector<1x16xf32>,
    %swap3A_2214 = vector.shape_cast %swap3A_2213 : vector<1x16xf32> to vector<16xf32>
    %swap3A_2215 = vector.shape_cast %while3A_2179#5 : vector<16xf32> to vector<1x16xf32>
    tpu.vector_store %arg7[%swap3A_2211, %swap3A_2212], %swap3A_2215 {strides = array<i32>} : memref<16x128xf32, #tpu.memory_space<vmem>>, vector<1x16xf32>,
    %swap3A_2216 = arith.constant 9 : i32
    %swap3A_2217 = arith.index_cast %swap3A_2216 : i32 to index
    %swap3A_2218 = arith.constant 96 : index
    %swap3A_2219 = tpu.vector_load %arg7[%swap3A_2217, %swap3A_2218] {strides = array<i32>} : memref<16x128xf32, #tpu.memory_space<vmem>>, vector<1x16xf32>,
    %swap3A_2220 = vector.shape_cast %swap3A_2219 : vector<1x16xf32> to vector<16xf32>
    %swap3A_2221 = vector.shape_cast %while3A_2179#6 : vector<16xf32> to vector<1x16xf32>
    tpu.vector_store %arg7[%swap3A_2217, %swap3A_2218], %swap3A_2221 {strides = array<i32>} : memref<16x128xf32, #tpu.memory_space<vmem>>, vector<1x16xf32>,
    %swap3A_2222 = arith.constant 9 : i32
    %swap3A_2223 = arith.index_cast %swap3A_2222 : i32 to index
    %swap3A_2224 = arith.constant 112 : index
    %swap3A_2225 = tpu.vector_load %arg7[%swap3A_2223, %swap3A_2224] {strides = array<i32>} : memref<16x128xf32, #tpu.memory_space<vmem>>, vector<1x16xf32>,
    %swap3A_2226 = vector.shape_cast %swap3A_2225 : vector<1x16xf32> to vector<16xf32>
    %swap3A_2227 = vector.shape_cast %while3A_2179#7 : vector<16xf32> to vector<1x16xf32>
    tpu.vector_store %arg7[%swap3A_2223, %swap3A_2224], %swap3A_2227 {strides = array<i32>} : memref<16x128xf32, #tpu.memory_space<vmem>>, vector<1x16xf32>,
    %while3A_2228 = arith.subi %add3A_1455, %add3A_1408 : i32
    %while3A_2229 = arith.addi %add3A_1408, %while3A_2228 : i32
    %while3A_2230 = arith.constant 1 : i32
    %while3A_2231 = arith.divsi %while3A_2228, %while3A_2230 : i32
    %while3A_2232 = arith.muli %while3A_2231, %while3A_2230 : i32
    %while3A_2233 = arith.addi %add3A_1408, %while3A_2232 : i32
    %while3A_2234 = arith.constant 1 : i32
    %while3A_2235:8 = scf.for %while3A_2577 = %add3A_1408 to %while3A_2233 step %while3A_2234 iter_args(%while3A_2578 = %broadcast_in_dim3A_1648, %while3A_2579 = %broadcast_in_dim3A_1648, %while3A_2580 = %broadcast_in_dim3A_1648, %while3A_2581 = %broadcast_in_dim3A_1648, %while3A_2582 = %broadcast_in_dim3A_1648, %while3A_2583 = %broadcast_in_dim3A_1648, %while3A_2584 = %broadcast_in_dim3A_1648, %while3A_2585 = %broadcast_in_dim3A_1648) -> (vector<16xf32>, vector<16xf32>, vector<16xf32>, vector<16xf32>, vector<16xf32>, vector<16xf32>, vector<16xf32>, vector<16xf32>)  : i32 {
      %get3A_2586 = arith.index_cast %while3A_2577 : i32 to index
      %get3A_2587 = arith.constant 0 : index
      %get3A_2588 = tpu.vector_load %arg5[%get3A_2586, %get3A_2587] {strides = array<i32>} : memref<192x128xf32, #tpu.memory_space<vmem>>, vector<1x16xf32>,
      %get3A_2589 = vector.shape_cast %get3A_2588 : vector<1x16xf32> to vector<16xf32>
      %add3A_2590 = arith.addf %while3A_2578, %get3A_2589 : vector<16xf32>
      %get3A_2591 = arith.index_cast %while3A_2577 : i32 to index
      %get3A_2592 = arith.constant 16 : index
      %get3A_2593 = tpu.vector_load %arg5[%get3A_2591, %get3A_2592] {strides = array<i32>} : memref<192x128xf32, #tpu.memory_space<vmem>>, vector<1x16xf32>,
      %get3A_2594 = vector.shape_cast %get3A_2593 : vector<1x16xf32> to vector<16xf32>
      %add3A_2595 = arith.addf %while3A_2579, %get3A_2594 : vector<16xf32>
      %get3A_2596 = arith.index_cast %while3A_2577 : i32 to index
      %get3A_2597 = arith.constant 32 : index
      %get3A_2598 = tpu.vector_load %arg5[%get3A_2596, %get3A_2597] {strides = array<i32>} : memref<192x128xf32, #tpu.memory_space<vmem>>, vector<1x16xf32>,
      %get3A_2599 = vector.shape_cast %get3A_2598 : vector<1x16xf32> to vector<16xf32>
      %add3A_2600 = arith.addf %while3A_2580, %get3A_2599 : vector<16xf32>
      %get3A_2601 = arith.index_cast %while3A_2577 : i32 to index
      %get3A_2602 = arith.constant 48 : index
      %get3A_2603 = tpu.vector_load %arg5[%get3A_2601, %get3A_2602] {strides = array<i32>} : memref<192x128xf32, #tpu.memory_space<vmem>>, vector<1x16xf32>,
      %get3A_2604 = vector.shape_cast %get3A_2603 : vector<1x16xf32> to vector<16xf32>
      %add3A_2605 = arith.addf %while3A_2581, %get3A_2604 : vector<16xf32>
      %get3A_2606 = arith.index_cast %while3A_2577 : i32 to index
      %get3A_2607 = arith.constant 64 : index
      %get3A_2608 = tpu.vector_load %arg5[%get3A_2606, %get3A_2607] {strides = array<i32>} : memref<192x128xf32, #tpu.memory_space<vmem>>, vector<1x16xf32>,
      %get3A_2609 = vector.shape_cast %get3A_2608 : vector<1x16xf32> to vector<16xf32>
      %add3A_2610 = arith.addf %while3A_2582, %get3A_2609 : vector<16xf32>
      %get3A_2611 = arith.index_cast %while3A_2577 : i32 to index
      %get3A_2612 = arith.constant 80 : index
      %get3A_2613 = tpu.vector_load %arg5[%get3A_2611, %get3A_2612] {strides = array<i32>} : memref<192x128xf32, #tpu.memory_space<vmem>>, vector<1x16xf32>,
      %get3A_2614 = vector.shape_cast %get3A_2613 : vector<1x16xf32> to vector<16xf32>
      %add3A_2615 = arith.addf %while3A_2583, %get3A_2614 : vector<16xf32>
      %get3A_2616 = arith.index_cast %while3A_2577 : i32 to index
      %get3A_2617 = arith.constant 96 : index
      %get3A_2618 = tpu.vector_load %arg5[%get3A_2616, %get3A_2617] {strides = array<i32>} : memref<192x128xf32, #tpu.memory_space<vmem>>, vector<1x16xf32>,
      %get3A_2619 = vector.shape_cast %get3A_2618 : vector<1x16xf32> to vector<16xf32>
      %add3A_2620 = arith.addf %while3A_2584, %get3A_2619 : vector<16xf32>
      %get3A_2621 = arith.index_cast %while3A_2577 : i32 to index
      %get3A_2622 = arith.constant 112 : index
      %get3A_2623 = tpu.vector_load %arg5[%get3A_2621, %get3A_2622] {strides = array<i32>} : memref<192x128xf32, #tpu.memory_space<vmem>>, vector<1x16xf32>,
      %get3A_2624 = vector.shape_cast %get3A_2623 : vector<1x16xf32> to vector<16xf32>
      %add3A_2625 = arith.addf %while3A_2585, %get3A_2624 : vector<16xf32>
      scf.yield %add3A_2590, %add3A_2595, %add3A_2600, %add3A_2605, %add3A_2610, %add3A_2615, %add3A_2620, %add3A_2625 : vector<16xf32>, vector<16xf32>, vector<16xf32>, vector<16xf32>, vector<16xf32>, vector<16xf32>, vector<16xf32>, vector<16xf32>
    }
    %while3A_2236 = arith.constant 1 : i32
    %while3A_2237:8 = scf.for %while3A_2577 = %while3A_2233 to %while3A_2229 step %while3A_2236 iter_args(%while3A_2578 = %while3A_2235#0, %while3A_2579 = %while3A_2235#1, %while3A_2580 = %while3A_2235#2, %while3A_2581 = %while3A_2235#3, %while3A_2582 = %while3A_2235#4, %while3A_2583 = %while3A_2235#5, %while3A_2584 = %while3A_2235#6, %while3A_2585 = %while3A_2235#7) -> (vector<16xf32>, vector<16xf32>, vector<16xf32>, vector<16xf32>, vector<16xf32>, vector<16xf32>, vector<16xf32>, vector<16xf32>)  : i32 {
      %get3A_2586 = arith.index_cast %while3A_2577 : i32 to index
      %get3A_2587 = arith.constant 0 : index
      %get3A_2588 = tpu.vector_load %arg5[%get3A_2586, %get3A_2587] {strides = array<i32>} : memref<192x128xf32, #tpu.memory_space<vmem>>, vector<1x16xf32>,
      %get3A_2589 = vector.shape_cast %get3A_2588 : vector<1x16xf32> to vector<16xf32>
      %add3A_2590 = arith.addf %while3A_2578, %get3A_2589 : vector<16xf32>
      %get3A_2591 = arith.index_cast %while3A_2577 : i32 to index
      %get3A_2592 = arith.constant 16 : index
      %get3A_2593 = tpu.vector_load %arg5[%get3A_2591, %get3A_2592] {strides = array<i32>} : memref<192x128xf32, #tpu.memory_space<vmem>>, vector<1x16xf32>,
      %get3A_2594 = vector.shape_cast %get3A_2593 : vector<1x16xf32> to vector<16xf32>
      %add3A_2595 = arith.addf %while3A_2579, %get3A_2594 : vector<16xf32>
      %get3A_2596 = arith.index_cast %while3A_2577 : i32 to index
      %get3A_2597 = arith.constant 32 : index
      %get3A_2598 = tpu.vector_load %arg5[%get3A_2596, %get3A_2597] {strides = array<i32>} : memref<192x128xf32, #tpu.memory_space<vmem>>, vector<1x16xf32>,
      %get3A_2599 = vector.shape_cast %get3A_2598 : vector<1x16xf32> to vector<16xf32>
      %add3A_2600 = arith.addf %while3A_2580, %get3A_2599 : vector<16xf32>
      %get3A_2601 = arith.index_cast %while3A_2577 : i32 to index
      %get3A_2602 = arith.constant 48 : index
      %get3A_2603 = tpu.vector_load %arg5[%get3A_2601, %get3A_2602] {strides = array<i32>} : memref<192x128xf32, #tpu.memory_space<vmem>>, vector<1x16xf32>,
      %get3A_2604 = vector.shape_cast %get3A_2603 : vector<1x16xf32> to vector<16xf32>
      %add3A_2605 = arith.addf %while3A_2581, %get3A_2604 : vector<16xf32>
      %get3A_2606 = arith.index_cast %while3A_2577 : i32 to index
      %get3A_2607 = arith.constant 64 : index
      %get3A_2608 = tpu.vector_load %arg5[%get3A_2606, %get3A_2607] {strides = array<i32>} : memref<192x128xf32, #tpu.memory_space<vmem>>, vector<1x16xf32>,
      %get3A_2609 = vector.shape_cast %get3A_2608 : vector<1x16xf32> to vector<16xf32>
      %add3A_2610 = arith.addf %while3A_2582, %get3A_2609 : vector<16xf32>
      %get3A_2611 = arith.index_cast %while3A_2577 : i32 to index
      %get3A_2612 = arith.constant 80 : index
      %get3A_2613 = tpu.vector_load %arg5[%get3A_2611, %get3A_2612] {strides = array<i32>} : memref<192x128xf32, #tpu.memory_space<vmem>>, vector<1x16xf32>,
      %get3A_2614 = vector.shape_cast %get3A_2613 : vector<1x16xf32> to vector<16xf32>
      %add3A_2615 = arith.addf %while3A_2583, %get3A_2614 : vector<16xf32>
      %get3A_2616 = arith.index_cast %while3A_2577 : i32 to index
      %get3A_2617 = arith.constant 96 : index
      %get3A_2618 = tpu.vector_load %arg5[%get3A_2616, %get3A_2617] {strides = array<i32>} : memref<192x128xf32, #tpu.memory_space<vmem>>, vector<1x16xf32>,
      %get3A_2619 = vector.shape_cast %get3A_2618 : vector<1x16xf32> to vector<16xf32>
      %add3A_2620 = arith.addf %while3A_2584, %get3A_2619 : vector<16xf32>
      %get3A_2621 = arith.index_cast %while3A_2577 : i32 to index
      %get3A_2622 = arith.constant 112 : index
      %get3A_2623 = tpu.vector_load %arg5[%get3A_2621, %get3A_2622] {strides = array<i32>} : memref<192x128xf32, #tpu.memory_space<vmem>>, vector<1x16xf32>,
      %get3A_2624 = vector.shape_cast %get3A_2623 : vector<1x16xf32> to vector<16xf32>
      %add3A_2625 = arith.addf %while3A_2585, %get3A_2624 : vector<16xf32>
      scf.yield %add3A_2590, %add3A_2595, %add3A_2600, %add3A_2605, %add3A_2610, %add3A_2615, %add3A_2620, %add3A_2625 : vector<16xf32>, vector<16xf32>, vector<16xf32>, vector<16xf32>, vector<16xf32>, vector<16xf32>, vector<16xf32>, vector<16xf32>
    }
    %swap3A_2238 = arith.constant 10 : i32
    %swap3A_2239 = arith.index_cast %swap3A_2238 : i32 to index
    %swap3A_2240 = arith.constant 0 : index
    %swap3A_2241 = tpu.vector_load %arg7[%swap3A_2239, %swap3A_2240] {strides = array<i32>} : memref<16x128xf32, #tpu.memory_space<vmem>>, vector<1x16xf32>,
    %swap3A_2242 = vector.shape_cast %swap3A_2241 : vector<1x16xf32> to vector<16xf32>
    %swap3A_2243 = vector.shape_cast %while3A_2237#0 : vector<16xf32> to vector<1x16xf32>
    tpu.vector_store %arg7[%swap3A_2239, %swap3A_2240], %swap3A_2243 {strides = array<i32>} : memref<16x128xf32, #tpu.memory_space<vmem>>, vector<1x16xf32>,
    %swap3A_2244 = arith.constant 10 : i32
    %swap3A_2245 = arith.index_cast %swap3A_2244 : i32 to index
    %swap3A_2246 = arith.constant 16 : index
    %swap3A_2247 = tpu.vector_load %arg7[%swap3A_2245, %swap3A_2246] {strides = array<i32>} : memref<16x128xf32, #tpu.memory_space<vmem>>, vector<1x16xf32>,
    %swap3A_2248 = vector.shape_cast %swap3A_2247 : vector<1x16xf32> to vector<16xf32>
    %swap3A_2249 = vector.shape_cast %while3A_2237#1 : vector<16xf32> to vector<1x16xf32>
    tpu.vector_store %arg7[%swap3A_2245, %swap3A_2246], %swap3A_2249 {strides = array<i32>} : memref<16x128xf32, #tpu.memory_space<vmem>>, vector<1x16xf32>,
    %swap3A_2250 = arith.constant 10 : i32
    %swap3A_2251 = arith.index_cast %swap3A_2250 : i32 to index
    %swap3A_2252 = arith.constant 32 : index
    %swap3A_2253 = tpu.vector_load %arg7[%swap3A_2251, %swap3A_2252] {strides = array<i32>} : memref<16x128xf32, #tpu.memory_space<vmem>>, vector<1x16xf32>,
    %swap3A_2254 = vector.shape_cast %swap3A_2253 : vector<1x16xf32> to vector<16xf32>
    %swap3A_2255 = vector.shape_cast %while3A_2237#2 : vector<16xf32> to vector<1x16xf32>
    tpu.vector_store %arg7[%swap3A_2251, %swap3A_2252], %swap3A_2255 {strides = array<i32>} : memref<16x128xf32, #tpu.memory_space<vmem>>, vector<1x16xf32>,
    %swap3A_2256 = arith.constant 10 : i32
    %swap3A_2257 = arith.index_cast %swap3A_2256 : i32 to index
    %swap3A_2258 = arith.constant 48 : index
    %swap3A_2259 = tpu.vector_load %arg7[%swap3A_2257, %swap3A_2258] {strides = array<i32>} : memref<16x128xf32, #tpu.memory_space<vmem>>, vector<1x16xf32>,
    %swap3A_2260 = vector.shape_cast %swap3A_2259 : vector<1x16xf32> to vector<16xf32>
    %swap3A_2261 = vector.shape_cast %while3A_2237#3 : vector<16xf32> to vector<1x16xf32>
    tpu.vector_store %arg7[%swap3A_2257, %swap3A_2258], %swap3A_2261 {strides = array<i32>} : memref<16x128xf32, #tpu.memory_space<vmem>>, vector<1x16xf32>,
    %swap3A_2262 = arith.constant 10 : i32
    %swap3A_2263 = arith.index_cast %swap3A_2262 : i32 to index
    %swap3A_2264 = arith.constant 64 : index
    %swap3A_2265 = tpu.vector_load %arg7[%swap3A_2263, %swap3A_2264] {strides = array<i32>} : memref<16x128xf32, #tpu.memory_space<vmem>>, vector<1x16xf32>,
    %swap3A_2266 = vector.shape_cast %swap3A_2265 : vector<1x16xf32> to vector<16xf32>
    %swap3A_2267 = vector.shape_cast %while3A_2237#4 : vector<16xf32> to vector<1x16xf32>
    tpu.vector_store %arg7[%swap3A_2263, %swap3A_2264], %swap3A_2267 {strides = array<i32>} : memref<16x128xf32, #tpu.memory_space<vmem>>, vector<1x16xf32>,
    %swap3A_2268 = arith.constant 10 : i32
    %swap3A_2269 = arith.index_cast %swap3A_2268 : i32 to index
    %swap3A_2270 = arith.constant 80 : index
    %swap3A_2271 = tpu.vector_load %arg7[%swap3A_2269, %swap3A_2270] {strides = array<i32>} : memref<16x128xf32, #tpu.memory_space<vmem>>, vector<1x16xf32>,
    %swap3A_2272 = vector.shape_cast %swap3A_2271 : vector<1x16xf32> to vector<16xf32>
    %swap3A_2273 = vector.shape_cast %while3A_2237#5 : vector<16xf32> to vector<1x16xf32>
    tpu.vector_store %arg7[%swap3A_2269, %swap3A_2270], %swap3A_2273 {strides = array<i32>} : memref<16x128xf32, #tpu.memory_space<vmem>>, vector<1x16xf32>,
    %swap3A_2274 = arith.constant 10 : i32
    %swap3A_2275 = arith.index_cast %swap3A_2274 : i32 to index
    %swap3A_2276 = arith.constant 96 : index
    %swap3A_2277 = tpu.vector_load %arg7[%swap3A_2275, %swap3A_2276] {strides = array<i32>} : memref<16x128xf32, #tpu.memory_space<vmem>>, vector<1x16xf32>,
    %swap3A_2278 = vector.shape_cast %swap3A_2277 : vector<1x16xf32> to vector<16xf32>
    %swap3A_2279 = vector.shape_cast %while3A_2237#6 : vector<16xf32> to vector<1x16xf32>
    tpu.vector_store %arg7[%swap3A_2275, %swap3A_2276], %swap3A_2279 {strides = array<i32>} : memref<16x128xf32, #tpu.memory_space<vmem>>, vector<1x16xf32>,
    %swap3A_2280 = arith.constant 10 : i32
    %swap3A_2281 = arith.index_cast %swap3A_2280 : i32 to index
    %swap3A_2282 = arith.constant 112 : index
    %swap3A_2283 = tpu.vector_load %arg7[%swap3A_2281, %swap3A_2282] {strides = array<i32>} : memref<16x128xf32, #tpu.memory_space<vmem>>, vector<1x16xf32>,
    %swap3A_2284 = vector.shape_cast %swap3A_2283 : vector<1x16xf32> to vector<16xf32>
    %swap3A_2285 = vector.shape_cast %while3A_2237#7 : vector<16xf32> to vector<1x16xf32>
    tpu.vector_store %arg7[%swap3A_2281, %swap3A_2282], %swap3A_2285 {strides = array<i32>} : memref<16x128xf32, #tpu.memory_space<vmem>>, vector<1x16xf32>,
    %while3A_2286 = arith.subi %add3A_1502, %add3A_1455 : i32
    %while3A_2287 = arith.addi %add3A_1455, %while3A_2286 : i32
    %while3A_2288 = arith.constant 1 : i32
    %while3A_2289 = arith.divsi %while3A_2286, %while3A_2288 : i32
    %while3A_2290 = arith.muli %while3A_2289, %while3A_2288 : i32
    %while3A_2291 = arith.addi %add3A_1455, %while3A_2290 : i32
    %while3A_2292 = arith.constant 1 : i32
    %while3A_2293:8 = scf.for %while3A_2577 = %add3A_1455 to %while3A_2291 step %while3A_2292 iter_args(%while3A_2578 = %broadcast_in_dim3A_1648, %while3A_2579 = %broadcast_in_dim3A_1648, %while3A_2580 = %broadcast_in_dim3A_1648, %while3A_2581 = %broadcast_in_dim3A_1648, %while3A_2582 = %broadcast_in_dim3A_1648, %while3A_2583 = %broadcast_in_dim3A_1648, %while3A_2584 = %broadcast_in_dim3A_1648, %while3A_2585 = %broadcast_in_dim3A_1648) -> (vector<16xf32>, vector<16xf32>, vector<16xf32>, vector<16xf32>, vector<16xf32>, vector<16xf32>, vector<16xf32>, vector<16xf32>)  : i32 {
      %get3A_2586 = arith.index_cast %while3A_2577 : i32 to index
      %get3A_2587 = arith.constant 0 : index
      %get3A_2588 = tpu.vector_load %arg5[%get3A_2586, %get3A_2587] {strides = array<i32>} : memref<192x128xf32, #tpu.memory_space<vmem>>, vector<1x16xf32>,
      %get3A_2589 = vector.shape_cast %get3A_2588 : vector<1x16xf32> to vector<16xf32>
      %add3A_2590 = arith.addf %while3A_2578, %get3A_2589 : vector<16xf32>
      %get3A_2591 = arith.index_cast %while3A_2577 : i32 to index
      %get3A_2592 = arith.constant 16 : index
      %get3A_2593 = tpu.vector_load %arg5[%get3A_2591, %get3A_2592] {strides = array<i32>} : memref<192x128xf32, #tpu.memory_space<vmem>>, vector<1x16xf32>,
      %get3A_2594 = vector.shape_cast %get3A_2593 : vector<1x16xf32> to vector<16xf32>
      %add3A_2595 = arith.addf %while3A_2579, %get3A_2594 : vector<16xf32>
      %get3A_2596 = arith.index_cast %while3A_2577 : i32 to index
      %get3A_2597 = arith.constant 32 : index
      %get3A_2598 = tpu.vector_load %arg5[%get3A_2596, %get3A_2597] {strides = array<i32>} : memref<192x128xf32, #tpu.memory_space<vmem>>, vector<1x16xf32>,
      %get3A_2599 = vector.shape_cast %get3A_2598 : vector<1x16xf32> to vector<16xf32>
      %add3A_2600 = arith.addf %while3A_2580, %get3A_2599 : vector<16xf32>
      %get3A_2601 = arith.index_cast %while3A_2577 : i32 to index
      %get3A_2602 = arith.constant 48 : index
      %get3A_2603 = tpu.vector_load %arg5[%get3A_2601, %get3A_2602] {strides = array<i32>} : memref<192x128xf32, #tpu.memory_space<vmem>>, vector<1x16xf32>,
      %get3A_2604 = vector.shape_cast %get3A_2603 : vector<1x16xf32> to vector<16xf32>
      %add3A_2605 = arith.addf %while3A_2581, %get3A_2604 : vector<16xf32>
      %get3A_2606 = arith.index_cast %while3A_2577 : i32 to index
      %get3A_2607 = arith.constant 64 : index
      %get3A_2608 = tpu.vector_load %arg5[%get3A_2606, %get3A_2607] {strides = array<i32>} : memref<192x128xf32, #tpu.memory_space<vmem>>, vector<1x16xf32>,
      %get3A_2609 = vector.shape_cast %get3A_2608 : vector<1x16xf32> to vector<16xf32>
      %add3A_2610 = arith.addf %while3A_2582, %get3A_2609 : vector<16xf32>
      %get3A_2611 = arith.index_cast %while3A_2577 : i32 to index
      %get3A_2612 = arith.constant 80 : index
      %get3A_2613 = tpu.vector_load %arg5[%get3A_2611, %get3A_2612] {strides = array<i32>} : memref<192x128xf32, #tpu.memory_space<vmem>>, vector<1x16xf32>,
      %get3A_2614 = vector.shape_cast %get3A_2613 : vector<1x16xf32> to vector<16xf32>
      %add3A_2615 = arith.addf %while3A_2583, %get3A_2614 : vector<16xf32>
      %get3A_2616 = arith.index_cast %while3A_2577 : i32 to index
      %get3A_2617 = arith.constant 96 : index
      %get3A_2618 = tpu.vector_load %arg5[%get3A_2616, %get3A_2617] {strides = array<i32>} : memref<192x128xf32, #tpu.memory_space<vmem>>, vector<1x16xf32>,
      %get3A_2619 = vector.shape_cast %get3A_2618 : vector<1x16xf32> to vector<16xf32>
      %add3A_2620 = arith.addf %while3A_2584, %get3A_2619 : vector<16xf32>
      %get3A_2621 = arith.index_cast %while3A_2577 : i32 to index
      %get3A_2622 = arith.constant 112 : index
      %get3A_2623 = tpu.vector_load %arg5[%get3A_2621, %get3A_2622] {strides = array<i32>} : memref<192x128xf32, #tpu.memory_space<vmem>>, vector<1x16xf32>,
      %get3A_2624 = vector.shape_cast %get3A_2623 : vector<1x16xf32> to vector<16xf32>
      %add3A_2625 = arith.addf %while3A_2585, %get3A_2624 : vector<16xf32>
      scf.yield %add3A_2590, %add3A_2595, %add3A_2600, %add3A_2605, %add3A_2610, %add3A_2615, %add3A_2620, %add3A_2625 : vector<16xf32>, vector<16xf32>, vector<16xf32>, vector<16xf32>, vector<16xf32>, vector<16xf32>, vector<16xf32>, vector<16xf32>
    }
    %while3A_2294 = arith.constant 1 : i32
    %while3A_2295:8 = scf.for %while3A_2577 = %while3A_2291 to %while3A_2287 step %while3A_2294 iter_args(%while3A_2578 = %while3A_2293#0, %while3A_2579 = %while3A_2293#1, %while3A_2580 = %while3A_2293#2, %while3A_2581 = %while3A_2293#3, %while3A_2582 = %while3A_2293#4, %while3A_2583 = %while3A_2293#5, %while3A_2584 = %while3A_2293#6, %while3A_2585 = %while3A_2293#7) -> (vector<16xf32>, vector<16xf32>, vector<16xf32>, vector<16xf32>, vector<16xf32>, vector<16xf32>, vector<16xf32>, vector<16xf32>)  : i32 {
      %get3A_2586 = arith.index_cast %while3A_2577 : i32 to index
      %get3A_2587 = arith.constant 0 : index
      %get3A_2588 = tpu.vector_load %arg5[%get3A_2586, %get3A_2587] {strides = array<i32>} : memref<192x128xf32, #tpu.memory_space<vmem>>, vector<1x16xf32>,
      %get3A_2589 = vector.shape_cast %get3A_2588 : vector<1x16xf32> to vector<16xf32>
      %add3A_2590 = arith.addf %while3A_2578, %get3A_2589 : vector<16xf32>
      %get3A_2591 = arith.index_cast %while3A_2577 : i32 to index
      %get3A_2592 = arith.constant 16 : index
      %get3A_2593 = tpu.vector_load %arg5[%get3A_2591, %get3A_2592] {strides = array<i32>} : memref<192x128xf32, #tpu.memory_space<vmem>>, vector<1x16xf32>,
      %get3A_2594 = vector.shape_cast %get3A_2593 : vector<1x16xf32> to vector<16xf32>
      %add3A_2595 = arith.addf %while3A_2579, %get3A_2594 : vector<16xf32>
      %get3A_2596 = arith.index_cast %while3A_2577 : i32 to index
      %get3A_2597 = arith.constant 32 : index
      %get3A_2598 = tpu.vector_load %arg5[%get3A_2596, %get3A_2597] {strides = array<i32>} : memref<192x128xf32, #tpu.memory_space<vmem>>, vector<1x16xf32>,
      %get3A_2599 = vector.shape_cast %get3A_2598 : vector<1x16xf32> to vector<16xf32>
      %add3A_2600 = arith.addf %while3A_2580, %get3A_2599 : vector<16xf32>
      %get3A_2601 = arith.index_cast %while3A_2577 : i32 to index
      %get3A_2602 = arith.constant 48 : index
      %get3A_2603 = tpu.vector_load %arg5[%get3A_2601, %get3A_2602] {strides = array<i32>} : memref<192x128xf32, #tpu.memory_space<vmem>>, vector<1x16xf32>,
      %get3A_2604 = vector.shape_cast %get3A_2603 : vector<1x16xf32> to vector<16xf32>
      %add3A_2605 = arith.addf %while3A_2581, %get3A_2604 : vector<16xf32>
      %get3A_2606 = arith.index_cast %while3A_2577 : i32 to index
      %get3A_2607 = arith.constant 64 : index
      %get3A_2608 = tpu.vector_load %arg5[%get3A_2606, %get3A_2607] {strides = array<i32>} : memref<192x128xf32, #tpu.memory_space<vmem>>, vector<1x16xf32>,
      %get3A_2609 = vector.shape_cast %get3A_2608 : vector<1x16xf32> to vector<16xf32>
      %add3A_2610 = arith.addf %while3A_2582, %get3A_2609 : vector<16xf32>
      %get3A_2611 = arith.index_cast %while3A_2577 : i32 to index
      %get3A_2612 = arith.constant 80 : index
      %get3A_2613 = tpu.vector_load %arg5[%get3A_2611, %get3A_2612] {strides = array<i32>} : memref<192x128xf32, #tpu.memory_space<vmem>>, vector<1x16xf32>,
      %get3A_2614 = vector.shape_cast %get3A_2613 : vector<1x16xf32> to vector<16xf32>
      %add3A_2615 = arith.addf %while3A_2583, %get3A_2614 : vector<16xf32>
      %get3A_2616 = arith.index_cast %while3A_2577 : i32 to index
      %get3A_2617 = arith.constant 96 : index
      %get3A_2618 = tpu.vector_load %arg5[%get3A_2616, %get3A_2617] {strides = array<i32>} : memref<192x128xf32, #tpu.memory_space<vmem>>, vector<1x16xf32>,
      %get3A_2619 = vector.shape_cast %get3A_2618 : vector<1x16xf32> to vector<16xf32>
      %add3A_2620 = arith.addf %while3A_2584, %get3A_2619 : vector<16xf32>
      %get3A_2621 = arith.index_cast %while3A_2577 : i32 to index
      %get3A_2622 = arith.constant 112 : index
      %get3A_2623 = tpu.vector_load %arg5[%get3A_2621, %get3A_2622] {strides = array<i32>} : memref<192x128xf32, #tpu.memory_space<vmem>>, vector<1x16xf32>,
      %get3A_2624 = vector.shape_cast %get3A_2623 : vector<1x16xf32> to vector<16xf32>
      %add3A_2625 = arith.addf %while3A_2585, %get3A_2624 : vector<16xf32>
      scf.yield %add3A_2590, %add3A_2595, %add3A_2600, %add3A_2605, %add3A_2610, %add3A_2615, %add3A_2620, %add3A_2625 : vector<16xf32>, vector<16xf32>, vector<16xf32>, vector<16xf32>, vector<16xf32>, vector<16xf32>, vector<16xf32>, vector<16xf32>
    }
    %swap3A_2296 = arith.constant 11 : i32
    %swap3A_2297 = arith.index_cast %swap3A_2296 : i32 to index
    %swap3A_2298 = arith.constant 0 : index
    %swap3A_2299 = tpu.vector_load %arg7[%swap3A_2297, %swap3A_2298] {strides = array<i32>} : memref<16x128xf32, #tpu.memory_space<vmem>>, vector<1x16xf32>,
    %swap3A_2300 = vector.shape_cast %swap3A_2299 : vector<1x16xf32> to vector<16xf32>
    %swap3A_2301 = vector.shape_cast %while3A_2295#0 : vector<16xf32> to vector<1x16xf32>
    tpu.vector_store %arg7[%swap3A_2297, %swap3A_2298], %swap3A_2301 {strides = array<i32>} : memref<16x128xf32, #tpu.memory_space<vmem>>, vector<1x16xf32>,
    %swap3A_2302 = arith.constant 11 : i32
    %swap3A_2303 = arith.index_cast %swap3A_2302 : i32 to index
    %swap3A_2304 = arith.constant 16 : index
    %swap3A_2305 = tpu.vector_load %arg7[%swap3A_2303, %swap3A_2304] {strides = array<i32>} : memref<16x128xf32, #tpu.memory_space<vmem>>, vector<1x16xf32>,
    %swap3A_2306 = vector.shape_cast %swap3A_2305 : vector<1x16xf32> to vector<16xf32>
    %swap3A_2307 = vector.shape_cast %while3A_2295#1 : vector<16xf32> to vector<1x16xf32>
    tpu.vector_store %arg7[%swap3A_2303, %swap3A_2304], %swap3A_2307 {strides = array<i32>} : memref<16x128xf32, #tpu.memory_space<vmem>>, vector<1x16xf32>,
    %swap3A_2308 = arith.constant 11 : i32
    %swap3A_2309 = arith.index_cast %swap3A_2308 : i32 to index
    %swap3A_2310 = arith.constant 32 : index
    %swap3A_2311 = tpu.vector_load %arg7[%swap3A_2309, %swap3A_2310] {strides = array<i32>} : memref<16x128xf32, #tpu.memory_space<vmem>>, vector<1x16xf32>,
    %swap3A_2312 = vector.shape_cast %swap3A_2311 : vector<1x16xf32> to vector<16xf32>
    %swap3A_2313 = vector.shape_cast %while3A_2295#2 : vector<16xf32> to vector<1x16xf32>
    tpu.vector_store %arg7[%swap3A_2309, %swap3A_2310], %swap3A_2313 {strides = array<i32>} : memref<16x128xf32, #tpu.memory_space<vmem>>, vector<1x16xf32>,
    %swap3A_2314 = arith.constant 11 : i32
    %swap3A_2315 = arith.index_cast %swap3A_2314 : i32 to index
    %swap3A_2316 = arith.constant 48 : index
    %swap3A_2317 = tpu.vector_load %arg7[%swap3A_2315, %swap3A_2316] {strides = array<i32>} : memref<16x128xf32, #tpu.memory_space<vmem>>, vector<1x16xf32>,
    %swap3A_2318 = vector.shape_cast %swap3A_2317 : vector<1x16xf32> to vector<16xf32>
    %swap3A_2319 = vector.shape_cast %while3A_2295#3 : vector<16xf32> to vector<1x16xf32>
    tpu.vector_store %arg7[%swap3A_2315, %swap3A_2316], %swap3A_2319 {strides = array<i32>} : memref<16x128xf32, #tpu.memory_space<vmem>>, vector<1x16xf32>,
    %swap3A_2320 = arith.constant 11 : i32
    %swap3A_2321 = arith.index_cast %swap3A_2320 : i32 to index
    %swap3A_2322 = arith.constant 64 : index
    %swap3A_2323 = tpu.vector_load %arg7[%swap3A_2321, %swap3A_2322] {strides = array<i32>} : memref<16x128xf32, #tpu.memory_space<vmem>>, vector<1x16xf32>,
    %swap3A_2324 = vector.shape_cast %swap3A_2323 : vector<1x16xf32> to vector<16xf32>
    %swap3A_2325 = vector.shape_cast %while3A_2295#4 : vector<16xf32> to vector<1x16xf32>
    tpu.vector_store %arg7[%swap3A_2321, %swap3A_2322], %swap3A_2325 {strides = array<i32>} : memref<16x128xf32, #tpu.memory_space<vmem>>, vector<1x16xf32>,
    %swap3A_2326 = arith.constant 11 : i32
    %swap3A_2327 = arith.index_cast %swap3A_2326 : i32 to index
    %swap3A_2328 = arith.constant 80 : index
    %swap3A_2329 = tpu.vector_load %arg7[%swap3A_2327, %swap3A_2328] {strides = array<i32>} : memref<16x128xf32, #tpu.memory_space<vmem>>, vector<1x16xf32>,
    %swap3A_2330 = vector.shape_cast %swap3A_2329 : vector<1x16xf32> to vector<16xf32>
    %swap3A_2331 = vector.shape_cast %while3A_2295#5 : vector<16xf32> to vector<1x16xf32>
    tpu.vector_store %arg7[%swap3A_2327, %swap3A_2328], %swap3A_2331 {strides = array<i32>} : memref<16x128xf32, #tpu.memory_space<vmem>>, vector<1x16xf32>,
    %swap3A_2332 = arith.constant 11 : i32
    %swap3A_2333 = arith.index_cast %swap3A_2332 : i32 to index
    %swap3A_2334 = arith.constant 96 : index
    %swap3A_2335 = tpu.vector_load %arg7[%swap3A_2333, %swap3A_2334] {strides = array<i32>} : memref<16x128xf32, #tpu.memory_space<vmem>>, vector<1x16xf32>,
    %swap3A_2336 = vector.shape_cast %swap3A_2335 : vector<1x16xf32> to vector<16xf32>
    %swap3A_2337 = vector.shape_cast %while3A_2295#6 : vector<16xf32> to vector<1x16xf32>
    tpu.vector_store %arg7[%swap3A_2333, %swap3A_2334], %swap3A_2337 {strides = array<i32>} : memref<16x128xf32, #tpu.memory_space<vmem>>, vector<1x16xf32>,
    %swap3A_2338 = arith.constant 11 : i32
    %swap3A_2339 = arith.index_cast %swap3A_2338 : i32 to index
    %swap3A_2340 = arith.constant 112 : index
    %swap3A_2341 = tpu.vector_load %arg7[%swap3A_2339, %swap3A_2340] {strides = array<i32>} : memref<16x128xf32, #tpu.memory_space<vmem>>, vector<1x16xf32>,
    %swap3A_2342 = vector.shape_cast %swap3A_2341 : vector<1x16xf32> to vector<16xf32>
    %swap3A_2343 = vector.shape_cast %while3A_2295#7 : vector<16xf32> to vector<1x16xf32>
    tpu.vector_store %arg7[%swap3A_2339, %swap3A_2340], %swap3A_2343 {strides = array<i32>} : memref<16x128xf32, #tpu.memory_space<vmem>>, vector<1x16xf32>,
    %while3A_2344 = arith.subi %add3A_1549, %add3A_1502 : i32
    %while3A_2345 = arith.addi %add3A_1502, %while3A_2344 : i32
    %while3A_2346 = arith.constant 1 : i32
    %while3A_2347 = arith.divsi %while3A_2344, %while3A_2346 : i32
    %while3A_2348 = arith.muli %while3A_2347, %while3A_2346 : i32
    %while3A_2349 = arith.addi %add3A_1502, %while3A_2348 : i32
    %while3A_2350 = arith.constant 1 : i32
    %while3A_2351:8 = scf.for %while3A_2577 = %add3A_1502 to %while3A_2349 step %while3A_2350 iter_args(%while3A_2578 = %broadcast_in_dim3A_1648, %while3A_2579 = %broadcast_in_dim3A_1648, %while3A_2580 = %broadcast_in_dim3A_1648, %while3A_2581 = %broadcast_in_dim3A_1648, %while3A_2582 = %broadcast_in_dim3A_1648, %while3A_2583 = %broadcast_in_dim3A_1648, %while3A_2584 = %broadcast_in_dim3A_1648, %while3A_2585 = %broadcast_in_dim3A_1648) -> (vector<16xf32>, vector<16xf32>, vector<16xf32>, vector<16xf32>, vector<16xf32>, vector<16xf32>, vector<16xf32>, vector<16xf32>)  : i32 {
      %get3A_2586 = arith.index_cast %while3A_2577 : i32 to index
      %get3A_2587 = arith.constant 0 : index
      %get3A_2588 = tpu.vector_load %arg5[%get3A_2586, %get3A_2587] {strides = array<i32>} : memref<192x128xf32, #tpu.memory_space<vmem>>, vector<1x16xf32>,
      %get3A_2589 = vector.shape_cast %get3A_2588 : vector<1x16xf32> to vector<16xf32>
      %add3A_2590 = arith.addf %while3A_2578, %get3A_2589 : vector<16xf32>
      %get3A_2591 = arith.index_cast %while3A_2577 : i32 to index
      %get3A_2592 = arith.constant 16 : index
      %get3A_2593 = tpu.vector_load %arg5[%get3A_2591, %get3A_2592] {strides = array<i32>} : memref<192x128xf32, #tpu.memory_space<vmem>>, vector<1x16xf32>,
      %get3A_2594 = vector.shape_cast %get3A_2593 : vector<1x16xf32> to vector<16xf32>
      %add3A_2595 = arith.addf %while3A_2579, %get3A_2594 : vector<16xf32>
      %get3A_2596 = arith.index_cast %while3A_2577 : i32 to index
      %get3A_2597 = arith.constant 32 : index
      %get3A_2598 = tpu.vector_load %arg5[%get3A_2596, %get3A_2597] {strides = array<i32>} : memref<192x128xf32, #tpu.memory_space<vmem>>, vector<1x16xf32>,
      %get3A_2599 = vector.shape_cast %get3A_2598 : vector<1x16xf32> to vector<16xf32>
      %add3A_2600 = arith.addf %while3A_2580, %get3A_2599 : vector<16xf32>
      %get3A_2601 = arith.index_cast %while3A_2577 : i32 to index
      %get3A_2602 = arith.constant 48 : index
      %get3A_2603 = tpu.vector_load %arg5[%get3A_2601, %get3A_2602] {strides = array<i32>} : memref<192x128xf32, #tpu.memory_space<vmem>>, vector<1x16xf32>,
      %get3A_2604 = vector.shape_cast %get3A_2603 : vector<1x16xf32> to vector<16xf32>
      %add3A_2605 = arith.addf %while3A_2581, %get3A_2604 : vector<16xf32>
      %get3A_2606 = arith.index_cast %while3A_2577 : i32 to index
      %get3A_2607 = arith.constant 64 : index
      %get3A_2608 = tpu.vector_load %arg5[%get3A_2606, %get3A_2607] {strides = array<i32>} : memref<192x128xf32, #tpu.memory_space<vmem>>, vector<1x16xf32>,
      %get3A_2609 = vector.shape_cast %get3A_2608 : vector<1x16xf32> to vector<16xf32>
      %add3A_2610 = arith.addf %while3A_2582, %get3A_2609 : vector<16xf32>
      %get3A_2611 = arith.index_cast %while3A_2577 : i32 to index
      %get3A_2612 = arith.constant 80 : index
      %get3A_2613 = tpu.vector_load %arg5[%get3A_2611, %get3A_2612] {strides = array<i32>} : memref<192x128xf32, #tpu.memory_space<vmem>>, vector<1x16xf32>,
      %get3A_2614 = vector.shape_cast %get3A_2613 : vector<1x16xf32> to vector<16xf32>
      %add3A_2615 = arith.addf %while3A_2583, %get3A_2614 : vector<16xf32>
      %get3A_2616 = arith.index_cast %while3A_2577 : i32 to index
      %get3A_2617 = arith.constant 96 : index
      %get3A_2618 = tpu.vector_load %arg5[%get3A_2616, %get3A_2617] {strides = array<i32>} : memref<192x128xf32, #tpu.memory_space<vmem>>, vector<1x16xf32>,
      %get3A_2619 = vector.shape_cast %get3A_2618 : vector<1x16xf32> to vector<16xf32>
      %add3A_2620 = arith.addf %while3A_2584, %get3A_2619 : vector<16xf32>
      %get3A_2621 = arith.index_cast %while3A_2577 : i32 to index
      %get3A_2622 = arith.constant 112 : index
      %get3A_2623 = tpu.vector_load %arg5[%get3A_2621, %get3A_2622] {strides = array<i32>} : memref<192x128xf32, #tpu.memory_space<vmem>>, vector<1x16xf32>,
      %get3A_2624 = vector.shape_cast %get3A_2623 : vector<1x16xf32> to vector<16xf32>
      %add3A_2625 = arith.addf %while3A_2585, %get3A_2624 : vector<16xf32>
      scf.yield %add3A_2590, %add3A_2595, %add3A_2600, %add3A_2605, %add3A_2610, %add3A_2615, %add3A_2620, %add3A_2625 : vector<16xf32>, vector<16xf32>, vector<16xf32>, vector<16xf32>, vector<16xf32>, vector<16xf32>, vector<16xf32>, vector<16xf32>
    }
    %while3A_2352 = arith.constant 1 : i32
    %while3A_2353:8 = scf.for %while3A_2577 = %while3A_2349 to %while3A_2345 step %while3A_2352 iter_args(%while3A_2578 = %while3A_2351#0, %while3A_2579 = %while3A_2351#1, %while3A_2580 = %while3A_2351#2, %while3A_2581 = %while3A_2351#3, %while3A_2582 = %while3A_2351#4, %while3A_2583 = %while3A_2351#5, %while3A_2584 = %while3A_2351#6, %while3A_2585 = %while3A_2351#7) -> (vector<16xf32>, vector<16xf32>, vector<16xf32>, vector<16xf32>, vector<16xf32>, vector<16xf32>, vector<16xf32>, vector<16xf32>)  : i32 {
      %get3A_2586 = arith.index_cast %while3A_2577 : i32 to index
      %get3A_2587 = arith.constant 0 : index
      %get3A_2588 = tpu.vector_load %arg5[%get3A_2586, %get3A_2587] {strides = array<i32>} : memref<192x128xf32, #tpu.memory_space<vmem>>, vector<1x16xf32>,
      %get3A_2589 = vector.shape_cast %get3A_2588 : vector<1x16xf32> to vector<16xf32>
      %add3A_2590 = arith.addf %while3A_2578, %get3A_2589 : vector<16xf32>
      %get3A_2591 = arith.index_cast %while3A_2577 : i32 to index
      %get3A_2592 = arith.constant 16 : index
      %get3A_2593 = tpu.vector_load %arg5[%get3A_2591, %get3A_2592] {strides = array<i32>} : memref<192x128xf32, #tpu.memory_space<vmem>>, vector<1x16xf32>,
      %get3A_2594 = vector.shape_cast %get3A_2593 : vector<1x16xf32> to vector<16xf32>
      %add3A_2595 = arith.addf %while3A_2579, %get3A_2594 : vector<16xf32>
      %get3A_2596 = arith.index_cast %while3A_2577 : i32 to index
      %get3A_2597 = arith.constant 32 : index
      %get3A_2598 = tpu.vector_load %arg5[%get3A_2596, %get3A_2597] {strides = array<i32>} : memref<192x128xf32, #tpu.memory_space<vmem>>, vector<1x16xf32>,
      %get3A_2599 = vector.shape_cast %get3A_2598 : vector<1x16xf32> to vector<16xf32>
      %add3A_2600 = arith.addf %while3A_2580, %get3A_2599 : vector<16xf32>
      %get3A_2601 = arith.index_cast %while3A_2577 : i32 to index
      %get3A_2602 = arith.constant 48 : index
      %get3A_2603 = tpu.vector_load %arg5[%get3A_2601, %get3A_2602] {strides = array<i32>} : memref<192x128xf32, #tpu.memory_space<vmem>>, vector<1x16xf32>,
      %get3A_2604 = vector.shape_cast %get3A_2603 : vector<1x16xf32> to vector<16xf32>
      %add3A_2605 = arith.addf %while3A_2581, %get3A_2604 : vector<16xf32>
      %get3A_2606 = arith.index_cast %while3A_2577 : i32 to index
      %get3A_2607 = arith.constant 64 : index
      %get3A_2608 = tpu.vector_load %arg5[%get3A_2606, %get3A_2607] {strides = array<i32>} : memref<192x128xf32, #tpu.memory_space<vmem>>, vector<1x16xf32>,
      %get3A_2609 = vector.shape_cast %get3A_2608 : vector<1x16xf32> to vector<16xf32>
      %add3A_2610 = arith.addf %while3A_2582, %get3A_2609 : vector<16xf32>
      %get3A_2611 = arith.index_cast %while3A_2577 : i32 to index
      %get3A_2612 = arith.constant 80 : index
      %get3A_2613 = tpu.vector_load %arg5[%get3A_2611, %get3A_2612] {strides = array<i32>} : memref<192x128xf32, #tpu.memory_space<vmem>>, vector<1x16xf32>,
      %get3A_2614 = vector.shape_cast %get3A_2613 : vector<1x16xf32> to vector<16xf32>
      %add3A_2615 = arith.addf %while3A_2583, %get3A_2614 : vector<16xf32>
      %get3A_2616 = arith.index_cast %while3A_2577 : i32 to index
      %get3A_2617 = arith.constant 96 : index
      %get3A_2618 = tpu.vector_load %arg5[%get3A_2616, %get3A_2617] {strides = array<i32>} : memref<192x128xf32, #tpu.memory_space<vmem>>, vector<1x16xf32>,
      %get3A_2619 = vector.shape_cast %get3A_2618 : vector<1x16xf32> to vector<16xf32>
      %add3A_2620 = arith.addf %while3A_2584, %get3A_2619 : vector<16xf32>
      %get3A_2621 = arith.index_cast %while3A_2577 : i32 to index
      %get3A_2622 = arith.constant 112 : index
      %get3A_2623 = tpu.vector_load %arg5[%get3A_2621, %get3A_2622] {strides = array<i32>} : memref<192x128xf32, #tpu.memory_space<vmem>>, vector<1x16xf32>,
      %get3A_2624 = vector.shape_cast %get3A_2623 : vector<1x16xf32> to vector<16xf32>
      %add3A_2625 = arith.addf %while3A_2585, %get3A_2624 : vector<16xf32>
      scf.yield %add3A_2590, %add3A_2595, %add3A_2600, %add3A_2605, %add3A_2610, %add3A_2615, %add3A_2620, %add3A_2625 : vector<16xf32>, vector<16xf32>, vector<16xf32>, vector<16xf32>, vector<16xf32>, vector<16xf32>, vector<16xf32>, vector<16xf32>
    }
    %swap3A_2354 = arith.constant 12 : i32
    %swap3A_2355 = arith.index_cast %swap3A_2354 : i32 to index
    %swap3A_2356 = arith.constant 0 : index
    %swap3A_2357 = tpu.vector_load %arg7[%swap3A_2355, %swap3A_2356] {strides = array<i32>} : memref<16x128xf32, #tpu.memory_space<vmem>>, vector<1x16xf32>,
    %swap3A_2358 = vector.shape_cast %swap3A_2357 : vector<1x16xf32> to vector<16xf32>
    %swap3A_2359 = vector.shape_cast %while3A_2353#0 : vector<16xf32> to vector<1x16xf32>
    tpu.vector_store %arg7[%swap3A_2355, %swap3A_2356], %swap3A_2359 {strides = array<i32>} : memref<16x128xf32, #tpu.memory_space<vmem>>, vector<1x16xf32>,
    %swap3A_2360 = arith.constant 12 : i32
    %swap3A_2361 = arith.index_cast %swap3A_2360 : i32 to index
    %swap3A_2362 = arith.constant 16 : index
    %swap3A_2363 = tpu.vector_load %arg7[%swap3A_2361, %swap3A_2362] {strides = array<i32>} : memref<16x128xf32, #tpu.memory_space<vmem>>, vector<1x16xf32>,
    %swap3A_2364 = vector.shape_cast %swap3A_2363 : vector<1x16xf32> to vector<16xf32>
    %swap3A_2365 = vector.shape_cast %while3A_2353#1 : vector<16xf32> to vector<1x16xf32>
    tpu.vector_store %arg7[%swap3A_2361, %swap3A_2362], %swap3A_2365 {strides = array<i32>} : memref<16x128xf32, #tpu.memory_space<vmem>>, vector<1x16xf32>,
    %swap3A_2366 = arith.constant 12 : i32
    %swap3A_2367 = arith.index_cast %swap3A_2366 : i32 to index
    %swap3A_2368 = arith.constant 32 : index
    %swap3A_2369 = tpu.vector_load %arg7[%swap3A_2367, %swap3A_2368] {strides = array<i32>} : memref<16x128xf32, #tpu.memory_space<vmem>>, vector<1x16xf32>,
    %swap3A_2370 = vector.shape_cast %swap3A_2369 : vector<1x16xf32> to vector<16xf32>
    %swap3A_2371 = vector.shape_cast %while3A_2353#2 : vector<16xf32> to vector<1x16xf32>
    tpu.vector_store %arg7[%swap3A_2367, %swap3A_2368], %swap3A_2371 {strides = array<i32>} : memref<16x128xf32, #tpu.memory_space<vmem>>, vector<1x16xf32>,
    %swap3A_2372 = arith.constant 12 : i32
    %swap3A_2373 = arith.index_cast %swap3A_2372 : i32 to index
    %swap3A_2374 = arith.constant 48 : index
    %swap3A_2375 = tpu.vector_load %arg7[%swap3A_2373, %swap3A_2374] {strides = array<i32>} : memref<16x128xf32, #tpu.memory_space<vmem>>, vector<1x16xf32>,
    %swap3A_2376 = vector.shape_cast %swap3A_2375 : vector<1x16xf32> to vector<16xf32>
    %swap3A_2377 = vector.shape_cast %while3A_2353#3 : vector<16xf32> to vector<1x16xf32>
    tpu.vector_store %arg7[%swap3A_2373, %swap3A_2374], %swap3A_2377 {strides = array<i32>} : memref<16x128xf32, #tpu.memory_space<vmem>>, vector<1x16xf32>,
    %swap3A_2378 = arith.constant 12 : i32
    %swap3A_2379 = arith.index_cast %swap3A_2378 : i32 to index
    %swap3A_2380 = arith.constant 64 : index
    %swap3A_2381 = tpu.vector_load %arg7[%swap3A_2379, %swap3A_2380] {strides = array<i32>} : memref<16x128xf32, #tpu.memory_space<vmem>>, vector<1x16xf32>,
    %swap3A_2382 = vector.shape_cast %swap3A_2381 : vector<1x16xf32> to vector<16xf32>
    %swap3A_2383 = vector.shape_cast %while3A_2353#4 : vector<16xf32> to vector<1x16xf32>
    tpu.vector_store %arg7[%swap3A_2379, %swap3A_2380], %swap3A_2383 {strides = array<i32>} : memref<16x128xf32, #tpu.memory_space<vmem>>, vector<1x16xf32>,
    %swap3A_2384 = arith.constant 12 : i32
    %swap3A_2385 = arith.index_cast %swap3A_2384 : i32 to index
    %swap3A_2386 = arith.constant 80 : index
    %swap3A_2387 = tpu.vector_load %arg7[%swap3A_2385, %swap3A_2386] {strides = array<i32>} : memref<16x128xf32, #tpu.memory_space<vmem>>, vector<1x16xf32>,
    %swap3A_2388 = vector.shape_cast %swap3A_2387 : vector<1x16xf32> to vector<16xf32>
    %swap3A_2389 = vector.shape_cast %while3A_2353#5 : vector<16xf32> to vector<1x16xf32>
    tpu.vector_store %arg7[%swap3A_2385, %swap3A_2386], %swap3A_2389 {strides = array<i32>} : memref<16x128xf32, #tpu.memory_space<vmem>>, vector<1x16xf32>,
    %swap3A_2390 = arith.constant 12 : i32
    %swap3A_2391 = arith.index_cast %swap3A_2390 : i32 to index
    %swap3A_2392 = arith.constant 96 : index
    %swap3A_2393 = tpu.vector_load %arg7[%swap3A_2391, %swap3A_2392] {strides = array<i32>} : memref<16x128xf32, #tpu.memory_space<vmem>>, vector<1x16xf32>,
    %swap3A_2394 = vector.shape_cast %swap3A_2393 : vector<1x16xf32> to vector<16xf32>
    %swap3A_2395 = vector.shape_cast %while3A_2353#6 : vector<16xf32> to vector<1x16xf32>
    tpu.vector_store %arg7[%swap3A_2391, %swap3A_2392], %swap3A_2395 {strides = array<i32>} : memref<16x128xf32, #tpu.memory_space<vmem>>, vector<1x16xf32>,
    %swap3A_2396 = arith.constant 12 : i32
    %swap3A_2397 = arith.index_cast %swap3A_2396 : i32 to index
    %swap3A_2398 = arith.constant 112 : index
    %swap3A_2399 = tpu.vector_load %arg7[%swap3A_2397, %swap3A_2398] {strides = array<i32>} : memref<16x128xf32, #tpu.memory_space<vmem>>, vector<1x16xf32>,
    %swap3A_2400 = vector.shape_cast %swap3A_2399 : vector<1x16xf32> to vector<16xf32>
    %swap3A_2401 = vector.shape_cast %while3A_2353#7 : vector<16xf32> to vector<1x16xf32>
    tpu.vector_store %arg7[%swap3A_2397, %swap3A_2398], %swap3A_2401 {strides = array<i32>} : memref<16x128xf32, #tpu.memory_space<vmem>>, vector<1x16xf32>,
    %while3A_2402 = arith.subi %add3A_1596, %add3A_1549 : i32
    %while3A_2403 = arith.addi %add3A_1549, %while3A_2402 : i32
    %while3A_2404 = arith.constant 1 : i32
    %while3A_2405 = arith.divsi %while3A_2402, %while3A_2404 : i32
    %while3A_2406 = arith.muli %while3A_2405, %while3A_2404 : i32
    %while3A_2407 = arith.addi %add3A_1549, %while3A_2406 : i32
    %while3A_2408 = arith.constant 1 : i32
    %while3A_2409:8 = scf.for %while3A_2577 = %add3A_1549 to %while3A_2407 step %while3A_2408 iter_args(%while3A_2578 = %broadcast_in_dim3A_1648, %while3A_2579 = %broadcast_in_dim3A_1648, %while3A_2580 = %broadcast_in_dim3A_1648, %while3A_2581 = %broadcast_in_dim3A_1648, %while3A_2582 = %broadcast_in_dim3A_1648, %while3A_2583 = %broadcast_in_dim3A_1648, %while3A_2584 = %broadcast_in_dim3A_1648, %while3A_2585 = %broadcast_in_dim3A_1648) -> (vector<16xf32>, vector<16xf32>, vector<16xf32>, vector<16xf32>, vector<16xf32>, vector<16xf32>, vector<16xf32>, vector<16xf32>)  : i32 {
      %get3A_2586 = arith.index_cast %while3A_2577 : i32 to index
      %get3A_2587 = arith.constant 0 : index
      %get3A_2588 = tpu.vector_load %arg5[%get3A_2586, %get3A_2587] {strides = array<i32>} : memref<192x128xf32, #tpu.memory_space<vmem>>, vector<1x16xf32>,
      %get3A_2589 = vector.shape_cast %get3A_2588 : vector<1x16xf32> to vector<16xf32>
      %add3A_2590 = arith.addf %while3A_2578, %get3A_2589 : vector<16xf32>
      %get3A_2591 = arith.index_cast %while3A_2577 : i32 to index
      %get3A_2592 = arith.constant 16 : index
      %get3A_2593 = tpu.vector_load %arg5[%get3A_2591, %get3A_2592] {strides = array<i32>} : memref<192x128xf32, #tpu.memory_space<vmem>>, vector<1x16xf32>,
      %get3A_2594 = vector.shape_cast %get3A_2593 : vector<1x16xf32> to vector<16xf32>
      %add3A_2595 = arith.addf %while3A_2579, %get3A_2594 : vector<16xf32>
      %get3A_2596 = arith.index_cast %while3A_2577 : i32 to index
      %get3A_2597 = arith.constant 32 : index
      %get3A_2598 = tpu.vector_load %arg5[%get3A_2596, %get3A_2597] {strides = array<i32>} : memref<192x128xf32, #tpu.memory_space<vmem>>, vector<1x16xf32>,
      %get3A_2599 = vector.shape_cast %get3A_2598 : vector<1x16xf32> to vector<16xf32>
      %add3A_2600 = arith.addf %while3A_2580, %get3A_2599 : vector<16xf32>
      %get3A_2601 = arith.index_cast %while3A_2577 : i32 to index
      %get3A_2602 = arith.constant 48 : index
      %get3A_2603 = tpu.vector_load %arg5[%get3A_2601, %get3A_2602] {strides = array<i32>} : memref<192x128xf32, #tpu.memory_space<vmem>>, vector<1x16xf32>,
      %get3A_2604 = vector.shape_cast %get3A_2603 : vector<1x16xf32> to vector<16xf32>
      %add3A_2605 = arith.addf %while3A_2581, %get3A_2604 : vector<16xf32>
      %get3A_2606 = arith.index_cast %while3A_2577 : i32 to index
      %get3A_2607 = arith.constant 64 : index
      %get3A_2608 = tpu.vector_load %arg5[%get3A_2606, %get3A_2607] {strides = array<i32>} : memref<192x128xf32, #tpu.memory_space<vmem>>, vector<1x16xf32>,
      %get3A_2609 = vector.shape_cast %get3A_2608 : vector<1x16xf32> to vector<16xf32>
      %add3A_2610 = arith.addf %while3A_2582, %get3A_2609 : vector<16xf32>
      %get3A_2611 = arith.index_cast %while3A_2577 : i32 to index
      %get3A_2612 = arith.constant 80 : index
      %get3A_2613 = tpu.vector_load %arg5[%get3A_2611, %get3A_2612] {strides = array<i32>} : memref<192x128xf32, #tpu.memory_space<vmem>>, vector<1x16xf32>,
      %get3A_2614 = vector.shape_cast %get3A_2613 : vector<1x16xf32> to vector<16xf32>
      %add3A_2615 = arith.addf %while3A_2583, %get3A_2614 : vector<16xf32>
      %get3A_2616 = arith.index_cast %while3A_2577 : i32 to index
      %get3A_2617 = arith.constant 96 : index
      %get3A_2618 = tpu.vector_load %arg5[%get3A_2616, %get3A_2617] {strides = array<i32>} : memref<192x128xf32, #tpu.memory_space<vmem>>, vector<1x16xf32>,
      %get3A_2619 = vector.shape_cast %get3A_2618 : vector<1x16xf32> to vector<16xf32>
      %add3A_2620 = arith.addf %while3A_2584, %get3A_2619 : vector<16xf32>
      %get3A_2621 = arith.index_cast %while3A_2577 : i32 to index
      %get3A_2622 = arith.constant 112 : index
      %get3A_2623 = tpu.vector_load %arg5[%get3A_2621, %get3A_2622] {strides = array<i32>} : memref<192x128xf32, #tpu.memory_space<vmem>>, vector<1x16xf32>,
      %get3A_2624 = vector.shape_cast %get3A_2623 : vector<1x16xf32> to vector<16xf32>
      %add3A_2625 = arith.addf %while3A_2585, %get3A_2624 : vector<16xf32>
      scf.yield %add3A_2590, %add3A_2595, %add3A_2600, %add3A_2605, %add3A_2610, %add3A_2615, %add3A_2620, %add3A_2625 : vector<16xf32>, vector<16xf32>, vector<16xf32>, vector<16xf32>, vector<16xf32>, vector<16xf32>, vector<16xf32>, vector<16xf32>
    }
    %while3A_2410 = arith.constant 1 : i32
    %while3A_2411:8 = scf.for %while3A_2577 = %while3A_2407 to %while3A_2403 step %while3A_2410 iter_args(%while3A_2578 = %while3A_2409#0, %while3A_2579 = %while3A_2409#1, %while3A_2580 = %while3A_2409#2, %while3A_2581 = %while3A_2409#3, %while3A_2582 = %while3A_2409#4, %while3A_2583 = %while3A_2409#5, %while3A_2584 = %while3A_2409#6, %while3A_2585 = %while3A_2409#7) -> (vector<16xf32>, vector<16xf32>, vector<16xf32>, vector<16xf32>, vector<16xf32>, vector<16xf32>, vector<16xf32>, vector<16xf32>)  : i32 {
      %get3A_2586 = arith.index_cast %while3A_2577 : i32 to index
      %get3A_2587 = arith.constant 0 : index
      %get3A_2588 = tpu.vector_load %arg5[%get3A_2586, %get3A_2587] {strides = array<i32>} : memref<192x128xf32, #tpu.memory_space<vmem>>, vector<1x16xf32>,
      %get3A_2589 = vector.shape_cast %get3A_2588 : vector<1x16xf32> to vector<16xf32>
      %add3A_2590 = arith.addf %while3A_2578, %get3A_2589 : vector<16xf32>
      %get3A_2591 = arith.index_cast %while3A_2577 : i32 to index
      %get3A_2592 = arith.constant 16 : index
      %get3A_2593 = tpu.vector_load %arg5[%get3A_2591, %get3A_2592] {strides = array<i32>} : memref<192x128xf32, #tpu.memory_space<vmem>>, vector<1x16xf32>,
      %get3A_2594 = vector.shape_cast %get3A_2593 : vector<1x16xf32> to vector<16xf32>
      %add3A_2595 = arith.addf %while3A_2579, %get3A_2594 : vector<16xf32>
      %get3A_2596 = arith.index_cast %while3A_2577 : i32 to index
      %get3A_2597 = arith.constant 32 : index
      %get3A_2598 = tpu.vector_load %arg5[%get3A_2596, %get3A_2597] {strides = array<i32>} : memref<192x128xf32, #tpu.memory_space<vmem>>, vector<1x16xf32>,
      %get3A_2599 = vector.shape_cast %get3A_2598 : vector<1x16xf32> to vector<16xf32>
      %add3A_2600 = arith.addf %while3A_2580, %get3A_2599 : vector<16xf32>
      %get3A_2601 = arith.index_cast %while3A_2577 : i32 to index
      %get3A_2602 = arith.constant 48 : index
      %get3A_2603 = tpu.vector_load %arg5[%get3A_2601, %get3A_2602] {strides = array<i32>} : memref<192x128xf32, #tpu.memory_space<vmem>>, vector<1x16xf32>,
      %get3A_2604 = vector.shape_cast %get3A_2603 : vector<1x16xf32> to vector<16xf32>
      %add3A_2605 = arith.addf %while3A_2581, %get3A_2604 : vector<16xf32>
      %get3A_2606 = arith.index_cast %while3A_2577 : i32 to index
      %get3A_2607 = arith.constant 64 : index
      %get3A_2608 = tpu.vector_load %arg5[%get3A_2606, %get3A_2607] {strides = array<i32>} : memref<192x128xf32, #tpu.memory_space<vmem>>, vector<1x16xf32>,
      %get3A_2609 = vector.shape_cast %get3A_2608 : vector<1x16xf32> to vector<16xf32>
      %add3A_2610 = arith.addf %while3A_2582, %get3A_2609 : vector<16xf32>
      %get3A_2611 = arith.index_cast %while3A_2577 : i32 to index
      %get3A_2612 = arith.constant 80 : index
      %get3A_2613 = tpu.vector_load %arg5[%get3A_2611, %get3A_2612] {strides = array<i32>} : memref<192x128xf32, #tpu.memory_space<vmem>>, vector<1x16xf32>,
      %get3A_2614 = vector.shape_cast %get3A_2613 : vector<1x16xf32> to vector<16xf32>
      %add3A_2615 = arith.addf %while3A_2583, %get3A_2614 : vector<16xf32>
      %get3A_2616 = arith.index_cast %while3A_2577 : i32 to index
      %get3A_2617 = arith.constant 96 : index
      %get3A_2618 = tpu.vector_load %arg5[%get3A_2616, %get3A_2617] {strides = array<i32>} : memref<192x128xf32, #tpu.memory_space<vmem>>, vector<1x16xf32>,
      %get3A_2619 = vector.shape_cast %get3A_2618 : vector<1x16xf32> to vector<16xf32>
      %add3A_2620 = arith.addf %while3A_2584, %get3A_2619 : vector<16xf32>
      %get3A_2621 = arith.index_cast %while3A_2577 : i32 to index
      %get3A_2622 = arith.constant 112 : index
      %get3A_2623 = tpu.vector_load %arg5[%get3A_2621, %get3A_2622] {strides = array<i32>} : memref<192x128xf32, #tpu.memory_space<vmem>>, vector<1x16xf32>,
      %get3A_2624 = vector.shape_cast %get3A_2623 : vector<1x16xf32> to vector<16xf32>
      %add3A_2625 = arith.addf %while3A_2585, %get3A_2624 : vector<16xf32>
      scf.yield %add3A_2590, %add3A_2595, %add3A_2600, %add3A_2605, %add3A_2610, %add3A_2615, %add3A_2620, %add3A_2625 : vector<16xf32>, vector<16xf32>, vector<16xf32>, vector<16xf32>, vector<16xf32>, vector<16xf32>, vector<16xf32>, vector<16xf32>
    }
    %swap3A_2412 = arith.constant 13 : i32
    %swap3A_2413 = arith.index_cast %swap3A_2412 : i32 to index
    %swap3A_2414 = arith.constant 0 : index
    %swap3A_2415 = tpu.vector_load %arg7[%swap3A_2413, %swap3A_2414] {strides = array<i32>} : memref<16x128xf32, #tpu.memory_space<vmem>>, vector<1x16xf32>,
    %swap3A_2416 = vector.shape_cast %swap3A_2415 : vector<1x16xf32> to vector<16xf32>
    %swap3A_2417 = vector.shape_cast %while3A_2411#0 : vector<16xf32> to vector<1x16xf32>
    tpu.vector_store %arg7[%swap3A_2413, %swap3A_2414], %swap3A_2417 {strides = array<i32>} : memref<16x128xf32, #tpu.memory_space<vmem>>, vector<1x16xf32>,
    %swap3A_2418 = arith.constant 13 : i32
    %swap3A_2419 = arith.index_cast %swap3A_2418 : i32 to index
    %swap3A_2420 = arith.constant 16 : index
    %swap3A_2421 = tpu.vector_load %arg7[%swap3A_2419, %swap3A_2420] {strides = array<i32>} : memref<16x128xf32, #tpu.memory_space<vmem>>, vector<1x16xf32>,
    %swap3A_2422 = vector.shape_cast %swap3A_2421 : vector<1x16xf32> to vector<16xf32>
    %swap3A_2423 = vector.shape_cast %while3A_2411#1 : vector<16xf32> to vector<1x16xf32>
    tpu.vector_store %arg7[%swap3A_2419, %swap3A_2420], %swap3A_2423 {strides = array<i32>} : memref<16x128xf32, #tpu.memory_space<vmem>>, vector<1x16xf32>,
    %swap3A_2424 = arith.constant 13 : i32
    %swap3A_2425 = arith.index_cast %swap3A_2424 : i32 to index
    %swap3A_2426 = arith.constant 32 : index
    %swap3A_2427 = tpu.vector_load %arg7[%swap3A_2425, %swap3A_2426] {strides = array<i32>} : memref<16x128xf32, #tpu.memory_space<vmem>>, vector<1x16xf32>,
    %swap3A_2428 = vector.shape_cast %swap3A_2427 : vector<1x16xf32> to vector<16xf32>
    %swap3A_2429 = vector.shape_cast %while3A_2411#2 : vector<16xf32> to vector<1x16xf32>
    tpu.vector_store %arg7[%swap3A_2425, %swap3A_2426], %swap3A_2429 {strides = array<i32>} : memref<16x128xf32, #tpu.memory_space<vmem>>, vector<1x16xf32>,
    %swap3A_2430 = arith.constant 13 : i32
    %swap3A_2431 = arith.index_cast %swap3A_2430 : i32 to index
    %swap3A_2432 = arith.constant 48 : index
    %swap3A_2433 = tpu.vector_load %arg7[%swap3A_2431, %swap3A_2432] {strides = array<i32>} : memref<16x128xf32, #tpu.memory_space<vmem>>, vector<1x16xf32>,
    %swap3A_2434 = vector.shape_cast %swap3A_2433 : vector<1x16xf32> to vector<16xf32>
    %swap3A_2435 = vector.shape_cast %while3A_2411#3 : vector<16xf32> to vector<1x16xf32>
    tpu.vector_store %arg7[%swap3A_2431, %swap3A_2432], %swap3A_2435 {strides = array<i32>} : memref<16x128xf32, #tpu.memory_space<vmem>>, vector<1x16xf32>,
    %swap3A_2436 = arith.constant 13 : i32
    %swap3A_2437 = arith.index_cast %swap3A_2436 : i32 to index
    %swap3A_2438 = arith.constant 64 : index
    %swap3A_2439 = tpu.vector_load %arg7[%swap3A_2437, %swap3A_2438] {strides = array<i32>} : memref<16x128xf32, #tpu.memory_space<vmem>>, vector<1x16xf32>,
    %swap3A_2440 = vector.shape_cast %swap3A_2439 : vector<1x16xf32> to vector<16xf32>
    %swap3A_2441 = vector.shape_cast %while3A_2411#4 : vector<16xf32> to vector<1x16xf32>
    tpu.vector_store %arg7[%swap3A_2437, %swap3A_2438], %swap3A_2441 {strides = array<i32>} : memref<16x128xf32, #tpu.memory_space<vmem>>, vector<1x16xf32>,
    %swap3A_2442 = arith.constant 13 : i32
    %swap3A_2443 = arith.index_cast %swap3A_2442 : i32 to index
    %swap3A_2444 = arith.constant 80 : index
    %swap3A_2445 = tpu.vector_load %arg7[%swap3A_2443, %swap3A_2444] {strides = array<i32>} : memref<16x128xf32, #tpu.memory_space<vmem>>, vector<1x16xf32>,
    %swap3A_2446 = vector.shape_cast %swap3A_2445 : vector<1x16xf32> to vector<16xf32>
    %swap3A_2447 = vector.shape_cast %while3A_2411#5 : vector<16xf32> to vector<1x16xf32>
    tpu.vector_store %arg7[%swap3A_2443, %swap3A_2444], %swap3A_2447 {strides = array<i32>} : memref<16x128xf32, #tpu.memory_space<vmem>>, vector<1x16xf32>,
    %swap3A_2448 = arith.constant 13 : i32
    %swap3A_2449 = arith.index_cast %swap3A_2448 : i32 to index
    %swap3A_2450 = arith.constant 96 : index
    %swap3A_2451 = tpu.vector_load %arg7[%swap3A_2449, %swap3A_2450] {strides = array<i32>} : memref<16x128xf32, #tpu.memory_space<vmem>>, vector<1x16xf32>,
    %swap3A_2452 = vector.shape_cast %swap3A_2451 : vector<1x16xf32> to vector<16xf32>
    %swap3A_2453 = vector.shape_cast %while3A_2411#6 : vector<16xf32> to vector<1x16xf32>
    tpu.vector_store %arg7[%swap3A_2449, %swap3A_2450], %swap3A_2453 {strides = array<i32>} : memref<16x128xf32, #tpu.memory_space<vmem>>, vector<1x16xf32>,
    %swap3A_2454 = arith.constant 13 : i32
    %swap3A_2455 = arith.index_cast %swap3A_2454 : i32 to index
    %swap3A_2456 = arith.constant 112 : index
    %swap3A_2457 = tpu.vector_load %arg7[%swap3A_2455, %swap3A_2456] {strides = array<i32>} : memref<16x128xf32, #tpu.memory_space<vmem>>, vector<1x16xf32>,
    %swap3A_2458 = vector.shape_cast %swap3A_2457 : vector<1x16xf32> to vector<16xf32>
    %swap3A_2459 = vector.shape_cast %while3A_2411#7 : vector<16xf32> to vector<1x16xf32>
    tpu.vector_store %arg7[%swap3A_2455, %swap3A_2456], %swap3A_2459 {strides = array<i32>} : memref<16x128xf32, #tpu.memory_space<vmem>>, vector<1x16xf32>,
    %while3A_2460 = arith.subi %add3A_1643, %add3A_1596 : i32
    %while3A_2461 = arith.addi %add3A_1596, %while3A_2460 : i32
    %while3A_2462 = arith.constant 1 : i32
    %while3A_2463 = arith.divsi %while3A_2460, %while3A_2462 : i32
    %while3A_2464 = arith.muli %while3A_2463, %while3A_2462 : i32
    %while3A_2465 = arith.addi %add3A_1596, %while3A_2464 : i32
    %while3A_2466 = arith.constant 1 : i32
    %while3A_2467:8 = scf.for %while3A_2577 = %add3A_1596 to %while3A_2465 step %while3A_2466 iter_args(%while3A_2578 = %broadcast_in_dim3A_1648, %while3A_2579 = %broadcast_in_dim3A_1648, %while3A_2580 = %broadcast_in_dim3A_1648, %while3A_2581 = %broadcast_in_dim3A_1648, %while3A_2582 = %broadcast_in_dim3A_1648, %while3A_2583 = %broadcast_in_dim3A_1648, %while3A_2584 = %broadcast_in_dim3A_1648, %while3A_2585 = %broadcast_in_dim3A_1648) -> (vector<16xf32>, vector<16xf32>, vector<16xf32>, vector<16xf32>, vector<16xf32>, vector<16xf32>, vector<16xf32>, vector<16xf32>)  : i32 {
      %get3A_2586 = arith.index_cast %while3A_2577 : i32 to index
      %get3A_2587 = arith.constant 0 : index
      %get3A_2588 = tpu.vector_load %arg5[%get3A_2586, %get3A_2587] {strides = array<i32>} : memref<192x128xf32, #tpu.memory_space<vmem>>, vector<1x16xf32>,
      %get3A_2589 = vector.shape_cast %get3A_2588 : vector<1x16xf32> to vector<16xf32>
      %add3A_2590 = arith.addf %while3A_2578, %get3A_2589 : vector<16xf32>
      %get3A_2591 = arith.index_cast %while3A_2577 : i32 to index
      %get3A_2592 = arith.constant 16 : index
      %get3A_2593 = tpu.vector_load %arg5[%get3A_2591, %get3A_2592] {strides = array<i32>} : memref<192x128xf32, #tpu.memory_space<vmem>>, vector<1x16xf32>,
      %get3A_2594 = vector.shape_cast %get3A_2593 : vector<1x16xf32> to vector<16xf32>
      %add3A_2595 = arith.addf %while3A_2579, %get3A_2594 : vector<16xf32>
      %get3A_2596 = arith.index_cast %while3A_2577 : i32 to index
      %get3A_2597 = arith.constant 32 : index
      %get3A_2598 = tpu.vector_load %arg5[%get3A_2596, %get3A_2597] {strides = array<i32>} : memref<192x128xf32, #tpu.memory_space<vmem>>, vector<1x16xf32>,
      %get3A_2599 = vector.shape_cast %get3A_2598 : vector<1x16xf32> to vector<16xf32>
      %add3A_2600 = arith.addf %while3A_2580, %get3A_2599 : vector<16xf32>
      %get3A_2601 = arith.index_cast %while3A_2577 : i32 to index
      %get3A_2602 = arith.constant 48 : index
      %get3A_2603 = tpu.vector_load %arg5[%get3A_2601, %get3A_2602] {strides = array<i32>} : memref<192x128xf32, #tpu.memory_space<vmem>>, vector<1x16xf32>,
      %get3A_2604 = vector.shape_cast %get3A_2603 : vector<1x16xf32> to vector<16xf32>
      %add3A_2605 = arith.addf %while3A_2581, %get3A_2604 : vector<16xf32>
      %get3A_2606 = arith.index_cast %while3A_2577 : i32 to index
      %get3A_2607 = arith.constant 64 : index
      %get3A_2608 = tpu.vector_load %arg5[%get3A_2606, %get3A_2607] {strides = array<i32>} : memref<192x128xf32, #tpu.memory_space<vmem>>, vector<1x16xf32>,
      %get3A_2609 = vector.shape_cast %get3A_2608 : vector<1x16xf32> to vector<16xf32>
      %add3A_2610 = arith.addf %while3A_2582, %get3A_2609 : vector<16xf32>
      %get3A_2611 = arith.index_cast %while3A_2577 : i32 to index
      %get3A_2612 = arith.constant 80 : index
      %get3A_2613 = tpu.vector_load %arg5[%get3A_2611, %get3A_2612] {strides = array<i32>} : memref<192x128xf32, #tpu.memory_space<vmem>>, vector<1x16xf32>,
      %get3A_2614 = vector.shape_cast %get3A_2613 : vector<1x16xf32> to vector<16xf32>
      %add3A_2615 = arith.addf %while3A_2583, %get3A_2614 : vector<16xf32>
      %get3A_2616 = arith.index_cast %while3A_2577 : i32 to index
      %get3A_2617 = arith.constant 96 : index
      %get3A_2618 = tpu.vector_load %arg5[%get3A_2616, %get3A_2617] {strides = array<i32>} : memref<192x128xf32, #tpu.memory_space<vmem>>, vector<1x16xf32>,
      %get3A_2619 = vector.shape_cast %get3A_2618 : vector<1x16xf32> to vector<16xf32>
      %add3A_2620 = arith.addf %while3A_2584, %get3A_2619 : vector<16xf32>
      %get3A_2621 = arith.index_cast %while3A_2577 : i32 to index
      %get3A_2622 = arith.constant 112 : index
      %get3A_2623 = tpu.vector_load %arg5[%get3A_2621, %get3A_2622] {strides = array<i32>} : memref<192x128xf32, #tpu.memory_space<vmem>>, vector<1x16xf32>,
      %get3A_2624 = vector.shape_cast %get3A_2623 : vector<1x16xf32> to vector<16xf32>
      %add3A_2625 = arith.addf %while3A_2585, %get3A_2624 : vector<16xf32>
      scf.yield %add3A_2590, %add3A_2595, %add3A_2600, %add3A_2605, %add3A_2610, %add3A_2615, %add3A_2620, %add3A_2625 : vector<16xf32>, vector<16xf32>, vector<16xf32>, vector<16xf32>, vector<16xf32>, vector<16xf32>, vector<16xf32>, vector<16xf32>
    }
    %while3A_2468 = arith.constant 1 : i32
    %while3A_2469:8 = scf.for %while3A_2577 = %while3A_2465 to %while3A_2461 step %while3A_2468 iter_args(%while3A_2578 = %while3A_2467#0, %while3A_2579 = %while3A_2467#1, %while3A_2580 = %while3A_2467#2, %while3A_2581 = %while3A_2467#3, %while3A_2582 = %while3A_2467#4, %while3A_2583 = %while3A_2467#5, %while3A_2584 = %while3A_2467#6, %while3A_2585 = %while3A_2467#7) -> (vector<16xf32>, vector<16xf32>, vector<16xf32>, vector<16xf32>, vector<16xf32>, vector<16xf32>, vector<16xf32>, vector<16xf32>)  : i32 {
      %get3A_2586 = arith.index_cast %while3A_2577 : i32 to index
      %get3A_2587 = arith.constant 0 : index
      %get3A_2588 = tpu.vector_load %arg5[%get3A_2586, %get3A_2587] {strides = array<i32>} : memref<192x128xf32, #tpu.memory_space<vmem>>, vector<1x16xf32>,
      %get3A_2589 = vector.shape_cast %get3A_2588 : vector<1x16xf32> to vector<16xf32>
      %add3A_2590 = arith.addf %while3A_2578, %get3A_2589 : vector<16xf32>
      %get3A_2591 = arith.index_cast %while3A_2577 : i32 to index
      %get3A_2592 = arith.constant 16 : index
      %get3A_2593 = tpu.vector_load %arg5[%get3A_2591, %get3A_2592] {strides = array<i32>} : memref<192x128xf32, #tpu.memory_space<vmem>>, vector<1x16xf32>,
      %get3A_2594 = vector.shape_cast %get3A_2593 : vector<1x16xf32> to vector<16xf32>
      %add3A_2595 = arith.addf %while3A_2579, %get3A_2594 : vector<16xf32>
      %get3A_2596 = arith.index_cast %while3A_2577 : i32 to index
      %get3A_2597 = arith.constant 32 : index
      %get3A_2598 = tpu.vector_load %arg5[%get3A_2596, %get3A_2597] {strides = array<i32>} : memref<192x128xf32, #tpu.memory_space<vmem>>, vector<1x16xf32>,
      %get3A_2599 = vector.shape_cast %get3A_2598 : vector<1x16xf32> to vector<16xf32>
      %add3A_2600 = arith.addf %while3A_2580, %get3A_2599 : vector<16xf32>
      %get3A_2601 = arith.index_cast %while3A_2577 : i32 to index
      %get3A_2602 = arith.constant 48 : index
      %get3A_2603 = tpu.vector_load %arg5[%get3A_2601, %get3A_2602] {strides = array<i32>} : memref<192x128xf32, #tpu.memory_space<vmem>>, vector<1x16xf32>,
      %get3A_2604 = vector.shape_cast %get3A_2603 : vector<1x16xf32> to vector<16xf32>
      %add3A_2605 = arith.addf %while3A_2581, %get3A_2604 : vector<16xf32>
      %get3A_2606 = arith.index_cast %while3A_2577 : i32 to index
      %get3A_2607 = arith.constant 64 : index
      %get3A_2608 = tpu.vector_load %arg5[%get3A_2606, %get3A_2607] {strides = array<i32>} : memref<192x128xf32, #tpu.memory_space<vmem>>, vector<1x16xf32>,
      %get3A_2609 = vector.shape_cast %get3A_2608 : vector<1x16xf32> to vector<16xf32>
      %add3A_2610 = arith.addf %while3A_2582, %get3A_2609 : vector<16xf32>
      %get3A_2611 = arith.index_cast %while3A_2577 : i32 to index
      %get3A_2612 = arith.constant 80 : index
      %get3A_2613 = tpu.vector_load %arg5[%get3A_2611, %get3A_2612] {strides = array<i32>} : memref<192x128xf32, #tpu.memory_space<vmem>>, vector<1x16xf32>,
      %get3A_2614 = vector.shape_cast %get3A_2613 : vector<1x16xf32> to vector<16xf32>
      %add3A_2615 = arith.addf %while3A_2583, %get3A_2614 : vector<16xf32>
      %get3A_2616 = arith.index_cast %while3A_2577 : i32 to index
      %get3A_2617 = arith.constant 96 : index
      %get3A_2618 = tpu.vector_load %arg5[%get3A_2616, %get3A_2617] {strides = array<i32>} : memref<192x128xf32, #tpu.memory_space<vmem>>, vector<1x16xf32>,
      %get3A_2619 = vector.shape_cast %get3A_2618 : vector<1x16xf32> to vector<16xf32>
      %add3A_2620 = arith.addf %while3A_2584, %get3A_2619 : vector<16xf32>
      %get3A_2621 = arith.index_cast %while3A_2577 : i32 to index
      %get3A_2622 = arith.constant 112 : index
      %get3A_2623 = tpu.vector_load %arg5[%get3A_2621, %get3A_2622] {strides = array<i32>} : memref<192x128xf32, #tpu.memory_space<vmem>>, vector<1x16xf32>,
      %get3A_2624 = vector.shape_cast %get3A_2623 : vector<1x16xf32> to vector<16xf32>
      %add3A_2625 = arith.addf %while3A_2585, %get3A_2624 : vector<16xf32>
      scf.yield %add3A_2590, %add3A_2595, %add3A_2600, %add3A_2605, %add3A_2610, %add3A_2615, %add3A_2620, %add3A_2625 : vector<16xf32>, vector<16xf32>, vector<16xf32>, vector<16xf32>, vector<16xf32>, vector<16xf32>, vector<16xf32>, vector<16xf32>
    }
    %swap3A_2470 = arith.constant 14 : i32
    %swap3A_2471 = arith.index_cast %swap3A_2470 : i32 to index
    %swap3A_2472 = arith.constant 0 : index
    %swap3A_2473 = tpu.vector_load %arg7[%swap3A_2471, %swap3A_2472] {strides = array<i32>} : memref<16x128xf32, #tpu.memory_space<vmem>>, vector<1x16xf32>,
    %swap3A_2474 = vector.shape_cast %swap3A_2473 : vector<1x16xf32> to vector<16xf32>
    %swap3A_2475 = vector.shape_cast %while3A_2469#0 : vector<16xf32> to vector<1x16xf32>
    tpu.vector_store %arg7[%swap3A_2471, %swap3A_2472], %swap3A_2475 {strides = array<i32>} : memref<16x128xf32, #tpu.memory_space<vmem>>, vector<1x16xf32>,
    %swap3A_2476 = arith.constant 14 : i32
    %swap3A_2477 = arith.index_cast %swap3A_2476 : i32 to index
    %swap3A_2478 = arith.constant 16 : index
    %swap3A_2479 = tpu.vector_load %arg7[%swap3A_2477, %swap3A_2478] {strides = array<i32>} : memref<16x128xf32, #tpu.memory_space<vmem>>, vector<1x16xf32>,
    %swap3A_2480 = vector.shape_cast %swap3A_2479 : vector<1x16xf32> to vector<16xf32>
    %swap3A_2481 = vector.shape_cast %while3A_2469#1 : vector<16xf32> to vector<1x16xf32>
    tpu.vector_store %arg7[%swap3A_2477, %swap3A_2478], %swap3A_2481 {strides = array<i32>} : memref<16x128xf32, #tpu.memory_space<vmem>>, vector<1x16xf32>,
    %swap3A_2482 = arith.constant 14 : i32
    %swap3A_2483 = arith.index_cast %swap3A_2482 : i32 to index
    %swap3A_2484 = arith.constant 32 : index
    %swap3A_2485 = tpu.vector_load %arg7[%swap3A_2483, %swap3A_2484] {strides = array<i32>} : memref<16x128xf32, #tpu.memory_space<vmem>>, vector<1x16xf32>,
    %swap3A_2486 = vector.shape_cast %swap3A_2485 : vector<1x16xf32> to vector<16xf32>
    %swap3A_2487 = vector.shape_cast %while3A_2469#2 : vector<16xf32> to vector<1x16xf32>
    tpu.vector_store %arg7[%swap3A_2483, %swap3A_2484], %swap3A_2487 {strides = array<i32>} : memref<16x128xf32, #tpu.memory_space<vmem>>, vector<1x16xf32>,
    %swap3A_2488 = arith.constant 14 : i32
    %swap3A_2489 = arith.index_cast %swap3A_2488 : i32 to index
    %swap3A_2490 = arith.constant 48 : index
    %swap3A_2491 = tpu.vector_load %arg7[%swap3A_2489, %swap3A_2490] {strides = array<i32>} : memref<16x128xf32, #tpu.memory_space<vmem>>, vector<1x16xf32>,
    %swap3A_2492 = vector.shape_cast %swap3A_2491 : vector<1x16xf32> to vector<16xf32>
    %swap3A_2493 = vector.shape_cast %while3A_2469#3 : vector<16xf32> to vector<1x16xf32>
    tpu.vector_store %arg7[%swap3A_2489, %swap3A_2490], %swap3A_2493 {strides = array<i32>} : memref<16x128xf32, #tpu.memory_space<vmem>>, vector<1x16xf32>,
    %swap3A_2494 = arith.constant 14 : i32
    %swap3A_2495 = arith.index_cast %swap3A_2494 : i32 to index
    %swap3A_2496 = arith.constant 64 : index
    %swap3A_2497 = tpu.vector_load %arg7[%swap3A_2495, %swap3A_2496] {strides = array<i32>} : memref<16x128xf32, #tpu.memory_space<vmem>>, vector<1x16xf32>,
    %swap3A_2498 = vector.shape_cast %swap3A_2497 : vector<1x16xf32> to vector<16xf32>
    %swap3A_2499 = vector.shape_cast %while3A_2469#4 : vector<16xf32> to vector<1x16xf32>
    tpu.vector_store %arg7[%swap3A_2495, %swap3A_2496], %swap3A_2499 {strides = array<i32>} : memref<16x128xf32, #tpu.memory_space<vmem>>, vector<1x16xf32>,
    %swap3A_2500 = arith.constant 14 : i32
    %swap3A_2501 = arith.index_cast %swap3A_2500 : i32 to index
    %swap3A_2502 = arith.constant 80 : index
    %swap3A_2503 = tpu.vector_load %arg7[%swap3A_2501, %swap3A_2502] {strides = array<i32>} : memref<16x128xf32, #tpu.memory_space<vmem>>, vector<1x16xf32>,
    %swap3A_2504 = vector.shape_cast %swap3A_2503 : vector<1x16xf32> to vector<16xf32>
    %swap3A_2505 = vector.shape_cast %while3A_2469#5 : vector<16xf32> to vector<1x16xf32>
    tpu.vector_store %arg7[%swap3A_2501, %swap3A_2502], %swap3A_2505 {strides = array<i32>} : memref<16x128xf32, #tpu.memory_space<vmem>>, vector<1x16xf32>,
    %swap3A_2506 = arith.constant 14 : i32
    %swap3A_2507 = arith.index_cast %swap3A_2506 : i32 to index
    %swap3A_2508 = arith.constant 96 : index
    %swap3A_2509 = tpu.vector_load %arg7[%swap3A_2507, %swap3A_2508] {strides = array<i32>} : memref<16x128xf32, #tpu.memory_space<vmem>>, vector<1x16xf32>,
    %swap3A_2510 = vector.shape_cast %swap3A_2509 : vector<1x16xf32> to vector<16xf32>
    %swap3A_2511 = vector.shape_cast %while3A_2469#6 : vector<16xf32> to vector<1x16xf32>
    tpu.vector_store %arg7[%swap3A_2507, %swap3A_2508], %swap3A_2511 {strides = array<i32>} : memref<16x128xf32, #tpu.memory_space<vmem>>, vector<1x16xf32>,
    %swap3A_2512 = arith.constant 14 : i32
    %swap3A_2513 = arith.index_cast %swap3A_2512 : i32 to index
    %swap3A_2514 = arith.constant 112 : index
    %swap3A_2515 = tpu.vector_load %arg7[%swap3A_2513, %swap3A_2514] {strides = array<i32>} : memref<16x128xf32, #tpu.memory_space<vmem>>, vector<1x16xf32>,
    %swap3A_2516 = vector.shape_cast %swap3A_2515 : vector<1x16xf32> to vector<16xf32>
    %swap3A_2517 = vector.shape_cast %while3A_2469#7 : vector<16xf32> to vector<1x16xf32>
    tpu.vector_store %arg7[%swap3A_2513, %swap3A_2514], %swap3A_2517 {strides = array<i32>} : memref<16x128xf32, #tpu.memory_space<vmem>>, vector<1x16xf32>,
    %while3A_2518 = arith.constant 192 : i32
    %while3A_2519 = arith.subi %while3A_2518, %add3A_1643 : i32
    %while3A_2520 = arith.addi %add3A_1643, %while3A_2519 : i32
    %while3A_2521 = arith.constant 1 : i32
    %while3A_2522 = arith.divsi %while3A_2519, %while3A_2521 : i32
    %while3A_2523 = arith.muli %while3A_2522, %while3A_2521 : i32
    %while3A_2524 = arith.addi %add3A_1643, %while3A_2523 : i32
    %while3A_2525 = arith.constant 1 : i32
    %while3A_2526:8 = scf.for %while3A_2577 = %add3A_1643 to %while3A_2524 step %while3A_2525 iter_args(%while3A_2578 = %broadcast_in_dim3A_1648, %while3A_2579 = %broadcast_in_dim3A_1648, %while3A_2580 = %broadcast_in_dim3A_1648, %while3A_2581 = %broadcast_in_dim3A_1648, %while3A_2582 = %broadcast_in_dim3A_1648, %while3A_2583 = %broadcast_in_dim3A_1648, %while3A_2584 = %broadcast_in_dim3A_1648, %while3A_2585 = %broadcast_in_dim3A_1648) -> (vector<16xf32>, vector<16xf32>, vector<16xf32>, vector<16xf32>, vector<16xf32>, vector<16xf32>, vector<16xf32>, vector<16xf32>)  : i32 {
      %get3A_2586 = arith.index_cast %while3A_2577 : i32 to index
      %get3A_2587 = arith.constant 0 : index
      %get3A_2588 = tpu.vector_load %arg5[%get3A_2586, %get3A_2587] {strides = array<i32>} : memref<192x128xf32, #tpu.memory_space<vmem>>, vector<1x16xf32>,
      %get3A_2589 = vector.shape_cast %get3A_2588 : vector<1x16xf32> to vector<16xf32>
      %add3A_2590 = arith.addf %while3A_2578, %get3A_2589 : vector<16xf32>
      %get3A_2591 = arith.index_cast %while3A_2577 : i32 to index
      %get3A_2592 = arith.constant 16 : index
      %get3A_2593 = tpu.vector_load %arg5[%get3A_2591, %get3A_2592] {strides = array<i32>} : memref<192x128xf32, #tpu.memory_space<vmem>>, vector<1x16xf32>,
      %get3A_2594 = vector.shape_cast %get3A_2593 : vector<1x16xf32> to vector<16xf32>
      %add3A_2595 = arith.addf %while3A_2579, %get3A_2594 : vector<16xf32>
      %get3A_2596 = arith.index_cast %while3A_2577 : i32 to index
      %get3A_2597 = arith.constant 32 : index
      %get3A_2598 = tpu.vector_load %arg5[%get3A_2596, %get3A_2597] {strides = array<i32>} : memref<192x128xf32, #tpu.memory_space<vmem>>, vector<1x16xf32>,
      %get3A_2599 = vector.shape_cast %get3A_2598 : vector<1x16xf32> to vector<16xf32>
      %add3A_2600 = arith.addf %while3A_2580, %get3A_2599 : vector<16xf32>
      %get3A_2601 = arith.index_cast %while3A_2577 : i32 to index
      %get3A_2602 = arith.constant 48 : index
      %get3A_2603 = tpu.vector_load %arg5[%get3A_2601, %get3A_2602] {strides = array<i32>} : memref<192x128xf32, #tpu.memory_space<vmem>>, vector<1x16xf32>,
      %get3A_2604 = vector.shape_cast %get3A_2603 : vector<1x16xf32> to vector<16xf32>
      %add3A_2605 = arith.addf %while3A_2581, %get3A_2604 : vector<16xf32>
      %get3A_2606 = arith.index_cast %while3A_2577 : i32 to index
      %get3A_2607 = arith.constant 64 : index
      %get3A_2608 = tpu.vector_load %arg5[%get3A_2606, %get3A_2607] {strides = array<i32>} : memref<192x128xf32, #tpu.memory_space<vmem>>, vector<1x16xf32>,
      %get3A_2609 = vector.shape_cast %get3A_2608 : vector<1x16xf32> to vector<16xf32>
      %add3A_2610 = arith.addf %while3A_2582, %get3A_2609 : vector<16xf32>
      %get3A_2611 = arith.index_cast %while3A_2577 : i32 to index
      %get3A_2612 = arith.constant 80 : index
      %get3A_2613 = tpu.vector_load %arg5[%get3A_2611, %get3A_2612] {strides = array<i32>} : memref<192x128xf32, #tpu.memory_space<vmem>>, vector<1x16xf32>,
      %get3A_2614 = vector.shape_cast %get3A_2613 : vector<1x16xf32> to vector<16xf32>
      %add3A_2615 = arith.addf %while3A_2583, %get3A_2614 : vector<16xf32>
      %get3A_2616 = arith.index_cast %while3A_2577 : i32 to index
      %get3A_2617 = arith.constant 96 : index
      %get3A_2618 = tpu.vector_load %arg5[%get3A_2616, %get3A_2617] {strides = array<i32>} : memref<192x128xf32, #tpu.memory_space<vmem>>, vector<1x16xf32>,
      %get3A_2619 = vector.shape_cast %get3A_2618 : vector<1x16xf32> to vector<16xf32>
      %add3A_2620 = arith.addf %while3A_2584, %get3A_2619 : vector<16xf32>
      %get3A_2621 = arith.index_cast %while3A_2577 : i32 to index
      %get3A_2622 = arith.constant 112 : index
      %get3A_2623 = tpu.vector_load %arg5[%get3A_2621, %get3A_2622] {strides = array<i32>} : memref<192x128xf32, #tpu.memory_space<vmem>>, vector<1x16xf32>,
      %get3A_2624 = vector.shape_cast %get3A_2623 : vector<1x16xf32> to vector<16xf32>
      %add3A_2625 = arith.addf %while3A_2585, %get3A_2624 : vector<16xf32>
      scf.yield %add3A_2590, %add3A_2595, %add3A_2600, %add3A_2605, %add3A_2610, %add3A_2615, %add3A_2620, %add3A_2625 : vector<16xf32>, vector<16xf32>, vector<16xf32>, vector<16xf32>, vector<16xf32>, vector<16xf32>, vector<16xf32>, vector<16xf32>
    }
    %while3A_2527 = arith.constant 1 : i32
    %while3A_2528:8 = scf.for %while3A_2577 = %while3A_2524 to %while3A_2520 step %while3A_2527 iter_args(%while3A_2578 = %while3A_2526#0, %while3A_2579 = %while3A_2526#1, %while3A_2580 = %while3A_2526#2, %while3A_2581 = %while3A_2526#3, %while3A_2582 = %while3A_2526#4, %while3A_2583 = %while3A_2526#5, %while3A_2584 = %while3A_2526#6, %while3A_2585 = %while3A_2526#7) -> (vector<16xf32>, vector<16xf32>, vector<16xf32>, vector<16xf32>, vector<16xf32>, vector<16xf32>, vector<16xf32>, vector<16xf32>)  : i32 {
      %get3A_2586 = arith.index_cast %while3A_2577 : i32 to index
      %get3A_2587 = arith.constant 0 : index
      %get3A_2588 = tpu.vector_load %arg5[%get3A_2586, %get3A_2587] {strides = array<i32>} : memref<192x128xf32, #tpu.memory_space<vmem>>, vector<1x16xf32>,
      %get3A_2589 = vector.shape_cast %get3A_2588 : vector<1x16xf32> to vector<16xf32>
      %add3A_2590 = arith.addf %while3A_2578, %get3A_2589 : vector<16xf32>
      %get3A_2591 = arith.index_cast %while3A_2577 : i32 to index
      %get3A_2592 = arith.constant 16 : index
      %get3A_2593 = tpu.vector_load %arg5[%get3A_2591, %get3A_2592] {strides = array<i32>} : memref<192x128xf32, #tpu.memory_space<vmem>>, vector<1x16xf32>,
      %get3A_2594 = vector.shape_cast %get3A_2593 : vector<1x16xf32> to vector<16xf32>
      %add3A_2595 = arith.addf %while3A_2579, %get3A_2594 : vector<16xf32>
      %get3A_2596 = arith.index_cast %while3A_2577 : i32 to index
      %get3A_2597 = arith.constant 32 : index
      %get3A_2598 = tpu.vector_load %arg5[%get3A_2596, %get3A_2597] {strides = array<i32>} : memref<192x128xf32, #tpu.memory_space<vmem>>, vector<1x16xf32>,
      %get3A_2599 = vector.shape_cast %get3A_2598 : vector<1x16xf32> to vector<16xf32>
      %add3A_2600 = arith.addf %while3A_2580, %get3A_2599 : vector<16xf32>
      %get3A_2601 = arith.index_cast %while3A_2577 : i32 to index
      %get3A_2602 = arith.constant 48 : index
      %get3A_2603 = tpu.vector_load %arg5[%get3A_2601, %get3A_2602] {strides = array<i32>} : memref<192x128xf32, #tpu.memory_space<vmem>>, vector<1x16xf32>,
      %get3A_2604 = vector.shape_cast %get3A_2603 : vector<1x16xf32> to vector<16xf32>
      %add3A_2605 = arith.addf %while3A_2581, %get3A_2604 : vector<16xf32>
      %get3A_2606 = arith.index_cast %while3A_2577 : i32 to index
      %get3A_2607 = arith.constant 64 : index
      %get3A_2608 = tpu.vector_load %arg5[%get3A_2606, %get3A_2607] {strides = array<i32>} : memref<192x128xf32, #tpu.memory_space<vmem>>, vector<1x16xf32>,
      %get3A_2609 = vector.shape_cast %get3A_2608 : vector<1x16xf32> to vector<16xf32>
      %add3A_2610 = arith.addf %while3A_2582, %get3A_2609 : vector<16xf32>
      %get3A_2611 = arith.index_cast %while3A_2577 : i32 to index
      %get3A_2612 = arith.constant 80 : index
      %get3A_2613 = tpu.vector_load %arg5[%get3A_2611, %get3A_2612] {strides = array<i32>} : memref<192x128xf32, #tpu.memory_space<vmem>>, vector<1x16xf32>,
      %get3A_2614 = vector.shape_cast %get3A_2613 : vector<1x16xf32> to vector<16xf32>
      %add3A_2615 = arith.addf %while3A_2583, %get3A_2614 : vector<16xf32>
      %get3A_2616 = arith.index_cast %while3A_2577 : i32 to index
      %get3A_2617 = arith.constant 96 : index
      %get3A_2618 = tpu.vector_load %arg5[%get3A_2616, %get3A_2617] {strides = array<i32>} : memref<192x128xf32, #tpu.memory_space<vmem>>, vector<1x16xf32>,
      %get3A_2619 = vector.shape_cast %get3A_2618 : vector<1x16xf32> to vector<16xf32>
      %add3A_2620 = arith.addf %while3A_2584, %get3A_2619 : vector<16xf32>
      %get3A_2621 = arith.index_cast %while3A_2577 : i32 to index
      %get3A_2622 = arith.constant 112 : index
      %get3A_2623 = tpu.vector_load %arg5[%get3A_2621, %get3A_2622] {strides = array<i32>} : memref<192x128xf32, #tpu.memory_space<vmem>>, vector<1x16xf32>,
      %get3A_2624 = vector.shape_cast %get3A_2623 : vector<1x16xf32> to vector<16xf32>
      %add3A_2625 = arith.addf %while3A_2585, %get3A_2624 : vector<16xf32>
      scf.yield %add3A_2590, %add3A_2595, %add3A_2600, %add3A_2605, %add3A_2610, %add3A_2615, %add3A_2620, %add3A_2625 : vector<16xf32>, vector<16xf32>, vector<16xf32>, vector<16xf32>, vector<16xf32>, vector<16xf32>, vector<16xf32>, vector<16xf32>
    }
    %swap3A_2529 = arith.constant 15 : i32
    %swap3A_2530 = arith.index_cast %swap3A_2529 : i32 to index
    %swap3A_2531 = arith.constant 0 : index
    %swap3A_2532 = tpu.vector_load %arg7[%swap3A_2530, %swap3A_2531] {strides = array<i32>} : memref<16x128xf32, #tpu.memory_space<vmem>>, vector<1x16xf32>,
    %swap3A_2533 = vector.shape_cast %swap3A_2532 : vector<1x16xf32> to vector<16xf32>
    %swap3A_2534 = vector.shape_cast %while3A_2528#0 : vector<16xf32> to vector<1x16xf32>
    tpu.vector_store %arg7[%swap3A_2530, %swap3A_2531], %swap3A_2534 {strides = array<i32>} : memref<16x128xf32, #tpu.memory_space<vmem>>, vector<1x16xf32>,
    %swap3A_2535 = arith.constant 15 : i32
    %swap3A_2536 = arith.index_cast %swap3A_2535 : i32 to index
    %swap3A_2537 = arith.constant 16 : index
    %swap3A_2538 = tpu.vector_load %arg7[%swap3A_2536, %swap3A_2537] {strides = array<i32>} : memref<16x128xf32, #tpu.memory_space<vmem>>, vector<1x16xf32>,
    %swap3A_2539 = vector.shape_cast %swap3A_2538 : vector<1x16xf32> to vector<16xf32>
    %swap3A_2540 = vector.shape_cast %while3A_2528#1 : vector<16xf32> to vector<1x16xf32>
    tpu.vector_store %arg7[%swap3A_2536, %swap3A_2537], %swap3A_2540 {strides = array<i32>} : memref<16x128xf32, #tpu.memory_space<vmem>>, vector<1x16xf32>,
    %swap3A_2541 = arith.constant 15 : i32
    %swap3A_2542 = arith.index_cast %swap3A_2541 : i32 to index
    %swap3A_2543 = arith.constant 32 : index
    %swap3A_2544 = tpu.vector_load %arg7[%swap3A_2542, %swap3A_2543] {strides = array<i32>} : memref<16x128xf32, #tpu.memory_space<vmem>>, vector<1x16xf32>,
    %swap3A_2545 = vector.shape_cast %swap3A_2544 : vector<1x16xf32> to vector<16xf32>
    %swap3A_2546 = vector.shape_cast %while3A_2528#2 : vector<16xf32> to vector<1x16xf32>
    tpu.vector_store %arg7[%swap3A_2542, %swap3A_2543], %swap3A_2546 {strides = array<i32>} : memref<16x128xf32, #tpu.memory_space<vmem>>, vector<1x16xf32>,
    %swap3A_2547 = arith.constant 15 : i32
    %swap3A_2548 = arith.index_cast %swap3A_2547 : i32 to index
    %swap3A_2549 = arith.constant 48 : index
    %swap3A_2550 = tpu.vector_load %arg7[%swap3A_2548, %swap3A_2549] {strides = array<i32>} : memref<16x128xf32, #tpu.memory_space<vmem>>, vector<1x16xf32>,
    %swap3A_2551 = vector.shape_cast %swap3A_2550 : vector<1x16xf32> to vector<16xf32>
    %swap3A_2552 = vector.shape_cast %while3A_2528#3 : vector<16xf32> to vector<1x16xf32>
    tpu.vector_store %arg7[%swap3A_2548, %swap3A_2549], %swap3A_2552 {strides = array<i32>} : memref<16x128xf32, #tpu.memory_space<vmem>>, vector<1x16xf32>,
    %swap3A_2553 = arith.constant 15 : i32
    %swap3A_2554 = arith.index_cast %swap3A_2553 : i32 to index
    %swap3A_2555 = arith.constant 64 : index
    %swap3A_2556 = tpu.vector_load %arg7[%swap3A_2554, %swap3A_2555] {strides = array<i32>} : memref<16x128xf32, #tpu.memory_space<vmem>>, vector<1x16xf32>,
    %swap3A_2557 = vector.shape_cast %swap3A_2556 : vector<1x16xf32> to vector<16xf32>
    %swap3A_2558 = vector.shape_cast %while3A_2528#4 : vector<16xf32> to vector<1x16xf32>
    tpu.vector_store %arg7[%swap3A_2554, %swap3A_2555], %swap3A_2558 {strides = array<i32>} : memref<16x128xf32, #tpu.memory_space<vmem>>, vector<1x16xf32>,
    %swap3A_2559 = arith.constant 15 : i32
    %swap3A_2560 = arith.index_cast %swap3A_2559 : i32 to index
    %swap3A_2561 = arith.constant 80 : index
    %swap3A_2562 = tpu.vector_load %arg7[%swap3A_2560, %swap3A_2561] {strides = array<i32>} : memref<16x128xf32, #tpu.memory_space<vmem>>, vector<1x16xf32>,
    %swap3A_2563 = vector.shape_cast %swap3A_2562 : vector<1x16xf32> to vector<16xf32>
    %swap3A_2564 = vector.shape_cast %while3A_2528#5 : vector<16xf32> to vector<1x16xf32>
    tpu.vector_store %arg7[%swap3A_2560, %swap3A_2561], %swap3A_2564 {strides = array<i32>} : memref<16x128xf32, #tpu.memory_space<vmem>>, vector<1x16xf32>,
    %swap3A_2565 = arith.constant 15 : i32
    %swap3A_2566 = arith.index_cast %swap3A_2565 : i32 to index
    %swap3A_2567 = arith.constant 96 : index
    %swap3A_2568 = tpu.vector_load %arg7[%swap3A_2566, %swap3A_2567] {strides = array<i32>} : memref<16x128xf32, #tpu.memory_space<vmem>>, vector<1x16xf32>,
    %swap3A_2569 = vector.shape_cast %swap3A_2568 : vector<1x16xf32> to vector<16xf32>
    %swap3A_2570 = vector.shape_cast %while3A_2528#6 : vector<16xf32> to vector<1x16xf32>
    tpu.vector_store %arg7[%swap3A_2566, %swap3A_2567], %swap3A_2570 {strides = array<i32>} : memref<16x128xf32, #tpu.memory_space<vmem>>, vector<1x16xf32>,
    %swap3A_2571 = arith.constant 15 : i32
    %swap3A_2572 = arith.index_cast %swap3A_2571 : i32 to index
    %swap3A_2573 = arith.constant 112 : index
    %swap3A_2574 = tpu.vector_load %arg7[%swap3A_2572, %swap3A_2573] {strides = array<i32>} : memref<16x128xf32, #tpu.memory_space<vmem>>, vector<1x16xf32>,
    %swap3A_2575 = vector.shape_cast %swap3A_2574 : vector<1x16xf32> to vector<16xf32>
    %swap3A_2576 = vector.shape_cast %while3A_2528#7 : vector<16xf32> to vector<1x16xf32>
    tpu.vector_store %arg7[%swap3A_2572, %swap3A_2573], %swap3A_2576 {strides = array<i32>} : memref<16x128xf32, #tpu.memory_space<vmem>>, vector<1x16xf32>,
    "tpu.region"() ({
      %run_scoped3A = tpu.sem_alloc : memref<!tpu.dma_semaphore, #tpu.memory_space<semaphore_mem>>
      %dma_start3A_2577 = arith.constant 0 : i32
      %dma_start3A_2578 = arith.constant 0 : i32
      %dma_start3A_2579 = tpu.memref_slice %arg4[%arg1, %dma_start3A_2577, %dma_start3A_2578] : memref<16x16x128xf32, #tpu.memory_space<hbm>> -> memref<1x16x128xf32, #tpu.memory_space<hbm>>
      %dma_start3A_2580 = tpu.memref_squeeze %dma_start3A_2579 : memref<1x16x128xf32, #tpu.memory_space<hbm>> -> memref<16x128xf32, #tpu.memory_space<hbm>>
      %dma_start3A_2581 = arith.constant 0 : i32
      %dma_start3A_2582 = arith.constant 0 : i32
      %dma_start3A_2583 = tpu.memref_slice %arg4[%arg1, %dma_start3A_2581, %dma_start3A_2582] : memref<16x16x128xf32, #tpu.memory_space<hbm>> -> memref<1x16x128xf32, #tpu.memory_space<hbm>>
      %dma_start3A_2584 = tpu.memref_squeeze %dma_start3A_2583 : memref<1x16x128xf32, #tpu.memory_space<hbm>> -> memref<16x128xf32, #tpu.memory_space<hbm>>
      tpu.enqueue_dma source(%arg7 : memref<16x128xf32, #tpu.memory_space<vmem>>) target(%dma_start3A_2584 : memref<16x128xf32, #tpu.memory_space<hbm>>) target_semaphore(%run_scoped3A : memref<!tpu.dma_semaphore, #tpu.memory_space<semaphore_mem>>)
      %dma_wait3A_2585 = arith.constant 0 : i32
      %dma_wait3A_2586 = arith.constant 0 : i32
      %dma_wait3A_2587 = tpu.memref_slice %arg4[%arg1, %dma_wait3A_2585, %dma_wait3A_2586] : memref<16x16x128xf32, #tpu.memory_space<hbm>> -> memref<1x16x128xf32, #tpu.memory_space<hbm>>
      %dma_wait3A_2588 = tpu.memref_squeeze %dma_wait3A_2587 : memref<1x16x128xf32, #tpu.memory_space<hbm>> -> memref<16x128xf32, #tpu.memory_space<hbm>>
      %dma_wait3A_2589 = arith.constant 0 : i32
      %dma_wait3A_2590 = arith.constant 0 : i32
      %dma_wait3A_2591 = tpu.memref_slice %arg4[%arg1, %dma_wait3A_2589, %dma_wait3A_2590] : memref<16x16x128xf32, #tpu.memory_space<hbm>> -> memref<1x16x128xf32, #tpu.memory_space<hbm>>
      %dma_wait3A_2592 = tpu.memref_squeeze %dma_wait3A_2591 : memref<1x16x128xf32, #tpu.memory_space<hbm>> -> memref<16x128xf32, #tpu.memory_space<hbm>>
      tpu.wait_dma2 semaphore(%run_scoped3A : memref<!tpu.dma_semaphore, #tpu.memory_space<semaphore_mem>>) src(%arg7 : memref<16x128xf32, #tpu.memory_space<vmem>>) dst(%dma_wait3A_2592 : memref<16x128xf32, #tpu.memory_space<hbm>>)
      tpu.yield
    }) : () -> ()
    return
  }
}

module attributes {stable_mosaic.version = 14 : i64} {
  func.func @_tc_pool_kernel(%arg0: i32, %arg1: memref<3464x128xf32, #tpu.memory_space<vmem>>, %arg2: memref<1x1x3464xi32, #tpu.memory_space<vmem>>, %arg3: memref<16x128xf32, #tpu.memory_space<vmem>>, %arg4: memref<16x128xf32, #tpu.memory_space<vmem>>) attributes {dimension_semantics = [#tpu.dimension_semantics<arbitrary>], iteration_bounds = array<i64: 2>, scalar_prefetch = 0 : i64, scratch_operands = 1 : i64, tpu.core_type = #tpu.core_type<tc>, window_params = [{transform_indices = @transform_0, window_bounds = array<i64: 3464, 128>}, {transform_indices = @transform_1, window_bounds = array<i64: 1, 1, 3464>}, {pipeline_mode = #tpu.pipeline_mode<synchronous>, transform_indices = @transform_2, window_bounds = array<i64: 16, 128>}]} {
    %eq3A = arith.constant 0 : i32
    %eq3A_0 = arith.cmpi eq, %arg0, %eq3A : i32
    %convert_element_type3A = arith.extui %eq3A_0 : i1 to i32
    %cond3A = arith.constant 0 : i32
    %cond3A_1 = arith.cmpi ne, %convert_element_type3A, %cond3A : i32
    scf.if %cond3A_1 {
      %broadcast_in_dim3A = arith.constant 0.000000e+00 : f32
      %broadcast_in_dim3A_24 = vector.broadcast %broadcast_in_dim3A : f32 to vector<16x128xf32>
      %swap3A_25 = arith.constant 0 : index
      %swap3A_26 = arith.constant 0 : index
      %swap3A_27 = vector.load %arg4[%swap3A_25, %swap3A_26] : memref<16x128xf32, #tpu.memory_space<vmem>>, vector<16x128xf32>
      tpu.vector_store %arg4[%swap3A_25, %swap3A_26], %broadcast_in_dim3A_24 {strides = array<i32>} : memref<16x128xf32, #tpu.memory_space<vmem>>, vector<16x128xf32>,
    } else {
    }
    %get3A = arith.constant 0 : index
    %get3A_2 = arith.constant 0 : index
    %get3A_3 = arith.constant 0 : index
    %get3A_4 = vector.load %arg2[%get3A, %get3A_2, %get3A_3] : memref<1x1x3464xi32, #tpu.memory_space<vmem>>, vector<1x1x3464xi32>
    %get3A_5 = vector.shape_cast %get3A_4 : vector<1x1x3464xi32> to vector<1x3464xi32>
    %iota3A = tpu.iota {dimensions = array<i32: 0>} : vector<16x3464xi32>
    %eq3A_6 = vector.broadcast %get3A_5 : vector<1x3464xi32> to vector<16x3464xi32>
    %eq3A_7 = arith.cmpi eq, %iota3A, %eq3A_6 : vector<16x3464xi32>
    %convert_element_type3A_8 = arith.extui %eq3A_7 : vector<16x3464xi1> to vector<16x3464xi32>
    %convert_element_type3A_9 = arith.sitofp %convert_element_type3A_8 : vector<16x3464xi32> to vector<16x3464xf32>
    %get3A_10 = arith.constant 0 : index
    %get3A_11 = arith.constant 0 : index
    %get3A_12 = vector.load %arg4[%get3A_10, %get3A_11] : memref<16x128xf32, #tpu.memory_space<vmem>>, vector<16x128xf32>
    %get3A_13 = arith.constant 0 : index
    %get3A_14 = arith.constant 0 : index
    %get3A_15 = vector.load %arg1[%get3A_13, %get3A_14] : memref<3464x128xf32, #tpu.memory_space<vmem>>, vector<3464x128xf32>
    %dot_general3A = arith.constant dense<0.000000e+00> : vector<16x128xf32>
    %dot_general3A_16 = tpu.matmul %convert_element_type3A_9, %get3A_15, %dot_general3A {dimension_numbers = #tpu.dot_dimension_numbers<[1], [0], [0], [1], [0, 0, 1, 1], [], []>, transpose_lhs_hint = false} : vector<16x3464xf32>, vector<3464x128xf32>, vector<16x128xf32> -> vector<16x128xf32>
    %add3A = arith.addf %get3A_12, %dot_general3A_16 : vector<16x128xf32>
    %swap3A = arith.constant 0 : index
    %swap3A_17 = arith.constant 0 : index
    %swap3A_18 = vector.load %arg4[%swap3A, %swap3A_17] : memref<16x128xf32, #tpu.memory_space<vmem>>, vector<16x128xf32>
    tpu.vector_store %arg4[%swap3A, %swap3A_17], %add3A {strides = array<i32>} : memref<16x128xf32, #tpu.memory_space<vmem>>, vector<16x128xf32>,
    %eq3A_19 = arith.constant 1 : i32
    %eq3A_20 = arith.cmpi eq, %arg0, %eq3A_19 : i32
    %convert_element_type3A_21 = arith.extui %eq3A_20 : i1 to i32
    %cond3A_22 = arith.constant 0 : i32
    %cond3A_23 = arith.cmpi ne, %convert_element_type3A_21, %cond3A_22 : i32
    scf.if %cond3A_23 {
      %get3A_24 = arith.constant 0 : index
      %get3A_25 = arith.constant 0 : index
      %get3A_26 = vector.load %arg4[%get3A_24, %get3A_25] : memref<16x128xf32, #tpu.memory_space<vmem>>, vector<16x128xf32>
      %swap3A_27 = arith.constant 0 : index
      %swap3A_28 = arith.constant 0 : index
      %swap3A_29 = vector.load %arg3[%swap3A_27, %swap3A_28] : memref<16x128xf32, #tpu.memory_space<vmem>>, vector<16x128xf32>
      tpu.vector_store %arg3[%swap3A_27, %swap3A_28], %get3A_26 {strides = array<i32>} : memref<16x128xf32, #tpu.memory_space<vmem>>, vector<16x128xf32>,
    } else {
    }
    return
  }
  func.func @transform_0(%arg0: i32) -> (i32, i32) {
    %c0_i32 = arith.constant 0 : i32
    %c0_i32_0 = arith.constant 0 : i32
    return %arg0, %c0_i32 : i32, i32
  }
  func.func @transform_1(%arg0: i32) -> (i32, i32, i32) {
    %c0_i32 = arith.constant 0 : i32
    %c0_i32_0 = arith.constant 0 : i32
    %c0_i32_1 = arith.constant 0 : i32
    return %arg0, %c0_i32, %c0_i32_0 : i32, i32, i32
  }
  func.func @transform_2(%arg0: i32) -> (i32, i32) {
    %c0_i32 = arith.constant 0 : i32
    %c0_i32_0 = arith.constant 0 : i32
    %c0_i32_1 = arith.constant 0 : i32
    return %c0_i32, %c0_i32_0 : i32, i32
  }
}

module attributes {stable_mosaic.version = 14 : i64} {
  func.func @_combine_mlp_kernel(%arg0: memref<256x128xf32, #tpu.memory_space<vmem>>, %arg1: memref<16x128xf32, #tpu.memory_space<vmem>>, %arg2: memref<128x32xf32, #tpu.memory_space<vmem>>, %arg3: memref<1x32xf32, #tpu.memory_space<vmem>>, %arg4: memref<32x2xf32, #tpu.memory_space<vmem>>, %arg5: memref<1x2xf32, #tpu.memory_space<vmem>>, %arg6: memref<16x2xf32, #tpu.memory_space<vmem>>) attributes {dimension_semantics = [], scalar_prefetch = 0 : i64, scratch_operands = 0 : i64, tpu.core_type = #tpu.core_type<tc>} {
    %iota3A = tpu.iota {dimensions = array<i32: 0>} : vector<16x256xi32>
    %iota3A_0 = tpu.iota {dimensions = array<i32: 1>} : vector<16x256xi32>
    %jit3A = arith.constant 16 : i32
    %eq3A = arith.constant 0 : i32
    %eq3A_1 = arith.cmpi eq, %jit3A, %eq3A : i32
    %jit3A_2 = arith.constant 1 : i32
    %select_n3A = arith.select %eq3A_1, %jit3A_2, %jit3A : i32
    %rem3A = vector.broadcast %select_n3A : i32 to vector<16x256xi32>
    %rem3A_3 = arith.remsi %iota3A_0, %rem3A : vector<16x256xi32>
    %ne3A = arith.constant 0 : i32
    %ne3A_4 = vector.broadcast %ne3A : i32 to vector<16x256xi32>
    %ne3A_5 = arith.cmpi ne, %rem3A_3, %ne3A_4 : vector<16x256xi32>
    %lt3A = arith.constant 0 : i32
    %lt3A_6 = vector.broadcast %lt3A : i32 to vector<16x256xi32>
    %lt3A_7 = arith.cmpi slt, %rem3A_3, %lt3A_6 : vector<16x256xi32>
    %lt3A_8 = arith.constant 0 : i32
    %lt3A_9 = arith.cmpi slt, %select_n3A, %lt3A_8 : i32
    %ne3A_10 = vector.broadcast %lt3A_9 : i1 to vector<16x256xi1>
    %ne3A_11 = vector.broadcast %ne3A_10 : vector<16x256xi1> to vector<16x256xi1>
    %ne3A_12 = arith.xori %lt3A_7, %ne3A_11 : vector<16x256xi1>
    %and3A = arith.andi %ne3A_12, %ne3A_5 : vector<16x256xi1>
    %add3A = vector.broadcast %select_n3A : i32 to vector<16x256xi32>
    %add3A_13 = arith.addi %rem3A_3, %add3A : vector<16x256xi32>
    %select_n3A_14 = arith.select %and3A, %add3A_13, %rem3A_3 : vector<16x256xi1>, vector<16x256xi32>
    %eq3A_15 = arith.cmpi eq, %select_n3A_14, %iota3A : vector<16x256xi32>
    %convert_element_type3A = arith.extui %eq3A_15 : vector<16x256xi1> to vector<16x256xi32>
    %convert_element_type3A_16 = arith.sitofp %convert_element_type3A : vector<16x256xi32> to vector<16x256xf32>
    %get3A = arith.constant 0 : index
    %get3A_17 = arith.constant 0 : index
    %get3A_18 = vector.load %arg0[%get3A, %get3A_17] : memref<256x128xf32, #tpu.memory_space<vmem>>, vector<256x128xf32>
    %dot_general3A = arith.constant dense<0.000000e+00> : vector<16x128xf32>
    %dot_general3A_19 = tpu.matmul %convert_element_type3A_16, %get3A_18, %dot_general3A {dimension_numbers = #tpu.dot_dimension_numbers<[1], [0], [0], [1], [0, 0, 1, 1], [], []>, transpose_lhs_hint = false} : vector<16x256xf32>, vector<256x128xf32>, vector<16x128xf32> -> vector<16x128xf32>
    %get3A_20 = arith.constant 0 : index
    %get3A_21 = arith.constant 0 : index
    %get3A_22 = vector.load %arg1[%get3A_20, %get3A_21] : memref<16x128xf32, #tpu.memory_space<vmem>>, vector<16x128xf32>
    %add3A_23 = arith.addf %dot_general3A_19, %get3A_22 : vector<16x128xf32>
    %get3A_24 = arith.constant 0 : index
    %get3A_25 = arith.constant 0 : index
    %get3A_26 = vector.load %arg2[%get3A_24, %get3A_25] : memref<128x32xf32, #tpu.memory_space<vmem>>, vector<128x32xf32>
    %dot_general3A_27 = arith.constant dense<0.000000e+00> : vector<16x32xf32>
    %dot_general3A_28 = tpu.matmul %add3A_23, %get3A_26, %dot_general3A_27 {dimension_numbers = #tpu.dot_dimension_numbers<[1], [0], [0], [1], [0, 0, 1, 1], [], []>, transpose_lhs_hint = false} : vector<16x128xf32>, vector<128x32xf32>, vector<16x32xf32> -> vector<16x32xf32>
    %get3A_29 = arith.constant 0 : index
    %get3A_30 = arith.constant 0 : index
    %get3A_31 = vector.load %arg3[%get3A_29, %get3A_30] : memref<1x32xf32, #tpu.memory_space<vmem>>, vector<1x32xf32>
    %add3A_32 = vector.broadcast %get3A_31 : vector<1x32xf32> to vector<16x32xf32>
    %add3A_33 = arith.addf %dot_general3A_28, %add3A_32 : vector<16x32xf32>
    %get3A_34 = arith.constant 0 : index
    %get3A_35 = arith.constant 0 : index
    %get3A_36 = vector.load %arg4[%get3A_34, %get3A_35] : memref<32x2xf32, #tpu.memory_space<vmem>>, vector<32x2xf32>
    %dot_general3A_37 = arith.constant dense<0.000000e+00> : vector<16x2xf32>
    %dot_general3A_38 = tpu.matmul %add3A_33, %get3A_36, %dot_general3A_37 {dimension_numbers = #tpu.dot_dimension_numbers<[1], [0], [0], [1], [0, 0, 1, 1], [], []>, transpose_lhs_hint = false} : vector<16x32xf32>, vector<32x2xf32>, vector<16x2xf32> -> vector<16x2xf32>
    %get3A_39 = arith.constant 0 : index
    %get3A_40 = arith.constant 0 : index
    %get3A_41 = vector.load %arg5[%get3A_39, %get3A_40] : memref<1x2xf32, #tpu.memory_space<vmem>>, vector<1x2xf32>
    %add3A_42 = vector.broadcast %get3A_41 : vector<1x2xf32> to vector<16x2xf32>
    %add3A_43 = arith.addf %dot_general3A_38, %add3A_42 : vector<16x2xf32>
    %logistic3A = arith.negf %add3A_43 : vector<16x2xf32>
    %logistic3A_44 = math.exp %logistic3A : vector<16x2xf32>
    %logistic3A_45 = arith.constant 1.000000e+00 : f32
    %logistic3A_46 = vector.broadcast %logistic3A_45 : f32 to vector<16x2xf32>
    %logistic3A_47 = arith.addf %logistic3A_46, %logistic3A_44 : vector<16x2xf32>
    %logistic3A_48 = arith.divf %logistic3A_46, %logistic3A_47 : vector<16x2xf32>
    %swap3A = arith.constant 0 : index
    %swap3A_49 = arith.constant 0 : index
    %swap3A_50 = vector.load %arg6[%swap3A, %swap3A_49] : memref<16x2xf32, #tpu.memory_space<vmem>>, vector<16x2xf32>
    tpu.vector_store %arg6[%swap3A, %swap3A_49], %logistic3A_48 {strides = array<i32>} : memref<16x2xf32, #tpu.memory_space<vmem>>, vector<16x2xf32>,
    return
  }
}

</mosaic_0001>

<sc_bundles>
// kernel: _run.5.cloned.1.call-start
scs
__scs_entry_jumppad:
0x0: {  	(pc) =	sbr.rel $0x88, $3  }
0x1: {  	(tag) =	ssettag $0x0;
	lr =	simm.s32 $0x1  }
0x2: {  	[smem:$0x3F9B] =	sst lr;
	_ =	strace $0xD0000000  }
0x3: {  	_ = 	snop  }
0x4: {  	_ = 	snop  }
0x5: {  	_ = 	snop  }
0x6: {  	_ = 	snop  }
0x7: {  	_ = 	snop  }
__scs_overlays_trampoline_lowered:
0x8: {  	[smem:$0x3FAA] =	sst s0  }
0x9: {  	[smem:$0x3FAB] =	sst s1  }
0xa: {  	[smem:$0x3FAC] =	sst s2  }
0xb: {  	[smem:$0x3FAD] =	sst s3  }
0xc: {  	[smem:$0x3FAE] =	sst s4  }
0xd: {  	[smem:$0x3FAF] =	sst s5  }
0xe: {  	[smem:$0x3FB0] =	sst s6  }
0xf: {  	[smem:$0x3FB1] =	sst s7  }
0x10: {  	[smem:$0x3FB2] =	sst s8  }
0x11: {  	[smem:$0x3FB3] =	sst s9;
	s0 =	simm.s32 @!p0 $0x0  }
0x12: {  	s1 =	sld [smem:$0x3F99];
	s0 =	simm.s32 @p0 $0x1  }
0x13: {  	[smem:$0x3FB4] =	sst s0;
	s0 =	simm.s32 @!p1 $0x0  }
0x14: {  	s2 =	sld [smem:$0x3F98];
	s0 =	simm.s32 @p1 $0x1  }
0x15: {  	[smem:$0x3FB5] =	sst s0;
	s0 =	simm.s32 @!p2 $0x0  }
0x16: {  	s3 =	sld [smem:$0x3FDB];
	s0 =	simm.s32 @p2 $0x1  }
0x17: {  	s4 =	simm.s32 $0x1BF5;
	[smem:$0x3FB7] =	sst s0  }
0x18: {  	s0 =	sld [smem:$0x3F9A];
	_ =	swait.ge [sflag:s4], $0x0  }
0x19: {  	s7 =	sld [smem:$0x3F9B]  }
0x1a: {  	s8 =	sadd.s32 $0xFFFFE003, lr  }
0x1b: {  	s9 =	sadd.s32 $0xFFFFFEF7, lr;
	s5 =	simm.s32 $0xFFFFFFFF;
	p2 =	slt.u32 s8, $0xFFFFF086  }
0x1c: {  	p1 =	slt.u32 s9, $0xF7A;
	s5 =	simm.s32 @!p2 $0x0  }
0x1d: {  	s5 =	simm.s32 @p1 $0x1;
	p0 =	seq.s32 s7, s2  }
0x1e: {  	s7 =	smul.u32 @!p0 $0xF7A, s2;
	p2 =	seq.s32 @!p0 s5, $0x0  }
0x1f: {  	s9 =	smul.u32 $0xF7A, s1;
	s8 =	simm.s32 @!p0 $0x1BF5;
	p2 =	por !p2, p0  }
0x20: {  	[sflag:s8] =	ssyncset.s32 @!p0 $0xFFFFF086;
	s6 =	sadd.s32 @!p0 s3, s7;
	s7 =	simm.s32 @!p0 $0x108  }
0x21: {  	s3 =	sadd.s32 s3, s9;
	s6 =	sadd.s32 @!p0 $0x88, s6;
	s7 =	simm.s32 @p2 $0x1082  }
0x22: {  	[simem:s7], [sflag:s8] =	dma.local @!p0 [hbm:s6], $0xF7A  }
0x23: {  	s9 =	sor.u32 $0xD0000000, s2;
	s6 =	simm.s32 $0x108;
	_ =	swait.ge @!p0 [sflag:s8], $0x0  }
0x24: {  	s3 =	sadd.s32 $0x88, s3;
	s6 =	simm.s32 @!p1 $0x1082;
	[sflag:s4] =	ssyncset.s32 $0xFFFFF086  }
0x25: {  	[simem:s6], [sflag:s4] =	dma.local [hbm:s3], $0xF7A  }
0x26: {  	[smem:$0x3F9B] =	sst s1;
	(tag) =	ssettag s2;
	_ =	strace s9  }
0x27: {  	s1 =	sld [smem:$0x3FAB]  }
0x28: {  	s2 =	sld [smem:$0x3FAC]  }
0x29: {  	s4 =	sld [smem:$0x3FAE]  }
0x2a: {  	p0 =	seq.s32 s5, $0x0;
	s5 =	sld [smem:$0x3FAF]  }
0x2b: {  	s6 =	sld [smem:$0x3FB0]  }
0x2c: {  	s7 =	sld [smem:$0x3FB1]  }
0x2d: {  	s3 =	simm.s32 $0x108;
	s8 =	sld [smem:$0x3FB2]  }
0x2e: {  	s3 =	simm.s32 @!p0 $0x1082;
	s9 =	sld [smem:$0x3FB3]  }
0x2f: {  	lr =	sadd.s32 s0, s3;
	s0 =	sld [smem:$0x3FAA]  }
0x30: {  	s3 =	sld [smem:$0x3FAD]  }
0x31: {  	[smem:$0x3FB6] =	sst s10  }
0x32: {  	s10 =	sld [smem:$0x3FB4];
	_ =	sdelay $0x3  }
0x33: {  	p0 =	seq.s32 s10, $0x1;
	s10 =	sld [smem:$0x3FB6];
	_ =	sdelay $0x3  }
0x34: {  	[smem:$0x3FB6] =	sst s10  }
0x35: {  	s10 =	sld [smem:$0x3FB5];
	_ =	sdelay $0x3  }
0x36: {  	p1 =	seq.s32 s10, $0x1;
	s10 =	sld [smem:$0x3FB6];
	_ =	sdelay $0x3  }
0x37: {  	[smem:$0x3FB6] =	sst s10  }
0x38: {  	s10 =	sld [smem:$0x3FB7]  }
0x39: {  	_ = 	snop;
	(pc) =	sbr.ind lr, $3  }
0x3a: {  	_ = 	snop  }
0x3b: {  	_ = 	snop  }
0x3c: {  	p2 =	seq.s32 s10, $0x1;
	s10 =	sld [smem:$0x3FB6]  }
0x3d: {  	_ =	shalt  }
0x3e: {  	_ =	shalt  }
0x3f: {  	_ =	shalt  }
0x40: {  	_ =	shalt  }
0x41: {  	_ =	shalt  }
0x42: {  	_ =	shalt  }
0x43: {  	_ =	shalt  }
0x44: {  	_ =	shalt  }
0x45: {  	_ =	shalt  }
0x46: {  	_ =	shalt  }
0x47: {  	_ =	shalt  }
0x48: {  	_ =	shalt  }
0x49: {  	_ =	shalt  }
0x4a: {  	_ =	shalt  }
0x4b: {  	_ =	shalt  }
0x4c: {  	_ =	shalt  }
0x4d: {  	_ =	shalt  }
0x4e: {  	_ =	shalt  }
0x4f: {  	_ =	shalt  }
0x50: {  	_ =	shalt  }
0x51: {  	_ =	shalt  }
0x52: {  	_ =	shalt  }
0x53: {  	_ =	shalt  }
0x54: {  	_ =	shalt  }
0x55: {  	_ =	shalt  }
0x56: {  	_ =	shalt  }
0x57: {  	_ =	shalt  }
0x58: {  	_ =	shalt  }
0x59: {  	_ =	shalt  }
0x5a: {  	_ =	shalt  }
0x5b: {  	_ =	shalt  }
0x5c: {  	_ =	shalt  }
0x5d: {  	_ =	shalt  }
0x5e: {  	_ =	shalt  }
0x5f: {  	_ =	shalt  }
0x60: {  	_ =	shalt  }
0x61: {  	_ =	shalt  }
0x62: {  	_ =	shalt  }
0x63: {  	_ =	shalt  }
0x64: {  	_ =	shalt  }
0x65: {  	_ =	shalt  }
0x66: {  	_ =	shalt  }
0x67: {  	_ =	shalt  }
0x68: {  	_ =	shalt  }
0x69: {  	_ =	shalt  }
0x6a: {  	_ =	shalt  }
0x6b: {  	_ =	shalt  }
0x6c: {  	_ =	shalt  }
0x6d: {  	_ =	shalt  }
0x6e: {  	_ =	shalt  }
0x6f: {  	_ =	shalt  }
0x70: {  	_ =	shalt  }
0x71: {  	_ =	shalt  }
0x72: {  	_ =	shalt  }
0x73: {  	_ =	shalt  }
0x74: {  	_ =	shalt  }
0x75: {  	_ =	shalt  }
0x76: {  	_ =	shalt  }
0x77: {  	_ =	shalt  }
0x78: {  	_ =	shalt  }
0x79: {  	_ =	shalt  }
0x7a: {  	_ =	shalt  }
0x7b: {  	_ =	shalt  }
0x7c: {  	_ =	shalt  }
0x7d: {  	_ =	shalt  }
0x7e: {  	_ =	shalt  }
0x7f: {  	_ =	shalt  }
0x80: {  	_ =	shalt  }
0x81: {  	_ =	shalt  }
0x82: {  	_ =	shalt  }
0x83: {  	_ =	shalt  }
0x84: {  	_ =	shalt  }
0x85: {  	_ =	shalt  }
0x86: {  	_ =	shalt  }
0x87: {  	_ =	shalt  }
.Lfunc_end0:
.L_simem_size_0:
called_computation_lowered:
.L_overlay_start_0:
0x88: {  	s0 =	sld [smem:$0x3FD9]  }
0x89: {  	s1 =	sld [smem:$0x3FFE];
	_ =	sdelay $0x3  }
0x8a: {  	s0 =	sadd.s32 s1, s0  }
0x8b: {  	[smem:$0x3FC2] =	sst s0  }
0x8c: {  	_ = 	snop  }
0x8d: {  	s0 =	sld [smem:$0x3FC9]  }
0x8e: {  	s16 =	sld [smem:$0x3FC8];
	(tm) =	ssettm $0x1  }
0x8f: {  	s2 =	sld [smem:$0x3FFB];
	_ =	sdelay $0x3  }
0x90: {  	_ =	strace s2  }
0x91: {  	s2 =	sld [smem:$0x3FFC];
	_ =	sdelay $0x3  }
0x92: {  	_ =	strace s2  }
0x93: {  	s2 =	sld [smem:$0x3FFD];
	_ =	sdelay $0x3  }
0x94: {  	_ =	strace s2  }
0x95: {  	_ =	strace $0x8FFFFFFF  }
0x96: {  	s17 =	sld [smem:$0x3FDB];
	_ =	sdelay $0x1  }
0x97: {  	s3 =	simm.s32 $_scs_section_size  }
0x98: {  	s4 =	simm.s32 $_size__tile_overlayer_lowered;
	s5 =	simm.s32 $_tile_overlayer_lowered  }
0x99: {  	s20 =	simm.s32 $0x1BFF;
	s19 =	sshll.u32 s5, $0x1;
	s2 =	sadd.s32 s3, s17  }
0x9a: {  	s6 =	simm.s32 $0x0;
	s18 =	sshll.u32 s4, $0x1;
	s4 =	sadd.s32 s19, s2  }
0x9b: {  	[timem:s6], [sflag:s20] =	dma.local [hbm:s4], s18  }
0x9c: {  	_ =	swait.ge [sflag:s20], s18  }
0x9d: {  	s3 =	ssub.s32 $0x0, s18;
	[sflag:s20] =	ssyncset.done $0x0  }
0x9e: {  	[sflag:s20] =	ssyncadd.s32 s3;
	_ =	sdelay $0x1  }
0x9f: {  	s21 =	simm.s32 $0x1B8B  }
0xa0: {  	_ =	swait.ge [sflag:s21], $0x1  }
0xa1: {  	[sflag:s21] =	ssyncset.done $0x0  }
0xa2: {  	s23 =	simm.s32 $0x1B8E;
	s22 =	sld [smem:$0x3FFE];
	[sflag:s21] =	ssyncadd.s32 $0xFFFFFFFF  }
0xa3: {  	s24 =	simm.s32 $execute0_lowered;
	[smem:$0x3FD2] =	sst s23  }
0xa4: {  	s4 =	sshll.u32 s24, $0x1;
	_ =	strace $0x80000046;
	[dreg:$0x1] =	wrdreg $0xFFFFFFFF  }
0xa5: {  	s25 =	simm.s32 $_size_execute0_lowered;
	s2 =	sadd.s32 s2, s4;
	[dreg:$0x0] =	wrdreg $0x0  }
0xa6: {  	s4 =	sshll.u32 s25, $0x1;
	[dreg:$0x2] =	wrdreg s2  }
0xa7: {  	[dreg:$0x3] =	wrdreg s4  }
0xa8: {  	[dreg:$0x4] =	wrdreg $0xC0  }
0xa9: {  	_ =	task [dreg:s6], $0x5FFFF  }
0xaa: {  	[dreg:$0x1] =	wrdreg $0xFFFFFFFF  }
0xab: {  	[dreg:$0x0] =	wrdreg $0x60  }
0xac: {  	[dreg:$0x2] =	wrdreg s0  }
0xad: {  	[dreg:$0x3] =	wrdreg s16  }
0xae: {  	[dreg:$0x4] =	wrdreg s22  }
0xaf: {  	[dreg:$0x5] =	wrdreg $0x9  }
0xb0: {  	_ =	task.clear_ibuf [dreg:s6], $0x6FFFF;
	_ =	strace $0x90000046  }
0xb1: {  	s26 =	simm.s32 $0x9;
	_ =	strace $0x80000048  }
0xb2: {  	_ =	swait.ge [sflag:s26], $0x1  }
0xb3: {  	[sflag:s26] =	ssyncadd.s32 $0xFFFFFFFF  }
0xb4: {  	_ =	strace $0x90000048  }
0xb5: {  	_ =	sfence  }
0xb6: {  	s28 =	sld [smem:$0x0];
	_ =	sdelay $0x1  }
0xb7: {  	s29 =	srdreg.scid  }
0xb8: {  	s30 =	sshll.u32 s29, $0xD;
	s31 =	sshrl.u32 s29, $0x2  }
0xb9: {  	s1 =	sand.u32 $0x1, s29;
	s2 =	sand.u32 $0x4000, s30;
	s0 =	sadd.s32 s31, s28  }
0xba: {  	s1 =	sor.u32 s2, s1;
	s0 =	sshll.u32 s0, $0x11  }
0xbb: {  	s0 =	sor.u32 s0, s1  }
0xbc: {  	s0 =	sadd.s32 $0x8F2B, s0  }
0xbd: {  	[sflag:s0] =	ssyncadd.remote.s32 $0x1  }
0xbe: {  	_ =	sfence.sel $0xFFFF  }
0xbf: {  	[dreg:$0x0] =	wrdreg $0xFFFFFFFF;
	(pc) =	sbr.abs _section_cstart, $3  }
0xc0: {  	[dreg:$0x1] =	wrdreg $0xFFFFFFFF  }
0xc1: {  	_ =	task.clear_ibuf [dreg:s6], $0x2FFFF;
	_ =	strace $0x9FFFFFFF  }
0xc2: {  	(tm) =	ssettm $0x7FFFFFFF  }
0xc3: {  	_ =	shalt  }
tec
execute0_lowered:
.L_overlay_start_1:
0x0: {  	(tag) =	ssettag $0x1  }
0x1: {  	s2 =	stileid.u32  }
0x2: {  	s2 =	smul.u32 $0xC0, s2  }
0x3: {  	s0 =	rddreg [dreg:$0x0]  }
0x4: {  	s1 =	rddreg [dreg:$0x1];
	s3 =	simm.s32 $0x0;
	s2 =	sadd.s32 $0x1B10, s2  }
0x5: {  	[smem:$0x7FF] =	sst s3;
	s4 =	sshll.u32 s2, $0x4  }
0x6: {  	_ =	strace $0x80000047;
	s2 =	sshrl.u32 s2, $0x3;
	s0 =	sadd.s32 s0, s4  }
0x7: {  	[tilespmem:s3], [sflag:$0x1] =	stream.linear.gather [hbm4b:s0+s3], $0x6000, $0x38;
	[tilespmem:$0x6900] =	vst v63  }
0x8: {  	s22 =	simm.s32 $0x6000;
	s23 =	simm.s32 $0x2;
	s21 =	sadd.s32 s1, s2  }
0x9: {  	[tilespmem:s22], [sflag:$0x2] =	stream.linear.gather [hbm4b:s21+s3], $0xC0, $0x38;
	[tilespmem:$0x6900] =	vst v63  }
0xa: {  	_ =	swait.ge [sflag:s23], $0xC0  }
0xb: {  	[sflag:s23] =	ssyncset.done $0x0  }
0xc: {  	[sflag:s23] =	ssyncadd.s32 $0xFFFFFF40  }
0xd: {  	v12 =	vld [tilespmem:$0x6000];
	_ =	sdelay $0x2  }
0xe: {  	v7 =	vld [tilespmem:$0x6010]  }
0xf: {  	v0 =	vimm.s32 $0x0  }
0x10: {  	vm0 =	vlt.s32 v12, $0x1;
	vm6 =	vlt.s32 v12, $0x2;
	vm7 =	vlt.s32 v12, $0x3  }
0x11: {  	vm1 =	vlt.s32 v12, $0x4;
	vm8 =	vlt.s32 v12, $0x5;
	vm9 =	vlt.s32 v12, $0x6  }
0x12: {  	vm10 =	vlt.s32 v12, $0x7;
	vm11 =	vlt.s32 v12, $0x8;
	vm12 =	vlt.s32 v12, $0x9  }
0x13: {  	vm13 =	vlt.s32 v7, $0x1;
	vm14 =	vlt.s32 v7, $0x2;
	vm15 =	vlt.s32 v7, $0x3  }
0x14: {  	vm4 =	vlt.s32 v7, $0x4;
	vm5 =	vlt.s32 v7, $0x5;
	v1 =	vsel vm0, $0x1, v0  }
0x15: {  	v2 =	vsel vm6, $0x1, v0;
	v3 =	vsel vm7, $0x1, v0;
	v4 =	vsel vm1, $0x1, v0  }
0x16: {  	v5 =	vsel vm8, $0x1, v0;
	v6 =	vsel vm9, $0x1, v0;
	v8 =	vsel vm13, $0x1, v0  }
0x17: {  	v13 =	vsel vm10, $0x1, v0;
	v1 =	vadd.s32 v1, v8;
	v8 =	vsel vm14, $0x1, v0  }
0x18: {  	v15 =	vsel vm11, $0x1, v0;
	v21 =	vadd.s32 v2, v8;
	v2 =	vsel vm15, $0x1, v0  }
0x19: {  	v11 =	vld [tilespmem:$0x6020];
	v20 =	vsel vm12, $0x1, v0;
	v22 =	vadd.s32 v3, v2;
	v2 =	vsel vm4, $0x1, v0  }
0x1a: {  	v10 =	vld [tilespmem:$0x6030];
	vm6 =	vlt.s32 v7, $0x6;
	v17 =	vadd.s32 v4, v2;
	v2 =	vsel vm5, $0x1, v0  }
0x1b: {  	v9 =	vld [tilespmem:$0x6040];
	vm7 =	vlt.s32 v7, $0x7;
	v18 =	vadd.s32 v5, v2;
	v2 =	vsel vm6, $0x1, v0  }
0x1c: {  	vm8 =	vlt.s32 v7, $0x8;
	v8 =	vld [tilespmem:$0x6050];
	v14 =	vadd.s32 v6, v2;
	v2 =	vsel vm7, $0x1, v0  }
0x1d: {  	vm9 =	vlt.s32 v7, $0x9;
	v6 =	vld [tilespmem:$0x6060];
	v19 =	vadd.s32 v13, v2;
	v2 =	vsel vm8, $0x1, v0  }
0x1e: {  	vm10 =	vlt.s32 v11, $0x1;
	v5 =	vld [tilespmem:$0x6070];
	v16 =	vadd.s32 v15, v2;
	v2 =	vsel vm9, $0x1, v0  }
0x1f: {  	vm11 =	vlt.s32 v10, $0x1;
	v4 =	vld [tilespmem:$0x6080];
	v13 =	vadd.s32 v20, v2;
	v2 =	vsel vm10, $0x1, v0  }
0x20: {  	vm12 =	vlt.s32 v9, $0x1;
	v3 =	vld [tilespmem:$0x6090];
	v1 =	vadd.s32 v2, v1;
	v2 =	vsel vm11, $0x1, v0  }
0x21: {  	vm13 =	vlt.s32 v8, $0x1;
	v15 =	vsel vm12, $0x1, v0;
	v1 =	vadd.s32 v2, v1;
	v2 =	vld [tilespmem:$0x60A0]  }
0x22: {  	v53 =	vsel vm13, $0x1, v0;
	vm14 =	vlt.s32 v6, $0x1;
	v15 =	vadd.s32 v15, v1;
	v1 =	vld [tilespmem:$0x60B0]  }
0x23: {  	vm15 =	vlt.s32 v5, $0x1;
	v54 =	vsel vm14, $0x1, v0;
	v15 =	vadd.s32 v53, v15  }
0x24: {  	vm4 =	vlt.s32 v4, $0x1;
	v55 =	vsel vm15, $0x1, v0;
	v15 =	vadd.s32 v54, v15  }
0x25: {  	vm5 =	vlt.s32 v3, $0x1;
	v56 =	vsel vm4, $0x1, v0;
	v15 =	vadd.s32 v55, v15  }
0x26: {  	v57 =	vsel vm5, $0x1, v0;
	v15 =	vadd.s32 v56, v15;
	vm6 =	vlt.s32 v2, $0x1  }
0x27: {  	v15 =	vadd.s32 v57, v15;
	v58 =	vsel vm6, $0x1, v0;
	vm7 =	vlt.s32 v1, $0x1  }
0x28: {  	v15 =	vadd.s32 v58, v15;
	v59 =	vsel vm7, $0x1, v0  }
0x29: {  	v15 =	vadd.s32 v59, v15  }
0x2a: {  	vm8 =	vlt.s32 v11, $0x2;
	(v2sf) =	vpush v15, $0x0  }
0x2b: {  	v60 =	vsel vm8, $0x1, v0;
	vm9 =	vlt.s32 v10, $0x2;
	(v2sf) =	vpush v15, $0x1  }
0x2c: {  	v20 =	vadd.s32 v60, v21;
	v61 =	vsel vm9, $0x1, v0;
	(v2sf) =	vpush v15, $0x2  }
0x2d: {  	vm10 =	vlt.s32 v9, $0x2;
	v20 =	vadd.s32 v61, v20;
	(v2sf) =	vpush v15, $0x3  }
0x2e: {  	v62 =	vsel vm10, $0x1, v0;
	vm11 =	vlt.s32 v8, $0x2;
	(v2sf) =	vpush v15, $0x4  }
0x2f: {  	vm13 =	vlt.s32 v5, $0x2;
	v20 =	vadd.s32 v62, v20;
	(v2sf) =	vpush v15, $0x5  }
0x30: {  	v63 =	vsel vm11, $0x1, v0;
	vm12 =	vlt.s32 v6, $0x2;
	(v2sf) =	vpush v15, $0x6  }
0x31: {  	v25 =	vsel vm13, $0x1, v0;
	vm15 =	vlt.s32 v3, $0x2;
	(v2sf) =	vpush v15, $0x7  }
0x32: {  	v20 =	vadd.s32 v63, v20;
	v24 =	vsel vm12, $0x1, v0;
	(v2sf) =	vpush v15, $0x8  }
0x33: {  	vm14 =	vlt.s32 v4, $0x2;
	v20 =	vadd.s32 v24, v20;
	(v2sf) =	vpush v15, $0x9  }
0x34: {  	v26 =	vsel vm14, $0x1, v0;
	v20 =	vadd.s32 v25, v20;
	(v2sf) =	vpush v15, $0xA  }
0x35: {  	v27 =	vsel vm15, $0x1, v0;
	v20 =	vadd.s32 v26, v20;
	(v2sf) =	vpush v15, $0xB  }
0x36: {  	v20 =	vadd.s32 v27, v20;
	vm4 =	vlt.s32 v2, $0x2;
	(v2sf) =	vpush v15, $0xC  }
0x37: {  	v28 =	vsel vm4, $0x1, v0;
	vm5 =	vlt.s32 v1, $0x2;
	(v2sf) =	vpush v15, $0xD  }
0x38: {  	v20 =	vadd.s32 v28, v20;
	v29 =	vsel vm5, $0x1, v0;
	(v2sf) =	vpush v15, $0xE  }
0x39: {  	v21 =	vadd.s32 v29, v20;
	(v2sf) =	vpush v15, $0xF;
	s1 =	spop (v2sf)  }
0x3a: {  	vm8 =	vlt.s32 v10, $0x3;
	s20 =	spop (v2sf);
	(v2sf) =	vpush v21, $0x0  }
0x3b: {  	v30 =	vsel vm8, $0x1, v0;
	vm9 =	vlt.s32 v9, $0x3;
	s17 =	spop (v2sf);
	(v2sf) =	vpush v21, $0x1  }
0x3c: {  	v31 =	vsel vm9, $0x1, v0;
	vm10 =	vlt.s32 v8, $0x3;
	s15 =	spop (v2sf);
	(v2sf) =	vpush v21, $0x2  }
0x3d: {  	v32 =	vsel vm10, $0x1, v0;
	vm11 =	vlt.s32 v6, $0x3;
	s14 =	spop (v2sf);
	(v2sf) =	vpush v21, $0x3  }
0x3e: {  	vm13 =	vlt.s32 v4, $0x3;
	vm7 =	vlt.s32 v11, $0x3;
	s13 =	spop (v2sf);
	(v2sf) =	vpush v21, $0x4  }
0x3f: {  	v33 =	vsel vm11, $0x1, v0;
	v15 =	vsel vm7, $0x1, v0;
	s12 =	spop (v2sf);
	(v2sf) =	vpush v21, $0x5  }
0x40: {  	vm12 =	vlt.s32 v5, $0x3;
	v15 =	vadd.s32 v15, v22;
	s10 =	spop (v2sf);
	(v2sf) =	vpush v21, $0x6  }
0x41: {  	v35 =	vsel vm13, $0x1, v0;
	v15 =	vadd.s32 v30, v15;
	s9 =	spop (v2sf);
	(v2sf) =	vpush v21, $0x7  }
0x42: {  	v34 =	vsel vm12, $0x1, v0;
	v15 =	vadd.s32 v31, v15;
	s8 =	spop (v2sf);
	(v2sf) =	vpush v21, $0x8  }
0x43: {  	vm14 =	vlt.s32 v3, $0x3;
	v15 =	vadd.s32 v32, v15;
	s7 =	spop (v2sf);
	(v2sf) =	vpush v21, $0x9  }
0x44: {  	v36 =	vsel vm14, $0x1, v0;
	v15 =	vadd.s32 v33, v15;
	s6 =	spop (v2sf);
	(v2sf) =	vpush v21, $0xA  }
0x45: {  	vm15 =	vlt.s32 v2, $0x3;
	v15 =	vadd.s32 v34, v15;
	s5 =	spop (v2sf);
	(v2sf) =	vpush v21, $0xB  }
0x46: {  	v37 =	vsel vm15, $0x1, v0;
	v15 =	vadd.s32 v35, v15;
	s4 =	spop (v2sf);
	(v2sf) =	vpush v21, $0xC  }
0x47: {  	vm4 =	vlt.s32 v1, $0x3;
	v15 =	vadd.s32 v36, v15;
	s3 =	spop (v2sf);
	(v2sf) =	vpush v21, $0xD  }
0x48: {  	v38 =	vsel vm4, $0x1, v0;
	v15 =	vadd.s32 v37, v15;
	s2 =	spop (v2sf);
	(v2sf) =	vpush v21, $0xE  }
0x49: {  	vm8 =	vlt.s32 v9, $0x4;
	v22 =	vadd.s32 v38, v15;
	(v2sf) =	vpush v21, $0xF;
	s28 =	spop (v2sf)  }
0x4a: {  	v41 =	vsel vm8, $0x1, v0;
	vm9 =	vlt.s32 v8, $0x4;
	s24 =	spop (v2sf);
	(v2sf) =	vpush v22, $0x0  }
0x4b: {  	v42 =	vsel vm9, $0x1, v0;
	vm10 =	vlt.s32 v6, $0x4;
	s25 =	spop (v2sf);
	(v2sf) =	vpush v22, $0x1  }
0x4c: {  	v43 =	vsel vm10, $0x1, v0;
	vm11 =	vlt.s32 v5, $0x4;
	s29 =	spop (v2sf);
	(v2sf) =	vpush v22, $0x2  }
0x4d: {  	vm13 =	vlt.s32 v3, $0x4;
	vm6 =	vlt.s32 v12, $0xA;
	s26 =	spop (v2sf);
	(v2sf) =	vpush v22, $0x3  }
0x4e: {  	v20 =	vsel vm6, $0x1, v0;
	vm6 =	vlt.s32 v11, $0x4;
	s11 =	spop (v2sf);
	(v2sf) =	vpush v22, $0x4  }
0x4f: {  	v39 =	vsel vm6, $0x1, v0;
	vm7 =	vlt.s32 v10, $0x4;
	s16 =	spop (v2sf);
	(v2sf) =	vpush v22, $0x5  }
0x50: {  	v17 =	vadd.s32 v39, v17;
	v40 =	vsel vm7, $0x1, v0;
	(v2sf) =	vpush v22, $0x6;
	s31 =	spop (v2sf)  }
0x51: {  	v44 =	vsel vm11, $0x1, v0;
	v17 =	vadd.s32 v40, v17;
	(v2sf) =	vpush v22, $0x7;
	s30 =	spop (v2sf)  }
0x52: {  	vm12 =	vlt.s32 v4, $0x4;
	v17 =	vadd.s32 v41, v17;
	[smem:$0x77A] =	sst s26;
	(v2sf) =	vpush v22, $0x8;
	s26 =	spop (v2sf)  }
0x53: {  	v46 =	vsel vm13, $0x1, v0;
	v17 =	vadd.s32 v42, v17;
	[smem:$0x779] =	sst s25;
	(v2sf) =	vpush v22, $0x9;
	s25 =	spop (v2sf)  }
0x54: {  	v45 =	vsel vm12, $0x1, v0;
	v17 =	vadd.s32 v43, v17;
	[smem:$0x778] =	sst s24;
	(v2sf) =	vpush v22, $0xA;
	s24 =	spop (v2sf)  }
0x55: {  	vm14 =	vlt.s32 v2, $0x4;
	v17 =	vadd.s32 v44, v17;
	(v2sf) =	vpush v22, $0xB;
	s23 =	spop (v2sf)  }
0x56: {  	v47 =	vsel vm14, $0x1, v0;
	v17 =	vadd.s32 v45, v17;
	(v2sf) =	vpush v22, $0xC;
	s22 =	spop (v2sf)  }
0x57: {  	vm15 =	vlt.s32 v1, $0x4;
	v17 =	vadd.s32 v46, v17;
	(v2sf) =	vpush v22, $0xD;
	s19 =	spop (v2sf)  }
0x58: {  	v48 =	vsel vm15, $0x1, v0;
	v17 =	vadd.s32 v47, v17;
	[smem:$0x77E] =	sst s16;
	(v2sf) =	vpush v22, $0xE;
	s16 =	spop (v2sf)  }
0x59: {  	vm8 =	vlt.s32 v8, $0x5;
	v21 =	vadd.s32 v48, v17;
	[smem:$0x77C] =	sst s11;
	(v2sf) =	vpush v22, $0xF;
	s18 =	spop (v2sf)  }
0x5a: {  	v52 =	vsel vm8, $0x1, v0;
	vm9 =	vlt.s32 v6, $0x5;
	[smem:$0x781] =	sst s18;
	(v2sf) =	vpush v21, $0x0;
	s21 =	spop (v2sf)  }
0x5b: {  	vm10 =	vlt.s32 v5, $0x5;
	v53 =	vsel vm9, $0x1, v0;
	[smem:$0x782] =	sst s21;
	(v2sf) =	vpush v21, $0x1;
	s11 =	spop (v2sf)  }
0x5c: {  	vm11 =	vlt.s32 v4, $0x5;
	v54 =	vsel vm10, $0x1, v0;
	[smem:$0x784] =	sst s11;
	(v2sf) =	vpush v21, $0x2;
	s18 =	spop (v2sf)  }
0x5d: {  	vm5 =	vlt.s32 v12, $0xB;
	vm6 =	vlt.s32 v10, $0x5;
	[smem:$0x786] =	sst s18;
	(v2sf) =	vpush v21, $0x3;
	s21 =	spop (v2sf)  }
0x5e: {  	v15 =	vsel vm5, $0x1, v0;
	vm5 =	vlt.s32 v11, $0x5;
	[smem:$0x788] =	sst s21;
	(v2sf) =	vpush v21, $0x4;
	s11 =	spop (v2sf)  }
0x5f: {  	v50 =	vsel vm6, $0x1, v0;
	v49 =	vsel vm5, $0x1, v0;
	[smem:$0x789] =	sst s11;
	(v2sf) =	vpush v21, $0x5;
	s18 =	spop (v2sf)  }
0x60: {  	vm7 =	vlt.s32 v9, $0x5;
	v18 =	vadd.s32 v49, v18;
	[smem:$0x78A] =	sst s18;
	(v2sf) =	vpush v21, $0x6;
	s21 =	spop (v2sf)  }
0x61: {  	v51 =	vsel vm7, $0x1, v0;
	v18 =	vadd.s32 v50, v18;
	[smem:$0x78B] =	sst s21;
	(v2sf) =	vpush v21, $0x7;
	s11 =	spop (v2sf)  }
0x62: {  	vm12 =	vlt.s32 v3, $0x5;
	v18 =	vadd.s32 v51, v18;
	[smem:$0x78C] =	sst s11;
	(v2sf) =	vpush v21, $0x8;
	s18 =	spop (v2sf)  }
0x63: {  	v55 =	vsel vm11, $0x1, v0;
	v18 =	vadd.s32 v52, v18;
	[smem:$0x78D] =	sst s18;
	(v2sf) =	vpush v21, $0x9;
	s21 =	spop (v2sf)  }
0x64: {  	v56 =	vsel vm12, $0x1, v0;
	v18 =	vadd.s32 v53, v18;
	[smem:$0x790] =	sst s21;
	(v2sf) =	vpush v21, $0xA;
	s11 =	spop (v2sf)  }
0x65: {  	vm13 =	vlt.s32 v2, $0x5;
	v18 =	vadd.s32 v54, v18;
	[smem:$0x792] =	sst s11;
	(v2sf) =	vpush v21, $0xB;
	s18 =	spop (v2sf)  }
0x66: {  	v57 =	vsel vm13, $0x1, v0;
	v18 =	vadd.s32 v55, v18;
	[smem:$0x794] =	sst s18;
	(v2sf) =	vpush v21, $0xC;
	s21 =	spop (v2sf)  }
0x67: {  	vm14 =	vlt.s32 v1, $0x5;
	v18 =	vadd.s32 v56, v18;
	[smem:$0x796] =	sst s21;
	(v2sf) =	vpush v21, $0xD;
	s11 =	spop (v2sf)  }
0x68: {  	v58 =	vsel vm14, $0x1, v0;
	v18 =	vadd.s32 v57, v18;
	[smem:$0x799] =	sst s11;
	(v2sf) =	vpush v21, $0xE;
	s18 =	spop (v2sf)  }
0x69: {  	vm8 =	vlt.s32 v6, $0x6;
	v22 =	vadd.s32 v58, v18;
	[dreg:$0x1c] =	wrdreg s18;
	(v2sf) =	vpush v21, $0xF;
	s21 =	spop (v2sf)  }
0x6a: {  	v63 =	vsel vm8, $0x1, v0;
	vm9 =	vlt.s32 v5, $0x6;
	[smem:$0x78E] =	sst s21;
	(v2sf) =	vpush v22, $0x0;
	s11 =	spop (v2sf)  }
0x6b: {  	v24 =	vsel vm9, $0x1, v0;
	vm10 =	vlt.s32 v4, $0x6;
	[smem:$0x78F] =	sst s11;
	(v2sf) =	vpush v22, $0x1;
	s18 =	spop (v2sf)  }
0x6c: {  	v25 =	vsel vm10, $0x1, v0;
	vm6 =	vlt.s32 v9, $0x6;
	[smem:$0x791] =	sst s18;
	(v2sf) =	vpush v22, $0x2;
	s21 =	spop (v2sf)  }
0x6d: {  	vm4 =	vlt.s32 v12, $0xC;
	v61 =	vsel vm6, $0x1, v0;
	[smem:$0x793] =	sst s21;
	(v2sf) =	vpush v22, $0x3;
	s11 =	spop (v2sf)  }
0x6e: {  	v17 =	vsel vm4, $0x1, v0;
	vm4 =	vlt.s32 v11, $0x6;
	[smem:$0x795] =	sst s11;
	(v2sf) =	vpush v22, $0x4;
	s18 =	spop (v2sf)  }
0x6f: {  	vm5 =	vlt.s32 v10, $0x6;
	v59 =	vsel vm4, $0x1, v0;
	[smem:$0x797] =	sst s18;
	(v2sf) =	vpush v22, $0x5;
	s21 =	spop (v2sf)  }
0x70: {  	v60 =	vsel vm5, $0x1, v0;
	v14 =	vadd.s32 v59, v14;
	[smem:$0x79B] =	sst s21;
	(v2sf) =	vpush v22, $0x6;
	s11 =	spop (v2sf)  }
0x71: {  	vm7 =	vlt.s32 v8, $0x6;
	v14 =	vadd.s32 v60, v14;
	[smem:$0x79D] =	sst s11;
	(v2sf) =	vpush v22, $0x7;
	s18 =	spop (v2sf)  }
0x72: {  	v62 =	vsel vm7, $0x1, v0;
	v14 =	vadd.s32 v61, v14;
	[smem:$0x7A1] =	sst s18;
	(v2sf) =	vpush v22, $0x8;
	s21 =	spop (v2sf)  }
0x73: {  	vm11 =	vlt.s32 v3, $0x6;
	v14 =	vadd.s32 v62, v14;
	[smem:$0x7A4] =	sst s21;
	(v2sf) =	vpush v22, $0x9;
	s11 =	spop (v2sf)  }
0x74: {  	v26 =	vsel vm11, $0x1, v0;
	v14 =	vadd.s32 v63, v14;
	[smem:$0x7A7] =	sst s11;
	(v2sf) =	vpush v22, $0xA;
	s18 =	spop (v2sf)  }
0x75: {  	vm12 =	vlt.s32 v2, $0x6;
	v14 =	vadd.s32 v24, v14;
	[smem:$0x7AA] =	sst s18;
	(v2sf) =	vpush v22, $0xB;
	s21 =	spop (v2sf)  }
0x76: {  	v27 =	vsel vm12, $0x1, v0;
	v14 =	vadd.s32 v25, v14;
	[smem:$0x7AD] =	sst s21;
	(v2sf) =	vpush v22, $0xC;
	s11 =	spop (v2sf)  }
0x77: {  	vm13 =	vlt.s32 v1, $0x6;
	v14 =	vadd.s32 v26, v14;
	[smem:$0x7AF] =	sst s11;
	(v2sf) =	vpush v22, $0xD;
	s18 =	spop (v2sf)  }
0x78: {  	v28 =	vsel vm13, $0x1, v0;
	v14 =	vadd.s32 v27, v14;
	[smem:$0x75E] =	sst s18;
	(v2sf) =	vpush v22, $0xE;
	s21 =	spop (v2sf)  }
0x79: {  	vm8 =	vlt.s32 v5, $0x7;
	v21 =	vadd.s32 v28, v14;
	[dreg:$0x18] =	wrdreg s21;
	(v2sf) =	vpush v22, $0xF;
	s11 =	spop (v2sf)  }
0x7a: {  	vm9 =	vlt.s32 v4, $0x7;
	vm10 =	vlt.s32 v3, $0x7;
	[smem:$0x79E] =	sst s11;
	(v2sf) =	vpush v21, $0x0;
	s18 =	spop (v2sf)  }
0x7b: {  	vm11 =	vlt.s32 v2, $0x7;
	vm12 =	vlt.s32 v1, $0x7;
	[smem:$0x79F] =	sst s18;
	(v2sf) =	vpush v21, $0x1;
	s21 =	spop (v2sf)  }
0x7c: {  	vm15 =	vlt.s32 v12, $0xD;
	vm6 =	vlt.s32 v8, $0x7;
	[smem:$0x7A2] =	sst s21;
	(v2sf) =	vpush v21, $0x2;
	s11 =	spop (v2sf)  }
0x7d: {  	vm7 =	vlt.s32 v6, $0x7;
	vm5 =	vlt.s32 v9, $0x7;
	[smem:$0x7A5] =	sst s11;
	(v2sf) =	vpush v21, $0x3;
	s18 =	spop (v2sf)  }
0x7e: {  	v18 =	vsel vm15, $0x1, v0;
	vm15 =	vlt.s32 v11, $0x7;
	[smem:$0x7A8] =	sst s18;
	(v2sf) =	vpush v21, $0x4;
	s21 =	spop (v2sf)  }
0x7f: {  	vm4 =	vlt.s32 v10, $0x7;
	v29 =	vsel vm15, $0x1, v0;
	[smem:$0x7AB] =	sst s21;
	(v2sf) =	vpush v21, $0x5;
	s11 =	spop (v2sf)  }
0x80: {  	v30 =	vsel vm4, $0x1, v0;
	v19 =	vadd.s32 v29, v19;
	[smem:$0x7AE] =	sst s11;
	(v2sf) =	vpush v21, $0x6;
	s18 =	spop (v2sf)  }
0x81: {  	v31 =	vsel vm5, $0x1, v0;
	v19 =	vadd.s32 v30, v19;
	[smem:$0x7B0] =	sst s18;
	(v2sf) =	vpush v21, $0x7;
	s21 =	spop (v2sf)  }
0x82: {  	v32 =	vsel vm6, $0x1, v0;
	v19 =	vadd.s32 v31, v19;
	[smem:$0x7B1] =	sst s21;
	(v2sf) =	vpush v21, $0x8;
	s11 =	spop (v2sf)  }
0x83: {  	v33 =	vsel vm7, $0x1, v0;
	v19 =	vadd.s32 v32, v19;
	[smem:$0x7B4] =	sst s11;
	(v2sf) =	vpush v21, $0x9;
	s18 =	spop (v2sf)  }
0x84: {  	v34 =	vsel vm8, $0x1, v0;
	v19 =	vadd.s32 v33, v19;
	[smem:$0x7B6] =	sst s18;
	(v2sf) =	vpush v21, $0xA;
	s21 =	spop (v2sf)  }
0x85: {  	v35 =	vsel vm9, $0x1, v0;
	v19 =	vadd.s32 v34, v19;
	[smem:$0x7B8] =	sst s21;
	(v2sf) =	vpush v21, $0xB;
	s11 =	spop (v2sf)  }
0x86: {  	v36 =	vsel vm10, $0x1, v0;
	v19 =	vadd.s32 v35, v19;
	[smem:$0x7BA] =	sst s11;
	(v2sf) =	vpush v21, $0xC;
	s18 =	spop (v2sf)  }
0x87: {  	v37 =	vsel vm11, $0x1, v0;
	v19 =	vadd.s32 v36, v19;
	[smem:$0x75F] =	sst s18;
	(v2sf) =	vpush v21, $0xD;
	s21 =	spop (v2sf)  }
0x88: {  	v38 =	vsel vm12, $0x1, v0;
	v19 =	vadd.s32 v37, v19;
	[dreg:$0x1f] =	wrdreg s21;
	(v2sf) =	vpush v21, $0xE;
	s11 =	spop (v2sf)  }
0x89: {  	v22 =	vadd.s32 v38, v19;
	[dreg:$0x13] =	wrdreg s11;
	(v2sf) =	vpush v21, $0xF;
	s18 =	spop (v2sf)  }
0x8a: {  	vm14 =	vlt.s32 v12, $0xE;
	vm13 =	vlt.s32 v7, $0xA;
	[smem:$0x7B2] =	sst s18;
	(v2sf) =	vpush v22, $0x0;
	s21 =	spop (v2sf)  }
0x8b: {  	v23 =	vsel vm13, $0x1, v0;
	vm6 =	vlt.s32 v8, $0x8;
	[smem:$0x7B3] =	sst s21;
	(v2sf) =	vpush v22, $0x1;
	s11 =	spop (v2sf)  }
0x8c: {  	v43 =	vsel vm6, $0x1, v0;
	vm7 =	vlt.s32 v6, $0x8;
	[smem:$0x7B5] =	sst s11;
	(v2sf) =	vpush v22, $0x2;
	s18 =	spop (v2sf)  }
0x8d: {  	v44 =	vsel vm7, $0x1, v0;
	vm8 =	vlt.s32 v5, $0x8;
	[smem:$0x7B7] =	sst s18;
	(v2sf) =	vpush v22, $0x3;
	s21 =	spop (v2sf)  }
0x8e: {  	v45 =	vsel vm8, $0x1, v0;
	vm9 =	vlt.s32 v4, $0x8;
	[smem:$0x7B9] =	sst s21;
	(v2sf) =	vpush v22, $0x4;
	s11 =	spop (v2sf)  }
0x8f: {  	vm5 =	vlt.s32 v9, $0x8;
	vm15 =	vlt.s32 v11, $0x8;
	[smem:$0x7BB] =	sst s11;
	(v2sf) =	vpush v22, $0x5;
	s18 =	spop (v2sf)  }
0x90: {  	vm4 =	vlt.s32 v10, $0x8;
	v40 =	vsel vm15, $0x1, v0;
	[smem:$0x7BC] =	sst s18;
	(v2sf) =	vpush v22, $0x6;
	s21 =	spop (v2sf)  }
0x91: {  	v41 =	vsel vm4, $0x1, v0;
	v16 =	vadd.s32 v40, v16;
	[smem:$0x7BF] =	sst s21;
	(v2sf) =	vpush v22, $0x7;
	s11 =	spop (v2sf)  }
0x92: {  	v42 =	vsel vm5, $0x1, v0;
	v16 =	vadd.s32 v41, v16;
	[smem:$0x7C2] =	sst s11;
	(v2sf) =	vpush v22, $0x8;
	s18 =	spop (v2sf)  }
0x93: {  	v46 =	vsel vm9, $0x1, v0;
	v16 =	vadd.s32 v42, v16;
	[smem:$0x7C5] =	sst s18;
	(v2sf) =	vpush v22, $0x9;
	s21 =	spop (v2sf)  }
0x94: {  	vm10 =	vlt.s32 v3, $0x8;
	v16 =	vadd.s32 v43, v16;
	[smem:$0x7C8] =	sst s21;
	(v2sf) =	vpush v22, $0xA;
	s11 =	spop (v2sf)  }
0x95: {  	v47 =	vsel vm10, $0x1, v0;
	v16 =	vadd.s32 v44, v16;
	[smem:$0x7CB] =	sst s11;
	(v2sf) =	vpush v22, $0xB;
	s18 =	spop (v2sf)  }
0x96: {  	vm11 =	vlt.s32 v2, $0x8;
	v16 =	vadd.s32 v45, v16;
	[smem:$0x760] =	sst s18;
	(v2sf) =	vpush v22, $0xC;
	s21 =	spop (v2sf)  }
0x97: {  	vm12 =	vlt.s32 v1, $0x8;
	v16 =	vadd.s32 v46, v16;
	[smem:$0x761] =	sst s21;
	(v2sf) =	vpush v22, $0xD;
	s11 =	spop (v2sf)  }
0x98: {  	v48 =	vsel vm11, $0x1, v0;
	v16 =	vadd.s32 v47, v16;
	[dreg:$0x1d] =	wrdreg s11;
	(v2sf) =	vpush v22, $0xE  }
0x99: {  	vm13 =	vlt.s32 v11, $0x9;
	v49 =	vsel vm12, $0x1, v0;
	v16 =	vadd.s32 v48, v16;
	s0 =	spop (v2sf)  }
0x9a: {  	v20 =	vadd.s32 v20, v23;
	v16 =	vadd.s32 v49, v16;
	(v2sf) =	vpush v22, $0xF;
	s18 =	spop (v2sf)  }
0x9b: {  	vm6 =	vlt.s32 v6, $0x9;
	vm7 =	vlt.s32 v5, $0x9;
	(v2sf) =	vpush v16, $0x0;
	s21 =	spop (v2sf)  }
0x9c: {  	vm8 =	vlt.s32 v4, $0x9;
	vm9 =	vlt.s32 v3, $0x9;
	[dreg:$0x11] =	wrdreg s0;
	(v2sf) =	vpush v16, $0x1;
	s11 =	spop (v2sf)  }
0x9d: {  	vm10 =	vlt.s32 v2, $0x9;
	vm12 =	vlt.s32 v10, $0xA;
	[smem:$0x7BD] =	sst s18;
	(v2sf) =	vpush v16, $0x2;
	s18 =	spop (v2sf)  }
0x9e: {  	v50 =	vsel vm13, $0x1, v0;
	vm13 =	vlt.s32 v9, $0xA;
	[smem:$0x7BE] =	sst s21;
	(v2sf) =	vpush v16, $0x3;
	s21 =	spop (v2sf)  }
0x9f: {  	v13 =	vadd.s32 v50, v13;
	vm5 =	vlt.s32 v8, $0x9;
	[smem:$0x7C0] =	sst s11;
	(v2sf) =	vpush v16, $0x4;
	s11 =	spop (v2sf)  }
0xa0: {  	vm11 =	vlt.s32 v1, $0x9;
	vm15 =	vlt.s32 v10, $0x9;
	[smem:$0x7C3] =	sst s18;
	(v2sf) =	vpush v16, $0x5;
	s18 =	spop (v2sf)  }
0xa1: {  	vm4 =	vlt.s32 v9, $0x9;
	v52 =	vsel vm15, $0x1, v0;
	[smem:$0x7C6] =	sst s21;
	(v2sf) =	vpush v16, $0x6;
	s21 =	spop (v2sf)  }
0xa2: {  	v53 =	vsel vm4, $0x1, v0;
	v13 =	vadd.s32 v52, v13;
	[smem:$0x7C9] =	sst s11;
	(v2sf) =	vpush v16, $0x7;
	s11 =	spop (v2sf)  }
0xa3: {  	v54 =	vsel vm5, $0x1, v0;
	v13 =	vadd.s32 v53, v13;
	[smem:$0x7CC] =	sst s18;
	(v2sf) =	vpush v16, $0x8;
	s18 =	spop (v2sf)  }
0xa4: {  	v55 =	vsel vm6, $0x1, v0;
	v13 =	vadd.s32 v54, v13;
	[smem:$0x7CE] =	sst s21;
	(v2sf) =	vpush v16, $0x9;
	s21 =	spop (v2sf)  }
0xa5: {  	v56 =	vsel vm7, $0x1, v0;
	v13 =	vadd.s32 v55, v13;
	[smem:$0x7D2] =	sst s11;
	(v2sf) =	vpush v16, $0xA;
	s11 =	spop (v2sf)  }
0xa6: {  	v57 =	vsel vm8, $0x1, v0;
	v13 =	vadd.s32 v56, v13;
	[smem:$0x7D5] =	sst s18;
	(v2sf) =	vpush v16, $0xB;
	s18 =	spop (v2sf)  }
0xa7: {  	v58 =	vsel vm9, $0x1, v0;
	v13 =	vadd.s32 v57, v13;
	[smem:$0x7D8] =	sst s21;
	(v2sf) =	vpush v16, $0xC;
	s21 =	spop (v2sf)  }
0xa8: {  	v59 =	vsel vm10, $0x1, v0;
	v13 =	vadd.s32 v58, v13;
	[smem:$0x762] =	sst s11;
	(v2sf) =	vpush v16, $0xD;
	s11 =	spop (v2sf)  }
0xa9: {  	v60 =	vsel vm11, $0x1, v0;
	v13 =	vadd.s32 v59, v13;
	[smem:$0x763] =	sst s18;
	(v2sf) =	vpush v16, $0xE;
	s18 =	spop (v2sf)  }
0xaa: {  	vm5 =	vlt.s32 v4, $0xA;
	v13 =	vadd.s32 v60, v13;
	[smem:$0x764] =	sst s21;
	(v2sf) =	vpush v16, $0xF;
	s21 =	spop (v2sf)  }
0xab: {  	vm6 =	vlt.s32 v3, $0xA;
	vm7 =	vlt.s32 v2, $0xA;
	[dreg:$0x1a] =	wrdreg s11;
	(v2sf) =	vpush v13, $0x0;
	s11 =	spop (v2sf)  }
0xac: {  	v61 =	vsel vm12, $0x1, v0;
	vm4 =	vlt.s32 v5, $0xA;
	[dreg:$0xe] =	wrdreg s18;
	(v2sf) =	vpush v13, $0x1;
	s18 =	spop (v2sf)  }
0xad: {  	vm8 =	vlt.s32 v1, $0xA;
	v62 =	vsel vm13, $0x1, v0;
	[smem:$0x7CF] =	sst s21;
	(v2sf) =	vpush v13, $0x2;
	s21 =	spop (v2sf)  }
0xae: {  	v14 =	vsel vm14, $0x1, v0;
	vm14 =	vlt.s32 v7, $0xB;
	[smem:$0x7D0] =	sst s11;
	(v2sf) =	vpush v13, $0x3;
	s11 =	spop (v2sf)  }
0xaf: {  	v39 =	vsel vm14, $0x1, v0;
	vm14 =	vlt.s32 v11, $0xA;
	[smem:$0x7D3] =	sst s18;
	(v2sf) =	vpush v13, $0x4;
	s18 =	spop (v2sf)  }
0xb0: {  	v25 =	vsel vm4, $0x1, v0;
	v51 =	vsel vm14, $0x1, v0;
	[smem:$0x7D6] =	sst s21;
	(v2sf) =	vpush v13, $0x5;
	s21 =	spop (v2sf)  }
0xb1: {  	vm15 =	vlt.s32 v6, $0xA;
	v20 =	vadd.s32 v51, v20;
	[smem:$0x7D9] =	sst s11;
	(v2sf) =	vpush v13, $0x6;
	s11 =	spop (v2sf)  }
0xb2: {  	vm14 =	vlt.s32 v8, $0xA;
	v16 =	vadd.s32 v61, v20;
	[smem:$0x7DA] =	sst s18;
	(v2sf) =	vpush v13, $0x7;
	s18 =	spop (v2sf)  }
0xb3: {  	v63 =	vsel vm14, $0x1, v0;
	v16 =	vadd.s32 v62, v16;
	[smem:$0x7DF] =	sst s11;
	(v2sf) =	vpush v13, $0x8;
	s11 =	spop (v2sf)  }
0xb4: {  	v24 =	vsel vm15, $0x1, v0;
	v16 =	vadd.s32 v63, v16;
	[smem:$0x7DD] =	sst s21;
	(v2sf) =	vpush v13, $0x9;
	s21 =	spop (v2sf)  }
0xb5: {  	v26 =	vsel vm5, $0x1, v0;
	v16 =	vadd.s32 v24, v16;
	[smem:$0x7E1] =	sst s18;
	(v2sf) =	vpush v13, $0xA;
	s18 =	spop (v2sf)  }
0xb6: {  	v27 =	vsel vm6, $0x1, v0;
	v16 =	vadd.s32 v25, v16;
	[smem:$0x765] =	sst s21;
	(v2sf) =	vpush v13, $0xB;
	s21 =	spop (v2sf)  }
0xb7: {  	vm9 =	vlt.s32 v12, $0xF;
	v16 =	vadd.s32 v26, v16;
	[smem:$0x766] =	sst s18;
	(v2sf) =	vpush v13, $0xC;
	s18 =	spop (v2sf)  }
0xb8: {  	v28 =	vsel vm7, $0x1, v0;
	v16 =	vadd.s32 v27, v16;
	[smem:$0x767] =	sst s21;
	(v2sf) =	vpush v13, $0xD;
	s21 =	spop (v2sf)  }
0xb9: {  	v29 =	vsel vm8, $0x1, v0;
	v12 =	vadd.s32 v28, v16;
	[smem:$0x768] =	sst s18;
	(v2sf) =	vpush v13, $0xE;
	s18 =	spop (v2sf)  }
0xba: {  	v16 =	vadd.s32 v29, v12;
	[dreg:$0x14] =	wrdreg s21;
	(v2sf) =	vpush v13, $0xF;
	s21 =	spop (v2sf)  }
0xbb: {  	vm11 =	vlt.s32 v11, $0xB;
	vm12 =	vlt.s32 v10, $0xB;
	[dreg:$0xa] =	wrdreg s18;
	(v2sf) =	vpush v16, $0x0;
	s18 =	spop (v2sf)  }
0xbc: {  	vm13 =	vlt.s32 v9, $0xB;
	vm4 =	vlt.s32 v5, $0xB;
	[smem:$0x7DB] =	sst s21;
	(v2sf) =	vpush v16, $0x1;
	s21 =	spop (v2sf)  }
0xbd: {  	vm5 =	vlt.s32 v4, $0xB;
	vm6 =	vlt.s32 v3, $0xB;
	[smem:$0x7DC] =	sst s18;
	(v2sf) =	vpush v16, $0x2;
	s18 =	spop (v2sf)  }
0xbe: {  	vm8 =	vlt.s32 v1, $0xB;
	v30 =	vsel vm11, $0x1, v0;
	[smem:$0x7DE] =	sst s21;
	(v2sf) =	vpush v16, $0x3;
	s21 =	spop (v2sf)  }
0xbf: {  	v31 =	vsel vm12, $0x1, v0;
	vm15 =	vlt.s32 v6, $0xB;
	[smem:$0x7E0] =	sst s18;
	(v2sf) =	vpush v16, $0x4;
	s18 =	spop (v2sf)  }
0xc0: {  	v32 =	vsel vm13, $0x1, v0;
	v15 =	vadd.s32 v15, v39;
	[smem:$0x7E2] =	sst s21;
	(v2sf) =	vpush v16, $0x5;
	s21 =	spop (v2sf)  }
0xc1: {  	v34 =	vsel vm15, $0x1, v0;
	v15 =	vadd.s32 v30, v15;
	[smem:$0x7E3] =	sst s18;
	(v2sf) =	vpush v16, $0x6;
	s18 =	spop (v2sf)  }
0xc2: {  	vm14 =	vlt.s32 v8, $0xB;
	v15 =	vadd.s32 v31, v15;
	[smem:$0x7E4] =	sst s21;
	(v2sf) =	vpush v16, $0x7;
	s21 =	spop (v2sf)  }
0xc3: {  	v33 =	vsel vm14, $0x1, v0;
	v15 =	vadd.s32 v32, v15;
	[smem:$0x7E7] =	sst s18;
	(v2sf) =	vpush v16, $0x8;
	s18 =	spop (v2sf)  }
0xc4: {  	v35 =	vsel vm4, $0x1, v0;
	v15 =	vadd.s32 v33, v15;
	[smem:$0x7E8] =	sst s21;
	(v2sf) =	vpush v16, $0x9;
	s21 =	spop (v2sf)  }
0xc5: {  	v36 =	vsel vm5, $0x1, v0;
	v15 =	vadd.s32 v34, v15;
	[smem:$0x769] =	sst s18;
	(v2sf) =	vpush v16, $0xA;
	s18 =	spop (v2sf)  }
0xc6: {  	v37 =	vsel vm6, $0x1, v0;
	v15 =	vadd.s32 v35, v15;
	[smem:$0x76A] =	sst s21;
	(v2sf) =	vpush v16, $0xB;
	s21 =	spop (v2sf)  }
0xc7: {  	vm7 =	vlt.s32 v2, $0xB;
	v15 =	vadd.s32 v36, v15;
	[smem:$0x76B] =	sst s18;
	(v2sf) =	vpush v16, $0xC;
	s18 =	spop (v2sf)  }
0xc8: {  	v15 =	vadd.s32 v37, v15;
	v38 =	vsel vm7, $0x1, v0;
	[smem:$0x76C] =	sst s21;
	(v2sf) =	vpush v16, $0xD;
	s21 =	spop (v2sf)  }
0xc9: {  	v39 =	vsel vm8, $0x1, v0;
	v15 =	vadd.s32 v38, v15;
	[dreg:$0x1e] =	wrdreg s18;
	(v2sf) =	vpush v16, $0xE;
	s18 =	spop (v2sf)  }
0xca: {  	v15 =	vadd.s32 v39, v15;
	[dreg:$0x12] =	wrdreg s21;
	(v2sf) =	vpush v16, $0xF;
	s21 =	spop (v2sf)  }
0xcb: {  	[dreg:$0x9] =	wrdreg s18;
	(v2sf) =	vpush v15, $0x0;
	s18 =	spop (v2sf)  }
0xcc: {  	[smem:$0x7E6] =	sst s18;
	(v2sf) =	vpush v15, $0x1;
	s18 =	spop (v2sf)  }
0xcd: {  	[smem:$0x7E5] =	sst s21;
	(v2sf) =	vpush v15, $0x2;
	s21 =	spop (v2sf)  }
0xce: {  	vm10 =	vlt.s32 v7, $0xC;
	vm11 =	vlt.s32 v10, $0xC;
	[smem:$0x7E9] =	sst s21;
	(v2sf) =	vpush v15, $0x3;
	s21 =	spop (v2sf)  }
0xcf: {  	vm12 =	vlt.s32 v9, $0xC;
	v42 =	vsel vm11, $0x1, v0;
	[smem:$0x7EB] =	sst s21;
	(v2sf) =	vpush v15, $0x4;
	s21 =	spop (v2sf)  }
0xd0: {  	vm13 =	vlt.s32 v8, $0xC;
	v43 =	vsel vm12, $0x1, v0;
	[smem:$0x7EF] =	sst s21;
	(v2sf) =	vpush v15, $0x5;
	s21 =	spop (v2sf)  }
0xd1: {  	v44 =	vsel vm13, $0x1, v0;
	vm15 =	vlt.s32 v5, $0xC;
	[smem:$0x7F2] =	sst s21;
	(v2sf) =	vpush v15, $0x6;
	s21 =	spop (v2sf)  }
0xd2: {  	v13 =	vsel vm10, $0x1, v0;
	vm10 =	vlt.s32 v11, $0xC;
	[smem:$0x7F5] =	sst s21;
	(v2sf) =	vpush v15, $0x7;
	s21 =	spop (v2sf)  }
0xd3: {  	v13 =	vadd.s32 v17, v13;
	v41 =	vsel vm10, $0x1, v0;
	[smem:$0x76D] =	sst s21;
	(v2sf) =	vpush v15, $0x8;
	s21 =	spop (v2sf)  }
0xd4: {  	vm4 =	vlt.s32 v4, $0xC;
	v13 =	vadd.s32 v41, v13;
	[smem:$0x76E] =	sst s21;
	(v2sf) =	vpush v15, $0x9;
	s21 =	spop (v2sf)  }
0xd5: {  	v46 =	vsel vm15, $0x1, v0;
	v13 =	vadd.s32 v42, v13;
	[smem:$0x76F] =	sst s21;
	(v2sf) =	vpush v15, $0xA;
	s21 =	spop (v2sf)  }
0xd6: {  	vm14 =	vlt.s32 v6, $0xC;
	v13 =	vadd.s32 v43, v13;
	[smem:$0x770] =	sst s21;
	(v2sf) =	vpush v15, $0xB;
	s21 =	spop (v2sf)  }
0xd7: {  	v45 =	vsel vm14, $0x1, v0;
	v13 =	vadd.s32 v44, v13;
	[smem:$0x771] =	sst s21;
	(v2sf) =	vpush v15, $0xC;
	s21 =	spop (v2sf)  }
0xd8: {  	vm5 =	vlt.s32 v3, $0xC;
	v47 =	vsel vm4, $0x1, v0;
	v13 =	vadd.s32 v45, v13;
	[dreg:$0x1b] =	wrdreg s21;
	s21 =	spop (v2sf)  }
0xd9: {  	vm6 =	vlt.s32 v2, $0xC;
	v13 =	vadd.s32 v46, v13;
	(v2sf) =	vpush v15, $0xD;
	[dreg:$0x10] =	wrdreg s21;
	s21 =	spop (v2sf)  }
0xda: {  	v48 =	vsel vm5, $0x1, v0;
	v49 =	vsel vm6, $0x1, v0;
	v13 =	vadd.s32 v47, v13;
	[dreg:$0x7] =	wrdreg s21;
	s21 =	spop (v2sf)  }
0xdb: {  	vm7 =	vlt.s32 v1, $0xC;
	v13 =	vadd.s32 v48, v13;
	(v2sf) =	vpush v15, $0xE;
	[smem:$0x7EC] =	sst s21;
	s21 =	spop (v2sf)  }
0xdc: {  	v50 =	vsel vm7, $0x1, v0;
	v13 =	vadd.s32 v49, v13;
	[smem:$0x7ED] =	sst s21;
	s21 =	spop (v2sf)  }
0xdd: {  	v13 =	vadd.s32 v50, v13;
	(v2sf) =	vpush v15, $0xF;
	[smem:$0x7F0] =	sst s21;
	s21 =	spop (v2sf)  }
0xde: {  	(v2sf) =	vpush v13, $0x0;
	[smem:$0x7F3] =	sst s21;
	s21 =	spop (v2sf)  }
0xdf: {  	[smem:$0x7F6] =	sst s21;
	s21 =	spop (v2sf)  }
0xe0: {  	(v2sf) =	vpush v13, $0x1;
	[smem:$0x7F8] =	sst s21;
	s21 =	spop (v2sf)  }
0xe1: {  	(v2sf) =	vpush v13, $0x2;
	[smem:$0x7FB] =	sst s21;
	s21 =	spop (v2sf)  }
0xe2: {  	(v2sf) =	vpush v13, $0x3;
	[smem:$0x772] =	sst s21;
	s21 =	spop (v2sf)  }
0xe3: {  	(v2sf) =	vpush v13, $0x4;
	[smem:$0x773] =	sst s21;
	s21 =	spop (v2sf)  }
0xe4: {  	(v2sf) =	vpush v13, $0x5;
	[smem:$0x774] =	sst s21;
	s21 =	spop (v2sf)  }
0xe5: {  	(v2sf) =	vpush v13, $0x6;
	[smem:$0x775] =	sst s21;
	s21 =	sadd.s32 s20, s1;
	s20 =	spop (v2sf)  }
0xe6: {  	[smem:$0x776] =	sst s20;
	s0 =	sadd.s32 s17, s21;
	s21 =	spop (v2sf)  }
0xe7: {  	[smem:$0x777] =	sst s21  }
0xe8: {  	(v2sf) =	vpush v13, $0x7;
	s0 =	sadd.s32 s15, s0;
	s17 =	spop (v2sf);
	s15 =	sld [smem:$0x778]  }
0xe9: {  	[dreg:$0x16] =	wrdreg s17  }
0xea: {  	(v2sf) =	vpush v13, $0x8;
	s20 =	spop (v2sf);
	s17 =	sld [smem:$0x779]  }
0xeb: {  	[dreg:$0xc] =	wrdreg s20  }
0xec: {  	s0 =	sadd.s32 s14, s0;
	s21 =	spop (v2sf);
	s20 =	sld [smem:$0x77A]  }
0xed: {  	(v2sf) =	vpush v13, $0x9;
	s0 =	sadd.s32 s13, s0;
	[dreg:$0x5] =	wrdreg s21;
	s13 =	spop (v2sf)  }
0xee: {  	s0 =	sadd.s32 s12, s0;
	s1 =	sadd.s32 s15, s28;
	[smem:$0x7F9] =	sst s13  }
0xef: {  	(v2sf) =	vpush v13, $0xA;
	s0 =	sadd.s32 s10, s0;
	s21 =	spop (v2sf);
	s1 =	sadd.s32 s17, s1  }
0xf0: {  	s17 =	sld [smem:$0x782];
	s0 =	sadd.s32 s9, s0;
	s14 =	spop (v2sf)  }
0xf1: {  	s1 =	sadd.s32 s29, s1;
	s9 =	sld [smem:$0x77E];
	s15 =	spop (v2sf)  }
0xf2: {  	(v2sf) =	vpush v13, $0xB;
	[smem:$0x7FC] =	sst s14;
	s0 =	sadd.s32 s8, s0;
	s28 =	spop (v2sf)  }
0xf3: {  	vm11 =	vlt.s32 v9, $0xD;
	s14 =	sld [smem:$0x781];
	s0 =	sadd.s32 s7, s0;
	s29 =	spop (v2sf)  }
0xf4: {  	v53 =	vsel vm11, $0x1, v0;
	v12 =	vsel vm9, $0x1, v0;
	vm9 =	vlt.s32 v7, $0xD;
	s7 =	sld [smem:$0x77C];
	s0 =	sadd.s32 s6, s0;
	s6 =	spop (v2sf)  }
0xf5: {  	v40 =	vsel vm9, $0x1, v0;
	vm9 =	vlt.s32 v11, $0xD;
	(v2sf) =	vpush v13, $0xC;
	s0 =	sadd.s32 s5, s0;
	[smem:$0x77B] =	sst s6  }
0xf6: {  	v51 =	vsel vm9, $0x1, v0;
	vm10 =	vlt.s32 v10, $0xD;
	v16 =	vadd.s32 v18, v40;
	s0 =	sadd.s32 s4, s0;
	s4 =	sld [smem:$0x786]  }
0xf7: {  	v52 =	vsel vm10, $0x1, v0;
	v16 =	vadd.s32 v51, v16;
	(v2sf) =	vpush v13, $0xD;
	s1 =	sadd.s32 s20, s1;
	s8 =	spop (v2sf);
	s6 =	sld [smem:$0x788]  }
0xf8: {  	vm12 =	vlt.s32 v8, $0xD;
	vm13 =	vlt.s32 v6, $0xD;
	v16 =	vadd.s32 v52, v16;
	s1 =	sadd.s32 s7, s1;
	[smem:$0x77D] =	sst s8  }
0xf9: {  	v54 =	vsel vm12, $0x1, v0;
	v55 =	vsel vm13, $0x1, v0;
	v16 =	vadd.s32 v53, v16;
	s1 =	sadd.s32 s9, s1;
	s10 =	spop (v2sf);
	s9 =	sld [smem:$0x789]  }
0xfa: {  	vm15 =	vlt.s32 v4, $0xD;
	vm14 =	vlt.s32 v5, $0xD;
	v16 =	vadd.s32 v54, v16;
	[smem:$0x77F] =	sst s10  }
0xfb: {  	v56 =	vsel vm14, $0x1, v0;
	v16 =	vadd.s32 v55, v16;
	(v2sf) =	vpush v13, $0xE;
	s12 =	sadd.s32 s31, s1;
	s1 =	sadd.s32 s17, s14;
	s14 =	sld [smem:$0x78B]  }
0xfc: {  	v57 =	vsel vm15, $0x1, v0;
	vm4 =	vlt.s32 v3, $0xD;
	v16 =	vadd.s32 v56, v16;
	s0 =	sadd.s32 s3, s0;
	s13 =	spop (v2sf);
	s17 =	sld [smem:$0x78C]  }
0xfd: {  	v58 =	vsel vm4, $0x1, v0;
	vm5 =	vlt.s32 v2, $0xD;
	v16 =	vadd.s32 v57, v16;
	s7 =	sadd.s32 s2, s0;
	[smem:$0x780] =	sst s13  }
0xfe: {  	v59 =	vsel vm5, $0x1, v0;
	vm6 =	vlt.s32 v1, $0xD;
	v16 =	vadd.s32 v58, v16;
	s0 =	sadd.s32 s30, s12;
	s20 =	spop (v2sf);
	s12 =	sld [smem:$0x78A]  }
0xff: {  	v60 =	vsel vm6, $0x1, v0;
	v16 =	vadd.s32 v59, v16;
	(v2sf) =	vpush v13, $0xF;
	[smem:$0x783] =	sst s20  }
0x100: {  	v16 =	vadd.s32 v60, v16;
	s0 =	sadd.s32 s26, s0;
	s26 =	sld [smem:$0x784]  }
0x101: {  	(v2sf) =	vpush v16, $0x0;
	s3 =	spop (v2sf);
	s20 =	sld [smem:$0x78E]  }
0x102: {  	[smem:$0x785] =	sst s3  }
0x103: {  	(v2sf) =	vpush v16, $0x1;
	s0 =	sadd.s32 s25, s0;
	s25 =	sld [smem:$0x792]  }
0x104: {  	s5 =	spop (v2sf);
	s3 =	sld [smem:$0x794]  }
0x105: {  	(v2sf) =	vpush v16, $0x2;
	[smem:$0x787] =	sst s5  }
0x106: {  	s0 =	sadd.s32 s24, s0;
	s8 =	spop (v2sf);
	s24 =	sld [smem:$0x791]  }
0x107: {  	(v2sf) =	vpush v16, $0x3;
	[dreg:$0x17] =	wrdreg s8  }
0x108: {  	(v2sf) =	vpush v16, $0x4;
	s0 =	sadd.s32 s23, s0;
	s23 =	sld [smem:$0x790]  }
0x109: {  	(v2sf) =	vpush v16, $0x5;
	s1 =	sadd.s32 s26, s1;
	s26 =	sld [smem:$0x793]  }
0x10a: {  	(v2sf) =	vpush v16, $0x6;
	s10 =	spop (v2sf);
	s8 =	sld [smem:$0x797]  }
0x10b: {  	[dreg:$0xd] =	wrdreg s10  }
0x10c: {  	s0 =	sadd.s32 s22, s0;
	s22 =	sld [smem:$0x78F]  }
0x10d: {  	(v2sf) =	vpush v16, $0x7;
	s1 =	sadd.s32 s4, s1;
	s4 =	sld [smem:$0x795]  }
0x10e: {  	s13 =	spop (v2sf);
	s10 =	sld [smem:$0x799]  }
0x10f: {  	s1 =	sadd.s32 s6, s1;
	[dreg:$0x6] =	wrdreg s13;
	s0 =	sadd.s32 s19, s0  }
0x110: {  	s13 =	spop (v2sf);
	s19 =	sld [smem:$0x78D];
	s1 =	sadd.s32 s9, s1  }
0x111: {  	s6 =	sld [smem:$0x796];
	s16 =	sadd.s32 s16, s0;
	s1 =	sadd.s32 s12, s1  }
0x112: {  	(v2sf) =	vpush v16, $0x8;
	s5 =	spop (v2sf);
	s12 =	sld [smem:$0x79B];
	s1 =	sadd.s32 s14, s1  }
0x113: {  	s0 =	sadd.s32 s17, s1;
	s1 =	sadd.s32 s22, s20;
	s17 =	sld [smem:$0x79D]  }
0x114: {  	(v2sf) =	vpush v16, $0x9;
	s20 =	spop (v2sf);
	s22 =	sld [smem:$0x79F];
	s0 =	sadd.s32 s19, s0  }
0x115: {  	s1 =	sadd.s32 s24, s1;
	s19 =	sld [smem:$0x79E];
	s0 =	sadd.s32 s23, s0  }
0x116: {  	s23 =	spop (v2sf);
	s1 =	sadd.s32 s26, s1;
	s0 =	sadd.s32 s25, s0  }
0x117: {  	(v2sf) =	vpush v16, $0xA;
	s26 =	spop (v2sf);
	s1 =	sadd.s32 s4, s1;
	s25 =	sld [smem:$0x7A1]  }
0x118: {  	s0 =	sadd.s32 s3, s0;
	s4 =	spop (v2sf);
	s3 =	sld [smem:$0x7A2]  }
0x119: {  	s1 =	sadd.s32 s8, s1;
	s8 =	sld [smem:$0x7A4];
	s9 =	spop (v2sf)  }
0x11a: {  	(v2sf) =	vpush v16, $0xB;
	s0 =	sadd.s32 s6, s0;
	[smem:$0x798] =	sst s9  }
0x11b: {  	s0 =	sadd.s32 s10, s0;
	s9 =	sld [smem:$0x7A5]  }
0x11c: {  	vm11 =	vlt.s32 v6, $0xE;
	s14 =	spop (v2sf);
	[smem:$0x79A] =	sst s0  }
0x11d: {  	vm12 =	vlt.s32 v5, $0xE;
	vm8 =	vlt.s32 v7, $0xE;
	vm7 =	vlt.s32 v11, $0xE;
	[smem:$0x79C] =	sst s14  }
0x11e: {  	vm9 =	vlt.s32 v9, $0xE;
	v15 =	vsel vm8, $0x1, v0;
	(v2sf) =	vpush v16, $0xC;
	s0 =	sadd.s32 s12, s1;
	s12 =	sld [smem:$0x7A7]  }
0x11f: {  	vm8 =	vlt.s32 v10, $0xE;
	v13 =	vadd.s32 v14, v15;
	v14 =	vsel vm7, $0x1, v0;
	s14 =	sld [smem:$0x7A8]  }
0x120: {  	vm10 =	vlt.s32 v8, $0xE;
	v13 =	vadd.s32 v14, v13;
	v14 =	vsel vm8, $0x1, v0;
	s1 =	sadd.s32 s22, s19;
	s19 =	sld [smem:$0x7AA]  }
0x121: {  	v13 =	vadd.s32 v14, v13;
	v14 =	vsel vm9, $0x1, v0;
	(v2sf) =	vpush v16, $0xD;
	s24 =	spop (v2sf);
	s22 =	sld [smem:$0x7AB]  }
0x122: {  	vm13 =	vlt.s32 v4, $0xE;
	v13 =	vadd.s32 v14, v13;
	v14 =	vsel vm10, $0x1, v0;
	[smem:$0x7A0] =	sst s24  }
0x123: {  	vm15 =	vlt.s32 v2, $0xE;
	v13 =	vadd.s32 v14, v13;
	v14 =	vsel vm11, $0x1, v0;
	s1 =	sadd.s32 s3, s1;
	s6 =	spop (v2sf);
	s3 =	sld [smem:$0x7AE]  }
0x124: {  	v13 =	vadd.s32 v14, v13;
	v14 =	vsel vm12, $0x1, v0;
	(v2sf) =	vpush v16, $0xE;
	s0 =	sadd.s32 s17, s0;
	[smem:$0x7A3] =	sst s6  }
0x125: {  	vm14 =	vlt.s32 v3, $0xE;
	v13 =	vadd.s32 v14, v13;
	v14 =	vsel vm13, $0x1, v0;
	s0 =	sadd.s32 s25, s0;
	s25 =	sld [smem:$0x7AD]  }
0x126: {  	vm4 =	vlt.s32 v1, $0xE;
	v13 =	vadd.s32 v14, v13;
	v14 =	vsel vm14, $0x1, v0;
	s1 =	sadd.s32 s9, s1;
	s10 =	spop (v2sf);
	s9 =	sld [smem:$0x7B0]  }
0x127: {  	v15 =	vsel vm15, $0x1, v0;
	v13 =	vadd.s32 v14, v13;
	(v2sf) =	vpush v16, $0xF;
	[smem:$0x7A6] =	sst s10  }
0x128: {  	vm5 =	vlt.s32 v7, $0xF;
	v14 =	vsel vm4, $0x1, v0;
	v7 =	vadd.s32 v15, v13;
	s0 =	sadd.s32 s8, s0;
	s8 =	sld [smem:$0x7AF]  }
0x129: {  	v7 =	vadd.s32 v14, v7;
	s1 =	sadd.s32 s14, s1;
	s17 =	spop (v2sf);
	s14 =	sld [smem:$0x7B2]  }
0x12a: {  	(v2sf) =	vpush v7, $0x0;
	[smem:$0x7A9] =	sst s17  }
0x12b: {  	(v2sf) =	vpush v7, $0x1;
	s0 =	sadd.s32 s12, s0;
	s12 =	sld [smem:$0x7B1]  }
0x12c: {  	s17 =	sld [smem:$0x7B3]  }
0x12d: {  	(v2sf) =	vpush v7, $0x2;
	s1 =	sadd.s32 s22, s1;
	s24 =	spop (v2sf);
	s22 =	sld [smem:$0x7B4]  }
0x12e: {  	[smem:$0x7AC] =	sst s24  }
0x12f: {  	(v2sf) =	vpush v7, $0x3;
	s24 =	sld [smem:$0x7B5]  }
0x130: {  	(v2sf) =	vpush v7, $0x4;
	s1 =	sadd.s32 s3, s1;
	s6 =	spop (v2sf);
	s3 =	sld [smem:$0x7B7]  }
0x131: {  	(v2sf) =	vpush v7, $0x5;
	s0 =	sadd.s32 s19, s0;
	[dreg:$0x19] =	wrdreg s6  }
0x132: {  	s0 =	sadd.s32 s25, s0;
	s25 =	sld [smem:$0x7B6]  }
0x133: {  	s10 =	spop (v2sf);
	s6 =	sld [smem:$0x7B8]  }
0x134: {  	(v2sf) =	vpush v7, $0x6;
	[dreg:$0xf] =	wrdreg s10  }
0x135: {  	s8 =	sadd.s32 s8, s0;
	s0 =	sadd.s32 s9, s1;
	s9 =	sld [smem:$0x7B9]  }
0x136: {  	s1 =	sadd.s32 s17, s14;
	s19 =	spop (v2sf);
	s14 =	sld [smem:$0x7BA]  }
0x137: {  	(v2sf) =	vpush v7, $0x7;
	[dreg:$0x8] =	wrdreg s19  }
0x138: {  	s0 =	sadd.s32 s12, s0;
	s1 =	sadd.s32 s24, s1;
	s19 =	sld [smem:$0x7BB]  }
0x139: {  	s10 =	spop (v2sf);
	s24 =	sld [smem:$0x7BD];
	s0 =	sadd.s32 s22, s0  }
0x13a: {  	(v2sf) =	vpush v7, $0x8;
	s1 =	sadd.s32 s3, s1;
	s12 =	spop (v2sf);
	s22 =	sld [smem:$0x7BC]  }
0x13b: {  	s0 =	sadd.s32 s25, s0;
	s2 =	sadd.s32 s9, s1;
	s25 =	sld [smem:$0x7BE]  }
0x13c: {  	s17 =	spop (v2sf);
	s9 =	sld [smem:$0x7BF];
	s0 =	sadd.s32 s6, s0  }
0x13d: {  	(v2sf) =	vpush v7, $0x9;
	s2 =	sadd.s32 s19, s2;
	s6 =	sld [smem:$0x7CE];
	s1 =	sadd.s32 s14, s0  }
0x13e: {  	s0 =	spop (v2sf);
	s2 =	sadd.s32 s22, s2;
	s14 =	sld [smem:$0x7C0]  }
0x13f: {  	s22 =	sld [smem:$0x7C2];
	s3 =	sadd.s32 s25, s24;
	s24 =	spop (v2sf)  }
0x140: {  	(v2sf) =	vpush v7, $0xA;
	s25 =	sld [smem:$0x7C3];
	s19 =	spop (v2sf)  }
0x141: {  	[smem:$0x7C1] =	sst s19  }
0x142: {  	s3 =	sadd.s32 s14, s3;
	s14 =	sld [smem:$0x7C5]  }
0x143: {  	s2 =	sadd.s32 s9, s2;
	s9 =	spop (v2sf);
	s19 =	sld [smem:$0x7C6]  }
0x144: {  	(v2sf) =	vpush v7, $0xB;
	[smem:$0x7C4] =	sst s9  }
0x145: {  	s3 =	sadd.s32 s25, s3;
	s25 =	sld [smem:$0x7C8]  }
0x146: {  	(v2sf) =	vpush v7, $0xC;
	s2 =	sadd.s32 s22, s2;
	s22 =	spop (v2sf);
	s9 =	sld [smem:$0x7C9]  }
0x147: {  	[smem:$0x7C7] =	sst s22  }
0x148: {  	s22 =	sld [smem:$0x7CC];
	s2 =	sadd.s32 s14, s2  }
0x149: {  	(v2sf) =	vpush v7, $0xD;
	s3 =	sadd.s32 s19, s3;
	s14 =	spop (v2sf);
	s19 =	sld [smem:$0x7CB]  }
0x14a: {  	[smem:$0x7CA] =	sst s14  }
0x14b: {  	(v2sf) =	vpush v7, $0xE;
	s3 =	sadd.s32 s9, s3;
	s9 =	sld [smem:$0x7CF]  }
0x14c: {  	s2 =	sadd.s32 s25, s2;
	s25 =	spop (v2sf);
	s14 =	sld [smem:$0x7D0]  }
0x14d: {  	[smem:$0x7CD] =	sst s25  }
0x14e: {  	s25 =	sld [smem:$0x7D3];
	s31 =	sadd.s32 s19, s2  }
0x14f: {  	(v2sf) =	vpush v7, $0xF;
	s2 =	sadd.s32 s22, s3;
	s19 =	spop (v2sf);
	s22 =	sld [smem:$0x7D2]  }
0x150: {  	[smem:$0x7D1] =	sst s19  }
0x151: {  	s3 =	sadd.s32 s14, s9;
	s14 =	sld [smem:$0x7D5]  }
0x152: {  	s19 =	sld [smem:$0x7D6]  }
0x153: {  	vm6 =	vlt.s32 v11, $0xF;
	v13 =	vsel vm5, $0x1, v0;
	s2 =	sadd.s32 s6, s2;
	s9 =	spop (v2sf);
	s6 =	sld [smem:$0x7D9]  }
0x154: {  	v11 =	vsel vm6, $0x1, v0;
	vm7 =	vlt.s32 v10, $0xF;
	v12 =	vadd.s32 v12, v13;
	s3 =	sadd.s32 s25, s3;
	[smem:$0x7D4] =	sst s9  }
0x155: {  	v62 =	vsel vm7, $0x1, v0;
	vm8 =	vlt.s32 v9, $0xF;
	v61 =	vadd.s32 v11, v12;
	s25 =	sld [smem:$0x7D8];
	s2 =	sadd.s32 s22, s2;
	s22 =	spop (v2sf)  }
0x156: {  	v9 =	vsel vm8, $0x1, v0;
	vm9 =	vlt.s32 v8, $0xF;
	v10 =	vadd.s32 v62, v61;
	[smem:$0x7D7] =	sst s22  }
0x157: {  	v63 =	vsel vm9, $0x1, v0;
	vm10 =	vlt.s32 v6, $0xF;
	v8 =	vadd.s32 v9, v10;
	s3 =	sadd.s32 s19, s3;
	s19 =	sld [smem:$0x7DA]  }
0x158: {  	v6 =	vsel vm10, $0x1, v0;
	vm11 =	vlt.s32 v5, $0xF;
	v8 =	vadd.s32 v63, v8;
	s9 =	spop (v2sf);
	s22 =	sld [smem:$0x7DB]  }
0x159: {  	vm12 =	vlt.s32 v4, $0xF;
	v5 =	vadd.s32 v6, v8;
	v6 =	vsel vm11, $0x1, v0;
	s2 =	sadd.s32 s14, s2;
	[dreg:$0x15] =	wrdreg s9  }
0x15a: {  	v4 =	vsel vm12, $0x1, v0;
	vm13 =	vlt.s32 v3, $0xF;
	v5 =	vadd.s32 v6, v5;
	s14 =	sadd.s32 s25, s2;
	s25 =	sld [smem:$0x7DC];
	s9 =	spop (v2sf)  }
0x15b: {  	vm14 =	vlt.s32 v2, $0xF;
	v3 =	vadd.s32 v4, v5;
	v4 =	vsel vm13, $0x1, v0;
	[dreg:$0xb] =	wrdreg s9  }
0x15c: {  	vm15 =	vlt.s32 v1, $0xF;
	v2 =	vsel vm14, $0x1, v0;
	v3 =	vadd.s32 v4, v3;
	s9 =	sld [smem:$0x7DF]  }
0x15d: {  	v0 =	vsel vm15, $0x1, v0;
	v1 =	vadd.s32 v2, v3;
	s2 =	sadd.s32 s6, s3;
	s3 =	sadd.s32 s25, s22;
	s22 =	sld [smem:$0x7DE]  }
0x15e: {  	v0 =	vadd.s32 v0, v1;
	s2 =	sadd.s32 s19, s2;
	s19 =	sld [smem:$0x7DD];
	s25 =	spop (v2sf)  }
0x15f: {  	(v2sf) =	vpush v0, $0x0;
	[dreg:$0x4] =	wrdreg s25  }
0x160: {  	(v2sf) =	vpush v0, $0x1;
	s3 =	sadd.s32 s22, s3;
	s22 =	sld [smem:$0x7E1]  }
0x161: {  	(v2sf) =	vpush v0, $0x2;
	s2 =	sadd.s32 s19, s2;
	s19 =	sld [smem:$0x7E0]  }
0x162: {  	(v2sf) =	vpush v0, $0x3;
	s25 =	sld [smem:$0x7E2];
	s2 =	sadd.s32 s9, s2  }
0x163: {  	(v2sf) =	vpush v0, $0x4;
	s9 =	sld [smem:$0x7E3];
	s2 =	sadd.s32 s22, s2  }
0x164: {  	(v2sf) =	vpush v0, $0x5;
	s3 =	sadd.s32 s19, s3;
	s2 =	sadd.s32 s11, s2;
	s11 =	sld [smem:$0x7E4]  }
0x165: {  	s3 =	sadd.s32 s25, s3  }
0x166: {  	s3 =	sadd.s32 s9, s3;
	s9 =	sld [smem:$0x7E5]  }
0x167: {  	s3 =	sadd.s32 s11, s3;
	s11 =	sld [smem:$0x7E6];
	_ =	sdelay $0x2  }
0x168: {  	s9 =	sadd.s32 s11, s9;
	s11 =	sld [smem:$0x7E7];
	_ =	sdelay $0x1  }
0x169: {  	(v2sf) =	vpush v0, $0x6  }
0x16a: {  	s3 =	sadd.s32 s11, s3;
	s11 =	sld [smem:$0x7E8]  }
0x16b: {  	s19 =	spop (v2sf)  }
0x16c: {  	s22 =	spop (v2sf)  }
0x16d: {  	s25 =	spop (v2sf);
	s3 =	sadd.s32 s11, s3;
	s11 =	sld [smem:$0x7E9]  }
0x16e: {  	s6 =	spop (v2sf)  }
0x16f: {  	s9 =	sadd.s32 s18, s9;
	s18 =	spop (v2sf)  }
0x170: {  	s9 =	sadd.s32 s11, s9;
	s11 =	spop (v2sf)  }
0x171: {  	(v2sf) =	vpush v0, $0x7;
	[smem:$0x7EA] =	sst s11  }
0x172: {  	s11 =	sld [smem:$0x7EB];
	_ =	sdelay $0x1  }
0x173: {  	s30 =	sld [smem:$0x7ED]  }
0x174: {  	s9 =	sadd.s32 s11, s9;
	s11 =	sld [smem:$0x7EC];
	_ =	sdelay $0x2  }
0x175: {  	s30 =	sadd.s32 s30, s11;
	s11 =	spop (v2sf)  }
0x176: {  	(v2sf) =	vpush v0, $0x8;
	[smem:$0x7EE] =	sst s11  }
0x177: {  	s11 =	sld [smem:$0x7EF];
	_ =	sdelay $0x2  }
0x178: {  	s9 =	sadd.s32 s11, s9;
	s11 =	sld [smem:$0x7F0];
	_ =	sdelay $0x2  }
0x179: {  	s30 =	sadd.s32 s11, s30;
	s11 =	spop (v2sf)  }
0x17a: {  	(v2sf) =	vpush v0, $0x9;
	[smem:$0x7F1] =	sst s11  }
0x17b: {  	s11 =	sld [smem:$0x7F2];
	_ =	sdelay $0x2  }
0x17c: {  	s9 =	sadd.s32 s11, s9;
	s11 =	sld [smem:$0x7F3];
	_ =	sdelay $0x2  }
0x17d: {  	s30 =	sadd.s32 s11, s30;
	s11 =	spop (v2sf)  }
0x17e: {  	(v2sf) =	vpush v0, $0xA;
	[smem:$0x7F4] =	sst s11  }
0x17f: {  	s11 =	sld [smem:$0x7F5];
	_ =	sdelay $0x2  }
0x180: {  	s11 =	sadd.s32 s11, s9;
	s9 =	sld [smem:$0x7F6];
	_ =	sdelay $0x2  }
0x181: {  	s9 =	sadd.s32 s9, s30;
	s30 =	spop (v2sf)  }
0x182: {  	(v2sf) =	vpush v0, $0xB;
	[smem:$0x7F7] =	sst s30  }
0x183: {  	(v2sf) =	vpush v0, $0xC;
	s30 =	sld [smem:$0x7F8]  }
0x184: {  	(v2sf) =	vpush v0, $0xD  }
0x185: {  	(v2sf) =	vpush v0, $0xE  }
0x186: {  	(v2sf) =	vpush v0, $0xF;
	s9 =	sadd.s32 s30, s9;
	s30 =	sld [smem:$0x7F9];
	_ =	sdelay $0x2  }
0x187: {  	s30 =	sadd.s32 s21, s30;
	s21 =	spop (v2sf)  }
0x188: {  	[smem:$0x7FA] =	sst s21  }
0x189: {  	s21 =	sld [smem:$0x7FB];
	_ =	sdelay $0x2  }
0x18a: {  	s21 =	sadd.s32 s21, s9;
	s9 =	sld [smem:$0x7FC];
	_ =	sdelay $0x1  }
0x18b: {  	p0 =	slt.s32 s7, $0x1  }
0x18c: {  	s13 =	sadd.s32 s5, s13;
	s9 =	sadd.s32 s9, s30;
	s30 =	spop (v2sf)  }
0x18d: {  	s13 =	sadd.s32 s20, s13;
	s20 =	simm.s32 $0x1;
	s5 =	spop (v2sf)  }
0x18e: {  	[smem:$0x7FD] =	sst s30;
	s9 =	sadd.s32 s15, s9;
	s30 =	spop (v2sf)  }
.Ltmp0:
0x18f: {  	s9 =	sadd.s32 s28, s9;
	s28 =	spop (v2sf);
	(pc) =	sbr.rel @p0 .LBB2_4-.Ltmp0, $4  }
0x190: {  	s13 =	sadd.s32 s23, s13;
	s12 =	sadd.s32 s12, s10;
	s23 =	spop (v2sf)  }
0x191: {  	v14 =	vimm.f32 $0.0e+00;
	v6 =	vimm.f32 $0.0e+00;
	v5 =	vimm.f32 $0.0e+00;
	s10 =	sadd.s32 s26, s13;
	s26 =	sadd.s32 s17, s12;
	_ =	swait.ge [sflag:s20], $0x6000  }
0x192: {  	v4 =	vimm.f32 $0.0e+00;
	v2 =	vimm.f32 $0.0e+00;
	v3 =	vimm.f32 $0.0e+00;
	s15 =	sadd.s32 s29, s9;
	s29 =	sadd.s32 s22, s19;
	[sflag:s20] =	ssyncset.done $0x0  }
0x193: {  	v1 =	vimm.f32 $0.0e+00;
	v7 =	vimm.f32 $0.0e+00;
	s0 =	sadd.s32 s0, s26;
	v0 =	vimm.f32 $0.0e+00;
	s12 =	sadd.s32 s25, s29;
	[sflag:s20] =	ssyncadd.s32 $0xFFFFA000  }
0x194: {  	s9 =	simm.s32 $0x40  }
0x195: {  	v1 =	vld [tilespmem:s9+$0x30]  }
0x196: {  	v2 =	vld [tilespmem:s9+$0xFFFFFFD0]  }
0x197: {  	p0 =	sgt.s32 s7, $0x1;
	v3 =	vld [tilespmem:s9+$0xFFFFFFE0]  }
.Ltmp1:
0x198: {  	v6 =	vld [tilespmem:s9+$0xFFFFFFF0];
	(pc) =	sbr.rel @!p0 .LBB2_3-.Ltmp1, $4  }
0x199: {  	v7 =	vld [tilespmem:s9+$0x0]  }
0x19a: {  	v4 =	vimm.f32 $0.0e+00;
	v5 =	vimm.f32 $0.0e+00;
	v8 =	vld [tilespmem:s9+$0x10]  }
0x19b: {  	v9 =	vimm.f32 $0.0e+00;
	v10 =	vimm.f32 $0.0e+00;
	v12 =	vld [tilespmem:s9+$0x20];
	v1 =	vadd.f32 v1, v4  }
0x19c: {  	s13 =	simm.s32 $0x1;
	s17 =	simm.s32 $0xC0;
	v11 =	vimm.f32 $0.0e+00;
	v13 =	vld [tilespmem:s9+$0xFFFFFFC0];
	v2 =	vadd.f32 v2, v4;
	v3 =	vadd.f32 v3, v4  }
.LBB2_2:
0x19d: {  	v14 =	vld [tilespmem:s17+$0x30];
	s13 =	sadd.s32 $0x1, s13;
	v4 =	vadd.f32 v6, v4  }
0x19e: {  	v15 =	vld [tilespmem:s17+$0xFFFFFFD0];
	p0 =	slt.s32 s13, s7;
	v5 =	vadd.f32 v7, v5  }
0x19f: {  	v16 =	vld [tilespmem:s17+$0xFFFFFFE0];
	v9 =	vadd.f32 v8, v9  }
.Ltmp2:
0x1a0: {  	v6 =	vld [tilespmem:s17+$0xFFFFFFF0];
	v10 =	vadd.f32 v12, v10;
	(pc) =	sbr.rel @p0 .LBB2_2-.Ltmp2, $4  }
0x1a1: {  	v7 =	vld [tilespmem:s17+$0x0];
	v11 =	vadd.f32 v13, v11  }
0x1a2: {  	v8 =	vld [tilespmem:s17+$0x10];
	v1 =	vadd.f32 v14, v1  }
0x1a3: {  	v2 =	vadd.f32 v15, v2;
	v12 =	vld [tilespmem:s17+$0x20]  }
0x1a4: {  	v13 =	vld [tilespmem:s17+$0xFFFFFFC0];
	v3 =	vadd.f32 v16, v3;
	s17 =	sadd.s32 $0x80, s17  }
.LBB2_3:
0x1a5: {  	_ =	sdelay $0x1  }
0x1a6: {  	v14 =	vadd.f32 v6, v4  }
0x1a7: {  	v5 =	vadd.f32 v7, v5;
	v6 =	vadd.f32 v8, v9  }
0x1a8: {  	v4 =	vadd.f32 v12, v10;
	v7 =	vadd.f32 v13, v11  }
.LBB2_4:
0x1a9: {  	s20 =	sadd.s32 s6, s12;
	s6 =	sld [smem:$0x77B]  }
0x1aa: {  	s9 =	sld [smem:$0x772]  }
0x1ab: {  	s17 =	sadd.s32 s4, s10;
	s10 =	sld [smem:$0x76D]  }
0x1ac: {  	s19 =	sld [smem:$0x769]  }
0x1ad: {  	s22 =	sld [smem:$0x762]  }
0x1ae: {  	[tilespmem:$0x6110] =	vst v2;
	s13 =	sadd.s32 s24, s0;
	s24 =	sld [smem:$0x760]  }
0x1af: {  	[tilespmem:$0x6120] =	vst v3;
	s25 =	sld [smem:$0x75F]  }
0x1b0: {  	[tilespmem:$0x6130] =	vst v14;
	p0 =	sge.s32 s7, s16;
	s26 =	sld [smem:$0x75E]  }
.Ltmp3:
0x1b1: {  	[tilespmem:$0x6140] =	vst v5;
	s12 =	sadd.s32 s9, s21;
	s21 =	sld [smem:$0x765];
	(pc) =	sbr.rel @p0 .LBB2_8-.Ltmp3, $4  }
0x1b2: {  	[tilespmem:$0x6150] =	vst v6;
	s0 =	sadd.s32 s24, s31;
	s31 =	sld [smem:$0x79A]  }
0x1b3: {  	v2 =	vimm.f32 $0.0e+00;
	s29 =	rddreg [dreg:$0x1c];
	[tilespmem:$0x6170] =	vst v1;
	s15 =	sadd.s32 s6, s15;
	s11 =	sadd.s32 s10, s11  }
0x1b4: {  	v3 =	vimm.f32 $0.0e+00;
	v13 =	vimm.f32 $0.0e+00;
	v5 =	vimm.f32 $0.0e+00;
	[tilespmem:$0x6100] =	vst v7;
	s3 =	sadd.s32 s19, s3;
	s10 =	sadd.s32 s22, s14;
	s6 =	sadd.s32 s25, s1  }
0x1b5: {  	v6 =	vimm.f32 $0.0e+00;
	v1 =	vimm.f32 $0.0e+00;
	[tilespmem:$0x6160] =	vst v4;
	v4 =	vimm.f32 $0.0e+00;
	s1 =	sadd.s32 s26, s8;
	s2 =	sadd.s32 s21, s2;
	s4 =	sadd.s32 s29, s31  }
0x1b6: {  	s8 =	sshll.u32 s7, $0x9  }
0x1b7: {  	s8 =	sshra.s32 s8, $0x2  }
0x1b8: {  	s8 =	sor.u32 $0x40, s8  }
0x1b9: {  	v1 =	vld [tilespmem:s8+$0x30]  }
0x1ba: {  	s7 =	sadd.s32 $0x1, s7;
	v2 =	vld [tilespmem:s8+$0xFFFFFFD0]  }
0x1bb: {  	p0 =	slt.s32 s7, s16;
	v3 =	vld [tilespmem:s8+$0xFFFFFFE0]  }
.Ltmp4:
0x1bc: {  	v4 =	vld [tilespmem:s8+$0xFFFFFFF0];
	(pc) =	sbr.rel @!p0 .LBB2_7-.Ltmp4, $4  }
0x1bd: {  	v6 =	vld [tilespmem:s8+$0x0]  }
0x1be: {  	v0 =	vimm.f32 $0.0e+00;
	v5 =	vimm.f32 $0.0e+00;
	v7 =	vld [tilespmem:s8+$0x10]  }
0x1bf: {  	v8 =	vimm.f32 $0.0e+00;
	v9 =	vimm.f32 $0.0e+00;
	v11 =	vld [tilespmem:s8+$0x20];
	v1 =	vadd.f32 v1, v0  }
0x1c0: {  	v10 =	vimm.f32 $0.0e+00;
	v12 =	vld [tilespmem:s8+$0xFFFFFFC0];
	s8 =	sadd.s32 $0x80, s8;
	v2 =	vadd.f32 v2, v0;
	v3 =	vadd.f32 v3, v0  }
.LBB2_6:
0x1c1: {  	v13 =	vld [tilespmem:s8+$0x30];
	s7 =	sadd.s32 $0x1, s7;
	v0 =	vadd.f32 v4, v0  }
0x1c2: {  	v14 =	vld [tilespmem:s8+$0xFFFFFFD0];
	p0 =	slt.s32 s7, s16;
	v5 =	vadd.f32 v6, v5  }
0x1c3: {  	v15 =	vld [tilespmem:s8+$0xFFFFFFE0];
	v8 =	vadd.f32 v7, v8  }
.Ltmp5:
0x1c4: {  	v4 =	vld [tilespmem:s8+$0xFFFFFFF0];
	v9 =	vadd.f32 v11, v9;
	(pc) =	sbr.rel @p0 .LBB2_6-.Ltmp5, $4  }
0x1c5: {  	v6 =	vld [tilespmem:s8+$0x0];
	v10 =	vadd.f32 v12, v10  }
0x1c6: {  	v7 =	vld [tilespmem:s8+$0x10];
	v1 =	vadd.f32 v13, v1  }
0x1c7: {  	v2 =	vadd.f32 v14, v2;
	v11 =	vld [tilespmem:s8+$0x20]  }
0x1c8: {  	v12 =	vld [tilespmem:s8+$0xFFFFFFC0];
	v3 =	vadd.f32 v15, v3;
	s8 =	sadd.s32 $0x80, s8  }
.LBB2_7:
0x1c9: {  	_ =	sdelay $0x1  }
0x1ca: {  	v13 =	vadd.f32 v4, v0  }
0x1cb: {  	v5 =	vadd.f32 v6, v5;
	v6 =	vadd.f32 v7, v8  }
0x1cc: {  	v4 =	vadd.f32 v11, v9;
	v0 =	vadd.f32 v12, v10  }
.LBB2_8:
0x1cd: {  	s7 =	sld [smem:$0x7C1]  }
0x1ce: {  	s19 =	sld [smem:$0x798]  }
0x1cf: {  	s8 =	sadd.s32 s18, s20;
	s20 =	sld [smem:$0x77D]  }
0x1d0: {  	s9 =	sld [smem:$0x773]  }
0x1d1: {  	s21 =	sld [smem:$0x76E]  }
0x1d2: {  	s22 =	sld [smem:$0x76A]  }
0x1d3: {  	[tilespmem:$0x6190] =	vst v2;
	s24 =	sld [smem:$0x766]  }
0x1d4: {  	[tilespmem:$0x61A0] =	vst v3;
	s25 =	sld [smem:$0x763]  }
0x1d5: {  	[tilespmem:$0x61B0] =	vst v13;
	p0 =	sge.s32 s16, s4;
	s26 =	sld [smem:$0x761]  }
.Ltmp6:
0x1d6: {  	[tilespmem:$0x61C0] =	vst v5;
	s31 =	rddreg [dreg:$0x18];
	(pc) =	sbr.rel @p0 .LBB2_12-.Ltmp6, $4  }
0x1d7: {  	[tilespmem:$0x61D0] =	vst v6;
	s29 =	rddreg [dreg:$0x1f];
	s1 =	sadd.s32 s31, s1;
	s14 =	sadd.s32 s7, s13  }
0x1d8: {  	v6 =	vimm.f32 $0.0e+00;
	v2 =	vimm.f32 $0.0e+00;
	v3 =	vimm.f32 $0.0e+00;
	[tilespmem:$0x61F0] =	vst v1;
	s13 =	sadd.s32 s19, s17;
	s7 =	sadd.s32 s20, s15;
	s12 =	sadd.s32 s9, s12  }
0x1d9: {  	v14 =	vimm.f32 $0.0e+00;
	v7 =	vimm.f32 $0.0e+00;
	v5 =	vimm.f32 $0.0e+00;
	[tilespmem:$0x6180] =	vst v0;
	s11 =	sadd.s32 s21, s11;
	s3 =	sadd.s32 s22, s3;
	s18 =	sadd.s32 s24, s2  }
0x1da: {  	v1 =	vimm.f32 $0.0e+00;
	v0 =	vimm.f32 $0.0e+00;
	[tilespmem:$0x61E0] =	vst v4;
	v4 =	vimm.f32 $0.0e+00;
	s2 =	sadd.s32 s25, s10;
	s17 =	sadd.s32 s26, s0;
	s15 =	sadd.s32 s29, s6  }
0x1db: {  	s0 =	sshll.u32 s16, $0x9  }
0x1dc: {  	s0 =	sshra.s32 s0, $0x2  }
0x1dd: {  	s6 =	sor.u32 $0x40, s0  }
0x1de: {  	v1 =	vld [tilespmem:s6+$0x30]  }
0x1df: {  	s0 =	sadd.s32 $0x1, s16;
	v2 =	vld [tilespmem:s6+$0xFFFFFFD0]  }
0x1e0: {  	v3 =	vld [tilespmem:s6+$0xFFFFFFE0];
	p0 =	slt.s32 s0, s4  }
.Ltmp7:
0x1e1: {  	v5 =	vld [tilespmem:s6+$0xFFFFFFF0];
	(pc) =	sbr.rel @!p0 .LBB2_11-.Ltmp7, $4  }
0x1e2: {  	v7 =	vld [tilespmem:s6+$0x0]  }
0x1e3: {  	v4 =	vimm.f32 $0.0e+00;
	v6 =	vimm.f32 $0.0e+00;
	v8 =	vld [tilespmem:s6+$0x10]  }
0x1e4: {  	v9 =	vimm.f32 $0.0e+00;
	v10 =	vimm.f32 $0.0e+00;
	v12 =	vld [tilespmem:s6+$0x20];
	v1 =	vadd.f32 v1, v4  }
0x1e5: {  	v11 =	vimm.f32 $0.0e+00;
	v13 =	vld [tilespmem:s6+$0xFFFFFFC0];
	s6 =	sadd.s32 $0x80, s6;
	v2 =	vadd.f32 v2, v4;
	v3 =	vadd.f32 v3, v4  }
.LBB2_10:
0x1e6: {  	v14 =	vld [tilespmem:s6+$0x30];
	s0 =	sadd.s32 $0x1, s0;
	v4 =	vadd.f32 v5, v4  }
0x1e7: {  	v15 =	vld [tilespmem:s6+$0xFFFFFFD0];
	p0 =	slt.s32 s0, s4;
	v6 =	vadd.f32 v7, v6  }
0x1e8: {  	v16 =	vld [tilespmem:s6+$0xFFFFFFE0];
	v9 =	vadd.f32 v8, v9  }
.Ltmp8:
0x1e9: {  	v5 =	vld [tilespmem:s6+$0xFFFFFFF0];
	v10 =	vadd.f32 v12, v10;
	(pc) =	sbr.rel @p0 .LBB2_10-.Ltmp8, $4  }
0x1ea: {  	v7 =	vld [tilespmem:s6+$0x0];
	v11 =	vadd.f32 v13, v11  }
0x1eb: {  	v8 =	vld [tilespmem:s6+$0x10];
	v1 =	vadd.f32 v14, v1  }
0x1ec: {  	v2 =	vadd.f32 v15, v2;
	v12 =	vld [tilespmem:s6+$0x20]  }
0x1ed: {  	v13 =	vld [tilespmem:s6+$0xFFFFFFC0];
	v3 =	vadd.f32 v16, v3;
	s6 =	sadd.s32 $0x80, s6  }
.LBB2_11:
0x1ee: {  	_ =	sdelay $0x1  }
0x1ef: {  	v14 =	vadd.f32 v5, v4  }
0x1f0: {  	v4 =	vadd.f32 v7, v6;
	v7 =	vadd.f32 v8, v9  }
0x1f1: {  	v5 =	vadd.f32 v12, v10;
	v6 =	vadd.f32 v13, v11  }
.LBB2_12:
0x1f2: {  	s0 =	sld [smem:$0x7EA]  }
0x1f3: {  	s10 =	sld [smem:$0x7C4]  }
0x1f4: {  	s16 =	sld [smem:$0x77F]  }
0x1f5: {  	s21 =	sld [smem:$0x774]  }
0x1f6: {  	s22 =	sld [smem:$0x76F]  }
0x1f7: {  	s24 =	sld [smem:$0x76B]  }
0x1f8: {  	[tilespmem:$0x6210] =	vst v2;
	s25 =	sld [smem:$0x767]  }
0x1f9: {  	[tilespmem:$0x6220] =	vst v3;
	s26 =	sld [smem:$0x764]  }
0x1fa: {  	[tilespmem:$0x6230] =	vst v14;
	p0 =	sge.s32 s4, s1;
	s29 =	rddreg [dreg:$0x1d]  }
.Ltmp9:
0x1fb: {  	[tilespmem:$0x6240] =	vst v4;
	s31 =	rddreg [dreg:$0x13];
	(pc) =	sbr.rel @p0 .LBB2_16-.Ltmp9, $4  }
0x1fc: {  	[tilespmem:$0x6250] =	vst v7;
	s20 =	sadd.s32 s0, s8;
	s19 =	sadd.s32 s10, s14;
	s14 =	sld [smem:$0x79C]  }
0x1fd: {  	v2 =	vimm.f32 $0.0e+00;
	[tilespmem:$0x6270] =	vst v1;
	s16 =	sadd.s32 s16, s7;
	s7 =	sadd.s32 s21, s12;
	s6 =	sadd.s32 s22, s11  }
0x1fe: {  	v3 =	vimm.f32 $0.0e+00;
	v13 =	vimm.f32 $0.0e+00;
	v4 =	vimm.f32 $0.0e+00;
	[tilespmem:$0x6200] =	vst v6;
	s3 =	sadd.s32 s24, s3;
	s0 =	sadd.s32 s25, s18;
	s10 =	sadd.s32 s26, s2  }
0x1ff: {  	v1 =	vimm.f32 $0.0e+00;
	[tilespmem:$0x6260] =	vst v5;
	v5 =	vimm.f32 $0.0e+00;
	v6 =	vimm.f32 $0.0e+00;
	s8 =	sadd.s32 s29, s17;
	s2 =	sadd.s32 s31, s15;
	s13 =	sadd.s32 s14, s13  }
0x200: {  	s9 =	sshll.u32 s4, $0x9  }
0x201: {  	s9 =	sshra.s32 s9, $0x2  }
0x202: {  	s9 =	sor.u32 $0x40, s9  }
0x203: {  	v1 =	vld [tilespmem:s9+$0x30]  }
0x204: {  	s4 =	sadd.s32 $0x1, s4;
	v2 =	vld [tilespmem:s9+$0xFFFFFFD0]  }
0x205: {  	p0 =	slt.s32 s4, s1;
	v3 =	vld [tilespmem:s9+$0xFFFFFFE0]  }
.Ltmp10:
0x206: {  	v4 =	vld [tilespmem:s9+$0xFFFFFFF0];
	(pc) =	sbr.rel @!p0 .LBB2_15-.Ltmp10, $4  }
0x207: {  	v6 =	vld [tilespmem:s9+$0x0]  }
0x208: {  	v0 =	vimm.f32 $0.0e+00;
	v5 =	vimm.f32 $0.0e+00;
	v7 =	vld [tilespmem:s9+$0x10]  }
0x209: {  	v8 =	vimm.f32 $0.0e+00;
	v9 =	vimm.f32 $0.0e+00;
	v11 =	vld [tilespmem:s9+$0x20];
	v1 =	vadd.f32 v1, v0  }
0x20a: {  	v10 =	vimm.f32 $0.0e+00;
	v12 =	vld [tilespmem:s9+$0xFFFFFFC0];
	s11 =	sadd.s32 $0x80, s9;
	v2 =	vadd.f32 v2, v0;
	v3 =	vadd.f32 v3, v0  }
.LBB2_14:
0x20b: {  	v13 =	vld [tilespmem:s11+$0x30];
	s4 =	sadd.s32 $0x1, s4;
	v0 =	vadd.f32 v4, v0  }
0x20c: {  	v14 =	vld [tilespmem:s11+$0xFFFFFFD0];
	p0 =	slt.s32 s4, s1;
	v5 =	vadd.f32 v6, v5  }
0x20d: {  	v15 =	vld [tilespmem:s11+$0xFFFFFFE0];
	v8 =	vadd.f32 v7, v8  }
.Ltmp11:
0x20e: {  	v4 =	vld [tilespmem:s11+$0xFFFFFFF0];
	v9 =	vadd.f32 v11, v9;
	(pc) =	sbr.rel @p0 .LBB2_14-.Ltmp11, $4  }
0x20f: {  	v6 =	vld [tilespmem:s11+$0x0];
	v10 =	vadd.f32 v12, v10  }
0x210: {  	v7 =	vld [tilespmem:s11+$0x10];
	v1 =	vadd.f32 v13, v1  }
0x211: {  	v2 =	vadd.f32 v14, v2;
	v11 =	vld [tilespmem:s11+$0x20]  }
0x212: {  	v12 =	vld [tilespmem:s11+$0xFFFFFFC0];
	v3 =	vadd.f32 v15, v3;
	s11 =	sadd.s32 $0x80, s11  }
.LBB2_15:
0x213: {  	_ =	sdelay $0x1  }
0x214: {  	v13 =	vadd.f32 v4, v0  }
0x215: {  	v5 =	vadd.f32 v6, v5;
	v6 =	vadd.f32 v7, v8  }
0x216: {  	v4 =	vadd.f32 v11, v9;
	v0 =	vadd.f32 v12, v10  }
.LBB2_16:
0x217: {  	s4 =	sld [smem:$0x7EE]  }
0x218: {  	s18 =	sld [smem:$0x7C7]  }
0x219: {  	s21 =	sld [smem:$0x780]  }
0x21a: {  	s22 =	sld [smem:$0x775]  }
0x21b: {  	s24 =	sld [smem:$0x770]  }
0x21c: {  	[tilespmem:$0x6290] =	vst v2;
	s25 =	sld [smem:$0x76C]  }
0x21d: {  	[tilespmem:$0x62A0] =	vst v3;
	s26 =	sld [smem:$0x768]  }
0x21e: {  	[tilespmem:$0x62B0] =	vst v13;
	p0 =	sge.s32 s1, s2;
	s29 =	rddreg [dreg:$0x1a]  }
.Ltmp12:
0x21f: {  	[tilespmem:$0x62C0] =	vst v5;
	s31 =	rddreg [dreg:$0x11];
	(pc) =	sbr.rel @p0 .LBB2_20-.Ltmp12, $4  }
0x220: {  	[tilespmem:$0x62D0] =	vst v6;
	s14 =	sadd.s32 s4, s20;
	s20 =	sld [smem:$0x7A0]  }
0x221: {  	v5 =	vimm.f32 $0.0e+00;
	v2 =	vimm.f32 $0.0e+00;
	v3 =	vimm.f32 $0.0e+00;
	[tilespmem:$0x62F0] =	vst v1;
	s15 =	sadd.s32 s29, s10;
	s11 =	sadd.s32 s18, s19;
	s12 =	sadd.s32 s21, s16  }
0x222: {  	v6 =	vimm.f32 $0.0e+00;
	v8 =	vimm.f32 $0.0e+00;
	v7 =	vimm.f32 $0.0e+00;
	[tilespmem:$0x6280] =	vst v0;
	s7 =	sadd.s32 s22, s7;
	s17 =	sadd.s32 s24, s6;
	s3 =	sadd.s32 s25, s3  }
0x223: {  	v1 =	vimm.f32 $0.0e+00;
	v0 =	vimm.f32 $0.0e+00;
	[tilespmem:$0x62E0] =	vst v4;
	v4 =	vimm.f32 $0.0e+00;
	s16 =	sadd.s32 s26, s0;
	s4 =	sadd.s32 s31, s8;
	s13 =	sadd.s32 s20, s13  }
0x224: {  	s0 =	sshll.u32 s1, $0x9  }
0x225: {  	s0 =	sshra.s32 s0, $0x2  }
0x226: {  	s6 =	sor.u32 $0x40, s0  }
0x227: {  	v1 =	vld [tilespmem:s6+$0x30]  }
0x228: {  	s0 =	sadd.s32 $0x1, s1;
	v2 =	vld [tilespmem:s6+$0xFFFFFFD0]  }
0x229: {  	v3 =	vld [tilespmem:s6+$0xFFFFFFE0];
	p0 =	slt.s32 s0, s2  }
.Ltmp13:
0x22a: {  	v5 =	vld [tilespmem:s6+$0xFFFFFFF0];
	(pc) =	sbr.rel @!p0 .LBB2_19-.Ltmp13, $4  }
0x22b: {  	v7 =	vld [tilespmem:s6+$0x0]  }
0x22c: {  	v4 =	vimm.f32 $0.0e+00;
	v6 =	vimm.f32 $0.0e+00;
	v8 =	vld [tilespmem:s6+$0x10]  }
0x22d: {  	v9 =	vimm.f32 $0.0e+00;
	v10 =	vimm.f32 $0.0e+00;
	v12 =	vld [tilespmem:s6+$0x20];
	v1 =	vadd.f32 v1, v4  }
0x22e: {  	v11 =	vimm.f32 $0.0e+00;
	v13 =	vld [tilespmem:s6+$0xFFFFFFC0];
	s1 =	sadd.s32 $0x80, s6;
	v2 =	vadd.f32 v2, v4;
	v3 =	vadd.f32 v3, v4  }
.LBB2_18:
0x22f: {  	v14 =	vld [tilespmem:s1+$0x30];
	s0 =	sadd.s32 $0x1, s0;
	v4 =	vadd.f32 v5, v4  }
0x230: {  	v15 =	vld [tilespmem:s1+$0xFFFFFFD0];
	p0 =	slt.s32 s0, s2;
	v6 =	vadd.f32 v7, v6  }
0x231: {  	v16 =	vld [tilespmem:s1+$0xFFFFFFE0];
	v9 =	vadd.f32 v8, v9  }
.Ltmp14:
0x232: {  	v5 =	vld [tilespmem:s1+$0xFFFFFFF0];
	v10 =	vadd.f32 v12, v10;
	(pc) =	sbr.rel @p0 .LBB2_18-.Ltmp14, $4  }
0x233: {  	v7 =	vld [tilespmem:s1+$0x0];
	v11 =	vadd.f32 v13, v11  }
0x234: {  	v8 =	vld [tilespmem:s1+$0x10];
	v1 =	vadd.f32 v14, v1  }
0x235: {  	v2 =	vadd.f32 v15, v2;
	v12 =	vld [tilespmem:s1+$0x20]  }
0x236: {  	v13 =	vld [tilespmem:s1+$0xFFFFFFC0];
	v3 =	vadd.f32 v16, v3;
	s1 =	sadd.s32 $0x80, s1  }
.LBB2_19:
0x237: {  	_ =	sdelay $0x1  }
0x238: {  	v4 =	vadd.f32 v5, v4  }
0x239: {  	v6 =	vadd.f32 v7, v6;
	v8 =	vadd.f32 v8, v9  }
0x23a: {  	v7 =	vadd.f32 v12, v10;
	v5 =	vadd.f32 v13, v11  }
.LBB2_20:
0x23b: {  	s0 =	sld [smem:$0x7F1]  }
0x23c: {  	s21 =	sld [smem:$0x7CA]  }
0x23d: {  	s22 =	sld [smem:$0x7A3]  }
0x23e: {  	s24 =	sld [smem:$0x783]  }
0x23f: {  	[tilespmem:$0x6310] =	vst v2;
	s25 =	sld [smem:$0x776]  }
0x240: {  	[tilespmem:$0x6320] =	vst v3;
	s26 =	sld [smem:$0x771]  }
0x241: {  	[tilespmem:$0x6330] =	vst v4;
	p0 =	sge.s32 s2, s4;
	s1 =	rddreg [dreg:$0x1e]  }
.Ltmp15:
0x242: {  	[tilespmem:$0x6340] =	vst v6;
	s29 =	rddreg [dreg:$0x14];
	(pc) =	sbr.rel @p0 .LBB2_24-.Ltmp15, $4  }
0x243: {  	[tilespmem:$0x6350] =	vst v8;
	s31 =	rddreg [dreg:$0xe]  }
0x244: {  	v2 =	vimm.f32 $0.0e+00;
	[tilespmem:$0x6370] =	vst v1;
	s10 =	sadd.s32 s1, s3;
	s8 =	sadd.s32 s29, s16;
	s1 =	sadd.s32 s31, s15  }
0x245: {  	v3 =	vimm.f32 $0.0e+00;
	v13 =	vimm.f32 $0.0e+00;
	v6 =	vimm.f32 $0.0e+00;
	[tilespmem:$0x6300] =	vst v5;
	s14 =	sadd.s32 s0, s14;
	s19 =	sadd.s32 s21, s11;
	s18 =	sadd.s32 s22, s13  }
0x246: {  	v4 =	vimm.f32 $0.0e+00;
	v1 =	vimm.f32 $0.0e+00;
	[tilespmem:$0x6360] =	vst v7;
	v5 =	vimm.f32 $0.0e+00;
	s6 =	sadd.s32 s24, s12;
	s11 =	sadd.s32 s25, s7;
	s0 =	sadd.s32 s26, s17  }
0x247: {  	s3 =	sshll.u32 s2, $0x9  }
0x248: {  	s3 =	sshra.s32 s3, $0x2  }
0x249: {  	s3 =	sor.u32 $0x40, s3  }
0x24a: {  	v1 =	vld [tilespmem:s3+$0x30]  }
0x24b: {  	s2 =	sadd.s32 $0x1, s2;
	v2 =	vld [tilespmem:s3+$0xFFFFFFD0]  }
0x24c: {  	p0 =	slt.s32 s2, s4;
	v3 =	vld [tilespmem:s3+$0xFFFFFFE0]  }
.Ltmp16:
0x24d: {  	v4 =	vld [tilespmem:s3+$0xFFFFFFF0];
	(pc) =	sbr.rel @!p0 .LBB2_23-.Ltmp16, $4  }
0x24e: {  	v6 =	vld [tilespmem:s3+$0x0]  }
0x24f: {  	v0 =	vimm.f32 $0.0e+00;
	v5 =	vimm.f32 $0.0e+00;
	v7 =	vld [tilespmem:s3+$0x10]  }
0x250: {  	v8 =	vimm.f32 $0.0e+00;
	v9 =	vimm.f32 $0.0e+00;
	v11 =	vld [tilespmem:s3+$0x20];
	v1 =	vadd.f32 v1, v0  }
0x251: {  	v10 =	vimm.f32 $0.0e+00;
	v12 =	vld [tilespmem:s3+$0xFFFFFFC0];
	s3 =	sadd.s32 $0x80, s3;
	v2 =	vadd.f32 v2, v0;
	v3 =	vadd.f32 v3, v0  }
.LBB2_22:
0x252: {  	v13 =	vld [tilespmem:s3+$0x30];
	s2 =	sadd.s32 $0x1, s2;
	v0 =	vadd.f32 v4, v0  }
0x253: {  	v14 =	vld [tilespmem:s3+$0xFFFFFFD0];
	p0 =	slt.s32 s2, s4;
	v5 =	vadd.f32 v6, v5  }
0x254: {  	v15 =	vld [tilespmem:s3+$0xFFFFFFE0];
	v8 =	vadd.f32 v7, v8  }
.Ltmp17:
0x255: {  	v4 =	vld [tilespmem:s3+$0xFFFFFFF0];
	v9 =	vadd.f32 v11, v9;
	(pc) =	sbr.rel @p0 .LBB2_22-.Ltmp17, $4  }
0x256: {  	v6 =	vld [tilespmem:s3+$0x0];
	v10 =	vadd.f32 v12, v10  }
0x257: {  	v7 =	vld [tilespmem:s3+$0x10];
	v1 =	vadd.f32 v13, v1  }
0x258: {  	v2 =	vadd.f32 v14, v2;
	v11 =	vld [tilespmem:s3+$0x20]  }
0x259: {  	v12 =	vld [tilespmem:s3+$0xFFFFFFC0];
	v3 =	vadd.f32 v15, v3;
	s3 =	sadd.s32 $0x80, s3  }
.LBB2_23:
0x25a: {  	_ =	sdelay $0x1  }
0x25b: {  	v13 =	vadd.f32 v4, v0  }
0x25c: {  	v5 =	vadd.f32 v6, v5;
	v6 =	vadd.f32 v7, v8  }
0x25d: {  	v4 =	vadd.f32 v11, v9;
	v0 =	vadd.f32 v12, v10  }
.LBB2_24:
0x25e: {  	s2 =	sld [smem:$0x7F4]  }
0x25f: {  	s21 =	sld [smem:$0x7CD]  }
0x260: {  	[tilespmem:$0x6390] =	vst v2;
	s22 =	sld [smem:$0x7A6]  }
0x261: {  	[tilespmem:$0x63A0] =	vst v3;
	s24 =	sld [smem:$0x785]  }
0x262: {  	[tilespmem:$0x63B0] =	vst v13;
	s25 =	sld [smem:$0x777];
	p0 =	sge.s32 s4, s1  }
.Ltmp18:
0x263: {  	[tilespmem:$0x63C0] =	vst v5;
	s26 =	rddreg [dreg:$0x1b];
	(pc) =	sbr.rel @p0 .LBB2_28-.Ltmp18, $4  }
0x264: {  	[tilespmem:$0x63D0] =	vst v6;
	s29 =	rddreg [dreg:$0x12]  }
0x265: {  	v5 =	vimm.f32 $0.0e+00;
	v2 =	vimm.f32 $0.0e+00;
	v3 =	vimm.f32 $0.0e+00;
	s31 =	rddreg [dreg:$0xa];
	[tilespmem:$0x63F0] =	vst v1;
	s15 =	sadd.s32 s26, s0;
	s13 =	sadd.s32 s2, s14  }
0x266: {  	v6 =	vimm.f32 $0.0e+00;
	v8 =	vimm.f32 $0.0e+00;
	v7 =	vimm.f32 $0.0e+00;
	[tilespmem:$0x6380] =	vst v0;
	s12 =	sadd.s32 s21, s19;
	s7 =	sadd.s32 s22, s18;
	s16 =	sadd.s32 s24, s6  }
0x267: {  	v1 =	vimm.f32 $0.0e+00;
	v0 =	vimm.f32 $0.0e+00;
	[tilespmem:$0x63E0] =	vst v4;
	v4 =	vimm.f32 $0.0e+00;
	s3 =	sadd.s32 s25, s11;
	s14 =	sadd.s32 s29, s10;
	s2 =	sadd.s32 s31, s8  }
0x268: {  	s0 =	sshll.u32 s4, $0x9  }
0x269: {  	s0 =	sshra.s32 s0, $0x2  }
0x26a: {  	s6 =	sor.u32 $0x40, s0  }
0x26b: {  	v1 =	vld [tilespmem:s6+$0x30]  }
0x26c: {  	s0 =	sadd.s32 $0x1, s4;
	v2 =	vld [tilespmem:s6+$0xFFFFFFD0]  }
0x26d: {  	v3 =	vld [tilespmem:s6+$0xFFFFFFE0];
	p0 =	slt.s32 s0, s1  }
.Ltmp19:
0x26e: {  	v5 =	vld [tilespmem:s6+$0xFFFFFFF0];
	(pc) =	sbr.rel @!p0 .LBB2_27-.Ltmp19, $4  }
0x26f: {  	v7 =	vld [tilespmem:s6+$0x0]  }
0x270: {  	v4 =	vimm.f32 $0.0e+00;
	v6 =	vimm.f32 $0.0e+00;
	v8 =	vld [tilespmem:s6+$0x10]  }
0x271: {  	v9 =	vimm.f32 $0.0e+00;
	v10 =	vimm.f32 $0.0e+00;
	v12 =	vld [tilespmem:s6+$0x20];
	v1 =	vadd.f32 v1, v4  }
0x272: {  	v11 =	vimm.f32 $0.0e+00;
	v13 =	vld [tilespmem:s6+$0xFFFFFFC0];
	s4 =	sadd.s32 $0x80, s6;
	v2 =	vadd.f32 v2, v4;
	v3 =	vadd.f32 v3, v4  }
.LBB2_26:
0x273: {  	v14 =	vld [tilespmem:s4+$0x30];
	s0 =	sadd.s32 $0x1, s0;
	v4 =	vadd.f32 v5, v4  }
0x274: {  	v15 =	vld [tilespmem:s4+$0xFFFFFFD0];
	p0 =	slt.s32 s0, s1;
	v6 =	vadd.f32 v7, v6  }
0x275: {  	v16 =	vld [tilespmem:s4+$0xFFFFFFE0];
	v9 =	vadd.f32 v8, v9  }
.Ltmp20:
0x276: {  	v5 =	vld [tilespmem:s4+$0xFFFFFFF0];
	v10 =	vadd.f32 v12, v10;
	(pc) =	sbr.rel @p0 .LBB2_26-.Ltmp20, $4  }
0x277: {  	v7 =	vld [tilespmem:s4+$0x0];
	v11 =	vadd.f32 v13, v11  }
0x278: {  	v8 =	vld [tilespmem:s4+$0x10];
	v1 =	vadd.f32 v14, v1  }
0x279: {  	v2 =	vadd.f32 v15, v2;
	v12 =	vld [tilespmem:s4+$0x20]  }
0x27a: {  	v13 =	vld [tilespmem:s4+$0xFFFFFFC0];
	v3 =	vadd.f32 v16, v3;
	s4 =	sadd.s32 $0x80, s4  }
.LBB2_27:
0x27b: {  	_ =	sdelay $0x1  }
0x27c: {  	v4 =	vadd.f32 v5, v4  }
0x27d: {  	v6 =	vadd.f32 v7, v6;
	v8 =	vadd.f32 v8, v9  }
0x27e: {  	v7 =	vadd.f32 v12, v10;
	v5 =	vadd.f32 v13, v11  }
.LBB2_28:
0x27f: {  	s0 =	sld [smem:$0x7F7]  }
0x280: {  	[tilespmem:$0x6410] =	vst v2;
	s24 =	sld [smem:$0x7D1]  }
0x281: {  	[tilespmem:$0x6420] =	vst v3;
	s25 =	sld [smem:$0x7A9]  }
0x282: {  	[tilespmem:$0x6430] =	vst v4;
	s26 =	sld [smem:$0x787];
	p0 =	sge.s32 s1, s2  }
.Ltmp21:
0x283: {  	[tilespmem:$0x6440] =	vst v6;
	s4 =	rddreg [dreg:$0x16];
	(pc) =	sbr.rel @p0 .LBB2_32-.Ltmp21, $4  }
0x284: {  	[tilespmem:$0x6450] =	vst v8;
	s29 =	rddreg [dreg:$0x10]  }
0x285: {  	v2 =	vimm.f32 $0.0e+00;
	s31 =	rddreg [dreg:$0x9];
	[tilespmem:$0x6470] =	vst v1;
	s10 =	sadd.s32 s4, s3  }
0x286: {  	v3 =	vimm.f32 $0.0e+00;
	v4 =	vimm.f32 $0.0e+00;
	v6 =	vimm.f32 $0.0e+00;
	[tilespmem:$0x6400] =	vst v5;
	s8 =	sadd.s32 s29, s15;
	s4 =	sadd.s32 s31, s14;
	s13 =	sadd.s32 s0, s13  }
0x287: {  	v1 =	vimm.f32 $0.0e+00;
	[tilespmem:$0x6460] =	vst v7;
	v5 =	vimm.f32 $0.0e+00;
	v7 =	vimm.f32 $0.0e+00;
	s6 =	sadd.s32 s24, s12;
	s11 =	sadd.s32 s25, s7;
	s0 =	sadd.s32 s26, s16  }
0x288: {  	s3 =	sshll.u32 s1, $0x9  }
0x289: {  	s3 =	sshra.s32 s3, $0x2  }
0x28a: {  	s3 =	sor.u32 $0x40, s3  }
0x28b: {  	v1 =	vld [tilespmem:s3+$0x30]  }
0x28c: {  	s1 =	sadd.s32 $0x1, s1;
	v2 =	vld [tilespmem:s3+$0xFFFFFFD0]  }
0x28d: {  	p0 =	slt.s32 s1, s2;
	v3 =	vld [tilespmem:s3+$0xFFFFFFE0]  }
.Ltmp22:
0x28e: {  	v4 =	vld [tilespmem:s3+$0xFFFFFFF0];
	(pc) =	sbr.rel @!p0 .LBB2_31-.Ltmp22, $4  }
0x28f: {  	v6 =	vld [tilespmem:s3+$0x0]  }
0x290: {  	v0 =	vimm.f32 $0.0e+00;
	v5 =	vimm.f32 $0.0e+00;
	v7 =	vld [tilespmem:s3+$0x10]  }
0x291: {  	v8 =	vimm.f32 $0.0e+00;
	v9 =	vimm.f32 $0.0e+00;
	v11 =	vld [tilespmem:s3+$0x20];
	v1 =	vadd.f32 v1, v0  }
0x292: {  	v10 =	vimm.f32 $0.0e+00;
	v12 =	vld [tilespmem:s3+$0xFFFFFFC0];
	s3 =	sadd.s32 $0x80, s3;
	v2 =	vadd.f32 v2, v0;
	v3 =	vadd.f32 v3, v0  }
.LBB2_30:
0x293: {  	v13 =	vld [tilespmem:s3+$0x30];
	s1 =	sadd.s32 $0x1, s1;
	v0 =	vadd.f32 v4, v0  }
0x294: {  	v14 =	vld [tilespmem:s3+$0xFFFFFFD0];
	p0 =	slt.s32 s1, s2;
	v5 =	vadd.f32 v6, v5  }
0x295: {  	v15 =	vld [tilespmem:s3+$0xFFFFFFE0];
	v8 =	vadd.f32 v7, v8  }
.Ltmp23:
0x296: {  	v4 =	vld [tilespmem:s3+$0xFFFFFFF0];
	v9 =	vadd.f32 v11, v9;
	(pc) =	sbr.rel @p0 .LBB2_30-.Ltmp23, $4  }
0x297: {  	v6 =	vld [tilespmem:s3+$0x0];
	v10 =	vadd.f32 v12, v10  }
0x298: {  	v7 =	vld [tilespmem:s3+$0x10];
	v1 =	vadd.f32 v13, v1  }
0x299: {  	v2 =	vadd.f32 v14, v2;
	v11 =	vld [tilespmem:s3+$0x20]  }
0x29a: {  	v12 =	vld [tilespmem:s3+$0xFFFFFFC0];
	v3 =	vadd.f32 v15, v3;
	s3 =	sadd.s32 $0x80, s3  }
.LBB2_31:
0x29b: {  	_ =	sdelay $0x1  }
0x29c: {  	v4 =	vadd.f32 v4, v0  }
0x29d: {  	v5 =	vadd.f32 v6, v5;
	v7 =	vadd.f32 v7, v8  }
0x29e: {  	v6 =	vadd.f32 v11, v9;
	v0 =	vadd.f32 v12, v10  }
.LBB2_32:
0x29f: {  	[tilespmem:$0x6490] =	vst v2;
	s1 =	sld [smem:$0x7FA]  }
0x2a0: {  	[tilespmem:$0x64A0] =	vst v3;
	s24 =	sld [smem:$0x7D4]  }
0x2a1: {  	[tilespmem:$0x64B0] =	vst v4;
	s25 =	sld [smem:$0x7AC];
	p0 =	sge.s32 s2, s4  }
.Ltmp24:
0x2a2: {  	[tilespmem:$0x64C0] =	vst v5;
	s26 =	rddreg [dreg:$0x17];
	(pc) =	sbr.rel @p0 .LBB2_36-.Ltmp24, $4  }
0x2a3: {  	[tilespmem:$0x64D0] =	vst v7;
	s29 =	rddreg [dreg:$0xc]  }
0x2a4: {  	v4 =	vimm.f32 $0.0e+00;
	v2 =	vimm.f32 $0.0e+00;
	v3 =	vimm.f32 $0.0e+00;
	s31 =	rddreg [dreg:$0x7];
	[tilespmem:$0x64F0] =	vst v1  }
0x2a5: {  	v5 =	vimm.f32 $0.0e+00;
	v8 =	vimm.f32 $0.0e+00;
	v7 =	vimm.f32 $0.0e+00;
	[tilespmem:$0x6480] =	vst v0;
	s10 =	sadd.s32 s29, s10;
	s7 =	sadd.s32 s1, s13;
	s12 =	sadd.s32 s24, s6  }
0x2a6: {  	v1 =	vimm.f32 $0.0e+00;
	v0 =	vimm.f32 $0.0e+00;
	[tilespmem:$0x64E0] =	vst v6;
	v6 =	vimm.f32 $0.0e+00;
	s3 =	sadd.s32 s25, s11;
	s6 =	sadd.s32 s26, s0;
	s1 =	sadd.s32 s31, s8  }
0x2a7: {  	s0 =	sshll.u32 s2, $0x9  }
0x2a8: {  	s0 =	sshra.s32 s0, $0x2  }
0x2a9: {  	s8 =	sor.u32 $0x40, s0  }
0x2aa: {  	v1 =	vld [tilespmem:s8+$0x30]  }
0x2ab: {  	s0 =	sadd.s32 $0x1, s2;
	v2 =	vld [tilespmem:s8+$0xFFFFFFD0]  }
0x2ac: {  	v3 =	vld [tilespmem:s8+$0xFFFFFFE0];
	p0 =	slt.s32 s0, s4  }
.Ltmp25:
0x2ad: {  	v5 =	vld [tilespmem:s8+$0xFFFFFFF0];
	(pc) =	sbr.rel @!p0 .LBB2_35-.Ltmp25, $4  }
0x2ae: {  	v7 =	vld [tilespmem:s8+$0x0]  }
0x2af: {  	v4 =	vimm.f32 $0.0e+00;
	v6 =	vimm.f32 $0.0e+00;
	v8 =	vld [tilespmem:s8+$0x10]  }
0x2b0: {  	v9 =	vimm.f32 $0.0e+00;
	v10 =	vimm.f32 $0.0e+00;
	v12 =	vld [tilespmem:s8+$0x20];
	v1 =	vadd.f32 v1, v4  }
0x2b1: {  	v11 =	vimm.f32 $0.0e+00;
	v13 =	vld [tilespmem:s8+$0xFFFFFFC0];
	s2 =	sadd.s32 $0x80, s8;
	v2 =	vadd.f32 v2, v4;
	v3 =	vadd.f32 v3, v4  }
.LBB2_34:
0x2b2: {  	v14 =	vld [tilespmem:s2+$0x30];
	s0 =	sadd.s32 $0x1, s0;
	v4 =	vadd.f32 v5, v4  }
0x2b3: {  	v15 =	vld [tilespmem:s2+$0xFFFFFFD0];
	p0 =	slt.s32 s0, s4;
	v6 =	vadd.f32 v7, v6  }
0x2b4: {  	v16 =	vld [tilespmem:s2+$0xFFFFFFE0];
	v9 =	vadd.f32 v8, v9  }
.Ltmp26:
0x2b5: {  	v5 =	vld [tilespmem:s2+$0xFFFFFFF0];
	v10 =	vadd.f32 v12, v10;
	(pc) =	sbr.rel @p0 .LBB2_34-.Ltmp26, $4  }
0x2b6: {  	v7 =	vld [tilespmem:s2+$0x0];
	v11 =	vadd.f32 v13, v11  }
0x2b7: {  	v8 =	vld [tilespmem:s2+$0x10];
	v1 =	vadd.f32 v14, v1  }
0x2b8: {  	v2 =	vadd.f32 v15, v2;
	v12 =	vld [tilespmem:s2+$0x20]  }
0x2b9: {  	v13 =	vld [tilespmem:s2+$0xFFFFFFC0];
	v3 =	vadd.f32 v16, v3;
	s2 =	sadd.s32 $0x80, s2  }
.LBB2_35:
0x2ba: {  	_ =	sdelay $0x1  }
0x2bb: {  	v5 =	vadd.f32 v5, v4  }
0x2bc: {  	v6 =	vadd.f32 v7, v6;
	v8 =	vadd.f32 v8, v9  }
0x2bd: {  	v7 =	vadd.f32 v12, v10;
	v4 =	vadd.f32 v13, v11  }
.LBB2_36:
0x2be: {  	[tilespmem:$0x6510] =	vst v2  }
0x2bf: {  	[tilespmem:$0x6520] =	vst v3  }
0x2c0: {  	[tilespmem:$0x6530] =	vst v5;
	s0 =	sld [smem:$0x7FD];
	p0 =	sge.s32 s4, s1  }
.Ltmp27:
0x2c1: {  	[tilespmem:$0x6540] =	vst v6;
	s26 =	sld [smem:$0x7D7];
	(pc) =	sbr.rel @p0 .LBB2_40-.Ltmp27, $4  }
0x2c2: {  	[tilespmem:$0x6550] =	vst v8;
	s2 =	rddreg [dreg:$0x19]  }
0x2c3: {  	v2 =	vimm.f32 $0.0e+00;
	s29 =	rddreg [dreg:$0xd];
	[tilespmem:$0x6570] =	vst v1  }
0x2c4: {  	v3 =	vimm.f32 $0.0e+00;
	v5 =	vimm.f32 $0.0e+00;
	s31 =	rddreg [dreg:$0x5];
	v6 =	vimm.f32 $0.0e+00;
	[tilespmem:$0x6500] =	vst v4;
	s6 =	sadd.s32 s29, s6;
	s8 =	sadd.s32 s0, s7  }
0x2c5: {  	v1 =	vimm.f32 $0.0e+00;
	[tilespmem:$0x6560] =	vst v7;
	v4 =	vimm.f32 $0.0e+00;
	v7 =	vimm.f32 $0.0e+00;
	s0 =	sadd.s32 s26, s12;
	s7 =	sadd.s32 s2, s3;
	s2 =	sadd.s32 s31, s10  }
0x2c6: {  	s3 =	sshll.u32 s4, $0x9  }
0x2c7: {  	s3 =	sshra.s32 s3, $0x2  }
0x2c8: {  	s9 =	sor.u32 $0x40, s3  }
0x2c9: {  	v1 =	vld [tilespmem:s9+$0x30]  }
0x2ca: {  	s3 =	sadd.s32 $0x1, s4;
	v2 =	vld [tilespmem:s9+$0xFFFFFFD0]  }
0x2cb: {  	v3 =	vld [tilespmem:s9+$0xFFFFFFE0];
	p0 =	slt.s32 s3, s1  }
.Ltmp28:
0x2cc: {  	v4 =	vld [tilespmem:s9+$0xFFFFFFF0];
	(pc) =	sbr.rel @!p0 .LBB2_39-.Ltmp28, $4  }
0x2cd: {  	v6 =	vld [tilespmem:s9+$0x0]  }
0x2ce: {  	v0 =	vimm.f32 $0.0e+00;
	v5 =	vimm.f32 $0.0e+00;
	v7 =	vld [tilespmem:s9+$0x10]  }
0x2cf: {  	v8 =	vimm.f32 $0.0e+00;
	v9 =	vimm.f32 $0.0e+00;
	v11 =	vld [tilespmem:s9+$0x20];
	v1 =	vadd.f32 v1, v0  }
0x2d0: {  	v10 =	vimm.f32 $0.0e+00;
	v12 =	vld [tilespmem:s9+$0xFFFFFFC0];
	s4 =	sadd.s32 $0x80, s9;
	v2 =	vadd.f32 v2, v0;
	v3 =	vadd.f32 v3, v0  }
.LBB2_38:
0x2d1: {  	v13 =	vld [tilespmem:s4+$0x30];
	s3 =	sadd.s32 $0x1, s3;
	v0 =	vadd.f32 v4, v0  }
0x2d2: {  	v14 =	vld [tilespmem:s4+$0xFFFFFFD0];
	p0 =	slt.s32 s3, s1;
	v5 =	vadd.f32 v6, v5  }
0x2d3: {  	v15 =	vld [tilespmem:s4+$0xFFFFFFE0];
	v8 =	vadd.f32 v7, v8  }
.Ltmp29:
0x2d4: {  	v4 =	vld [tilespmem:s4+$0xFFFFFFF0];
	v9 =	vadd.f32 v11, v9;
	(pc) =	sbr.rel @p0 .LBB2_38-.Ltmp29, $4  }
0x2d5: {  	v6 =	vld [tilespmem:s4+$0x0];
	v10 =	vadd.f32 v12, v10  }
0x2d6: {  	v7 =	vld [tilespmem:s4+$0x10];
	v1 =	vadd.f32 v13, v1  }
0x2d7: {  	v2 =	vadd.f32 v14, v2;
	v11 =	vld [tilespmem:s4+$0x20]  }
0x2d8: {  	v12 =	vld [tilespmem:s4+$0xFFFFFFC0];
	v3 =	vadd.f32 v15, v3;
	s4 =	sadd.s32 $0x80, s4  }
.LBB2_39:
0x2d9: {  	_ =	sdelay $0x1  }
0x2da: {  	v4 =	vadd.f32 v4, v0  }
0x2db: {  	v5 =	vadd.f32 v6, v5;
	v7 =	vadd.f32 v7, v8  }
0x2dc: {  	v6 =	vadd.f32 v11, v9;
	v0 =	vadd.f32 v12, v10  }
.LBB2_40:
0x2dd: {  	[tilespmem:$0x6590] =	vst v2  }
0x2de: {  	[tilespmem:$0x65A0] =	vst v3  }
0x2df: {  	[tilespmem:$0x65B0] =	vst v4;
	p0 =	sge.s32 s1, s2  }
.Ltmp30:
0x2e0: {  	[tilespmem:$0x65C0] =	vst v5;
	(pc) =	sbr.rel @p0 .LBB2_44-.Ltmp30, $4  }
0x2e1: {  	[tilespmem:$0x65D0] =	vst v7;
	s4 =	rddreg [dreg:$0x15]  }
0x2e2: {  	v5 =	vimm.f32 $0.0e+00;
	v2 =	vimm.f32 $0.0e+00;
	v3 =	vimm.f32 $0.0e+00;
	s29 =	rddreg [dreg:$0xf];
	[tilespmem:$0x65F0] =	vst v1  }
0x2e3: {  	s3 =	sadd.s32 s5, s8;
	v4 =	vimm.f32 $0.0e+00;
	s31 =	rddreg [dreg:$0x6];
	v7 =	vimm.f32 $0.0e+00;
	v8 =	vimm.f32 $0.0e+00;
	[tilespmem:$0x6580] =	vst v0  }
0x2e4: {  	v1 =	vimm.f32 $0.0e+00;
	v0 =	vimm.f32 $0.0e+00;
	[tilespmem:$0x65E0] =	vst v6;
	v6 =	vimm.f32 $0.0e+00;
	s8 =	sadd.s32 s4, s0;
	s5 =	sadd.s32 s29, s7;
	s0 =	sadd.s32 s31, s6  }
0x2e5: {  	s4 =	sshll.u32 s1, $0x9  }
0x2e6: {  	s4 =	sshra.s32 s4, $0x2  }
0x2e7: {  	s4 =	sor.u32 $0x40, s4  }
0x2e8: {  	v1 =	vld [tilespmem:s4+$0x30]  }
0x2e9: {  	s1 =	sadd.s32 $0x1, s1;
	v2 =	vld [tilespmem:s4+$0xFFFFFFD0]  }
0x2ea: {  	p0 =	slt.s32 s1, s2;
	v3 =	vld [tilespmem:s4+$0xFFFFFFE0]  }
.Ltmp31:
0x2eb: {  	v5 =	vld [tilespmem:s4+$0xFFFFFFF0];
	(pc) =	sbr.rel @!p0 .LBB2_43-.Ltmp31, $4  }
0x2ec: {  	v7 =	vld [tilespmem:s4+$0x0]  }
0x2ed: {  	v4 =	vimm.f32 $0.0e+00;
	v6 =	vimm.f32 $0.0e+00;
	v8 =	vld [tilespmem:s4+$0x10]  }
0x2ee: {  	v9 =	vimm.f32 $0.0e+00;
	v10 =	vimm.f32 $0.0e+00;
	v12 =	vld [tilespmem:s4+$0x20];
	v1 =	vadd.f32 v1, v4  }
0x2ef: {  	v11 =	vimm.f32 $0.0e+00;
	v13 =	vld [tilespmem:s4+$0xFFFFFFC0];
	s4 =	sadd.s32 $0x80, s4;
	v2 =	vadd.f32 v2, v4;
	v3 =	vadd.f32 v3, v4  }
.LBB2_42:
0x2f0: {  	v14 =	vld [tilespmem:s4+$0x30];
	s1 =	sadd.s32 $0x1, s1;
	v4 =	vadd.f32 v5, v4  }
0x2f1: {  	v15 =	vld [tilespmem:s4+$0xFFFFFFD0];
	p0 =	slt.s32 s1, s2;
	v6 =	vadd.f32 v7, v6  }
0x2f2: {  	v16 =	vld [tilespmem:s4+$0xFFFFFFE0];
	v9 =	vadd.f32 v8, v9  }
.Ltmp32:
0x2f3: {  	v5 =	vld [tilespmem:s4+$0xFFFFFFF0];
	v10 =	vadd.f32 v12, v10;
	(pc) =	sbr.rel @p0 .LBB2_42-.Ltmp32, $4  }
0x2f4: {  	v7 =	vld [tilespmem:s4+$0x0];
	v11 =	vadd.f32 v13, v11  }
0x2f5: {  	v8 =	vld [tilespmem:s4+$0x10];
	v1 =	vadd.f32 v14, v1  }
0x2f6: {  	v2 =	vadd.f32 v15, v2;
	v12 =	vld [tilespmem:s4+$0x20]  }
0x2f7: {  	v13 =	vld [tilespmem:s4+$0xFFFFFFC0];
	v3 =	vadd.f32 v16, v3;
	s4 =	sadd.s32 $0x80, s4  }
.LBB2_43:
0x2f8: {  	_ =	sdelay $0x1  }
0x2f9: {  	v4 =	vadd.f32 v5, v4  }
0x2fa: {  	v6 =	vadd.f32 v7, v6;
	v7 =	vadd.f32 v8, v9  }
0x2fb: {  	v8 =	vadd.f32 v12, v10;
	v5 =	vadd.f32 v13, v11  }
.LBB2_44:
0x2fc: {  	[tilespmem:$0x6610] =	vst v2  }
0x2fd: {  	[tilespmem:$0x6620] =	vst v3  }
0x2fe: {  	[tilespmem:$0x6630] =	vst v4;
	p0 =	sge.s32 s2, s0  }
.Ltmp33:
0x2ff: {  	[tilespmem:$0x6640] =	vst v6;
	(pc) =	sbr.rel @p0 .LBB2_48-.Ltmp33, $4  }
0x300: {  	[tilespmem:$0x6650] =	vst v7  }
0x301: {  	v2 =	vimm.f32 $0.0e+00;
	s1 =	rddreg [dreg:$0xb];
	[tilespmem:$0x6670] =	vst v1  }
0x302: {  	v3 =	vimm.f32 $0.0e+00;
	v4 =	vimm.f32 $0.0e+00;
	s31 =	rddreg [dreg:$0x8];
	v6 =	vimm.f32 $0.0e+00;
	[tilespmem:$0x6600] =	vst v5  }
0x303: {  	s4 =	sadd.s32 s30, s3;
	v7 =	vimm.f32 $0.0e+00;
	v1 =	vimm.f32 $0.0e+00;
	[tilespmem:$0x6660] =	vst v8;
	v5 =	vimm.f32 $0.0e+00;
	s3 =	sadd.s32 s1, s8;
	s1 =	sadd.s32 s31, s5  }
0x304: {  	s5 =	sshll.u32 s2, $0x9  }
0x305: {  	s5 =	sshra.s32 s5, $0x2  }
0x306: {  	s5 =	sor.u32 $0x40, s5  }
0x307: {  	v1 =	vld [tilespmem:s5+$0x30]  }
0x308: {  	s2 =	sadd.s32 $0x1, s2;
	v2 =	vld [tilespmem:s5+$0xFFFFFFD0]  }
0x309: {  	p0 =	slt.s32 s2, s0;
	v3 =	vld [tilespmem:s5+$0xFFFFFFE0]  }
.Ltmp34:
0x30a: {  	v4 =	vld [tilespmem:s5+$0xFFFFFFF0];
	(pc) =	sbr.rel @!p0 .LBB2_47-.Ltmp34, $4  }
0x30b: {  	v6 =	vld [tilespmem:s5+$0x0]  }
0x30c: {  	v0 =	vimm.f32 $0.0e+00;
	v5 =	vimm.f32 $0.0e+00;
	v7 =	vld [tilespmem:s5+$0x10]  }
0x30d: {  	v8 =	vimm.f32 $0.0e+00;
	v9 =	vimm.f32 $0.0e+00;
	v11 =	vld [tilespmem:s5+$0x20];
	v1 =	vadd.f32 v1, v0  }
0x30e: {  	v10 =	vimm.f32 $0.0e+00;
	v12 =	vld [tilespmem:s5+$0xFFFFFFC0];
	s5 =	sadd.s32 $0x80, s5;
	v2 =	vadd.f32 v2, v0;
	v3 =	vadd.f32 v3, v0  }
.LBB2_46:
0x30f: {  	v13 =	vld [tilespmem:s5+$0x30];
	s2 =	sadd.s32 $0x1, s2;
	v0 =	vadd.f32 v4, v0  }
0x310: {  	v14 =	vld [tilespmem:s5+$0xFFFFFFD0];
	p0 =	slt.s32 s2, s0;
	v5 =	vadd.f32 v6, v5  }
0x311: {  	v15 =	vld [tilespmem:s5+$0xFFFFFFE0];
	v8 =	vadd.f32 v7, v8  }
.Ltmp35:
0x312: {  	v4 =	vld [tilespmem:s5+$0xFFFFFFF0];
	v9 =	vadd.f32 v11, v9;
	(pc) =	sbr.rel @p0 .LBB2_46-.Ltmp35, $4  }
0x313: {  	v6 =	vld [tilespmem:s5+$0x0];
	v10 =	vadd.f32 v12, v10  }
0x314: {  	v7 =	vld [tilespmem:s5+$0x10];
	v1 =	vadd.f32 v13, v1  }
0x315: {  	v2 =	vadd.f32 v14, v2;
	v11 =	vld [tilespmem:s5+$0x20]  }
0x316: {  	v12 =	vld [tilespmem:s5+$0xFFFFFFC0];
	v3 =	vadd.f32 v15, v3;
	s5 =	sadd.s32 $0x80, s5  }
.LBB2_47:
0x317: {  	_ =	sdelay $0x1  }
0x318: {  	v4 =	vadd.f32 v4, v0  }
0x319: {  	v5 =	vadd.f32 v6, v5;
	v6 =	vadd.f32 v7, v8  }
0x31a: {  	v7 =	vadd.f32 v11, v9;
	v0 =	vadd.f32 v12, v10  }
.LBB2_48:
0x31b: {  	[tilespmem:$0x6690] =	vst v2  }
0x31c: {  	[tilespmem:$0x66A0] =	vst v3  }
0x31d: {  	[tilespmem:$0x66B0] =	vst v4;
	p0 =	sge.s32 s0, s1  }
.Ltmp36:
0x31e: {  	[tilespmem:$0x66C0] =	vst v5;
	(pc) =	sbr.rel @p0 .LBB2_52-.Ltmp36, $4  }
0x31f: {  	[tilespmem:$0x66D0] =	vst v6  }
0x320: {  	v6 =	vimm.f32 $0.0e+00;
	v2 =	vimm.f32 $0.0e+00;
	v3 =	vimm.f32 $0.0e+00;
	[tilespmem:$0x66F0] =	vst v1  }
0x321: {  	v4 =	vimm.f32 $0.0e+00;
	v5 =	vimm.f32 $0.0e+00;
	s2 =	rddreg [dreg:$0x4];
	v8 =	vimm.f32 $0.0e+00;
	[tilespmem:$0x6680] =	vst v0  }
0x322: {  	s4 =	sadd.s32 s28, s4;
	v1 =	vimm.f32 $0.0e+00;
	s5 =	stileid.u32;
	v0 =	vimm.f32 $0.0e+00;
	[tilespmem:$0x66E0] =	vst v7;
	s2 =	sadd.s32 s2, s3;
	v7 =	vimm.f32 $0.0e+00  }
0x323: {  	s3 =	sshll.u32 s0, $0x9  }
0x324: {  	s3 =	sshra.s32 s3, $0x2  }
0x325: {  	s3 =	sor.u32 $0x40, s3  }
0x326: {  	v1 =	vld [tilespmem:s3+$0x30]  }
0x327: {  	s0 =	sadd.s32 $0x1, s0;
	v2 =	vld [tilespmem:s3+$0xFFFFFFD0]  }
0x328: {  	p0 =	slt.s32 s0, s1;
	v3 =	vld [tilespmem:s3+$0xFFFFFFE0]  }
.Ltmp37:
0x329: {  	v5 =	vld [tilespmem:s3+$0xFFFFFFF0];
	(pc) =	sbr.rel @!p0 .LBB2_51-.Ltmp37, $4  }
0x32a: {  	v7 =	vld [tilespmem:s3+$0x0]  }
0x32b: {  	v4 =	vimm.f32 $0.0e+00;
	v6 =	vimm.f32 $0.0e+00;
	v8 =	vld [tilespmem:s3+$0x10]  }
0x32c: {  	v9 =	vimm.f32 $0.0e+00;
	v10 =	vimm.f32 $0.0e+00;
	v12 =	vld [tilespmem:s3+$0x20];
	v1 =	vadd.f32 v1, v4  }
0x32d: {  	v11 =	vimm.f32 $0.0e+00;
	v13 =	vld [tilespmem:s3+$0xFFFFFFC0];
	s3 =	sadd.s32 $0x80, s3;
	v2 =	vadd.f32 v2, v4;
	v3 =	vadd.f32 v3, v4  }
.LBB2_50:
0x32e: {  	v14 =	vld [tilespmem:s3+$0x30];
	s0 =	sadd.s32 $0x1, s0;
	v4 =	vadd.f32 v5, v4  }
0x32f: {  	v15 =	vld [tilespmem:s3+$0xFFFFFFD0];
	p0 =	slt.s32 s0, s1;
	v6 =	vadd.f32 v7, v6  }
0x330: {  	v16 =	vld [tilespmem:s3+$0xFFFFFFE0];
	v9 =	vadd.f32 v8, v9  }
.Ltmp38:
0x331: {  	v5 =	vld [tilespmem:s3+$0xFFFFFFF0];
	v10 =	vadd.f32 v12, v10;
	(pc) =	sbr.rel @p0 .LBB2_50-.Ltmp38, $4  }
0x332: {  	v7 =	vld [tilespmem:s3+$0x0];
	v11 =	vadd.f32 v13, v11  }
0x333: {  	v8 =	vld [tilespmem:s3+$0x10];
	v1 =	vadd.f32 v14, v1  }
0x334: {  	v2 =	vadd.f32 v15, v2;
	v12 =	vld [tilespmem:s3+$0x20]  }
0x335: {  	v13 =	vld [tilespmem:s3+$0xFFFFFFC0];
	v3 =	vadd.f32 v16, v3;
	s3 =	sadd.s32 $0x80, s3  }
.LBB2_51:
0x336: {  	_ =	sdelay $0x1  }
0x337: {  	v4 =	vadd.f32 v5, v4  }
0x338: {  	v5 =	vadd.f32 v7, v6;
	v7 =	vadd.f32 v8, v9  }
0x339: {  	v8 =	vadd.f32 v12, v10;
	v6 =	vadd.f32 v13, v11  }
.LBB2_52:
0x33a: {  	[tilespmem:$0x6710] =	vst v2  }
0x33b: {  	[tilespmem:$0x6720] =	vst v3  }
0x33c: {  	[tilespmem:$0x6730] =	vst v4;
	p0 =	sge.s32 s1, s2  }
.Ltmp39:
0x33d: {  	[tilespmem:$0x6740] =	vst v5;
	(pc) =	sbr.rel @p0 .LBB2_56-.Ltmp39, $4  }
0x33e: {  	[tilespmem:$0x6750] =	vst v7  }
0x33f: {  	v2 =	vimm.f32 $0.0e+00;
	[tilespmem:$0x6770] =	vst v1  }
0x340: {  	v3 =	vimm.f32 $0.0e+00;
	v4 =	vimm.f32 $0.0e+00;
	v5 =	vimm.f32 $0.0e+00;
	[tilespmem:$0x6700] =	vst v6  }
0x341: {  	s3 =	sshll.u32 s5, $0x8;
	s0 =	sadd.s32 s23, s4;
	v7 =	vimm.f32 $0.0e+00;
	v1 =	vimm.f32 $0.0e+00;
	[tilespmem:$0x6760] =	vst v8;
	v6 =	vimm.f32 $0.0e+00  }
0x342: {  	s4 =	sshll.u32 s1, $0x9  }
0x343: {  	s4 =	sshra.s32 s4, $0x2  }
0x344: {  	s4 =	sor.u32 $0x40, s4  }
0x345: {  	v1 =	vld [tilespmem:s4+$0x30]  }
0x346: {  	s1 =	sadd.s32 $0x1, s1;
	v2 =	vld [tilespmem:s4+$0xFFFFFFD0]  }
0x347: {  	p0 =	slt.s32 s1, s2;
	v3 =	vld [tilespmem:s4+$0xFFFFFFE0]  }
.Ltmp40:
0x348: {  	v4 =	vld [tilespmem:s4+$0xFFFFFFF0];
	(pc) =	sbr.rel @!p0 .LBB2_55-.Ltmp40, $4  }
0x349: {  	v6 =	vld [tilespmem:s4+$0x0]  }
0x34a: {  	v0 =	vimm.f32 $0.0e+00;
	v5 =	vimm.f32 $0.0e+00;
	v7 =	vld [tilespmem:s4+$0x10]  }
0x34b: {  	v8 =	vimm.f32 $0.0e+00;
	v9 =	vimm.f32 $0.0e+00;
	v11 =	vld [tilespmem:s4+$0x20];
	v1 =	vadd.f32 v1, v0  }
0x34c: {  	v10 =	vimm.f32 $0.0e+00;
	v12 =	vld [tilespmem:s4+$0xFFFFFFC0];
	s4 =	sadd.s32 $0x80, s4;
	v2 =	vadd.f32 v2, v0;
	v3 =	vadd.f32 v3, v0  }
.LBB2_54:
0x34d: {  	v13 =	vld [tilespmem:s4+$0x30];
	s1 =	sadd.s32 $0x1, s1;
	v0 =	vadd.f32 v4, v0  }
0x34e: {  	v14 =	vld [tilespmem:s4+$0xFFFFFFD0];
	p0 =	slt.s32 s1, s2;
	v5 =	vadd.f32 v6, v5  }
0x34f: {  	v15 =	vld [tilespmem:s4+$0xFFFFFFE0];
	v8 =	vadd.f32 v7, v8  }
.Ltmp41:
0x350: {  	v4 =	vld [tilespmem:s4+$0xFFFFFFF0];
	v9 =	vadd.f32 v11, v9;
	(pc) =	sbr.rel @p0 .LBB2_54-.Ltmp41, $4  }
0x351: {  	v6 =	vld [tilespmem:s4+$0x0];
	v10 =	vadd.f32 v12, v10  }
0x352: {  	v7 =	vld [tilespmem:s4+$0x10];
	v1 =	vadd.f32 v13, v1  }
0x353: {  	v2 =	vadd.f32 v14, v2;
	v11 =	vld [tilespmem:s4+$0x20]  }
0x354: {  	v12 =	vld [tilespmem:s4+$0xFFFFFFC0];
	v3 =	vadd.f32 v15, v3;
	s4 =	sadd.s32 $0x80, s4  }
.LBB2_55:
0x355: {  	_ =	sdelay $0x1  }
0x356: {  	v4 =	vadd.f32 v4, v0  }
0x357: {  	v5 =	vadd.f32 v6, v5;
	v7 =	vadd.f32 v7, v8  }
0x358: {  	v6 =	vadd.f32 v11, v9;
	v0 =	vadd.f32 v12, v10  }
.LBB2_56:
0x359: {  	[tilespmem:$0x6790] =	vst v2  }
0x35a: {  	[tilespmem:$0x67A0] =	vst v3  }
0x35b: {  	[tilespmem:$0x67B0] =	vst v4;
	p0 =	sge.s32 s2, s0  }
.Ltmp42:
0x35c: {  	[tilespmem:$0x67C0] =	vst v5;
	(pc) =	sbr.rel @p0 .LBB2_60-.Ltmp42, $4  }
0x35d: {  	[tilespmem:$0x67D0] =	vst v7  }
0x35e: {  	v7 =	vimm.f32 $0.0e+00;
	v2 =	vimm.f32 $0.0e+00;
	v3 =	vimm.f32 $0.0e+00;
	[tilespmem:$0x67F0] =	vst v1  }
0x35f: {  	v4 =	vimm.f32 $0.0e+00;
	v5 =	vimm.f32 $0.0e+00;
	s1 =	rddreg [dreg:$0x2];
	v8 =	vimm.f32 $0.0e+00;
	[tilespmem:$0x6780] =	vst v0  }
0x360: {  	v1 =	vimm.f32 $0.0e+00;
	v0 =	vimm.f32 $0.0e+00;
	[tilespmem:$0x67E0] =	vst v6;
	s1 =	sadd.s32 s3, s1;
	v6 =	vimm.f32 $0.0e+00  }
0x361: {  	s3 =	sshll.u32 s2, $0x9  }
0x362: {  	s3 =	sshra.s32 s3, $0x2  }
0x363: {  	s3 =	sor.u32 $0x40, s3  }
0x364: {  	v1 =	vld [tilespmem:s3+$0x30]  }
0x365: {  	s2 =	sadd.s32 $0x1, s2;
	v2 =	vld [tilespmem:s3+$0xFFFFFFD0]  }
0x366: {  	p0 =	slt.s32 s2, s0;
	v3 =	vld [tilespmem:s3+$0xFFFFFFE0]  }
.Ltmp43:
0x367: {  	v5 =	vld [tilespmem:s3+$0xFFFFFFF0];
	(pc) =	sbr.rel @!p0 .LBB2_59-.Ltmp43, $4  }
0x368: {  	v7 =	vld [tilespmem:s3+$0x0]  }
0x369: {  	v4 =	vimm.f32 $0.0e+00;
	v6 =	vimm.f32 $0.0e+00;
	v8 =	vld [tilespmem:s3+$0x10]  }
0x36a: {  	v9 =	vimm.f32 $0.0e+00;
	v10 =	vimm.f32 $0.0e+00;
	v12 =	vld [tilespmem:s3+$0x20];
	v1 =	vadd.f32 v1, v4  }
0x36b: {  	v11 =	vimm.f32 $0.0e+00;
	v13 =	vld [tilespmem:s3+$0xFFFFFFC0];
	s3 =	sadd.s32 $0x80, s3;
	v2 =	vadd.f32 v2, v4;
	v3 =	vadd.f32 v3, v4  }
.LBB2_58:
0x36c: {  	v14 =	vld [tilespmem:s3+$0x30];
	s2 =	sadd.s32 $0x1, s2;
	v4 =	vadd.f32 v5, v4  }
0x36d: {  	v15 =	vld [tilespmem:s3+$0xFFFFFFD0];
	p0 =	slt.s32 s2, s0;
	v6 =	vadd.f32 v7, v6  }
0x36e: {  	v16 =	vld [tilespmem:s3+$0xFFFFFFE0];
	v9 =	vadd.f32 v8, v9  }
.Ltmp44:
0x36f: {  	v5 =	vld [tilespmem:s3+$0xFFFFFFF0];
	v10 =	vadd.f32 v12, v10;
	(pc) =	sbr.rel @p0 .LBB2_58-.Ltmp44, $4  }
0x370: {  	v7 =	vld [tilespmem:s3+$0x0];
	v11 =	vadd.f32 v13, v11  }
0x371: {  	v8 =	vld [tilespmem:s3+$0x10];
	v1 =	vadd.f32 v14, v1  }
0x372: {  	v2 =	vadd.f32 v15, v2;
	v12 =	vld [tilespmem:s3+$0x20]  }
0x373: {  	v13 =	vld [tilespmem:s3+$0xFFFFFFC0];
	v3 =	vadd.f32 v16, v3;
	s3 =	sadd.s32 $0x80, s3  }
.LBB2_59:
0x374: {  	_ =	sdelay $0x1  }
0x375: {  	v4 =	vadd.f32 v5, v4  }
0x376: {  	v5 =	vadd.f32 v7, v6;
	v6 =	vadd.f32 v8, v9  }
0x377: {  	v8 =	vadd.f32 v12, v10;
	v7 =	vadd.f32 v13, v11  }
.LBB2_60:
0x378: {  	[tilespmem:$0x6810] =	vst v2  }
0x379: {  	[tilespmem:$0x6820] =	vst v3  }
0x37a: {  	[tilespmem:$0x6830] =	vst v4;
	p0 =	sgt.s32 s0, $0xBF  }
.Ltmp45:
0x37b: {  	[tilespmem:$0x6840] =	vst v5;
	(pc) =	sbr.rel @p0 .LBB2_64-.Ltmp45, $4  }
0x37c: {  	[tilespmem:$0x6850] =	vst v6  }
0x37d: {  	v2 =	vimm.f32 $0.0e+00;
	[tilespmem:$0x6870] =	vst v1  }
0x37e: {  	v3 =	vimm.f32 $0.0e+00;
	v4 =	vimm.f32 $0.0e+00;
	v5 =	vimm.f32 $0.0e+00;
	[tilespmem:$0x6800] =	vst v7  }
0x37f: {  	s1 =	sadd.s32 $0x1200, s1;
	v6 =	vimm.f32 $0.0e+00;
	v1 =	vimm.f32 $0.0e+00;
	[tilespmem:$0x6860] =	vst v8;
	v7 =	vimm.f32 $0.0e+00  }
0x380: {  	s2 =	sshll.u32 s0, $0x9  }
0x381: {  	s2 =	sshra.s32 s2, $0x2  }
0x382: {  	s2 =	sor.u32 $0x40, s2  }
0x383: {  	s31 =	sadd.s32 $0xFFFFFFFF, s0;
	v1 =	vld [tilespmem:s2+$0x30]  }
0x384: {  	s0 =	sadd.s32 $0x1, s31;
	v2 =	vld [tilespmem:s2+$0xFFFFFFD0]  }
0x385: {  	p0 =	slt.s32 s0, $0xBF;
	v3 =	vld [tilespmem:s2+$0xFFFFFFE0]  }
.Ltmp46:
0x386: {  	v4 =	vld [tilespmem:s2+$0xFFFFFFF0];
	(pc) =	sbr.rel @!p0 .LBB2_63-.Ltmp46, $4  }
0x387: {  	v6 =	vld [tilespmem:s2+$0x0]  }
0x388: {  	v0 =	vimm.f32 $0.0e+00;
	v5 =	vimm.f32 $0.0e+00;
	v7 =	vld [tilespmem:s2+$0x10]  }
0x389: {  	v8 =	vimm.f32 $0.0e+00;
	v9 =	vimm.f32 $0.0e+00;
	v11 =	vld [tilespmem:s2+$0x20];
	v1 =	vadd.f32 v1, v0  }
0x38a: {  	v10 =	vimm.f32 $0.0e+00;
	v12 =	vld [tilespmem:s2+$0xFFFFFFC0];
	s2 =	sadd.s32 $0x80, s2;
	v2 =	vadd.f32 v2, v0;
	v3 =	vadd.f32 v3, v0  }
.LBB2_62:
0x38b: {  	v13 =	vld [tilespmem:s2+$0x30];
	s0 =	sadd.s32 $0x1, s0;
	v0 =	vadd.f32 v4, v0  }
0x38c: {  	v14 =	vld [tilespmem:s2+$0xFFFFFFD0];
	p0 =	slt.s32 s0, $0xBF;
	v5 =	vadd.f32 v6, v5  }
0x38d: {  	v15 =	vld [tilespmem:s2+$0xFFFFFFE0];
	v8 =	vadd.f32 v7, v8  }
.Ltmp47:
0x38e: {  	v4 =	vld [tilespmem:s2+$0xFFFFFFF0];
	v9 =	vadd.f32 v11, v9;
	(pc) =	sbr.rel @p0 .LBB2_62-.Ltmp47, $4  }
0x38f: {  	v6 =	vld [tilespmem:s2+$0x0];
	v10 =	vadd.f32 v12, v10  }
0x390: {  	v7 =	vld [tilespmem:s2+$0x10];
	v1 =	vadd.f32 v13, v1  }
0x391: {  	v2 =	vadd.f32 v14, v2;
	v11 =	vld [tilespmem:s2+$0x20]  }
0x392: {  	v12 =	vld [tilespmem:s2+$0xFFFFFFC0];
	v3 =	vadd.f32 v15, v3;
	s2 =	sadd.s32 $0x80, s2  }
.LBB2_63:
0x393: {  	_ =	sdelay $0x1  }
0x394: {  	v4 =	vadd.f32 v4, v0  }
0x395: {  	v5 =	vadd.f32 v6, v5;
	v6 =	vadd.f32 v7, v8  }
0x396: {  	v7 =	vadd.f32 v11, v9;
	v0 =	vadd.f32 v12, v10  }
.LBB2_64:
0x397: {  	[tilespmem:$0x6890] =	vst v2  }
0x398: {  	[tilespmem:$0x68A0] =	vst v3  }
0x399: {  	[tilespmem:$0x68B0] =	vst v4  }
0x39a: {  	[tilespmem:$0x68C0] =	vst v5  }
0x39b: {  	[tilespmem:$0x68D0] =	vst v6  }
0x39c: {  	[tilespmem:$0x68F0] =	vst v1  }
0x39d: {  	[tilespmem:$0x6880] =	vst v0  }
0x39e: {  	s0 =	simm.s32 $0x0;
	s2 =	simm.s32 $0x6100;
	s31 =	simm.s32 $0x2;
	[tilespmem:$0x68E0] =	vst v7  }
0x39f: {  	[hbm4b:s1+s0] =	stream.linear.scatter [tilespmem:s2], [sflag:$0x2], $0x800, $0x38;
	[tilespmem:$0x6900] =	vst v63  }
0x3a0: {  	_ =	swait.ge [sflag:s31], $0x800  }
0x3a1: {  	[sflag:s31] =	ssyncset.done $0x0  }
0x3a2: {  	[sflag:s31] =	ssyncadd.s32 $0xFFFFF800  }
0x3a3: {  	_ =	sfence.sel $0x180000  }
0x3a4: {  	[bflag:$0x0] =	sbarrier.arrive $0xFFFF  }
0x3a5: {  	_ =	strace $0x90000047  }
0x3a6: {  	[bflag:$0x2] =	sbarrier.arrive $0xFFFF  }
0x3a7: {  	p0 =	sne.s32 s5, $0x0;
	s0 =	rddreg [dreg:$0x3]  }
0x3a8: {  	s0 =	sadd.s32 @!p0 $0x100000, s0  }
0x3a9: {  	[sflag:s0] =	ssyncadd.tile.s32 @!p0 $0x1;
	_ =	shalt  }
.Lfunc_end2:
_tile_overlayer_lowered:
.L_overlay_start_2:
0x3aa: {  	(tag) =	ssettag $0x2  }
0x3ab: {  	s0 =	rddreg [dreg:$0x0];
	s2 =	stileid.u32  }
0x3ac: {  	s1 =	rddreg [dreg:$0x1];
	p0 =	sne.s32 s2, $0x0  }
0x3ad: {  	s3 =	rddreg [dreg:$0x2];
	[bflag:$0x3] =	sbarrier.arrive $0xFFFF;
	s2 =	simm.s32 @!p0 $0x1C02  }
0x3ae: {  	[timem:s3], [sflag:s2] =	dma.local @!p0 [hbm:s0], s1  }
0x3af: {  	s0 =	simm.s32 @!p0 $0x2  }
0x3b0: {  	_ =	swait.ge @!p0 [sflag:s0], s1  }
0x3b1: {  	s1 =	ssub.s32 @!p0 $0x0, s1;
	[sflag:s0] =	ssyncset.done @!p0 $0x0  }
0x3b2: {  	[sflag:s0] =	ssyncadd.s32 @!p0 s1  }
0x3b3: {  	[bflag:$0x3] =	sbarrier.arrive $0xFFFF  }
0x3b4: {  	_ =	shalt  }

</sc_bundles>
